<compile_context>
chip_gen: v7x
topology: tpu7x:2x2x1
jax: 0.10.2.dev20260603
libtpu: 0.0.44.dev20260713+nightly
codegen_flags: <defaults>
</compile_context>

<pallas_src>
import jax
import jax.numpy as jnp
from jax import lax
from jax.experimental import pallas as pl
from jax.experimental.pallas import tpu as pltpu
from jax.experimental.pallas import tpu_sc as plsc

VOCAB = 1000000
EMB = 64
XPAD = 128
UNITS = 64
DENSE = 250
B = 1024
L = 200

NC = 2
NS = 16
NW = NC * NS
CHUNK = 128

SEG = 5
SEG_STEPS = L // SEG
SEG_ROWS = SEG_STEPS * B
CHUNKS_PER_W = SEG_ROWS // NW // CHUNK

TBLK = 10
NGRID = SEG_STEPS // TBLK


def _sc_gather_body(emb_hbm, tok_hbm, x_hbm, idx_v, rows_v, sem0, sem1):
    wid = lax.axis_index("s") * NC + lax.axis_index("c")
    base = wid * CHUNKS_PER_W
    pltpu.sync_copy(tok_hbm.at[wid], idx_v)

    pltpu.async_copy(emb_hbm.at[idx_v.at[0]], rows_v.at[0], sem0).wait()

    def step(c, carry):
        nxt = pltpu.async_copy(emb_hbm.at[idx_v.at[c + 1]],
                               rows_v.at[(c + 1) % 2], sem1)
        pltpu.sync_copy(rows_v.at[c % 2],
                        x_hbm.at[pl.ds((base + c) * CHUNK, CHUNK), pl.ds(0, EMB)])
        nxt.wait()
        return carry

    lax.fori_loop(0, CHUNKS_PER_W - 1, step, 0)
    pltpu.sync_copy(
        rows_v.at[(CHUNKS_PER_W - 1) % 2],
        x_hbm.at[pl.ds((base + CHUNKS_PER_W - 1) * CHUNK, CHUNK), pl.ds(0, EMB)])


def _sc_gather(emb, tok3d):
    mesh = plsc.VectorSubcoreMesh(core_axis_name="c", subcore_axis_name="s")
    fn = pl.kernel(
        _sc_gather_body,
        out_type=jax.ShapeDtypeStruct((SEG_ROWS, XPAD), jnp.float32),
        mesh=mesh,
        scratch_types=[
            pltpu.VMEM((CHUNKS_PER_W, CHUNK), jnp.int32),
            pltpu.VMEM((2, CHUNK, EMB), jnp.float32),
            pltpu.SemaphoreType.DMA,
            pltpu.SemaphoreType.DMA,
        ],
        compiler_params=pltpu.CompilerParams(use_tc_tiling_on_sc=False),
    )
    return fn(emb, tok3d)


def _sigm(x):
    return 0.5 * jnp.tanh(0.5 * x) + 0.5


def _lstm_body(x_ref, W1_ref, U1_ref, b1_ref, W2_ref, U2_ref, b2_ref,
               fc1W_ref, fc1b_ref, fc2Wt_ref, fc2b_ref,
               h1i, c1i, h2i, c2i,
               h1o, c1o, h2o, c2o, out_ref,
               h1_s, c1_s, h2_s, c2_s):
    g = pl.program_id(0)

    @pl.when(g == 0)
    def _():
        h1_s[...] = h1i[...]
        c1_s[...] = c1i[...]
        h2_s[...] = h2i[...]
        c2_s[...] = c2i[...]

    def dot(a, b):
        return lax.dot_general(a, b, (((1,), (0,)), ((), ())),
                               preferred_element_type=jnp.float32)

    def cell(z, c_prev):
        i = _sigm(z[:, 0 * UNITS:1 * UNITS])
        f = _sigm(z[:, 1 * UNITS:2 * UNITS])
        gg = jnp.tanh(z[:, 2 * UNITS:3 * UNITS])
        o = _sigm(z[:, 3 * UNITS:4 * UNITS])
        c_new = f * c_prev + i * gg
        h_new = o * jnp.tanh(c_new)
        return h_new, c_new

    W1 = W1_ref[...]
    U1 = U1_ref[...]
    b1 = b1_ref[...]
    W2 = W2_ref[...]
    U2 = U2_ref[...]
    b2 = b2_ref[...]

    h1, c1 = h1_s[...], c1_s[...]
    h2, c2 = h2_s[...], c2_s[...]
    for j in range(TBLK):
        x_t = x_ref[j, :, 0:EMB]
        h1, c1 = cell(dot(x_t, W1) + dot(h1, U1) + b1, c1)
        h2, c2 = cell(dot(h1, W2) + dot(h2, U2) + b2, c2)
    h1_s[...], c1_s[...] = h1, c1
    h2_s[...], c2_s[...] = h2, c2

    @pl.when(g == NGRID - 1)
    def _():
        h1o[...], c1o[...] = h1, c1
        h2o[...], c2o[...] = h2, c2
        d = jnp.tanh(dot(h2, fc1W_ref[...]) + fc1b_ref[...])
        o = jnp.sum(d * fc2Wt_ref[...], axis=1, keepdims=True) + fc2b_ref[...]
        out_ref[...] = _sigm(o)


def _lstm_seg(x, W1, U1, b1, W2, U2, b2, fc1_W, fc1_b, fc2_Wt, fc2_b,
              h1, c1, h2, c2):
    full = lambda shape: pl.BlockSpec(shape, lambda g: (0,) * len(shape))
    st = jax.ShapeDtypeStruct((B, UNITS), jnp.float32)
    return pl.pallas_call(
        _lstm_body,
        grid=(NGRID,),
        in_specs=[
            pl.BlockSpec((TBLK, B, XPAD), lambda g: (g, 0, 0)),
            full((EMB, 4 * UNITS)),
            full((UNITS, 4 * UNITS)),
            full((1, 4 * UNITS)),
            full((UNITS, 4 * UNITS)),
            full((UNITS, 4 * UNITS)),
            full((1, 4 * UNITS)),
            full((UNITS, DENSE)),
            full((1, DENSE)),
            full((1, DENSE)),
            full((1, 1)),
            full((B, UNITS)),
            full((B, UNITS)),
            full((B, UNITS)),
            full((B, UNITS)),
        ],
        out_specs=[
            full((B, UNITS)),
            full((B, UNITS)),
            full((B, UNITS)),
            full((B, UNITS)),
            pl.BlockSpec((B, 1), lambda g: (0, 0)),
        ],
        out_shape=[st, st, st, st, jax.ShapeDtypeStruct((B, 1), jnp.float32)],
        scratch_shapes=[pltpu.VMEM((B, UNITS), jnp.float32)] * 4,
    )(x, W1, U1, b1, W2, U2, b2, fc1_W, fc1_b, fc2_Wt, fc2_b, h1, c1, h2, c2)


def kernel(tokens, emb, W1, U1, b1, W2, U2, b2, fc1_W, fc1_b, fc2_W, fc2_b):
    tokT = jnp.transpose(tokens).astype(jnp.int32)
    b1r, b2r = b1.reshape(1, -1), b2.reshape(1, -1)
    fc1b = fc1_b.reshape(1, -1)
    fc2Wt = fc2_W.reshape(1, -1)
    fc2b = fc2_b.reshape(1, 1)
    z = jnp.zeros((B, UNITS), jnp.float32)
    h1 = c1 = h2 = c2 = z
    out = None
    for s in range(SEG):
        tok3d = tokT[s * SEG_STEPS:(s + 1) * SEG_STEPS].reshape(
            NW, CHUNKS_PER_W, CHUNK)
        x = _sc_gather(emb, tok3d).reshape(SEG_STEPS, B, XPAD)
        h1, c1, h2, c2, out = _lstm_seg(
            x, W1, U1, b1r, W2, U2, b2r, fc1_W, fc1b, fc2Wt, fc2b,
            h1, c1, h2, c2)
    return out

# --- scband reference (transcript-rebuilt; emitter-appended) ---
"""Pipeline reference for scband-rnnclassifier-60404420051294 (READ-ONLY COPY).

The authoritative reference and input builder live on the scoring server;
editing this copy changes nothing except your own understanding.
"""

import jax, jax.numpy as jnp
import numpy as np

VOCAB = 1000000
EMB = 64
UNITS = 64
DENSE = 250
OUT = 1
B = 1024
L = 200


def setup_inputs(seed: int = 0):
    key = jax.random.key(seed)
    ks = jax.random.split(key, 10)
    s = 0.05
    tokens = jax.random.randint(ks[0], (B, L), 0, VOCAB)
    emb = jax.random.normal(ks[1], (VOCAB, EMB), dtype=jnp.float32) * s
    W1 = jax.random.normal(ks[2], (EMB, 4 * UNITS), dtype=jnp.float32) * s
    U1 = jax.random.normal(ks[3], (UNITS, 4 * UNITS), dtype=jnp.float32) * s
    b1 = jnp.zeros((4 * UNITS,), dtype=jnp.float32)
    W2 = jax.random.normal(ks[4], (UNITS, 4 * UNITS), dtype=jnp.float32) * s
    U2 = jax.random.normal(ks[5], (UNITS, 4 * UNITS), dtype=jnp.float32) * s
    b2 = jnp.zeros((4 * UNITS,), dtype=jnp.float32)
    fc1_W = jax.random.normal(ks[6], (UNITS, DENSE), dtype=jnp.float32) * s
    fc1_b = jnp.zeros((DENSE,), dtype=jnp.float32)
    fc2_W = jax.random.normal(ks[7], (DENSE, OUT), dtype=jnp.float32) * s
    fc2_b = jnp.zeros((OUT,), dtype=jnp.float32)
    return {"tokens": tokens, "emb": emb, "W1": W1, "U1": U1, "b1": b1,
            "W2": W2, "U2": U2, "b2": b2, "fc1_W": fc1_W, "fc1_b": fc1_b,
            "fc2_W": fc2_W, "fc2_b": fc2_b}


def _lstm(xs, W, U, b, return_sequences):
    Bn = xs.shape[0]
    units = U.shape[0]

    def step(carry, x_t):
        h, c = carry
        z = x_t @ W + h @ U + b
        i, f, g, o = jnp.split(z, 4, axis=-1)
        i = jax.nn.sigmoid(i)
        f = jax.nn.sigmoid(f)
        g = jnp.tanh(g)
        o = jax.nn.sigmoid(o)
        c_new = f * c + i * g
        h_new = o * jnp.tanh(c_new)
        return (h_new, c_new), h_new

    init = (jnp.zeros((Bn, units), xs.dtype), jnp.zeros((Bn, units), xs.dtype))
    (h_last, _), hs = jax.lax.scan(step, init, jnp.swapaxes(xs, 0, 1))
    if return_sequences:
        return jnp.swapaxes(hs, 0, 1)
    return h_last


def reference(tokens, emb, W1, U1, b1, W2, U2, b2, fc1_W, fc1_b, fc2_W, fc2_b):
    # embedding lookup (SparseCore-style gather)
    x = jnp.take(emb, tokens, axis=0)
    # dropout is identity at inference
    x = _lstm(x, W1, U1, b1, True)
    x = _lstm(x, W2, U2, b2, False)
    x = jnp.tanh(x @ fc1_W + fc1_b)
    x = jax.nn.sigmoid(x @ fc2_W + fc2_b)
    return x

if __name__ == "__main__":
    import jax
    _d = setup_inputs()
    print(jax.jit(kernel)(*tuple(_d.values())))

</pallas_src>

<mosaic_0001>
#map = affine_map<(d0, d1) -> (0, 0)>
#map1 = affine_map<(d0, d1) -> (0, 0, 0)>
module attributes {stable_mosaic.version = 14 : i64} {
  func.func @_sc_gather_body(%arg0: i32, %arg1: i32, %arg2: memref<1000000x64xf32, #tpu.memory_space<hbm>>, %arg3: memref<32x10x128xi32, #tpu.memory_space<hbm>>, %arg4: memref<40960x128xf32, #tpu.memory_space<hbm>>, %arg5: memref<10x128xi32, #tpu.memory_space<vmem>>, %arg6: memref<2x128x64xf32, #tpu.memory_space<vmem>>, %arg7: memref<!tpu.dma_semaphore, #tpu.memory_space<semaphore_mem>>, %arg8: memref<!tpu.dma_semaphore, #tpu.memory_space<semaphore_mem>>) attributes {dimension_semantics = [#tpu.dimension_semantics<core_parallel>, #tpu.dimension_semantics<subcore_parallel>], iteration_bounds = array<i64: 2, 16>, scalar_prefetch = 0 : i64, scratch_operands = 4 : i64, tpu.core_type = #tpu.core_type<sc_vector_subcore>, window_params = [{transform_indices = #map}, {transform_indices = #map1}, {transform_indices = #map}]} {
    %mul3A = arith.constant 2 : i32
    %mul3A_0 = arith.muli %arg1, %mul3A : i32
    %add3A = arith.addi %mul3A_0, %arg0 : i32
    %mul3A_1 = arith.constant 10 : i32
    %mul3A_2 = arith.muli %add3A, %mul3A_1 : i32
    "tpu.region"() ({
      %run_scoped3A_35 = tpu.sem_alloc : memref<!tpu.dma_semaphore, #tpu.memory_space<semaphore_mem>>
      %dma_start3A_36 = arith.constant 0 : i32
      %dma_start3A_37 = arith.constant 0 : i32
      %dma_start3A_38 = tpu.memref_slice %arg3[%add3A, %dma_start3A_36, %dma_start3A_37] : memref<32x10x128xi32, #tpu.memory_space<hbm>> -> memref<1x10x128xi32, #tpu.memory_space<hbm>>
      %dma_start3A_39 = tpu.memref_squeeze %dma_start3A_38 : memref<1x10x128xi32, #tpu.memory_space<hbm>> -> memref<10x128xi32, #tpu.memory_space<hbm>>
      %dma_start3A_40 = arith.constant 0 : i32
      %dma_start3A_41 = arith.constant 0 : i32
      %dma_start3A_42 = tpu.memref_slice %arg3[%add3A, %dma_start3A_40, %dma_start3A_41] : memref<32x10x128xi32, #tpu.memory_space<hbm>> -> memref<1x10x128xi32, #tpu.memory_space<hbm>>
      %dma_start3A_43 = tpu.memref_squeeze %dma_start3A_42 : memref<1x10x128xi32, #tpu.memory_space<hbm>> -> memref<10x128xi32, #tpu.memory_space<hbm>>
      tpu.enqueue_dma source(%dma_start3A_43 : memref<10x128xi32, #tpu.memory_space<hbm>>) target(%arg5 : memref<10x128xi32, #tpu.memory_space<vmem>>) target_semaphore(%run_scoped3A_35 : memref<!tpu.dma_semaphore, #tpu.memory_space<semaphore_mem>>)
      %dma_wait3A_44 = arith.constant 0 : i32
      %dma_wait3A_45 = arith.constant 0 : i32
      %dma_wait3A_46 = tpu.memref_slice %arg3[%add3A, %dma_wait3A_44, %dma_wait3A_45] : memref<32x10x128xi32, #tpu.memory_space<hbm>> -> memref<1x10x128xi32, #tpu.memory_space<hbm>>
      %dma_wait3A_47 = tpu.memref_squeeze %dma_wait3A_46 : memref<1x10x128xi32, #tpu.memory_space<hbm>> -> memref<10x128xi32, #tpu.memory_space<hbm>>
      %dma_wait3A_48 = arith.constant 0 : i32
      %dma_wait3A_49 = arith.constant 0 : i32
      %dma_wait3A_50 = tpu.memref_slice %arg3[%add3A, %dma_wait3A_48, %dma_wait3A_49] : memref<32x10x128xi32, #tpu.memory_space<hbm>> -> memref<1x10x128xi32, #tpu.memory_space<hbm>>
      %dma_wait3A_51 = tpu.memref_squeeze %dma_wait3A_50 : memref<1x10x128xi32, #tpu.memory_space<hbm>> -> memref<10x128xi32, #tpu.memory_space<hbm>>
      tpu.wait_dma2 semaphore(%run_scoped3A_35 : memref<!tpu.dma_semaphore, #tpu.memory_space<semaphore_mem>>) src(%dma_wait3A_51 : memref<10x128xi32, #tpu.memory_space<hbm>>) dst(%arg5 : memref<10x128xi32, #tpu.memory_space<vmem>>)
      tpu.yield
    }) : () -> ()
    %dma_start3A = arith.constant 0 : i32
    %dma_start3A_3 = arith.constant 0 : i32
    %dma_start3A_4 = arith.constant 0 : i32
    %dma_start3A_5 = arith.constant 0 : i32
    %dma_start3A_6 = tpu.memref_slice %arg6[%dma_start3A_3, %dma_start3A_4, %dma_start3A_5] : memref<2x128x64xf32, #tpu.memory_space<vmem>> -> memref<1x128x64xf32, #tpu.memory_space<vmem>>
    %dma_start3A_7 = tpu.memref_squeeze %dma_start3A_6 : memref<1x128x64xf32, #tpu.memory_space<vmem>> -> memref<128x64xf32, #tpu.memory_space<vmem>>
    %dma_start3A_8 = arith.constant 0 : i32
    %dma_start3A_9 = tpu.memref_slice %arg5[%dma_start3A, %dma_start3A_8] : memref<10x128xi32, #tpu.memory_space<vmem>> -> memref<1x128xi32, #tpu.memory_space<vmem>>
    %dma_start3A_10 = tpu.memref_squeeze %dma_start3A_9 : memref<1x128xi32, #tpu.memory_space<vmem>> -> memref<128xi32, #tpu.memory_space<vmem>>
    %dma_start3A_11 = arith.constant 0 : i32
    %dma_start3A_12 = arith.constant 0 : i32
    %dma_start3A_13 = tpu.memref_slice %arg2[%dma_start3A_11, %dma_start3A_12] : memref<1000000x64xf32, #tpu.memory_space<hbm>> -> memref<1000000x64xf32, #tpu.memory_space<hbm>>
    tpu.enqueue_indirect_dma source(%dma_start3A_13 : memref<1000000x64xf32, #tpu.memory_space<hbm>>) target(%dma_start3A_7 : memref<128x64xf32, #tpu.memory_space<vmem>>) offsets(%dma_start3A_10 : memref<128xi32, #tpu.memory_space<vmem>>) semaphore(%arg7 : memref<!tpu.dma_semaphore, #tpu.memory_space<semaphore_mem>>)
    %dma_wait3A = arith.constant 0 : i32
    %dma_wait3A_14 = arith.constant 0 : i32
    %dma_wait3A_15 = arith.constant 0 : i32
    %dma_wait3A_16 = arith.constant 0 : i32
    %dma_wait3A_17 = tpu.memref_slice %arg6[%dma_wait3A_14, %dma_wait3A_15, %dma_wait3A_16] : memref<2x128x64xf32, #tpu.memory_space<vmem>> -> memref<1x128x64xf32, #tpu.memory_space<vmem>>
    %dma_wait3A_18 = tpu.memref_squeeze %dma_wait3A_17 : memref<1x128x64xf32, #tpu.memory_space<vmem>> -> memref<128x64xf32, #tpu.memory_space<vmem>>
    %dma_wait3A_19 = arith.constant 0 : i32
    %dma_wait3A_20 = tpu.memref_slice %arg5[%dma_wait3A, %dma_wait3A_19] : memref<10x128xi32, #tpu.memory_space<vmem>> -> memref<1x128xi32, #tpu.memory_space<vmem>>
    %dma_wait3A_21 = tpu.memref_squeeze %dma_wait3A_20 : memref<1x128xi32, #tpu.memory_space<vmem>> -> memref<128xi32, #tpu.memory_space<vmem>>
    %dma_wait3A_22 = arith.constant 0 : i32
    %dma_wait3A_23 = arith.constant 0 : i32
    %dma_wait3A_24 = tpu.memref_slice %arg2[%dma_wait3A_22, %dma_wait3A_23] : memref<1000000x64xf32, #tpu.memory_space<hbm>> -> memref<1000000x64xf32, #tpu.memory_space<hbm>>
    tpu.wait_indirect_dma semaphore(%arg7 : memref<!tpu.dma_semaphore, #tpu.memory_space<semaphore_mem>>) src(%dma_wait3A_24 : memref<1000000x64xf32, #tpu.memory_space<hbm>>) dst(%dma_wait3A_18 : memref<128x64xf32, #tpu.memory_space<vmem>>)
    %scan3A = arith.constant 0 : i32
    %scan3A_25 = arith.constant 0 : i32
    %scan3A_26 = arith.constant 9 : i32
    %scan3A_27 = arith.addi %scan3A_25, %scan3A_26 : i32
    %scan3A_28 = arith.constant 1 : i32
    scf.for %scan3A_35 = %scan3A_25 to %scan3A_27 step %scan3A_28  : i32 {
      %add3A_36 = arith.constant 1 : i32
      %add3A_37 = arith.addi %scan3A_35, %add3A_36 : i32
      %add3A_38 = arith.constant 1 : i32
      %add3A_39 = arith.addi %scan3A_35, %add3A_38 : i32
      %jit3A = arith.constant 2 : i32
      %eq3A = arith.constant 0 : i32
      %eq3A_40 = arith.cmpi eq, %jit3A, %eq3A : i32
      %jit3A_41 = arith.constant 1 : i32
      %select_n3A = arith.select %eq3A_40, %jit3A_41, %jit3A : i32
      %rem3A = arith.remsi %add3A_39, %select_n3A : i32
      %ne3A = arith.constant 0 : i32
      %ne3A_42 = arith.cmpi ne, %rem3A, %ne3A : i32
      %lt3A = arith.constant 0 : i32
      %lt3A_43 = arith.cmpi slt, %rem3A, %lt3A : i32
      %lt3A_44 = arith.constant 0 : i32
      %lt3A_45 = arith.cmpi slt, %select_n3A, %lt3A_44 : i32
      %ne3A_46 = arith.xori %lt3A_43, %lt3A_45 : i1
      %and3A = arith.andi %ne3A_46, %ne3A_42 : i1
      %add3A_47 = arith.addi %rem3A, %select_n3A : i32
      %select_n3A_48 = arith.select %and3A, %add3A_47, %rem3A : i32
      %dma_start3A_49 = arith.constant 0 : i32
      %dma_start3A_50 = arith.constant 0 : i32
      %dma_start3A_51 = tpu.memref_slice %arg6[%select_n3A_48, %dma_start3A_49, %dma_start3A_50] : memref<2x128x64xf32, #tpu.memory_space<vmem>> -> memref<1x128x64xf32, #tpu.memory_space<vmem>>
      %dma_start3A_52 = tpu.memref_squeeze %dma_start3A_51 : memref<1x128x64xf32, #tpu.memory_space<vmem>> -> memref<128x64xf32, #tpu.memory_space<vmem>>
      %dma_start3A_53 = arith.constant 0 : i32
      %dma_start3A_54 = tpu.memref_slice %arg5[%add3A_37, %dma_start3A_53] : memref<10x128xi32, #tpu.memory_space<vmem>> -> memref<1x128xi32, #tpu.memory_space<vmem>>
      %dma_start3A_55 = tpu.memref_squeeze %dma_start3A_54 : memref<1x128xi32, #tpu.memory_space<vmem>> -> memref<128xi32, #tpu.memory_space<vmem>>
      %dma_start3A_56 = arith.constant 0 : i32
      %dma_start3A_57 = arith.constant 0 : i32
      %dma_start3A_58 = tpu.memref_slice %arg2[%dma_start3A_56, %dma_start3A_57] : memref<1000000x64xf32, #tpu.memory_space<hbm>> -> memref<1000000x64xf32, #tpu.memory_space<hbm>>
      tpu.enqueue_indirect_dma source(%dma_start3A_58 : memref<1000000x64xf32, #tpu.memory_space<hbm>>) target(%dma_start3A_52 : memref<128x64xf32, #tpu.memory_space<vmem>>) offsets(%dma_start3A_55 : memref<128xi32, #tpu.memory_space<vmem>>) semaphore(%arg8 : memref<!tpu.dma_semaphore, #tpu.memory_space<semaphore_mem>>)
      %jit3A_59 = arith.constant 2 : i32
      %eq3A_60 = arith.constant 0 : i32
      %eq3A_61 = arith.cmpi eq, %jit3A_59, %eq3A_60 : i32
      %jit3A_62 = arith.constant 1 : i32
      %select_n3A_63 = arith.select %eq3A_61, %jit3A_62, %jit3A_59 : i32
      %rem3A_64 = arith.remsi %scan3A_35, %select_n3A_63 : i32
      %ne3A_65 = arith.constant 0 : i32
      %ne3A_66 = arith.cmpi ne, %rem3A_64, %ne3A_65 : i32
      %lt3A_67 = arith.constant 0 : i32
      %lt3A_68 = arith.cmpi slt, %rem3A_64, %lt3A_67 : i32
      %lt3A_69 = arith.constant 0 : i32
      %lt3A_70 = arith.cmpi slt, %select_n3A_63, %lt3A_69 : i32
      %ne3A_71 = arith.xori %lt3A_68, %lt3A_70 : i1
      %and3A_72 = arith.andi %ne3A_71, %ne3A_66 : i1
      %add3A_73 = arith.addi %rem3A_64, %select_n3A_63 : i32
      %select_n3A_74 = arith.select %and3A_72, %add3A_73, %rem3A_64 : i32
      %add3A_75 = arith.addi %mul3A_2, %scan3A_35 : i32
      %mul3A_76 = arith.constant 128 : i32
      %mul3A_77 = arith.muli %add3A_75, %mul3A_76 : i32
      "tpu.region"() ({
        %run_scoped3A_88 = tpu.sem_alloc : memref<!tpu.dma_semaphore, #tpu.memory_space<semaphore_mem>>
        %dma_start3A_89 = arith.constant 0 : i32
        %dma_start3A_90 = arith.constant 0 : i32
        %dma_start3A_91 = tpu.memref_slice %arg6[%select_n3A_74, %dma_start3A_89, %dma_start3A_90] : memref<2x128x64xf32, #tpu.memory_space<vmem>> -> memref<1x128x64xf32, #tpu.memory_space<vmem>>
        %dma_start3A_92 = tpu.memref_squeeze %dma_start3A_91 : memref<1x128x64xf32, #tpu.memory_space<vmem>> -> memref<128x64xf32, #tpu.memory_space<vmem>>
        %dma_start3A_93 = arith.constant 0 : i32
        %dma_start3A_94 = tpu.memref_slice %arg4[%mul3A_77, %dma_start3A_93] : memref<40960x128xf32, #tpu.memory_space<hbm>> -> memref<128x64xf32, #tpu.memory_space<hbm>>
        %dma_start3A_95 = arith.constant 0 : i32
        %dma_start3A_96 = tpu.memref_slice %arg4[%mul3A_77, %dma_start3A_95] : memref<40960x128xf32, #tpu.memory_space<hbm>> -> memref<128x64xf32, #tpu.memory_space<hbm>>
        %dma_start3A_97 = arith.constant 0 : i32
        %dma_start3A_98 = arith.constant 0 : i32
        %dma_start3A_99 = tpu.memref_slice %arg6[%select_n3A_74, %dma_start3A_97, %dma_start3A_98] : memref<2x128x64xf32, #tpu.memory_space<vmem>> -> memref<1x128x64xf32, #tpu.memory_space<vmem>>
        %dma_start3A_100 = tpu.memref_squeeze %dma_start3A_99 : memref<1x128x64xf32, #tpu.memory_space<vmem>> -> memref<128x64xf32, #tpu.memory_space<vmem>>
        tpu.enqueue_dma source(%dma_start3A_100 : memref<128x64xf32, #tpu.memory_space<vmem>>) target(%dma_start3A_96 : memref<128x64xf32, #tpu.memory_space<hbm>>) target_semaphore(%run_scoped3A_88 : memref<!tpu.dma_semaphore, #tpu.memory_space<semaphore_mem>>)
        %dma_wait3A_101 = arith.constant 0 : i32
        %dma_wait3A_102 = arith.constant 0 : i32
        %dma_wait3A_103 = tpu.memref_slice %arg6[%select_n3A_74, %dma_wait3A_101, %dma_wait3A_102] : memref<2x128x64xf32, #tpu.memory_space<vmem>> -> memref<1x128x64xf32, #tpu.memory_space<vmem>>
        %dma_wait3A_104 = tpu.memref_squeeze %dma_wait3A_103 : memref<1x128x64xf32, #tpu.memory_space<vmem>> -> memref<128x64xf32, #tpu.memory_space<vmem>>
        %dma_wait3A_105 = arith.constant 0 : i32
        %dma_wait3A_106 = tpu.memref_slice %arg4[%mul3A_77, %dma_wait3A_105] : memref<40960x128xf32, #tpu.memory_space<hbm>> -> memref<128x64xf32, #tpu.memory_space<hbm>>
        %dma_wait3A_107 = arith.constant 0 : i32
        %dma_wait3A_108 = tpu.memref_slice %arg4[%mul3A_77, %dma_wait3A_107] : memref<40960x128xf32, #tpu.memory_space<hbm>> -> memref<128x64xf32, #tpu.memory_space<hbm>>
        %dma_wait3A_109 = arith.constant 0 : i32
        %dma_wait3A_110 = arith.constant 0 : i32
        %dma_wait3A_111 = tpu.memref_slice %arg6[%select_n3A_74, %dma_wait3A_109, %dma_wait3A_110] : memref<2x128x64xf32, #tpu.memory_space<vmem>> -> memref<1x128x64xf32, #tpu.memory_space<vmem>>
        %dma_wait3A_112 = tpu.memref_squeeze %dma_wait3A_111 : memref<1x128x64xf32, #tpu.memory_space<vmem>> -> memref<128x64xf32, #tpu.memory_space<vmem>>
        tpu.wait_dma2 semaphore(%run_scoped3A_88 : memref<!tpu.dma_semaphore, #tpu.memory_space<semaphore_mem>>) src(%dma_wait3A_112 : memref<128x64xf32, #tpu.memory_space<vmem>>) dst(%dma_wait3A_108 : memref<128x64xf32, #tpu.memory_space<hbm>>)
        tpu.yield
      }) : () -> ()
      %dma_wait3A_78 = arith.constant 0 : i32
      %dma_wait3A_79 = arith.constant 0 : i32
      %dma_wait3A_80 = tpu.memref_slice %arg6[%select_n3A_48, %dma_wait3A_78, %dma_wait3A_79] : memref<2x128x64xf32, #tpu.memory_space<vmem>> -> memref<1x128x64xf32, #tpu.memory_space<vmem>>
      %dma_wait3A_81 = tpu.memref_squeeze %dma_wait3A_80 : memref<1x128x64xf32, #tpu.memory_space<vmem>> -> memref<128x64xf32, #tpu.memory_space<vmem>>
      %dma_wait3A_82 = arith.constant 0 : i32
      %dma_wait3A_83 = tpu.memref_slice %arg5[%add3A_37, %dma_wait3A_82] : memref<10x128xi32, #tpu.memory_space<vmem>> -> memref<1x128xi32, #tpu.memory_space<vmem>>
      %dma_wait3A_84 = tpu.memref_squeeze %dma_wait3A_83 : memref<1x128xi32, #tpu.memory_space<vmem>> -> memref<128xi32, #tpu.memory_space<vmem>>
      %dma_wait3A_85 = arith.constant 0 : i32
      %dma_wait3A_86 = arith.constant 0 : i32
      %dma_wait3A_87 = tpu.memref_slice %arg2[%dma_wait3A_85, %dma_wait3A_86] : memref<1000000x64xf32, #tpu.memory_space<hbm>> -> memref<1000000x64xf32, #tpu.memory_space<hbm>>
      tpu.wait_indirect_dma semaphore(%arg8 : memref<!tpu.dma_semaphore, #tpu.memory_space<semaphore_mem>>) src(%dma_wait3A_87 : memref<1000000x64xf32, #tpu.memory_space<hbm>>) dst(%dma_wait3A_81 : memref<128x64xf32, #tpu.memory_space<vmem>>)
    }
    %scan3A_29 = arith.constant 9 : i32
    %add3A_30 = arith.constant 10 : i32
    %add3A_31 = arith.addi %mul3A_2, %add3A_30 : i32
    %sub3A = arith.constant 1 : i32
    %sub3A_32 = arith.subi %add3A_31, %sub3A : i32
    %mul3A_33 = arith.constant 128 : i32
    %mul3A_34 = arith.muli %sub3A_32, %mul3A_33 : i32
    %run_scoped3A = arith.constant 1 : i32
    "tpu.region"() ({
      %run_scoped3A_35 = tpu.sem_alloc : memref<!tpu.dma_semaphore, #tpu.memory_space<semaphore_mem>>
      %dma_start3A_36 = arith.constant 0 : i32
      %dma_start3A_37 = arith.constant 0 : i32
      %dma_start3A_38 = tpu.memref_slice %arg6[%run_scoped3A, %dma_start3A_36, %dma_start3A_37] : memref<2x128x64xf32, #tpu.memory_space<vmem>> -> memref<1x128x64xf32, #tpu.memory_space<vmem>>
      %dma_start3A_39 = tpu.memref_squeeze %dma_start3A_38 : memref<1x128x64xf32, #tpu.memory_space<vmem>> -> memref<128x64xf32, #tpu.memory_space<vmem>>
      %dma_start3A_40 = arith.constant 0 : i32
      %dma_start3A_41 = tpu.memref_slice %arg4[%mul3A_34, %dma_start3A_40] : memref<40960x128xf32, #tpu.memory_space<hbm>> -> memref<128x64xf32, #tpu.memory_space<hbm>>
      %dma_start3A_42 = arith.constant 0 : i32
      %dma_start3A_43 = tpu.memref_slice %arg4[%mul3A_34, %dma_start3A_42] : memref<40960x128xf32, #tpu.memory_space<hbm>> -> memref<128x64xf32, #tpu.memory_space<hbm>>
      %dma_start3A_44 = arith.constant 0 : i32
      %dma_start3A_45 = arith.constant 0 : i32
      %dma_start3A_46 = tpu.memref_slice %arg6[%run_scoped3A, %dma_start3A_44, %dma_start3A_45] : memref<2x128x64xf32, #tpu.memory_space<vmem>> -> memref<1x128x64xf32, #tpu.memory_space<vmem>>
      %dma_start3A_47 = tpu.memref_squeeze %dma_start3A_46 : memref<1x128x64xf32, #tpu.memory_space<vmem>> -> memref<128x64xf32, #tpu.memory_space<vmem>>
      tpu.enqueue_dma source(%dma_start3A_47 : memref<128x64xf32, #tpu.memory_space<vmem>>) target(%dma_start3A_43 : memref<128x64xf32, #tpu.memory_space<hbm>>) target_semaphore(%run_scoped3A_35 : memref<!tpu.dma_semaphore, #tpu.memory_space<semaphore_mem>>)
      %dma_wait3A_48 = arith.constant 0 : i32
      %dma_wait3A_49 = arith.constant 0 : i32
      %dma_wait3A_50 = tpu.memref_slice %arg6[%run_scoped3A, %dma_wait3A_48, %dma_wait3A_49] : memref<2x128x64xf32, #tpu.memory_space<vmem>> -> memref<1x128x64xf32, #tpu.memory_space<vmem>>
      %dma_wait3A_51 = tpu.memref_squeeze %dma_wait3A_50 : memref<1x128x64xf32, #tpu.memory_space<vmem>> -> memref<128x64xf32, #tpu.memory_space<vmem>>
      %dma_wait3A_52 = arith.constant 0 : i32
      %dma_wait3A_53 = tpu.memref_slice %arg4[%mul3A_34, %dma_wait3A_52] : memref<40960x128xf32, #tpu.memory_space<hbm>> -> memref<128x64xf32, #tpu.memory_space<hbm>>
      %dma_wait3A_54 = arith.constant 0 : i32
      %dma_wait3A_55 = tpu.memref_slice %arg4[%mul3A_34, %dma_wait3A_54] : memref<40960x128xf32, #tpu.memory_space<hbm>> -> memref<128x64xf32, #tpu.memory_space<hbm>>
      %dma_wait3A_56 = arith.constant 0 : i32
      %dma_wait3A_57 = arith.constant 0 : i32
      %dma_wait3A_58 = tpu.memref_slice %arg6[%run_scoped3A, %dma_wait3A_56, %dma_wait3A_57] : memref<2x128x64xf32, #tpu.memory_space<vmem>> -> memref<1x128x64xf32, #tpu.memory_space<vmem>>
      %dma_wait3A_59 = tpu.memref_squeeze %dma_wait3A_58 : memref<1x128x64xf32, #tpu.memory_space<vmem>> -> memref<128x64xf32, #tpu.memory_space<vmem>>
      tpu.wait_dma2 semaphore(%run_scoped3A_35 : memref<!tpu.dma_semaphore, #tpu.memory_space<semaphore_mem>>) src(%dma_wait3A_59 : memref<128x64xf32, #tpu.memory_space<vmem>>) dst(%dma_wait3A_55 : memref<128x64xf32, #tpu.memory_space<hbm>>)
      tpu.yield
    }) : () -> ()
    return
  }
}

#map = affine_map<(d0, d1) -> (0, 0)>
#map1 = affine_map<(d0, d1) -> (0, 0, 0)>
module attributes {stable_mosaic.version = 14 : i64} {
  func.func @_sc_gather_body(%arg0: i32, %arg1: i32, %arg2: memref<1000000x64xf32, #tpu.memory_space<hbm>>, %arg3: memref<32x10x128xi32, #tpu.memory_space<hbm>>, %arg4: memref<40960x128xf32, #tpu.memory_space<hbm>>, %arg5: memref<10x128xi32, #tpu.memory_space<vmem>>, %arg6: memref<2x128x64xf32, #tpu.memory_space<vmem>>, %arg7: memref<!tpu.dma_semaphore, #tpu.memory_space<semaphore_mem>>, %arg8: memref<!tpu.dma_semaphore, #tpu.memory_space<semaphore_mem>>) attributes {dimension_semantics = [#tpu.dimension_semantics<core_parallel>, #tpu.dimension_semantics<subcore_parallel>], iteration_bounds = array<i64: 2, 16>, scalar_prefetch = 0 : i64, scratch_operands = 4 : i64, tpu.core_type = #tpu.core_type<sc_vector_subcore>, window_params = [{transform_indices = #map}, {transform_indices = #map1}, {transform_indices = #map}]} {
    %mul3A = arith.constant 2 : i32
    %mul3A_0 = arith.muli %arg1, %mul3A : i32
    %add3A = arith.addi %mul3A_0, %arg0 : i32
    %mul3A_1 = arith.constant 10 : i32
    %mul3A_2 = arith.muli %add3A, %mul3A_1 : i32
    "tpu.region"() ({
      %run_scoped3A_35 = tpu.sem_alloc : memref<!tpu.dma_semaphore, #tpu.memory_space<semaphore_mem>>
      %dma_start3A_36 = arith.constant 0 : i32
      %dma_start3A_37 = arith.constant 0 : i32
      %dma_start3A_38 = tpu.memref_slice %arg3[%add3A, %dma_start3A_36, %dma_start3A_37] : memref<32x10x128xi32, #tpu.memory_space<hbm>> -> memref<1x10x128xi32, #tpu.memory_space<hbm>>
      %dma_start3A_39 = tpu.memref_squeeze %dma_start3A_38 : memref<1x10x128xi32, #tpu.memory_space<hbm>> -> memref<10x128xi32, #tpu.memory_space<hbm>>
      %dma_start3A_40 = arith.constant 0 : i32
      %dma_start3A_41 = arith.constant 0 : i32
      %dma_start3A_42 = tpu.memref_slice %arg3[%add3A, %dma_start3A_40, %dma_start3A_41] : memref<32x10x128xi32, #tpu.memory_space<hbm>> -> memref<1x10x128xi32, #tpu.memory_space<hbm>>
      %dma_start3A_43 = tpu.memref_squeeze %dma_start3A_42 : memref<1x10x128xi32, #tpu.memory_space<hbm>> -> memref<10x128xi32, #tpu.memory_space<hbm>>
      tpu.enqueue_dma source(%dma_start3A_43 : memref<10x128xi32, #tpu.memory_space<hbm>>) target(%arg5 : memref<10x128xi32, #tpu.memory_space<vmem>>) target_semaphore(%run_scoped3A_35 : memref<!tpu.dma_semaphore, #tpu.memory_space<semaphore_mem>>)
      %dma_wait3A_44 = arith.constant 0 : i32
      %dma_wait3A_45 = arith.constant 0 : i32
      %dma_wait3A_46 = tpu.memref_slice %arg3[%add3A, %dma_wait3A_44, %dma_wait3A_45] : memref<32x10x128xi32, #tpu.memory_space<hbm>> -> memref<1x10x128xi32, #tpu.memory_space<hbm>>
      %dma_wait3A_47 = tpu.memref_squeeze %dma_wait3A_46 : memref<1x10x128xi32, #tpu.memory_space<hbm>> -> memref<10x128xi32, #tpu.memory_space<hbm>>
      %dma_wait3A_48 = arith.constant 0 : i32
      %dma_wait3A_49 = arith.constant 0 : i32
      %dma_wait3A_50 = tpu.memref_slice %arg3[%add3A, %dma_wait3A_48, %dma_wait3A_49] : memref<32x10x128xi32, #tpu.memory_space<hbm>> -> memref<1x10x128xi32, #tpu.memory_space<hbm>>
      %dma_wait3A_51 = tpu.memref_squeeze %dma_wait3A_50 : memref<1x10x128xi32, #tpu.memory_space<hbm>> -> memref<10x128xi32, #tpu.memory_space<hbm>>
      tpu.wait_dma2 semaphore(%run_scoped3A_35 : memref<!tpu.dma_semaphore, #tpu.memory_space<semaphore_mem>>) src(%dma_wait3A_51 : memref<10x128xi32, #tpu.memory_space<hbm>>) dst(%arg5 : memref<10x128xi32, #tpu.memory_space<vmem>>)
      tpu.yield
    }) : () -> ()
    %dma_start3A = arith.constant 0 : i32
    %dma_start3A_3 = arith.constant 0 : i32
    %dma_start3A_4 = arith.constant 0 : i32
    %dma_start3A_5 = arith.constant 0 : i32
    %dma_start3A_6 = tpu.memref_slice %arg6[%dma_start3A_3, %dma_start3A_4, %dma_start3A_5] : memref<2x128x64xf32, #tpu.memory_space<vmem>> -> memref<1x128x64xf32, #tpu.memory_space<vmem>>
    %dma_start3A_7 = tpu.memref_squeeze %dma_start3A_6 : memref<1x128x64xf32, #tpu.memory_space<vmem>> -> memref<128x64xf32, #tpu.memory_space<vmem>>
    %dma_start3A_8 = arith.constant 0 : i32
    %dma_start3A_9 = tpu.memref_slice %arg5[%dma_start3A, %dma_start3A_8] : memref<10x128xi32, #tpu.memory_space<vmem>> -> memref<1x128xi32, #tpu.memory_space<vmem>>
    %dma_start3A_10 = tpu.memref_squeeze %dma_start3A_9 : memref<1x128xi32, #tpu.memory_space<vmem>> -> memref<128xi32, #tpu.memory_space<vmem>>
    %dma_start3A_11 = arith.constant 0 : i32
    %dma_start3A_12 = arith.constant 0 : i32
    %dma_start3A_13 = tpu.memref_slice %arg2[%dma_start3A_11, %dma_start3A_12] : memref<1000000x64xf32, #tpu.memory_space<hbm>> -> memref<1000000x64xf32, #tpu.memory_space<hbm>>
    tpu.enqueue_indirect_dma source(%dma_start3A_13 : memref<1000000x64xf32, #tpu.memory_space<hbm>>) target(%dma_start3A_7 : memref<128x64xf32, #tpu.memory_space<vmem>>) offsets(%dma_start3A_10 : memref<128xi32, #tpu.memory_space<vmem>>) semaphore(%arg7 : memref<!tpu.dma_semaphore, #tpu.memory_space<semaphore_mem>>)
    %dma_wait3A = arith.constant 0 : i32
    %dma_wait3A_14 = arith.constant 0 : i32
    %dma_wait3A_15 = arith.constant 0 : i32
    %dma_wait3A_16 = arith.constant 0 : i32
    %dma_wait3A_17 = tpu.memref_slice %arg6[%dma_wait3A_14, %dma_wait3A_15, %dma_wait3A_16] : memref<2x128x64xf32, #tpu.memory_space<vmem>> -> memref<1x128x64xf32, #tpu.memory_space<vmem>>
    %dma_wait3A_18 = tpu.memref_squeeze %dma_wait3A_17 : memref<1x128x64xf32, #tpu.memory_space<vmem>> -> memref<128x64xf32, #tpu.memory_space<vmem>>
    %dma_wait3A_19 = arith.constant 0 : i32
    %dma_wait3A_20 = tpu.memref_slice %arg5[%dma_wait3A, %dma_wait3A_19] : memref<10x128xi32, #tpu.memory_space<vmem>> -> memref<1x128xi32, #tpu.memory_space<vmem>>
    %dma_wait3A_21 = tpu.memref_squeeze %dma_wait3A_20 : memref<1x128xi32, #tpu.memory_space<vmem>> -> memref<128xi32, #tpu.memory_space<vmem>>
    %dma_wait3A_22 = arith.constant 0 : i32
    %dma_wait3A_23 = arith.constant 0 : i32
    %dma_wait3A_24 = tpu.memref_slice %arg2[%dma_wait3A_22, %dma_wait3A_23] : memref<1000000x64xf32, #tpu.memory_space<hbm>> -> memref<1000000x64xf32, #tpu.memory_space<hbm>>
    tpu.wait_indirect_dma semaphore(%arg7 : memref<!tpu.dma_semaphore, #tpu.memory_space<semaphore_mem>>) src(%dma_wait3A_24 : memref<1000000x64xf32, #tpu.memory_space<hbm>>) dst(%dma_wait3A_18 : memref<128x64xf32, #tpu.memory_space<vmem>>)
    %scan3A = arith.constant 0 : i32
    %scan3A_25 = arith.constant 0 : i32
    %scan3A_26 = arith.constant 9 : i32
    %scan3A_27 = arith.addi %scan3A_25, %scan3A_26 : i32
    %scan3A_28 = arith.constant 1 : i32
    scf.for %scan3A_35 = %scan3A_25 to %scan3A_27 step %scan3A_28  : i32 {
      %add3A_36 = arith.constant 1 : i32
      %add3A_37 = arith.addi %scan3A_35, %add3A_36 : i32
      %add3A_38 = arith.constant 1 : i32
      %add3A_39 = arith.addi %scan3A_35, %add3A_38 : i32
      %jit3A = arith.constant 2 : i32
      %eq3A = arith.constant 0 : i32
      %eq3A_40 = arith.cmpi eq, %jit3A, %eq3A : i32
      %jit3A_41 = arith.constant 1 : i32
      %select_n3A = arith.select %eq3A_40, %jit3A_41, %jit3A : i32
      %rem3A = arith.remsi %add3A_39, %select_n3A : i32
      %ne3A = arith.constant 0 : i32
      %ne3A_42 = arith.cmpi ne, %rem3A, %ne3A : i32
      %lt3A = arith.constant 0 : i32
      %lt3A_43 = arith.cmpi slt, %rem3A, %lt3A : i32
      %lt3A_44 = arith.constant 0 : i32
      %lt3A_45 = arith.cmpi slt, %select_n3A, %lt3A_44 : i32
      %ne3A_46 = arith.xori %lt3A_43, %lt3A_45 : i1
      %and3A = arith.andi %ne3A_46, %ne3A_42 : i1
      %add3A_47 = arith.addi %rem3A, %select_n3A : i32
      %select_n3A_48 = arith.select %and3A, %add3A_47, %rem3A : i32
      %dma_start3A_49 = arith.constant 0 : i32
      %dma_start3A_50 = arith.constant 0 : i32
      %dma_start3A_51 = tpu.memref_slice %arg6[%select_n3A_48, %dma_start3A_49, %dma_start3A_50] : memref<2x128x64xf32, #tpu.memory_space<vmem>> -> memref<1x128x64xf32, #tpu.memory_space<vmem>>
      %dma_start3A_52 = tpu.memref_squeeze %dma_start3A_51 : memref<1x128x64xf32, #tpu.memory_space<vmem>> -> memref<128x64xf32, #tpu.memory_space<vmem>>
      %dma_start3A_53 = arith.constant 0 : i32
      %dma_start3A_54 = tpu.memref_slice %arg5[%add3A_37, %dma_start3A_53] : memref<10x128xi32, #tpu.memory_space<vmem>> -> memref<1x128xi32, #tpu.memory_space<vmem>>
      %dma_start3A_55 = tpu.memref_squeeze %dma_start3A_54 : memref<1x128xi32, #tpu.memory_space<vmem>> -> memref<128xi32, #tpu.memory_space<vmem>>
      %dma_start3A_56 = arith.constant 0 : i32
      %dma_start3A_57 = arith.constant 0 : i32
      %dma_start3A_58 = tpu.memref_slice %arg2[%dma_start3A_56, %dma_start3A_57] : memref<1000000x64xf32, #tpu.memory_space<hbm>> -> memref<1000000x64xf32, #tpu.memory_space<hbm>>
      tpu.enqueue_indirect_dma source(%dma_start3A_58 : memref<1000000x64xf32, #tpu.memory_space<hbm>>) target(%dma_start3A_52 : memref<128x64xf32, #tpu.memory_space<vmem>>) offsets(%dma_start3A_55 : memref<128xi32, #tpu.memory_space<vmem>>) semaphore(%arg8 : memref<!tpu.dma_semaphore, #tpu.memory_space<semaphore_mem>>)
      %jit3A_59 = arith.constant 2 : i32
      %eq3A_60 = arith.constant 0 : i32
      %eq3A_61 = arith.cmpi eq, %jit3A_59, %eq3A_60 : i32
      %jit3A_62 = arith.constant 1 : i32
      %select_n3A_63 = arith.select %eq3A_61, %jit3A_62, %jit3A_59 : i32
      %rem3A_64 = arith.remsi %scan3A_35, %select_n3A_63 : i32
      %ne3A_65 = arith.constant 0 : i32
      %ne3A_66 = arith.cmpi ne, %rem3A_64, %ne3A_65 : i32
      %lt3A_67 = arith.constant 0 : i32
      %lt3A_68 = arith.cmpi slt, %rem3A_64, %lt3A_67 : i32
      %lt3A_69 = arith.constant 0 : i32
      %lt3A_70 = arith.cmpi slt, %select_n3A_63, %lt3A_69 : i32
      %ne3A_71 = arith.xori %lt3A_68, %lt3A_70 : i1
      %and3A_72 = arith.andi %ne3A_71, %ne3A_66 : i1
      %add3A_73 = arith.addi %rem3A_64, %select_n3A_63 : i32
      %select_n3A_74 = arith.select %and3A_72, %add3A_73, %rem3A_64 : i32
      %add3A_75 = arith.addi %mul3A_2, %scan3A_35 : i32
      %mul3A_76 = arith.constant 128 : i32
      %mul3A_77 = arith.muli %add3A_75, %mul3A_76 : i32
      "tpu.region"() ({
        %run_scoped3A_88 = tpu.sem_alloc : memref<!tpu.dma_semaphore, #tpu.memory_space<semaphore_mem>>
        %dma_start3A_89 = arith.constant 0 : i32
        %dma_start3A_90 = arith.constant 0 : i32
        %dma_start3A_91 = tpu.memref_slice %arg6[%select_n3A_74, %dma_start3A_89, %dma_start3A_90] : memref<2x128x64xf32, #tpu.memory_space<vmem>> -> memref<1x128x64xf32, #tpu.memory_space<vmem>>
        %dma_start3A_92 = tpu.memref_squeeze %dma_start3A_91 : memref<1x128x64xf32, #tpu.memory_space<vmem>> -> memref<128x64xf32, #tpu.memory_space<vmem>>
        %dma_start3A_93 = arith.constant 0 : i32
        %dma_start3A_94 = tpu.memref_slice %arg4[%mul3A_77, %dma_start3A_93] : memref<40960x128xf32, #tpu.memory_space<hbm>> -> memref<128x64xf32, #tpu.memory_space<hbm>>
        %dma_start3A_95 = arith.constant 0 : i32
        %dma_start3A_96 = tpu.memref_slice %arg4[%mul3A_77, %dma_start3A_95] : memref<40960x128xf32, #tpu.memory_space<hbm>> -> memref<128x64xf32, #tpu.memory_space<hbm>>
        %dma_start3A_97 = arith.constant 0 : i32
        %dma_start3A_98 = arith.constant 0 : i32
        %dma_start3A_99 = tpu.memref_slice %arg6[%select_n3A_74, %dma_start3A_97, %dma_start3A_98] : memref<2x128x64xf32, #tpu.memory_space<vmem>> -> memref<1x128x64xf32, #tpu.memory_space<vmem>>
        %dma_start3A_100 = tpu.memref_squeeze %dma_start3A_99 : memref<1x128x64xf32, #tpu.memory_space<vmem>> -> memref<128x64xf32, #tpu.memory_space<vmem>>
        tpu.enqueue_dma source(%dma_start3A_100 : memref<128x64xf32, #tpu.memory_space<vmem>>) target(%dma_start3A_96 : memref<128x64xf32, #tpu.memory_space<hbm>>) target_semaphore(%run_scoped3A_88 : memref<!tpu.dma_semaphore, #tpu.memory_space<semaphore_mem>>)
        %dma_wait3A_101 = arith.constant 0 : i32
        %dma_wait3A_102 = arith.constant 0 : i32
        %dma_wait3A_103 = tpu.memref_slice %arg6[%select_n3A_74, %dma_wait3A_101, %dma_wait3A_102] : memref<2x128x64xf32, #tpu.memory_space<vmem>> -> memref<1x128x64xf32, #tpu.memory_space<vmem>>
        %dma_wait3A_104 = tpu.memref_squeeze %dma_wait3A_103 : memref<1x128x64xf32, #tpu.memory_space<vmem>> -> memref<128x64xf32, #tpu.memory_space<vmem>>
        %dma_wait3A_105 = arith.constant 0 : i32
        %dma_wait3A_106 = tpu.memref_slice %arg4[%mul3A_77, %dma_wait3A_105] : memref<40960x128xf32, #tpu.memory_space<hbm>> -> memref<128x64xf32, #tpu.memory_space<hbm>>
        %dma_wait3A_107 = arith.constant 0 : i32
        %dma_wait3A_108 = tpu.memref_slice %arg4[%mul3A_77, %dma_wait3A_107] : memref<40960x128xf32, #tpu.memory_space<hbm>> -> memref<128x64xf32, #tpu.memory_space<hbm>>
        %dma_wait3A_109 = arith.constant 0 : i32
        %dma_wait3A_110 = arith.constant 0 : i32
        %dma_wait3A_111 = tpu.memref_slice %arg6[%select_n3A_74, %dma_wait3A_109, %dma_wait3A_110] : memref<2x128x64xf32, #tpu.memory_space<vmem>> -> memref<1x128x64xf32, #tpu.memory_space<vmem>>
        %dma_wait3A_112 = tpu.memref_squeeze %dma_wait3A_111 : memref<1x128x64xf32, #tpu.memory_space<vmem>> -> memref<128x64xf32, #tpu.memory_space<vmem>>
        tpu.wait_dma2 semaphore(%run_scoped3A_88 : memref<!tpu.dma_semaphore, #tpu.memory_space<semaphore_mem>>) src(%dma_wait3A_112 : memref<128x64xf32, #tpu.memory_space<vmem>>) dst(%dma_wait3A_108 : memref<128x64xf32, #tpu.memory_space<hbm>>)
        tpu.yield
      }) : () -> ()
      %dma_wait3A_78 = arith.constant 0 : i32
      %dma_wait3A_79 = arith.constant 0 : i32
      %dma_wait3A_80 = tpu.memref_slice %arg6[%select_n3A_48, %dma_wait3A_78, %dma_wait3A_79] : memref<2x128x64xf32, #tpu.memory_space<vmem>> -> memref<1x128x64xf32, #tpu.memory_space<vmem>>
      %dma_wait3A_81 = tpu.memref_squeeze %dma_wait3A_80 : memref<1x128x64xf32, #tpu.memory_space<vmem>> -> memref<128x64xf32, #tpu.memory_space<vmem>>
      %dma_wait3A_82 = arith.constant 0 : i32
      %dma_wait3A_83 = tpu.memref_slice %arg5[%add3A_37, %dma_wait3A_82] : memref<10x128xi32, #tpu.memory_space<vmem>> -> memref<1x128xi32, #tpu.memory_space<vmem>>
      %dma_wait3A_84 = tpu.memref_squeeze %dma_wait3A_83 : memref<1x128xi32, #tpu.memory_space<vmem>> -> memref<128xi32, #tpu.memory_space<vmem>>
      %dma_wait3A_85 = arith.constant 0 : i32
      %dma_wait3A_86 = arith.constant 0 : i32
      %dma_wait3A_87 = tpu.memref_slice %arg2[%dma_wait3A_85, %dma_wait3A_86] : memref<1000000x64xf32, #tpu.memory_space<hbm>> -> memref<1000000x64xf32, #tpu.memory_space<hbm>>
      tpu.wait_indirect_dma semaphore(%arg8 : memref<!tpu.dma_semaphore, #tpu.memory_space<semaphore_mem>>) src(%dma_wait3A_87 : memref<1000000x64xf32, #tpu.memory_space<hbm>>) dst(%dma_wait3A_81 : memref<128x64xf32, #tpu.memory_space<vmem>>)
    }
    %scan3A_29 = arith.constant 9 : i32
    %add3A_30 = arith.constant 10 : i32
    %add3A_31 = arith.addi %mul3A_2, %add3A_30 : i32
    %sub3A = arith.constant 1 : i32
    %sub3A_32 = arith.subi %add3A_31, %sub3A : i32
    %mul3A_33 = arith.constant 128 : i32
    %mul3A_34 = arith.muli %sub3A_32, %mul3A_33 : i32
    %run_scoped3A = arith.constant 1 : i32
    "tpu.region"() ({
      %run_scoped3A_35 = tpu.sem_alloc : memref<!tpu.dma_semaphore, #tpu.memory_space<semaphore_mem>>
      %dma_start3A_36 = arith.constant 0 : i32
      %dma_start3A_37 = arith.constant 0 : i32
      %dma_start3A_38 = tpu.memref_slice %arg6[%run_scoped3A, %dma_start3A_36, %dma_start3A_37] : memref<2x128x64xf32, #tpu.memory_space<vmem>> -> memref<1x128x64xf32, #tpu.memory_space<vmem>>
      %dma_start3A_39 = tpu.memref_squeeze %dma_start3A_38 : memref<1x128x64xf32, #tpu.memory_space<vmem>> -> memref<128x64xf32, #tpu.memory_space<vmem>>
      %dma_start3A_40 = arith.constant 0 : i32
      %dma_start3A_41 = tpu.memref_slice %arg4[%mul3A_34, %dma_start3A_40] : memref<40960x128xf32, #tpu.memory_space<hbm>> -> memref<128x64xf32, #tpu.memory_space<hbm>>
      %dma_start3A_42 = arith.constant 0 : i32
      %dma_start3A_43 = tpu.memref_slice %arg4[%mul3A_34, %dma_start3A_42] : memref<40960x128xf32, #tpu.memory_space<hbm>> -> memref<128x64xf32, #tpu.memory_space<hbm>>
      %dma_start3A_44 = arith.constant 0 : i32
      %dma_start3A_45 = arith.constant 0 : i32
      %dma_start3A_46 = tpu.memref_slice %arg6[%run_scoped3A, %dma_start3A_44, %dma_start3A_45] : memref<2x128x64xf32, #tpu.memory_space<vmem>> -> memref<1x128x64xf32, #tpu.memory_space<vmem>>
      %dma_start3A_47 = tpu.memref_squeeze %dma_start3A_46 : memref<1x128x64xf32, #tpu.memory_space<vmem>> -> memref<128x64xf32, #tpu.memory_space<vmem>>
      tpu.enqueue_dma source(%dma_start3A_47 : memref<128x64xf32, #tpu.memory_space<vmem>>) target(%dma_start3A_43 : memref<128x64xf32, #tpu.memory_space<hbm>>) target_semaphore(%run_scoped3A_35 : memref<!tpu.dma_semaphore, #tpu.memory_space<semaphore_mem>>)
      %dma_wait3A_48 = arith.constant 0 : i32
      %dma_wait3A_49 = arith.constant 0 : i32
      %dma_wait3A_50 = tpu.memref_slice %arg6[%run_scoped3A, %dma_wait3A_48, %dma_wait3A_49] : memref<2x128x64xf32, #tpu.memory_space<vmem>> -> memref<1x128x64xf32, #tpu.memory_space<vmem>>
      %dma_wait3A_51 = tpu.memref_squeeze %dma_wait3A_50 : memref<1x128x64xf32, #tpu.memory_space<vmem>> -> memref<128x64xf32, #tpu.memory_space<vmem>>
      %dma_wait3A_52 = arith.constant 0 : i32
      %dma_wait3A_53 = tpu.memref_slice %arg4[%mul3A_34, %dma_wait3A_52] : memref<40960x128xf32, #tpu.memory_space<hbm>> -> memref<128x64xf32, #tpu.memory_space<hbm>>
      %dma_wait3A_54 = arith.constant 0 : i32
      %dma_wait3A_55 = tpu.memref_slice %arg4[%mul3A_34, %dma_wait3A_54] : memref<40960x128xf32, #tpu.memory_space<hbm>> -> memref<128x64xf32, #tpu.memory_space<hbm>>
      %dma_wait3A_56 = arith.constant 0 : i32
      %dma_wait3A_57 = arith.constant 0 : i32
      %dma_wait3A_58 = tpu.memref_slice %arg6[%run_scoped3A, %dma_wait3A_56, %dma_wait3A_57] : memref<2x128x64xf32, #tpu.memory_space<vmem>> -> memref<1x128x64xf32, #tpu.memory_space<vmem>>
      %dma_wait3A_59 = tpu.memref_squeeze %dma_wait3A_58 : memref<1x128x64xf32, #tpu.memory_space<vmem>> -> memref<128x64xf32, #tpu.memory_space<vmem>>
      tpu.wait_dma2 semaphore(%run_scoped3A_35 : memref<!tpu.dma_semaphore, #tpu.memory_space<semaphore_mem>>) src(%dma_wait3A_59 : memref<128x64xf32, #tpu.memory_space<vmem>>) dst(%dma_wait3A_55 : memref<128x64xf32, #tpu.memory_space<hbm>>)
      tpu.yield
    }) : () -> ()
    return
  }
}

#map = affine_map<(d0, d1) -> (0, 0)>
#map1 = affine_map<(d0, d1) -> (0, 0, 0)>
module attributes {stable_mosaic.version = 14 : i64} {
  func.func @_sc_gather_body(%arg0: i32, %arg1: i32, %arg2: memref<1000000x64xf32, #tpu.memory_space<hbm>>, %arg3: memref<32x10x128xi32, #tpu.memory_space<hbm>>, %arg4: memref<40960x128xf32, #tpu.memory_space<hbm>>, %arg5: memref<10x128xi32, #tpu.memory_space<vmem>>, %arg6: memref<2x128x64xf32, #tpu.memory_space<vmem>>, %arg7: memref<!tpu.dma_semaphore, #tpu.memory_space<semaphore_mem>>, %arg8: memref<!tpu.dma_semaphore, #tpu.memory_space<semaphore_mem>>) attributes {dimension_semantics = [#tpu.dimension_semantics<core_parallel>, #tpu.dimension_semantics<subcore_parallel>], iteration_bounds = array<i64: 2, 16>, scalar_prefetch = 0 : i64, scratch_operands = 4 : i64, tpu.core_type = #tpu.core_type<sc_vector_subcore>, window_params = [{transform_indices = #map}, {transform_indices = #map1}, {transform_indices = #map}]} {
    %mul3A = arith.constant 2 : i32
    %mul3A_0 = arith.muli %arg1, %mul3A : i32
    %add3A = arith.addi %mul3A_0, %arg0 : i32
    %mul3A_1 = arith.constant 10 : i32
    %mul3A_2 = arith.muli %add3A, %mul3A_1 : i32
    "tpu.region"() ({
      %run_scoped3A_35 = tpu.sem_alloc : memref<!tpu.dma_semaphore, #tpu.memory_space<semaphore_mem>>
      %dma_start3A_36 = arith.constant 0 : i32
      %dma_start3A_37 = arith.constant 0 : i32
      %dma_start3A_38 = tpu.memref_slice %arg3[%add3A, %dma_start3A_36, %dma_start3A_37] : memref<32x10x128xi32, #tpu.memory_space<hbm>> -> memref<1x10x128xi32, #tpu.memory_space<hbm>>
      %dma_start3A_39 = tpu.memref_squeeze %dma_start3A_38 : memref<1x10x128xi32, #tpu.memory_space<hbm>> -> memref<10x128xi32, #tpu.memory_space<hbm>>
      %dma_start3A_40 = arith.constant 0 : i32
      %dma_start3A_41 = arith.constant 0 : i32
      %dma_start3A_42 = tpu.memref_slice %arg3[%add3A, %dma_start3A_40, %dma_start3A_41] : memref<32x10x128xi32, #tpu.memory_space<hbm>> -> memref<1x10x128xi32, #tpu.memory_space<hbm>>
      %dma_start3A_43 = tpu.memref_squeeze %dma_start3A_42 : memref<1x10x128xi32, #tpu.memory_space<hbm>> -> memref<10x128xi32, #tpu.memory_space<hbm>>
      tpu.enqueue_dma source(%dma_start3A_43 : memref<10x128xi32, #tpu.memory_space<hbm>>) target(%arg5 : memref<10x128xi32, #tpu.memory_space<vmem>>) target_semaphore(%run_scoped3A_35 : memref<!tpu.dma_semaphore, #tpu.memory_space<semaphore_mem>>)
      %dma_wait3A_44 = arith.constant 0 : i32
      %dma_wait3A_45 = arith.constant 0 : i32
      %dma_wait3A_46 = tpu.memref_slice %arg3[%add3A, %dma_wait3A_44, %dma_wait3A_45] : memref<32x10x128xi32, #tpu.memory_space<hbm>> -> memref<1x10x128xi32, #tpu.memory_space<hbm>>
      %dma_wait3A_47 = tpu.memref_squeeze %dma_wait3A_46 : memref<1x10x128xi32, #tpu.memory_space<hbm>> -> memref<10x128xi32, #tpu.memory_space<hbm>>
      %dma_wait3A_48 = arith.constant 0 : i32
      %dma_wait3A_49 = arith.constant 0 : i32
      %dma_wait3A_50 = tpu.memref_slice %arg3[%add3A, %dma_wait3A_48, %dma_wait3A_49] : memref<32x10x128xi32, #tpu.memory_space<hbm>> -> memref<1x10x128xi32, #tpu.memory_space<hbm>>
      %dma_wait3A_51 = tpu.memref_squeeze %dma_wait3A_50 : memref<1x10x128xi32, #tpu.memory_space<hbm>> -> memref<10x128xi32, #tpu.memory_space<hbm>>
      tpu.wait_dma2 semaphore(%run_scoped3A_35 : memref<!tpu.dma_semaphore, #tpu.memory_space<semaphore_mem>>) src(%dma_wait3A_51 : memref<10x128xi32, #tpu.memory_space<hbm>>) dst(%arg5 : memref<10x128xi32, #tpu.memory_space<vmem>>)
      tpu.yield
    }) : () -> ()
    %dma_start3A = arith.constant 0 : i32
    %dma_start3A_3 = arith.constant 0 : i32
    %dma_start3A_4 = arith.constant 0 : i32
    %dma_start3A_5 = arith.constant 0 : i32
    %dma_start3A_6 = tpu.memref_slice %arg6[%dma_start3A_3, %dma_start3A_4, %dma_start3A_5] : memref<2x128x64xf32, #tpu.memory_space<vmem>> -> memref<1x128x64xf32, #tpu.memory_space<vmem>>
    %dma_start3A_7 = tpu.memref_squeeze %dma_start3A_6 : memref<1x128x64xf32, #tpu.memory_space<vmem>> -> memref<128x64xf32, #tpu.memory_space<vmem>>
    %dma_start3A_8 = arith.constant 0 : i32
    %dma_start3A_9 = tpu.memref_slice %arg5[%dma_start3A, %dma_start3A_8] : memref<10x128xi32, #tpu.memory_space<vmem>> -> memref<1x128xi32, #tpu.memory_space<vmem>>
    %dma_start3A_10 = tpu.memref_squeeze %dma_start3A_9 : memref<1x128xi32, #tpu.memory_space<vmem>> -> memref<128xi32, #tpu.memory_space<vmem>>
    %dma_start3A_11 = arith.constant 0 : i32
    %dma_start3A_12 = arith.constant 0 : i32
    %dma_start3A_13 = tpu.memref_slice %arg2[%dma_start3A_11, %dma_start3A_12] : memref<1000000x64xf32, #tpu.memory_space<hbm>> -> memref<1000000x64xf32, #tpu.memory_space<hbm>>
    tpu.enqueue_indirect_dma source(%dma_start3A_13 : memref<1000000x64xf32, #tpu.memory_space<hbm>>) target(%dma_start3A_7 : memref<128x64xf32, #tpu.memory_space<vmem>>) offsets(%dma_start3A_10 : memref<128xi32, #tpu.memory_space<vmem>>) semaphore(%arg7 : memref<!tpu.dma_semaphore, #tpu.memory_space<semaphore_mem>>)
    %dma_wait3A = arith.constant 0 : i32
    %dma_wait3A_14 = arith.constant 0 : i32
    %dma_wait3A_15 = arith.constant 0 : i32
    %dma_wait3A_16 = arith.constant 0 : i32
    %dma_wait3A_17 = tpu.memref_slice %arg6[%dma_wait3A_14, %dma_wait3A_15, %dma_wait3A_16] : memref<2x128x64xf32, #tpu.memory_space<vmem>> -> memref<1x128x64xf32, #tpu.memory_space<vmem>>
    %dma_wait3A_18 = tpu.memref_squeeze %dma_wait3A_17 : memref<1x128x64xf32, #tpu.memory_space<vmem>> -> memref<128x64xf32, #tpu.memory_space<vmem>>
    %dma_wait3A_19 = arith.constant 0 : i32
    %dma_wait3A_20 = tpu.memref_slice %arg5[%dma_wait3A, %dma_wait3A_19] : memref<10x128xi32, #tpu.memory_space<vmem>> -> memref<1x128xi32, #tpu.memory_space<vmem>>
    %dma_wait3A_21 = tpu.memref_squeeze %dma_wait3A_20 : memref<1x128xi32, #tpu.memory_space<vmem>> -> memref<128xi32, #tpu.memory_space<vmem>>
    %dma_wait3A_22 = arith.constant 0 : i32
    %dma_wait3A_23 = arith.constant 0 : i32
    %dma_wait3A_24 = tpu.memref_slice %arg2[%dma_wait3A_22, %dma_wait3A_23] : memref<1000000x64xf32, #tpu.memory_space<hbm>> -> memref<1000000x64xf32, #tpu.memory_space<hbm>>
    tpu.wait_indirect_dma semaphore(%arg7 : memref<!tpu.dma_semaphore, #tpu.memory_space<semaphore_mem>>) src(%dma_wait3A_24 : memref<1000000x64xf32, #tpu.memory_space<hbm>>) dst(%dma_wait3A_18 : memref<128x64xf32, #tpu.memory_space<vmem>>)
    %scan3A = arith.constant 0 : i32
    %scan3A_25 = arith.constant 0 : i32
    %scan3A_26 = arith.constant 9 : i32
    %scan3A_27 = arith.addi %scan3A_25, %scan3A_26 : i32
    %scan3A_28 = arith.constant 1 : i32
    scf.for %scan3A_35 = %scan3A_25 to %scan3A_27 step %scan3A_28  : i32 {
      %add3A_36 = arith.constant 1 : i32
      %add3A_37 = arith.addi %scan3A_35, %add3A_36 : i32
      %add3A_38 = arith.constant 1 : i32
      %add3A_39 = arith.addi %scan3A_35, %add3A_38 : i32
      %jit3A = arith.constant 2 : i32
      %eq3A = arith.constant 0 : i32
      %eq3A_40 = arith.cmpi eq, %jit3A, %eq3A : i32
      %jit3A_41 = arith.constant 1 : i32
      %select_n3A = arith.select %eq3A_40, %jit3A_41, %jit3A : i32
      %rem3A = arith.remsi %add3A_39, %select_n3A : i32
      %ne3A = arith.constant 0 : i32
      %ne3A_42 = arith.cmpi ne, %rem3A, %ne3A : i32
      %lt3A = arith.constant 0 : i32
      %lt3A_43 = arith.cmpi slt, %rem3A, %lt3A : i32
      %lt3A_44 = arith.constant 0 : i32
      %lt3A_45 = arith.cmpi slt, %select_n3A, %lt3A_44 : i32
      %ne3A_46 = arith.xori %lt3A_43, %lt3A_45 : i1
      %and3A = arith.andi %ne3A_46, %ne3A_42 : i1
      %add3A_47 = arith.addi %rem3A, %select_n3A : i32
      %select_n3A_48 = arith.select %and3A, %add3A_47, %rem3A : i32
      %dma_start3A_49 = arith.constant 0 : i32
      %dma_start3A_50 = arith.constant 0 : i32
      %dma_start3A_51 = tpu.memref_slice %arg6[%select_n3A_48, %dma_start3A_49, %dma_start3A_50] : memref<2x128x64xf32, #tpu.memory_space<vmem>> -> memref<1x128x64xf32, #tpu.memory_space<vmem>>
      %dma_start3A_52 = tpu.memref_squeeze %dma_start3A_51 : memref<1x128x64xf32, #tpu.memory_space<vmem>> -> memref<128x64xf32, #tpu.memory_space<vmem>>
      %dma_start3A_53 = arith.constant 0 : i32
      %dma_start3A_54 = tpu.memref_slice %arg5[%add3A_37, %dma_start3A_53] : memref<10x128xi32, #tpu.memory_space<vmem>> -> memref<1x128xi32, #tpu.memory_space<vmem>>
      %dma_start3A_55 = tpu.memref_squeeze %dma_start3A_54 : memref<1x128xi32, #tpu.memory_space<vmem>> -> memref<128xi32, #tpu.memory_space<vmem>>
      %dma_start3A_56 = arith.constant 0 : i32
      %dma_start3A_57 = arith.constant 0 : i32
      %dma_start3A_58 = tpu.memref_slice %arg2[%dma_start3A_56, %dma_start3A_57] : memref<1000000x64xf32, #tpu.memory_space<hbm>> -> memref<1000000x64xf32, #tpu.memory_space<hbm>>
      tpu.enqueue_indirect_dma source(%dma_start3A_58 : memref<1000000x64xf32, #tpu.memory_space<hbm>>) target(%dma_start3A_52 : memref<128x64xf32, #tpu.memory_space<vmem>>) offsets(%dma_start3A_55 : memref<128xi32, #tpu.memory_space<vmem>>) semaphore(%arg8 : memref<!tpu.dma_semaphore, #tpu.memory_space<semaphore_mem>>)
      %jit3A_59 = arith.constant 2 : i32
      %eq3A_60 = arith.constant 0 : i32
      %eq3A_61 = arith.cmpi eq, %jit3A_59, %eq3A_60 : i32
      %jit3A_62 = arith.constant 1 : i32
      %select_n3A_63 = arith.select %eq3A_61, %jit3A_62, %jit3A_59 : i32
      %rem3A_64 = arith.remsi %scan3A_35, %select_n3A_63 : i32
      %ne3A_65 = arith.constant 0 : i32
      %ne3A_66 = arith.cmpi ne, %rem3A_64, %ne3A_65 : i32
      %lt3A_67 = arith.constant 0 : i32
      %lt3A_68 = arith.cmpi slt, %rem3A_64, %lt3A_67 : i32
      %lt3A_69 = arith.constant 0 : i32
      %lt3A_70 = arith.cmpi slt, %select_n3A_63, %lt3A_69 : i32
      %ne3A_71 = arith.xori %lt3A_68, %lt3A_70 : i1
      %and3A_72 = arith.andi %ne3A_71, %ne3A_66 : i1
      %add3A_73 = arith.addi %rem3A_64, %select_n3A_63 : i32
      %select_n3A_74 = arith.select %and3A_72, %add3A_73, %rem3A_64 : i32
      %add3A_75 = arith.addi %mul3A_2, %scan3A_35 : i32
      %mul3A_76 = arith.constant 128 : i32
      %mul3A_77 = arith.muli %add3A_75, %mul3A_76 : i32
      "tpu.region"() ({
        %run_scoped3A_88 = tpu.sem_alloc : memref<!tpu.dma_semaphore, #tpu.memory_space<semaphore_mem>>
        %dma_start3A_89 = arith.constant 0 : i32
        %dma_start3A_90 = arith.constant 0 : i32
        %dma_start3A_91 = tpu.memref_slice %arg6[%select_n3A_74, %dma_start3A_89, %dma_start3A_90] : memref<2x128x64xf32, #tpu.memory_space<vmem>> -> memref<1x128x64xf32, #tpu.memory_space<vmem>>
        %dma_start3A_92 = tpu.memref_squeeze %dma_start3A_91 : memref<1x128x64xf32, #tpu.memory_space<vmem>> -> memref<128x64xf32, #tpu.memory_space<vmem>>
        %dma_start3A_93 = arith.constant 0 : i32
        %dma_start3A_94 = tpu.memref_slice %arg4[%mul3A_77, %dma_start3A_93] : memref<40960x128xf32, #tpu.memory_space<hbm>> -> memref<128x64xf32, #tpu.memory_space<hbm>>
        %dma_start3A_95 = arith.constant 0 : i32
        %dma_start3A_96 = tpu.memref_slice %arg4[%mul3A_77, %dma_start3A_95] : memref<40960x128xf32, #tpu.memory_space<hbm>> -> memref<128x64xf32, #tpu.memory_space<hbm>>
        %dma_start3A_97 = arith.constant 0 : i32
        %dma_start3A_98 = arith.constant 0 : i32
        %dma_start3A_99 = tpu.memref_slice %arg6[%select_n3A_74, %dma_start3A_97, %dma_start3A_98] : memref<2x128x64xf32, #tpu.memory_space<vmem>> -> memref<1x128x64xf32, #tpu.memory_space<vmem>>
        %dma_start3A_100 = tpu.memref_squeeze %dma_start3A_99 : memref<1x128x64xf32, #tpu.memory_space<vmem>> -> memref<128x64xf32, #tpu.memory_space<vmem>>
        tpu.enqueue_dma source(%dma_start3A_100 : memref<128x64xf32, #tpu.memory_space<vmem>>) target(%dma_start3A_96 : memref<128x64xf32, #tpu.memory_space<hbm>>) target_semaphore(%run_scoped3A_88 : memref<!tpu.dma_semaphore, #tpu.memory_space<semaphore_mem>>)
        %dma_wait3A_101 = arith.constant 0 : i32
        %dma_wait3A_102 = arith.constant 0 : i32
        %dma_wait3A_103 = tpu.memref_slice %arg6[%select_n3A_74, %dma_wait3A_101, %dma_wait3A_102] : memref<2x128x64xf32, #tpu.memory_space<vmem>> -> memref<1x128x64xf32, #tpu.memory_space<vmem>>
        %dma_wait3A_104 = tpu.memref_squeeze %dma_wait3A_103 : memref<1x128x64xf32, #tpu.memory_space<vmem>> -> memref<128x64xf32, #tpu.memory_space<vmem>>
        %dma_wait3A_105 = arith.constant 0 : i32
        %dma_wait3A_106 = tpu.memref_slice %arg4[%mul3A_77, %dma_wait3A_105] : memref<40960x128xf32, #tpu.memory_space<hbm>> -> memref<128x64xf32, #tpu.memory_space<hbm>>
        %dma_wait3A_107 = arith.constant 0 : i32
        %dma_wait3A_108 = tpu.memref_slice %arg4[%mul3A_77, %dma_wait3A_107] : memref<40960x128xf32, #tpu.memory_space<hbm>> -> memref<128x64xf32, #tpu.memory_space<hbm>>
        %dma_wait3A_109 = arith.constant 0 : i32
        %dma_wait3A_110 = arith.constant 0 : i32
        %dma_wait3A_111 = tpu.memref_slice %arg6[%select_n3A_74, %dma_wait3A_109, %dma_wait3A_110] : memref<2x128x64xf32, #tpu.memory_space<vmem>> -> memref<1x128x64xf32, #tpu.memory_space<vmem>>
        %dma_wait3A_112 = tpu.memref_squeeze %dma_wait3A_111 : memref<1x128x64xf32, #tpu.memory_space<vmem>> -> memref<128x64xf32, #tpu.memory_space<vmem>>
        tpu.wait_dma2 semaphore(%run_scoped3A_88 : memref<!tpu.dma_semaphore, #tpu.memory_space<semaphore_mem>>) src(%dma_wait3A_112 : memref<128x64xf32, #tpu.memory_space<vmem>>) dst(%dma_wait3A_108 : memref<128x64xf32, #tpu.memory_space<hbm>>)
        tpu.yield
      }) : () -> ()
      %dma_wait3A_78 = arith.constant 0 : i32
      %dma_wait3A_79 = arith.constant 0 : i32
      %dma_wait3A_80 = tpu.memref_slice %arg6[%select_n3A_48, %dma_wait3A_78, %dma_wait3A_79] : memref<2x128x64xf32, #tpu.memory_space<vmem>> -> memref<1x128x64xf32, #tpu.memory_space<vmem>>
      %dma_wait3A_81 = tpu.memref_squeeze %dma_wait3A_80 : memref<1x128x64xf32, #tpu.memory_space<vmem>> -> memref<128x64xf32, #tpu.memory_space<vmem>>
      %dma_wait3A_82 = arith.constant 0 : i32
      %dma_wait3A_83 = tpu.memref_slice %arg5[%add3A_37, %dma_wait3A_82] : memref<10x128xi32, #tpu.memory_space<vmem>> -> memref<1x128xi32, #tpu.memory_space<vmem>>
      %dma_wait3A_84 = tpu.memref_squeeze %dma_wait3A_83 : memref<1x128xi32, #tpu.memory_space<vmem>> -> memref<128xi32, #tpu.memory_space<vmem>>
      %dma_wait3A_85 = arith.constant 0 : i32
      %dma_wait3A_86 = arith.constant 0 : i32
      %dma_wait3A_87 = tpu.memref_slice %arg2[%dma_wait3A_85, %dma_wait3A_86] : memref<1000000x64xf32, #tpu.memory_space<hbm>> -> memref<1000000x64xf32, #tpu.memory_space<hbm>>
      tpu.wait_indirect_dma semaphore(%arg8 : memref<!tpu.dma_semaphore, #tpu.memory_space<semaphore_mem>>) src(%dma_wait3A_87 : memref<1000000x64xf32, #tpu.memory_space<hbm>>) dst(%dma_wait3A_81 : memref<128x64xf32, #tpu.memory_space<vmem>>)
    }
    %scan3A_29 = arith.constant 9 : i32
    %add3A_30 = arith.constant 10 : i32
    %add3A_31 = arith.addi %mul3A_2, %add3A_30 : i32
    %sub3A = arith.constant 1 : i32
    %sub3A_32 = arith.subi %add3A_31, %sub3A : i32
    %mul3A_33 = arith.constant 128 : i32
    %mul3A_34 = arith.muli %sub3A_32, %mul3A_33 : i32
    %run_scoped3A = arith.constant 1 : i32
    "tpu.region"() ({
      %run_scoped3A_35 = tpu.sem_alloc : memref<!tpu.dma_semaphore, #tpu.memory_space<semaphore_mem>>
      %dma_start3A_36 = arith.constant 0 : i32
      %dma_start3A_37 = arith.constant 0 : i32
      %dma_start3A_38 = tpu.memref_slice %arg6[%run_scoped3A, %dma_start3A_36, %dma_start3A_37] : memref<2x128x64xf32, #tpu.memory_space<vmem>> -> memref<1x128x64xf32, #tpu.memory_space<vmem>>
      %dma_start3A_39 = tpu.memref_squeeze %dma_start3A_38 : memref<1x128x64xf32, #tpu.memory_space<vmem>> -> memref<128x64xf32, #tpu.memory_space<vmem>>
      %dma_start3A_40 = arith.constant 0 : i32
      %dma_start3A_41 = tpu.memref_slice %arg4[%mul3A_34, %dma_start3A_40] : memref<40960x128xf32, #tpu.memory_space<hbm>> -> memref<128x64xf32, #tpu.memory_space<hbm>>
      %dma_start3A_42 = arith.constant 0 : i32
      %dma_start3A_43 = tpu.memref_slice %arg4[%mul3A_34, %dma_start3A_42] : memref<40960x128xf32, #tpu.memory_space<hbm>> -> memref<128x64xf32, #tpu.memory_space<hbm>>
      %dma_start3A_44 = arith.constant 0 : i32
      %dma_start3A_45 = arith.constant 0 : i32
      %dma_start3A_46 = tpu.memref_slice %arg6[%run_scoped3A, %dma_start3A_44, %dma_start3A_45] : memref<2x128x64xf32, #tpu.memory_space<vmem>> -> memref<1x128x64xf32, #tpu.memory_space<vmem>>
      %dma_start3A_47 = tpu.memref_squeeze %dma_start3A_46 : memref<1x128x64xf32, #tpu.memory_space<vmem>> -> memref<128x64xf32, #tpu.memory_space<vmem>>
      tpu.enqueue_dma source(%dma_start3A_47 : memref<128x64xf32, #tpu.memory_space<vmem>>) target(%dma_start3A_43 : memref<128x64xf32, #tpu.memory_space<hbm>>) target_semaphore(%run_scoped3A_35 : memref<!tpu.dma_semaphore, #tpu.memory_space<semaphore_mem>>)
      %dma_wait3A_48 = arith.constant 0 : i32
      %dma_wait3A_49 = arith.constant 0 : i32
      %dma_wait3A_50 = tpu.memref_slice %arg6[%run_scoped3A, %dma_wait3A_48, %dma_wait3A_49] : memref<2x128x64xf32, #tpu.memory_space<vmem>> -> memref<1x128x64xf32, #tpu.memory_space<vmem>>
      %dma_wait3A_51 = tpu.memref_squeeze %dma_wait3A_50 : memref<1x128x64xf32, #tpu.memory_space<vmem>> -> memref<128x64xf32, #tpu.memory_space<vmem>>
      %dma_wait3A_52 = arith.constant 0 : i32
      %dma_wait3A_53 = tpu.memref_slice %arg4[%mul3A_34, %dma_wait3A_52] : memref<40960x128xf32, #tpu.memory_space<hbm>> -> memref<128x64xf32, #tpu.memory_space<hbm>>
      %dma_wait3A_54 = arith.constant 0 : i32
      %dma_wait3A_55 = tpu.memref_slice %arg4[%mul3A_34, %dma_wait3A_54] : memref<40960x128xf32, #tpu.memory_space<hbm>> -> memref<128x64xf32, #tpu.memory_space<hbm>>
      %dma_wait3A_56 = arith.constant 0 : i32
      %dma_wait3A_57 = arith.constant 0 : i32
      %dma_wait3A_58 = tpu.memref_slice %arg6[%run_scoped3A, %dma_wait3A_56, %dma_wait3A_57] : memref<2x128x64xf32, #tpu.memory_space<vmem>> -> memref<1x128x64xf32, #tpu.memory_space<vmem>>
      %dma_wait3A_59 = tpu.memref_squeeze %dma_wait3A_58 : memref<1x128x64xf32, #tpu.memory_space<vmem>> -> memref<128x64xf32, #tpu.memory_space<vmem>>
      tpu.wait_dma2 semaphore(%run_scoped3A_35 : memref<!tpu.dma_semaphore, #tpu.memory_space<semaphore_mem>>) src(%dma_wait3A_59 : memref<128x64xf32, #tpu.memory_space<vmem>>) dst(%dma_wait3A_55 : memref<128x64xf32, #tpu.memory_space<hbm>>)
      tpu.yield
    }) : () -> ()
    return
  }
}

#map = affine_map<(d0, d1) -> (0, 0)>
#map1 = affine_map<(d0, d1) -> (0, 0, 0)>
module attributes {stable_mosaic.version = 14 : i64} {
  func.func @_sc_gather_body(%arg0: i32, %arg1: i32, %arg2: memref<1000000x64xf32, #tpu.memory_space<hbm>>, %arg3: memref<32x10x128xi32, #tpu.memory_space<hbm>>, %arg4: memref<40960x128xf32, #tpu.memory_space<hbm>>, %arg5: memref<10x128xi32, #tpu.memory_space<vmem>>, %arg6: memref<2x128x64xf32, #tpu.memory_space<vmem>>, %arg7: memref<!tpu.dma_semaphore, #tpu.memory_space<semaphore_mem>>, %arg8: memref<!tpu.dma_semaphore, #tpu.memory_space<semaphore_mem>>) attributes {dimension_semantics = [#tpu.dimension_semantics<core_parallel>, #tpu.dimension_semantics<subcore_parallel>], iteration_bounds = array<i64: 2, 16>, scalar_prefetch = 0 : i64, scratch_operands = 4 : i64, tpu.core_type = #tpu.core_type<sc_vector_subcore>, window_params = [{transform_indices = #map}, {transform_indices = #map1}, {transform_indices = #map}]} {
    %mul3A = arith.constant 2 : i32
    %mul3A_0 = arith.muli %arg1, %mul3A : i32
    %add3A = arith.addi %mul3A_0, %arg0 : i32
    %mul3A_1 = arith.constant 10 : i32
    %mul3A_2 = arith.muli %add3A, %mul3A_1 : i32
    "tpu.region"() ({
      %run_scoped3A_35 = tpu.sem_alloc : memref<!tpu.dma_semaphore, #tpu.memory_space<semaphore_mem>>
      %dma_start3A_36 = arith.constant 0 : i32
      %dma_start3A_37 = arith.constant 0 : i32
      %dma_start3A_38 = tpu.memref_slice %arg3[%add3A, %dma_start3A_36, %dma_start3A_37] : memref<32x10x128xi32, #tpu.memory_space<hbm>> -> memref<1x10x128xi32, #tpu.memory_space<hbm>>
      %dma_start3A_39 = tpu.memref_squeeze %dma_start3A_38 : memref<1x10x128xi32, #tpu.memory_space<hbm>> -> memref<10x128xi32, #tpu.memory_space<hbm>>
      %dma_start3A_40 = arith.constant 0 : i32
      %dma_start3A_41 = arith.constant 0 : i32
      %dma_start3A_42 = tpu.memref_slice %arg3[%add3A, %dma_start3A_40, %dma_start3A_41] : memref<32x10x128xi32, #tpu.memory_space<hbm>> -> memref<1x10x128xi32, #tpu.memory_space<hbm>>
      %dma_start3A_43 = tpu.memref_squeeze %dma_start3A_42 : memref<1x10x128xi32, #tpu.memory_space<hbm>> -> memref<10x128xi32, #tpu.memory_space<hbm>>
      tpu.enqueue_dma source(%dma_start3A_43 : memref<10x128xi32, #tpu.memory_space<hbm>>) target(%arg5 : memref<10x128xi32, #tpu.memory_space<vmem>>) target_semaphore(%run_scoped3A_35 : memref<!tpu.dma_semaphore, #tpu.memory_space<semaphore_mem>>)
      %dma_wait3A_44 = arith.constant 0 : i32
      %dma_wait3A_45 = arith.constant 0 : i32
      %dma_wait3A_46 = tpu.memref_slice %arg3[%add3A, %dma_wait3A_44, %dma_wait3A_45] : memref<32x10x128xi32, #tpu.memory_space<hbm>> -> memref<1x10x128xi32, #tpu.memory_space<hbm>>
      %dma_wait3A_47 = tpu.memref_squeeze %dma_wait3A_46 : memref<1x10x128xi32, #tpu.memory_space<hbm>> -> memref<10x128xi32, #tpu.memory_space<hbm>>
      %dma_wait3A_48 = arith.constant 0 : i32
      %dma_wait3A_49 = arith.constant 0 : i32
      %dma_wait3A_50 = tpu.memref_slice %arg3[%add3A, %dma_wait3A_48, %dma_wait3A_49] : memref<32x10x128xi32, #tpu.memory_space<hbm>> -> memref<1x10x128xi32, #tpu.memory_space<hbm>>
      %dma_wait3A_51 = tpu.memref_squeeze %dma_wait3A_50 : memref<1x10x128xi32, #tpu.memory_space<hbm>> -> memref<10x128xi32, #tpu.memory_space<hbm>>
      tpu.wait_dma2 semaphore(%run_scoped3A_35 : memref<!tpu.dma_semaphore, #tpu.memory_space<semaphore_mem>>) src(%dma_wait3A_51 : memref<10x128xi32, #tpu.memory_space<hbm>>) dst(%arg5 : memref<10x128xi32, #tpu.memory_space<vmem>>)
      tpu.yield
    }) : () -> ()
    %dma_start3A = arith.constant 0 : i32
    %dma_start3A_3 = arith.constant 0 : i32
    %dma_start3A_4 = arith.constant 0 : i32
    %dma_start3A_5 = arith.constant 0 : i32
    %dma_start3A_6 = tpu.memref_slice %arg6[%dma_start3A_3, %dma_start3A_4, %dma_start3A_5] : memref<2x128x64xf32, #tpu.memory_space<vmem>> -> memref<1x128x64xf32, #tpu.memory_space<vmem>>
    %dma_start3A_7 = tpu.memref_squeeze %dma_start3A_6 : memref<1x128x64xf32, #tpu.memory_space<vmem>> -> memref<128x64xf32, #tpu.memory_space<vmem>>
    %dma_start3A_8 = arith.constant 0 : i32
    %dma_start3A_9 = tpu.memref_slice %arg5[%dma_start3A, %dma_start3A_8] : memref<10x128xi32, #tpu.memory_space<vmem>> -> memref<1x128xi32, #tpu.memory_space<vmem>>
    %dma_start3A_10 = tpu.memref_squeeze %dma_start3A_9 : memref<1x128xi32, #tpu.memory_space<vmem>> -> memref<128xi32, #tpu.memory_space<vmem>>
    %dma_start3A_11 = arith.constant 0 : i32
    %dma_start3A_12 = arith.constant 0 : i32
    %dma_start3A_13 = tpu.memref_slice %arg2[%dma_start3A_11, %dma_start3A_12] : memref<1000000x64xf32, #tpu.memory_space<hbm>> -> memref<1000000x64xf32, #tpu.memory_space<hbm>>
    tpu.enqueue_indirect_dma source(%dma_start3A_13 : memref<1000000x64xf32, #tpu.memory_space<hbm>>) target(%dma_start3A_7 : memref<128x64xf32, #tpu.memory_space<vmem>>) offsets(%dma_start3A_10 : memref<128xi32, #tpu.memory_space<vmem>>) semaphore(%arg7 : memref<!tpu.dma_semaphore, #tpu.memory_space<semaphore_mem>>)
    %dma_wait3A = arith.constant 0 : i32
    %dma_wait3A_14 = arith.constant 0 : i32
    %dma_wait3A_15 = arith.constant 0 : i32
    %dma_wait3A_16 = arith.constant 0 : i32
    %dma_wait3A_17 = tpu.memref_slice %arg6[%dma_wait3A_14, %dma_wait3A_15, %dma_wait3A_16] : memref<2x128x64xf32, #tpu.memory_space<vmem>> -> memref<1x128x64xf32, #tpu.memory_space<vmem>>
    %dma_wait3A_18 = tpu.memref_squeeze %dma_wait3A_17 : memref<1x128x64xf32, #tpu.memory_space<vmem>> -> memref<128x64xf32, #tpu.memory_space<vmem>>
    %dma_wait3A_19 = arith.constant 0 : i32
    %dma_wait3A_20 = tpu.memref_slice %arg5[%dma_wait3A, %dma_wait3A_19] : memref<10x128xi32, #tpu.memory_space<vmem>> -> memref<1x128xi32, #tpu.memory_space<vmem>>
    %dma_wait3A_21 = tpu.memref_squeeze %dma_wait3A_20 : memref<1x128xi32, #tpu.memory_space<vmem>> -> memref<128xi32, #tpu.memory_space<vmem>>
    %dma_wait3A_22 = arith.constant 0 : i32
    %dma_wait3A_23 = arith.constant 0 : i32
    %dma_wait3A_24 = tpu.memref_slice %arg2[%dma_wait3A_22, %dma_wait3A_23] : memref<1000000x64xf32, #tpu.memory_space<hbm>> -> memref<1000000x64xf32, #tpu.memory_space<hbm>>
    tpu.wait_indirect_dma semaphore(%arg7 : memref<!tpu.dma_semaphore, #tpu.memory_space<semaphore_mem>>) src(%dma_wait3A_24 : memref<1000000x64xf32, #tpu.memory_space<hbm>>) dst(%dma_wait3A_18 : memref<128x64xf32, #tpu.memory_space<vmem>>)
    %scan3A = arith.constant 0 : i32
    %scan3A_25 = arith.constant 0 : i32
    %scan3A_26 = arith.constant 9 : i32
    %scan3A_27 = arith.addi %scan3A_25, %scan3A_26 : i32
    %scan3A_28 = arith.constant 1 : i32
    scf.for %scan3A_35 = %scan3A_25 to %scan3A_27 step %scan3A_28  : i32 {
      %add3A_36 = arith.constant 1 : i32
      %add3A_37 = arith.addi %scan3A_35, %add3A_36 : i32
      %add3A_38 = arith.constant 1 : i32
      %add3A_39 = arith.addi %scan3A_35, %add3A_38 : i32
      %jit3A = arith.constant 2 : i32
      %eq3A = arith.constant 0 : i32
      %eq3A_40 = arith.cmpi eq, %jit3A, %eq3A : i32
      %jit3A_41 = arith.constant 1 : i32
      %select_n3A = arith.select %eq3A_40, %jit3A_41, %jit3A : i32
      %rem3A = arith.remsi %add3A_39, %select_n3A : i32
      %ne3A = arith.constant 0 : i32
      %ne3A_42 = arith.cmpi ne, %rem3A, %ne3A : i32
      %lt3A = arith.constant 0 : i32
      %lt3A_43 = arith.cmpi slt, %rem3A, %lt3A : i32
      %lt3A_44 = arith.constant 0 : i32
      %lt3A_45 = arith.cmpi slt, %select_n3A, %lt3A_44 : i32
      %ne3A_46 = arith.xori %lt3A_43, %lt3A_45 : i1
      %and3A = arith.andi %ne3A_46, %ne3A_42 : i1
      %add3A_47 = arith.addi %rem3A, %select_n3A : i32
      %select_n3A_48 = arith.select %and3A, %add3A_47, %rem3A : i32
      %dma_start3A_49 = arith.constant 0 : i32
      %dma_start3A_50 = arith.constant 0 : i32
      %dma_start3A_51 = tpu.memref_slice %arg6[%select_n3A_48, %dma_start3A_49, %dma_start3A_50] : memref<2x128x64xf32, #tpu.memory_space<vmem>> -> memref<1x128x64xf32, #tpu.memory_space<vmem>>
      %dma_start3A_52 = tpu.memref_squeeze %dma_start3A_51 : memref<1x128x64xf32, #tpu.memory_space<vmem>> -> memref<128x64xf32, #tpu.memory_space<vmem>>
      %dma_start3A_53 = arith.constant 0 : i32
      %dma_start3A_54 = tpu.memref_slice %arg5[%add3A_37, %dma_start3A_53] : memref<10x128xi32, #tpu.memory_space<vmem>> -> memref<1x128xi32, #tpu.memory_space<vmem>>
      %dma_start3A_55 = tpu.memref_squeeze %dma_start3A_54 : memref<1x128xi32, #tpu.memory_space<vmem>> -> memref<128xi32, #tpu.memory_space<vmem>>
      %dma_start3A_56 = arith.constant 0 : i32
      %dma_start3A_57 = arith.constant 0 : i32
      %dma_start3A_58 = tpu.memref_slice %arg2[%dma_start3A_56, %dma_start3A_57] : memref<1000000x64xf32, #tpu.memory_space<hbm>> -> memref<1000000x64xf32, #tpu.memory_space<hbm>>
      tpu.enqueue_indirect_dma source(%dma_start3A_58 : memref<1000000x64xf32, #tpu.memory_space<hbm>>) target(%dma_start3A_52 : memref<128x64xf32, #tpu.memory_space<vmem>>) offsets(%dma_start3A_55 : memref<128xi32, #tpu.memory_space<vmem>>) semaphore(%arg8 : memref<!tpu.dma_semaphore, #tpu.memory_space<semaphore_mem>>)
      %jit3A_59 = arith.constant 2 : i32
      %eq3A_60 = arith.constant 0 : i32
      %eq3A_61 = arith.cmpi eq, %jit3A_59, %eq3A_60 : i32
      %jit3A_62 = arith.constant 1 : i32
      %select_n3A_63 = arith.select %eq3A_61, %jit3A_62, %jit3A_59 : i32
      %rem3A_64 = arith.remsi %scan3A_35, %select_n3A_63 : i32
      %ne3A_65 = arith.constant 0 : i32
      %ne3A_66 = arith.cmpi ne, %rem3A_64, %ne3A_65 : i32
      %lt3A_67 = arith.constant 0 : i32
      %lt3A_68 = arith.cmpi slt, %rem3A_64, %lt3A_67 : i32
      %lt3A_69 = arith.constant 0 : i32
      %lt3A_70 = arith.cmpi slt, %select_n3A_63, %lt3A_69 : i32
      %ne3A_71 = arith.xori %lt3A_68, %lt3A_70 : i1
      %and3A_72 = arith.andi %ne3A_71, %ne3A_66 : i1
      %add3A_73 = arith.addi %rem3A_64, %select_n3A_63 : i32
      %select_n3A_74 = arith.select %and3A_72, %add3A_73, %rem3A_64 : i32
      %add3A_75 = arith.addi %mul3A_2, %scan3A_35 : i32
      %mul3A_76 = arith.constant 128 : i32
      %mul3A_77 = arith.muli %add3A_75, %mul3A_76 : i32
      "tpu.region"() ({
        %run_scoped3A_88 = tpu.sem_alloc : memref<!tpu.dma_semaphore, #tpu.memory_space<semaphore_mem>>
        %dma_start3A_89 = arith.constant 0 : i32
        %dma_start3A_90 = arith.constant 0 : i32
        %dma_start3A_91 = tpu.memref_slice %arg6[%select_n3A_74, %dma_start3A_89, %dma_start3A_90] : memref<2x128x64xf32, #tpu.memory_space<vmem>> -> memref<1x128x64xf32, #tpu.memory_space<vmem>>
        %dma_start3A_92 = tpu.memref_squeeze %dma_start3A_91 : memref<1x128x64xf32, #tpu.memory_space<vmem>> -> memref<128x64xf32, #tpu.memory_space<vmem>>
        %dma_start3A_93 = arith.constant 0 : i32
        %dma_start3A_94 = tpu.memref_slice %arg4[%mul3A_77, %dma_start3A_93] : memref<40960x128xf32, #tpu.memory_space<hbm>> -> memref<128x64xf32, #tpu.memory_space<hbm>>
        %dma_start3A_95 = arith.constant 0 : i32
        %dma_start3A_96 = tpu.memref_slice %arg4[%mul3A_77, %dma_start3A_95] : memref<40960x128xf32, #tpu.memory_space<hbm>> -> memref<128x64xf32, #tpu.memory_space<hbm>>
        %dma_start3A_97 = arith.constant 0 : i32
        %dma_start3A_98 = arith.constant 0 : i32
        %dma_start3A_99 = tpu.memref_slice %arg6[%select_n3A_74, %dma_start3A_97, %dma_start3A_98] : memref<2x128x64xf32, #tpu.memory_space<vmem>> -> memref<1x128x64xf32, #tpu.memory_space<vmem>>
        %dma_start3A_100 = tpu.memref_squeeze %dma_start3A_99 : memref<1x128x64xf32, #tpu.memory_space<vmem>> -> memref<128x64xf32, #tpu.memory_space<vmem>>
        tpu.enqueue_dma source(%dma_start3A_100 : memref<128x64xf32, #tpu.memory_space<vmem>>) target(%dma_start3A_96 : memref<128x64xf32, #tpu.memory_space<hbm>>) target_semaphore(%run_scoped3A_88 : memref<!tpu.dma_semaphore, #tpu.memory_space<semaphore_mem>>)
        %dma_wait3A_101 = arith.constant 0 : i32
        %dma_wait3A_102 = arith.constant 0 : i32
        %dma_wait3A_103 = tpu.memref_slice %arg6[%select_n3A_74, %dma_wait3A_101, %dma_wait3A_102] : memref<2x128x64xf32, #tpu.memory_space<vmem>> -> memref<1x128x64xf32, #tpu.memory_space<vmem>>
        %dma_wait3A_104 = tpu.memref_squeeze %dma_wait3A_103 : memref<1x128x64xf32, #tpu.memory_space<vmem>> -> memref<128x64xf32, #tpu.memory_space<vmem>>
        %dma_wait3A_105 = arith.constant 0 : i32
        %dma_wait3A_106 = tpu.memref_slice %arg4[%mul3A_77, %dma_wait3A_105] : memref<40960x128xf32, #tpu.memory_space<hbm>> -> memref<128x64xf32, #tpu.memory_space<hbm>>
        %dma_wait3A_107 = arith.constant 0 : i32
        %dma_wait3A_108 = tpu.memref_slice %arg4[%mul3A_77, %dma_wait3A_107] : memref<40960x128xf32, #tpu.memory_space<hbm>> -> memref<128x64xf32, #tpu.memory_space<hbm>>
        %dma_wait3A_109 = arith.constant 0 : i32
        %dma_wait3A_110 = arith.constant 0 : i32
        %dma_wait3A_111 = tpu.memref_slice %arg6[%select_n3A_74, %dma_wait3A_109, %dma_wait3A_110] : memref<2x128x64xf32, #tpu.memory_space<vmem>> -> memref<1x128x64xf32, #tpu.memory_space<vmem>>
        %dma_wait3A_112 = tpu.memref_squeeze %dma_wait3A_111 : memref<1x128x64xf32, #tpu.memory_space<vmem>> -> memref<128x64xf32, #tpu.memory_space<vmem>>
        tpu.wait_dma2 semaphore(%run_scoped3A_88 : memref<!tpu.dma_semaphore, #tpu.memory_space<semaphore_mem>>) src(%dma_wait3A_112 : memref<128x64xf32, #tpu.memory_space<vmem>>) dst(%dma_wait3A_108 : memref<128x64xf32, #tpu.memory_space<hbm>>)
        tpu.yield
      }) : () -> ()
      %dma_wait3A_78 = arith.constant 0 : i32
      %dma_wait3A_79 = arith.constant 0 : i32
      %dma_wait3A_80 = tpu.memref_slice %arg6[%select_n3A_48, %dma_wait3A_78, %dma_wait3A_79] : memref<2x128x64xf32, #tpu.memory_space<vmem>> -> memref<1x128x64xf32, #tpu.memory_space<vmem>>
      %dma_wait3A_81 = tpu.memref_squeeze %dma_wait3A_80 : memref<1x128x64xf32, #tpu.memory_space<vmem>> -> memref<128x64xf32, #tpu.memory_space<vmem>>
      %dma_wait3A_82 = arith.constant 0 : i32
      %dma_wait3A_83 = tpu.memref_slice %arg5[%add3A_37, %dma_wait3A_82] : memref<10x128xi32, #tpu.memory_space<vmem>> -> memref<1x128xi32, #tpu.memory_space<vmem>>
      %dma_wait3A_84 = tpu.memref_squeeze %dma_wait3A_83 : memref<1x128xi32, #tpu.memory_space<vmem>> -> memref<128xi32, #tpu.memory_space<vmem>>
      %dma_wait3A_85 = arith.constant 0 : i32
      %dma_wait3A_86 = arith.constant 0 : i32
      %dma_wait3A_87 = tpu.memref_slice %arg2[%dma_wait3A_85, %dma_wait3A_86] : memref<1000000x64xf32, #tpu.memory_space<hbm>> -> memref<1000000x64xf32, #tpu.memory_space<hbm>>
      tpu.wait_indirect_dma semaphore(%arg8 : memref<!tpu.dma_semaphore, #tpu.memory_space<semaphore_mem>>) src(%dma_wait3A_87 : memref<1000000x64xf32, #tpu.memory_space<hbm>>) dst(%dma_wait3A_81 : memref<128x64xf32, #tpu.memory_space<vmem>>)
    }
    %scan3A_29 = arith.constant 9 : i32
    %add3A_30 = arith.constant 10 : i32
    %add3A_31 = arith.addi %mul3A_2, %add3A_30 : i32
    %sub3A = arith.constant 1 : i32
    %sub3A_32 = arith.subi %add3A_31, %sub3A : i32
    %mul3A_33 = arith.constant 128 : i32
    %mul3A_34 = arith.muli %sub3A_32, %mul3A_33 : i32
    %run_scoped3A = arith.constant 1 : i32
    "tpu.region"() ({
      %run_scoped3A_35 = tpu.sem_alloc : memref<!tpu.dma_semaphore, #tpu.memory_space<semaphore_mem>>
      %dma_start3A_36 = arith.constant 0 : i32
      %dma_start3A_37 = arith.constant 0 : i32
      %dma_start3A_38 = tpu.memref_slice %arg6[%run_scoped3A, %dma_start3A_36, %dma_start3A_37] : memref<2x128x64xf32, #tpu.memory_space<vmem>> -> memref<1x128x64xf32, #tpu.memory_space<vmem>>
      %dma_start3A_39 = tpu.memref_squeeze %dma_start3A_38 : memref<1x128x64xf32, #tpu.memory_space<vmem>> -> memref<128x64xf32, #tpu.memory_space<vmem>>
      %dma_start3A_40 = arith.constant 0 : i32
      %dma_start3A_41 = tpu.memref_slice %arg4[%mul3A_34, %dma_start3A_40] : memref<40960x128xf32, #tpu.memory_space<hbm>> -> memref<128x64xf32, #tpu.memory_space<hbm>>
      %dma_start3A_42 = arith.constant 0 : i32
      %dma_start3A_43 = tpu.memref_slice %arg4[%mul3A_34, %dma_start3A_42] : memref<40960x128xf32, #tpu.memory_space<hbm>> -> memref<128x64xf32, #tpu.memory_space<hbm>>
      %dma_start3A_44 = arith.constant 0 : i32
      %dma_start3A_45 = arith.constant 0 : i32
      %dma_start3A_46 = tpu.memref_slice %arg6[%run_scoped3A, %dma_start3A_44, %dma_start3A_45] : memref<2x128x64xf32, #tpu.memory_space<vmem>> -> memref<1x128x64xf32, #tpu.memory_space<vmem>>
      %dma_start3A_47 = tpu.memref_squeeze %dma_start3A_46 : memref<1x128x64xf32, #tpu.memory_space<vmem>> -> memref<128x64xf32, #tpu.memory_space<vmem>>
      tpu.enqueue_dma source(%dma_start3A_47 : memref<128x64xf32, #tpu.memory_space<vmem>>) target(%dma_start3A_43 : memref<128x64xf32, #tpu.memory_space<hbm>>) target_semaphore(%run_scoped3A_35 : memref<!tpu.dma_semaphore, #tpu.memory_space<semaphore_mem>>)
      %dma_wait3A_48 = arith.constant 0 : i32
      %dma_wait3A_49 = arith.constant 0 : i32
      %dma_wait3A_50 = tpu.memref_slice %arg6[%run_scoped3A, %dma_wait3A_48, %dma_wait3A_49] : memref<2x128x64xf32, #tpu.memory_space<vmem>> -> memref<1x128x64xf32, #tpu.memory_space<vmem>>
      %dma_wait3A_51 = tpu.memref_squeeze %dma_wait3A_50 : memref<1x128x64xf32, #tpu.memory_space<vmem>> -> memref<128x64xf32, #tpu.memory_space<vmem>>
      %dma_wait3A_52 = arith.constant 0 : i32
      %dma_wait3A_53 = tpu.memref_slice %arg4[%mul3A_34, %dma_wait3A_52] : memref<40960x128xf32, #tpu.memory_space<hbm>> -> memref<128x64xf32, #tpu.memory_space<hbm>>
      %dma_wait3A_54 = arith.constant 0 : i32
      %dma_wait3A_55 = tpu.memref_slice %arg4[%mul3A_34, %dma_wait3A_54] : memref<40960x128xf32, #tpu.memory_space<hbm>> -> memref<128x64xf32, #tpu.memory_space<hbm>>
      %dma_wait3A_56 = arith.constant 0 : i32
      %dma_wait3A_57 = arith.constant 0 : i32
      %dma_wait3A_58 = tpu.memref_slice %arg6[%run_scoped3A, %dma_wait3A_56, %dma_wait3A_57] : memref<2x128x64xf32, #tpu.memory_space<vmem>> -> memref<1x128x64xf32, #tpu.memory_space<vmem>>
      %dma_wait3A_59 = tpu.memref_squeeze %dma_wait3A_58 : memref<1x128x64xf32, #tpu.memory_space<vmem>> -> memref<128x64xf32, #tpu.memory_space<vmem>>
      tpu.wait_dma2 semaphore(%run_scoped3A_35 : memref<!tpu.dma_semaphore, #tpu.memory_space<semaphore_mem>>) src(%dma_wait3A_59 : memref<128x64xf32, #tpu.memory_space<vmem>>) dst(%dma_wait3A_55 : memref<128x64xf32, #tpu.memory_space<hbm>>)
      tpu.yield
    }) : () -> ()
    return
  }
}

#map = affine_map<(d0, d1) -> (0, 0)>
#map1 = affine_map<(d0, d1) -> (0, 0, 0)>
module attributes {stable_mosaic.version = 14 : i64} {
  func.func @_sc_gather_body(%arg0: i32, %arg1: i32, %arg2: memref<1000000x64xf32, #tpu.memory_space<hbm>>, %arg3: memref<32x10x128xi32, #tpu.memory_space<hbm>>, %arg4: memref<40960x128xf32, #tpu.memory_space<hbm>>, %arg5: memref<10x128xi32, #tpu.memory_space<vmem>>, %arg6: memref<2x128x64xf32, #tpu.memory_space<vmem>>, %arg7: memref<!tpu.dma_semaphore, #tpu.memory_space<semaphore_mem>>, %arg8: memref<!tpu.dma_semaphore, #tpu.memory_space<semaphore_mem>>) attributes {dimension_semantics = [#tpu.dimension_semantics<core_parallel>, #tpu.dimension_semantics<subcore_parallel>], iteration_bounds = array<i64: 2, 16>, scalar_prefetch = 0 : i64, scratch_operands = 4 : i64, tpu.core_type = #tpu.core_type<sc_vector_subcore>, window_params = [{transform_indices = #map}, {transform_indices = #map1}, {transform_indices = #map}]} {
    %mul3A = arith.constant 2 : i32
    %mul3A_0 = arith.muli %arg1, %mul3A : i32
    %add3A = arith.addi %mul3A_0, %arg0 : i32
    %mul3A_1 = arith.constant 10 : i32
    %mul3A_2 = arith.muli %add3A, %mul3A_1 : i32
    "tpu.region"() ({
      %run_scoped3A_35 = tpu.sem_alloc : memref<!tpu.dma_semaphore, #tpu.memory_space<semaphore_mem>>
      %dma_start3A_36 = arith.constant 0 : i32
      %dma_start3A_37 = arith.constant 0 : i32
      %dma_start3A_38 = tpu.memref_slice %arg3[%add3A, %dma_start3A_36, %dma_start3A_37] : memref<32x10x128xi32, #tpu.memory_space<hbm>> -> memref<1x10x128xi32, #tpu.memory_space<hbm>>
      %dma_start3A_39 = tpu.memref_squeeze %dma_start3A_38 : memref<1x10x128xi32, #tpu.memory_space<hbm>> -> memref<10x128xi32, #tpu.memory_space<hbm>>
      %dma_start3A_40 = arith.constant 0 : i32
      %dma_start3A_41 = arith.constant 0 : i32
      %dma_start3A_42 = tpu.memref_slice %arg3[%add3A, %dma_start3A_40, %dma_start3A_41] : memref<32x10x128xi32, #tpu.memory_space<hbm>> -> memref<1x10x128xi32, #tpu.memory_space<hbm>>
      %dma_start3A_43 = tpu.memref_squeeze %dma_start3A_42 : memref<1x10x128xi32, #tpu.memory_space<hbm>> -> memref<10x128xi32, #tpu.memory_space<hbm>>
      tpu.enqueue_dma source(%dma_start3A_43 : memref<10x128xi32, #tpu.memory_space<hbm>>) target(%arg5 : memref<10x128xi32, #tpu.memory_space<vmem>>) target_semaphore(%run_scoped3A_35 : memref<!tpu.dma_semaphore, #tpu.memory_space<semaphore_mem>>)
      %dma_wait3A_44 = arith.constant 0 : i32
      %dma_wait3A_45 = arith.constant 0 : i32
      %dma_wait3A_46 = tpu.memref_slice %arg3[%add3A, %dma_wait3A_44, %dma_wait3A_45] : memref<32x10x128xi32, #tpu.memory_space<hbm>> -> memref<1x10x128xi32, #tpu.memory_space<hbm>>
      %dma_wait3A_47 = tpu.memref_squeeze %dma_wait3A_46 : memref<1x10x128xi32, #tpu.memory_space<hbm>> -> memref<10x128xi32, #tpu.memory_space<hbm>>
      %dma_wait3A_48 = arith.constant 0 : i32
      %dma_wait3A_49 = arith.constant 0 : i32
      %dma_wait3A_50 = tpu.memref_slice %arg3[%add3A, %dma_wait3A_48, %dma_wait3A_49] : memref<32x10x128xi32, #tpu.memory_space<hbm>> -> memref<1x10x128xi32, #tpu.memory_space<hbm>>
      %dma_wait3A_51 = tpu.memref_squeeze %dma_wait3A_50 : memref<1x10x128xi32, #tpu.memory_space<hbm>> -> memref<10x128xi32, #tpu.memory_space<hbm>>
      tpu.wait_dma2 semaphore(%run_scoped3A_35 : memref<!tpu.dma_semaphore, #tpu.memory_space<semaphore_mem>>) src(%dma_wait3A_51 : memref<10x128xi32, #tpu.memory_space<hbm>>) dst(%arg5 : memref<10x128xi32, #tpu.memory_space<vmem>>)
      tpu.yield
    }) : () -> ()
    %dma_start3A = arith.constant 0 : i32
    %dma_start3A_3 = arith.constant 0 : i32
    %dma_start3A_4 = arith.constant 0 : i32
    %dma_start3A_5 = arith.constant 0 : i32
    %dma_start3A_6 = tpu.memref_slice %arg6[%dma_start3A_3, %dma_start3A_4, %dma_start3A_5] : memref<2x128x64xf32, #tpu.memory_space<vmem>> -> memref<1x128x64xf32, #tpu.memory_space<vmem>>
    %dma_start3A_7 = tpu.memref_squeeze %dma_start3A_6 : memref<1x128x64xf32, #tpu.memory_space<vmem>> -> memref<128x64xf32, #tpu.memory_space<vmem>>
    %dma_start3A_8 = arith.constant 0 : i32
    %dma_start3A_9 = tpu.memref_slice %arg5[%dma_start3A, %dma_start3A_8] : memref<10x128xi32, #tpu.memory_space<vmem>> -> memref<1x128xi32, #tpu.memory_space<vmem>>
    %dma_start3A_10 = tpu.memref_squeeze %dma_start3A_9 : memref<1x128xi32, #tpu.memory_space<vmem>> -> memref<128xi32, #tpu.memory_space<vmem>>
    %dma_start3A_11 = arith.constant 0 : i32
    %dma_start3A_12 = arith.constant 0 : i32
    %dma_start3A_13 = tpu.memref_slice %arg2[%dma_start3A_11, %dma_start3A_12] : memref<1000000x64xf32, #tpu.memory_space<hbm>> -> memref<1000000x64xf32, #tpu.memory_space<hbm>>
    tpu.enqueue_indirect_dma source(%dma_start3A_13 : memref<1000000x64xf32, #tpu.memory_space<hbm>>) target(%dma_start3A_7 : memref<128x64xf32, #tpu.memory_space<vmem>>) offsets(%dma_start3A_10 : memref<128xi32, #tpu.memory_space<vmem>>) semaphore(%arg7 : memref<!tpu.dma_semaphore, #tpu.memory_space<semaphore_mem>>)
    %dma_wait3A = arith.constant 0 : i32
    %dma_wait3A_14 = arith.constant 0 : i32
    %dma_wait3A_15 = arith.constant 0 : i32
    %dma_wait3A_16 = arith.constant 0 : i32
    %dma_wait3A_17 = tpu.memref_slice %arg6[%dma_wait3A_14, %dma_wait3A_15, %dma_wait3A_16] : memref<2x128x64xf32, #tpu.memory_space<vmem>> -> memref<1x128x64xf32, #tpu.memory_space<vmem>>
    %dma_wait3A_18 = tpu.memref_squeeze %dma_wait3A_17 : memref<1x128x64xf32, #tpu.memory_space<vmem>> -> memref<128x64xf32, #tpu.memory_space<vmem>>
    %dma_wait3A_19 = arith.constant 0 : i32
    %dma_wait3A_20 = tpu.memref_slice %arg5[%dma_wait3A, %dma_wait3A_19] : memref<10x128xi32, #tpu.memory_space<vmem>> -> memref<1x128xi32, #tpu.memory_space<vmem>>
    %dma_wait3A_21 = tpu.memref_squeeze %dma_wait3A_20 : memref<1x128xi32, #tpu.memory_space<vmem>> -> memref<128xi32, #tpu.memory_space<vmem>>
    %dma_wait3A_22 = arith.constant 0 : i32
    %dma_wait3A_23 = arith.constant 0 : i32
    %dma_wait3A_24 = tpu.memref_slice %arg2[%dma_wait3A_22, %dma_wait3A_23] : memref<1000000x64xf32, #tpu.memory_space<hbm>> -> memref<1000000x64xf32, #tpu.memory_space<hbm>>
    tpu.wait_indirect_dma semaphore(%arg7 : memref<!tpu.dma_semaphore, #tpu.memory_space<semaphore_mem>>) src(%dma_wait3A_24 : memref<1000000x64xf32, #tpu.memory_space<hbm>>) dst(%dma_wait3A_18 : memref<128x64xf32, #tpu.memory_space<vmem>>)
    %scan3A = arith.constant 0 : i32
    %scan3A_25 = arith.constant 0 : i32
    %scan3A_26 = arith.constant 9 : i32
    %scan3A_27 = arith.addi %scan3A_25, %scan3A_26 : i32
    %scan3A_28 = arith.constant 1 : i32
    scf.for %scan3A_35 = %scan3A_25 to %scan3A_27 step %scan3A_28  : i32 {
      %add3A_36 = arith.constant 1 : i32
      %add3A_37 = arith.addi %scan3A_35, %add3A_36 : i32
      %add3A_38 = arith.constant 1 : i32
      %add3A_39 = arith.addi %scan3A_35, %add3A_38 : i32
      %jit3A = arith.constant 2 : i32
      %eq3A = arith.constant 0 : i32
      %eq3A_40 = arith.cmpi eq, %jit3A, %eq3A : i32
      %jit3A_41 = arith.constant 1 : i32
      %select_n3A = arith.select %eq3A_40, %jit3A_41, %jit3A : i32
      %rem3A = arith.remsi %add3A_39, %select_n3A : i32
      %ne3A = arith.constant 0 : i32
      %ne3A_42 = arith.cmpi ne, %rem3A, %ne3A : i32
      %lt3A = arith.constant 0 : i32
      %lt3A_43 = arith.cmpi slt, %rem3A, %lt3A : i32
      %lt3A_44 = arith.constant 0 : i32
      %lt3A_45 = arith.cmpi slt, %select_n3A, %lt3A_44 : i32
      %ne3A_46 = arith.xori %lt3A_43, %lt3A_45 : i1
      %and3A = arith.andi %ne3A_46, %ne3A_42 : i1
      %add3A_47 = arith.addi %rem3A, %select_n3A : i32
      %select_n3A_48 = arith.select %and3A, %add3A_47, %rem3A : i32
      %dma_start3A_49 = arith.constant 0 : i32
      %dma_start3A_50 = arith.constant 0 : i32
      %dma_start3A_51 = tpu.memref_slice %arg6[%select_n3A_48, %dma_start3A_49, %dma_start3A_50] : memref<2x128x64xf32, #tpu.memory_space<vmem>> -> memref<1x128x64xf32, #tpu.memory_space<vmem>>
      %dma_start3A_52 = tpu.memref_squeeze %dma_start3A_51 : memref<1x128x64xf32, #tpu.memory_space<vmem>> -> memref<128x64xf32, #tpu.memory_space<vmem>>
      %dma_start3A_53 = arith.constant 0 : i32
      %dma_start3A_54 = tpu.memref_slice %arg5[%add3A_37, %dma_start3A_53] : memref<10x128xi32, #tpu.memory_space<vmem>> -> memref<1x128xi32, #tpu.memory_space<vmem>>
      %dma_start3A_55 = tpu.memref_squeeze %dma_start3A_54 : memref<1x128xi32, #tpu.memory_space<vmem>> -> memref<128xi32, #tpu.memory_space<vmem>>
      %dma_start3A_56 = arith.constant 0 : i32
      %dma_start3A_57 = arith.constant 0 : i32
      %dma_start3A_58 = tpu.memref_slice %arg2[%dma_start3A_56, %dma_start3A_57] : memref<1000000x64xf32, #tpu.memory_space<hbm>> -> memref<1000000x64xf32, #tpu.memory_space<hbm>>
      tpu.enqueue_indirect_dma source(%dma_start3A_58 : memref<1000000x64xf32, #tpu.memory_space<hbm>>) target(%dma_start3A_52 : memref<128x64xf32, #tpu.memory_space<vmem>>) offsets(%dma_start3A_55 : memref<128xi32, #tpu.memory_space<vmem>>) semaphore(%arg8 : memref<!tpu.dma_semaphore, #tpu.memory_space<semaphore_mem>>)
      %jit3A_59 = arith.constant 2 : i32
      %eq3A_60 = arith.constant 0 : i32
      %eq3A_61 = arith.cmpi eq, %jit3A_59, %eq3A_60 : i32
      %jit3A_62 = arith.constant 1 : i32
      %select_n3A_63 = arith.select %eq3A_61, %jit3A_62, %jit3A_59 : i32
      %rem3A_64 = arith.remsi %scan3A_35, %select_n3A_63 : i32
      %ne3A_65 = arith.constant 0 : i32
      %ne3A_66 = arith.cmpi ne, %rem3A_64, %ne3A_65 : i32
      %lt3A_67 = arith.constant 0 : i32
      %lt3A_68 = arith.cmpi slt, %rem3A_64, %lt3A_67 : i32
      %lt3A_69 = arith.constant 0 : i32
      %lt3A_70 = arith.cmpi slt, %select_n3A_63, %lt3A_69 : i32
      %ne3A_71 = arith.xori %lt3A_68, %lt3A_70 : i1
      %and3A_72 = arith.andi %ne3A_71, %ne3A_66 : i1
      %add3A_73 = arith.addi %rem3A_64, %select_n3A_63 : i32
      %select_n3A_74 = arith.select %and3A_72, %add3A_73, %rem3A_64 : i32
      %add3A_75 = arith.addi %mul3A_2, %scan3A_35 : i32
      %mul3A_76 = arith.constant 128 : i32
      %mul3A_77 = arith.muli %add3A_75, %mul3A_76 : i32
      "tpu.region"() ({
        %run_scoped3A_88 = tpu.sem_alloc : memref<!tpu.dma_semaphore, #tpu.memory_space<semaphore_mem>>
        %dma_start3A_89 = arith.constant 0 : i32
        %dma_start3A_90 = arith.constant 0 : i32
        %dma_start3A_91 = tpu.memref_slice %arg6[%select_n3A_74, %dma_start3A_89, %dma_start3A_90] : memref<2x128x64xf32, #tpu.memory_space<vmem>> -> memref<1x128x64xf32, #tpu.memory_space<vmem>>
        %dma_start3A_92 = tpu.memref_squeeze %dma_start3A_91 : memref<1x128x64xf32, #tpu.memory_space<vmem>> -> memref<128x64xf32, #tpu.memory_space<vmem>>
        %dma_start3A_93 = arith.constant 0 : i32
        %dma_start3A_94 = tpu.memref_slice %arg4[%mul3A_77, %dma_start3A_93] : memref<40960x128xf32, #tpu.memory_space<hbm>> -> memref<128x64xf32, #tpu.memory_space<hbm>>
        %dma_start3A_95 = arith.constant 0 : i32
        %dma_start3A_96 = tpu.memref_slice %arg4[%mul3A_77, %dma_start3A_95] : memref<40960x128xf32, #tpu.memory_space<hbm>> -> memref<128x64xf32, #tpu.memory_space<hbm>>
        %dma_start3A_97 = arith.constant 0 : i32
        %dma_start3A_98 = arith.constant 0 : i32
        %dma_start3A_99 = tpu.memref_slice %arg6[%select_n3A_74, %dma_start3A_97, %dma_start3A_98] : memref<2x128x64xf32, #tpu.memory_space<vmem>> -> memref<1x128x64xf32, #tpu.memory_space<vmem>>
        %dma_start3A_100 = tpu.memref_squeeze %dma_start3A_99 : memref<1x128x64xf32, #tpu.memory_space<vmem>> -> memref<128x64xf32, #tpu.memory_space<vmem>>
        tpu.enqueue_dma source(%dma_start3A_100 : memref<128x64xf32, #tpu.memory_space<vmem>>) target(%dma_start3A_96 : memref<128x64xf32, #tpu.memory_space<hbm>>) target_semaphore(%run_scoped3A_88 : memref<!tpu.dma_semaphore, #tpu.memory_space<semaphore_mem>>)
        %dma_wait3A_101 = arith.constant 0 : i32
        %dma_wait3A_102 = arith.constant 0 : i32
        %dma_wait3A_103 = tpu.memref_slice %arg6[%select_n3A_74, %dma_wait3A_101, %dma_wait3A_102] : memref<2x128x64xf32, #tpu.memory_space<vmem>> -> memref<1x128x64xf32, #tpu.memory_space<vmem>>
        %dma_wait3A_104 = tpu.memref_squeeze %dma_wait3A_103 : memref<1x128x64xf32, #tpu.memory_space<vmem>> -> memref<128x64xf32, #tpu.memory_space<vmem>>
        %dma_wait3A_105 = arith.constant 0 : i32
        %dma_wait3A_106 = tpu.memref_slice %arg4[%mul3A_77, %dma_wait3A_105] : memref<40960x128xf32, #tpu.memory_space<hbm>> -> memref<128x64xf32, #tpu.memory_space<hbm>>
        %dma_wait3A_107 = arith.constant 0 : i32
        %dma_wait3A_108 = tpu.memref_slice %arg4[%mul3A_77, %dma_wait3A_107] : memref<40960x128xf32, #tpu.memory_space<hbm>> -> memref<128x64xf32, #tpu.memory_space<hbm>>
        %dma_wait3A_109 = arith.constant 0 : i32
        %dma_wait3A_110 = arith.constant 0 : i32
        %dma_wait3A_111 = tpu.memref_slice %arg6[%select_n3A_74, %dma_wait3A_109, %dma_wait3A_110] : memref<2x128x64xf32, #tpu.memory_space<vmem>> -> memref<1x128x64xf32, #tpu.memory_space<vmem>>
        %dma_wait3A_112 = tpu.memref_squeeze %dma_wait3A_111 : memref<1x128x64xf32, #tpu.memory_space<vmem>> -> memref<128x64xf32, #tpu.memory_space<vmem>>
        tpu.wait_dma2 semaphore(%run_scoped3A_88 : memref<!tpu.dma_semaphore, #tpu.memory_space<semaphore_mem>>) src(%dma_wait3A_112 : memref<128x64xf32, #tpu.memory_space<vmem>>) dst(%dma_wait3A_108 : memref<128x64xf32, #tpu.memory_space<hbm>>)
        tpu.yield
      }) : () -> ()
      %dma_wait3A_78 = arith.constant 0 : i32
      %dma_wait3A_79 = arith.constant 0 : i32
      %dma_wait3A_80 = tpu.memref_slice %arg6[%select_n3A_48, %dma_wait3A_78, %dma_wait3A_79] : memref<2x128x64xf32, #tpu.memory_space<vmem>> -> memref<1x128x64xf32, #tpu.memory_space<vmem>>
      %dma_wait3A_81 = tpu.memref_squeeze %dma_wait3A_80 : memref<1x128x64xf32, #tpu.memory_space<vmem>> -> memref<128x64xf32, #tpu.memory_space<vmem>>
      %dma_wait3A_82 = arith.constant 0 : i32
      %dma_wait3A_83 = tpu.memref_slice %arg5[%add3A_37, %dma_wait3A_82] : memref<10x128xi32, #tpu.memory_space<vmem>> -> memref<1x128xi32, #tpu.memory_space<vmem>>
      %dma_wait3A_84 = tpu.memref_squeeze %dma_wait3A_83 : memref<1x128xi32, #tpu.memory_space<vmem>> -> memref<128xi32, #tpu.memory_space<vmem>>
      %dma_wait3A_85 = arith.constant 0 : i32
      %dma_wait3A_86 = arith.constant 0 : i32
      %dma_wait3A_87 = tpu.memref_slice %arg2[%dma_wait3A_85, %dma_wait3A_86] : memref<1000000x64xf32, #tpu.memory_space<hbm>> -> memref<1000000x64xf32, #tpu.memory_space<hbm>>
      tpu.wait_indirect_dma semaphore(%arg8 : memref<!tpu.dma_semaphore, #tpu.memory_space<semaphore_mem>>) src(%dma_wait3A_87 : memref<1000000x64xf32, #tpu.memory_space<hbm>>) dst(%dma_wait3A_81 : memref<128x64xf32, #tpu.memory_space<vmem>>)
    }
    %scan3A_29 = arith.constant 9 : i32
    %add3A_30 = arith.constant 10 : i32
    %add3A_31 = arith.addi %mul3A_2, %add3A_30 : i32
    %sub3A = arith.constant 1 : i32
    %sub3A_32 = arith.subi %add3A_31, %sub3A : i32
    %mul3A_33 = arith.constant 128 : i32
    %mul3A_34 = arith.muli %sub3A_32, %mul3A_33 : i32
    %run_scoped3A = arith.constant 1 : i32
    "tpu.region"() ({
      %run_scoped3A_35 = tpu.sem_alloc : memref<!tpu.dma_semaphore, #tpu.memory_space<semaphore_mem>>
      %dma_start3A_36 = arith.constant 0 : i32
      %dma_start3A_37 = arith.constant 0 : i32
      %dma_start3A_38 = tpu.memref_slice %arg6[%run_scoped3A, %dma_start3A_36, %dma_start3A_37] : memref<2x128x64xf32, #tpu.memory_space<vmem>> -> memref<1x128x64xf32, #tpu.memory_space<vmem>>
      %dma_start3A_39 = tpu.memref_squeeze %dma_start3A_38 : memref<1x128x64xf32, #tpu.memory_space<vmem>> -> memref<128x64xf32, #tpu.memory_space<vmem>>
      %dma_start3A_40 = arith.constant 0 : i32
      %dma_start3A_41 = tpu.memref_slice %arg4[%mul3A_34, %dma_start3A_40] : memref<40960x128xf32, #tpu.memory_space<hbm>> -> memref<128x64xf32, #tpu.memory_space<hbm>>
      %dma_start3A_42 = arith.constant 0 : i32
      %dma_start3A_43 = tpu.memref_slice %arg4[%mul3A_34, %dma_start3A_42] : memref<40960x128xf32, #tpu.memory_space<hbm>> -> memref<128x64xf32, #tpu.memory_space<hbm>>
      %dma_start3A_44 = arith.constant 0 : i32
      %dma_start3A_45 = arith.constant 0 : i32
      %dma_start3A_46 = tpu.memref_slice %arg6[%run_scoped3A, %dma_start3A_44, %dma_start3A_45] : memref<2x128x64xf32, #tpu.memory_space<vmem>> -> memref<1x128x64xf32, #tpu.memory_space<vmem>>
      %dma_start3A_47 = tpu.memref_squeeze %dma_start3A_46 : memref<1x128x64xf32, #tpu.memory_space<vmem>> -> memref<128x64xf32, #tpu.memory_space<vmem>>
      tpu.enqueue_dma source(%dma_start3A_47 : memref<128x64xf32, #tpu.memory_space<vmem>>) target(%dma_start3A_43 : memref<128x64xf32, #tpu.memory_space<hbm>>) target_semaphore(%run_scoped3A_35 : memref<!tpu.dma_semaphore, #tpu.memory_space<semaphore_mem>>)
      %dma_wait3A_48 = arith.constant 0 : i32
      %dma_wait3A_49 = arith.constant 0 : i32
      %dma_wait3A_50 = tpu.memref_slice %arg6[%run_scoped3A, %dma_wait3A_48, %dma_wait3A_49] : memref<2x128x64xf32, #tpu.memory_space<vmem>> -> memref<1x128x64xf32, #tpu.memory_space<vmem>>
      %dma_wait3A_51 = tpu.memref_squeeze %dma_wait3A_50 : memref<1x128x64xf32, #tpu.memory_space<vmem>> -> memref<128x64xf32, #tpu.memory_space<vmem>>
      %dma_wait3A_52 = arith.constant 0 : i32
      %dma_wait3A_53 = tpu.memref_slice %arg4[%mul3A_34, %dma_wait3A_52] : memref<40960x128xf32, #tpu.memory_space<hbm>> -> memref<128x64xf32, #tpu.memory_space<hbm>>
      %dma_wait3A_54 = arith.constant 0 : i32
      %dma_wait3A_55 = tpu.memref_slice %arg4[%mul3A_34, %dma_wait3A_54] : memref<40960x128xf32, #tpu.memory_space<hbm>> -> memref<128x64xf32, #tpu.memory_space<hbm>>
      %dma_wait3A_56 = arith.constant 0 : i32
      %dma_wait3A_57 = arith.constant 0 : i32
      %dma_wait3A_58 = tpu.memref_slice %arg6[%run_scoped3A, %dma_wait3A_56, %dma_wait3A_57] : memref<2x128x64xf32, #tpu.memory_space<vmem>> -> memref<1x128x64xf32, #tpu.memory_space<vmem>>
      %dma_wait3A_59 = tpu.memref_squeeze %dma_wait3A_58 : memref<1x128x64xf32, #tpu.memory_space<vmem>> -> memref<128x64xf32, #tpu.memory_space<vmem>>
      tpu.wait_dma2 semaphore(%run_scoped3A_35 : memref<!tpu.dma_semaphore, #tpu.memory_space<semaphore_mem>>) src(%dma_wait3A_59 : memref<128x64xf32, #tpu.memory_space<vmem>>) dst(%dma_wait3A_55 : memref<128x64xf32, #tpu.memory_space<hbm>>)
      tpu.yield
    }) : () -> ()
    return
  }
}

module attributes {stable_mosaic.version = 14 : i64} {
  func.func @_lstm_body(%arg0: i32, %arg1: memref<10x1024x128xf32, #tpu.memory_space<vmem>>, %arg2: memref<64x256xf32, #tpu.memory_space<vmem>>, %arg3: memref<64x256xf32, #tpu.memory_space<vmem>>, %arg4: memref<1x256xf32, #tpu.memory_space<vmem>>, %arg5: memref<64x256xf32, #tpu.memory_space<vmem>>, %arg6: memref<64x256xf32, #tpu.memory_space<vmem>>, %arg7: memref<1x256xf32, #tpu.memory_space<vmem>>, %arg8: memref<64x250xf32, #tpu.memory_space<vmem>>, %arg9: memref<1x250xf32, #tpu.memory_space<vmem>>, %arg10: memref<1x250xf32, #tpu.memory_space<vmem>>, %arg11: memref<1x1xf32, #tpu.memory_space<vmem>>, %arg12: memref<1024x64xf32, #tpu.memory_space<vmem>>, %arg13: memref<1024x64xf32, #tpu.memory_space<vmem>>, %arg14: memref<1024x64xf32, #tpu.memory_space<vmem>>, %arg15: memref<1024x64xf32, #tpu.memory_space<vmem>>, %arg16: memref<1024x64xf32, #tpu.memory_space<vmem>>, %arg17: memref<1024x64xf32, #tpu.memory_space<vmem>>, %arg18: memref<1024x64xf32, #tpu.memory_space<vmem>>, %arg19: memref<1024x64xf32, #tpu.memory_space<vmem>>, %arg20: memref<1024x1xf32, #tpu.memory_space<vmem>>, %arg21: memref<1024x64xf32, #tpu.memory_space<vmem>>, %arg22: memref<1024x64xf32, #tpu.memory_space<vmem>>, %arg23: memref<1024x64xf32, #tpu.memory_space<vmem>>, %arg24: memref<1024x64xf32, #tpu.memory_space<vmem>>) attributes {dimension_semantics = [#tpu.dimension_semantics<arbitrary>], iteration_bounds = array<i64: 4>, scalar_prefetch = 0 : i64, scratch_operands = 4 : i64, tpu.core_type = #tpu.core_type<tc>, window_params = [{transform_indices = @transform_0, window_bounds = array<i64: 10, 1024, 128>}, {pipeline_mode = #tpu.pipeline_mode<synchronous>, transform_indices = @transform_1, window_bounds = array<i64: 64, 256>}, {pipeline_mode = #tpu.pipeline_mode<synchronous>, transform_indices = @transform_2, window_bounds = array<i64: 64, 256>}, {pipeline_mode = #tpu.pipeline_mode<synchronous>, transform_indices = @transform_3, window_bounds = array<i64: 1, 256>}, {pipeline_mode = #tpu.pipeline_mode<synchronous>, transform_indices = @transform_4, window_bounds = array<i64: 64, 256>}, {pipeline_mode = #tpu.pipeline_mode<synchronous>, transform_indices = @transform_5, window_bounds = array<i64: 64, 256>}, {pipeline_mode = #tpu.pipeline_mode<synchronous>, transform_indices = @transform_6, window_bounds = array<i64: 1, 256>}, {pipeline_mode = #tpu.pipeline_mode<synchronous>, transform_indices = @transform_7, window_bounds = array<i64: 64, 250>}, {pipeline_mode = #tpu.pipeline_mode<synchronous>, transform_indices = @transform_8, window_bounds = array<i64: 1, 250>}, {pipeline_mode = #tpu.pipeline_mode<synchronous>, transform_indices = @transform_9, window_bounds = array<i64: 1, 250>}, {pipeline_mode = #tpu.pipeline_mode<synchronous>, transform_indices = @transform_10, window_bounds = array<i64: 1, 1>}, {pipeline_mode = #tpu.pipeline_mode<synchronous>, transform_indices = @transform_11, window_bounds = array<i64: 1024, 64>}, {pipeline_mode = #tpu.pipeline_mode<synchronous>, transform_indices = @transform_12, window_bounds = array<i64: 1024, 64>}, {pipeline_mode = #tpu.pipeline_mode<synchronous>, transform_indices = @transform_13, window_bounds = array<i64: 1024, 64>}, {pipeline_mode = #tpu.pipeline_mode<synchronous>, transform_indices = @transform_14, window_bounds = array<i64: 1024, 64>}, {pipeline_mode = #tpu.pipeline_mode<synchronous>, transform_indices = @transform_15, window_bounds = array<i64: 1024, 64>}, {pipeline_mode = #tpu.pipeline_mode<synchronous>, transform_indices = @transform_16, window_bounds = array<i64: 1024, 64>}, {pipeline_mode = #tpu.pipeline_mode<synchronous>, transform_indices = @transform_17, window_bounds = array<i64: 1024, 64>}, {pipeline_mode = #tpu.pipeline_mode<synchronous>, transform_indices = @transform_18, window_bounds = array<i64: 1024, 64>}, {pipeline_mode = #tpu.pipeline_mode<synchronous>, transform_indices = @transform_19, window_bounds = array<i64: 1024, 1>}]} {
    %eq3A = arith.constant 0 : i32
    %eq3A_0 = arith.cmpi eq, %arg0, %eq3A : i32
    %convert_element_type3A = arith.extui %eq3A_0 : i1 to i32
    %cond3A = arith.constant 0 : i32
    %cond3A_1 = arith.cmpi ne, %convert_element_type3A, %cond3A : i32
    scf.if %cond3A_1 {
      %get3A_1032 = arith.constant 0 : index
      %get3A_1033 = arith.constant 0 : index
      %get3A_1034 = vector.load %arg12[%get3A_1032, %get3A_1033] : memref<1024x64xf32, #tpu.memory_space<vmem>>, vector<1024x64xf32>
      %swap3A_1035 = arith.constant 0 : index
      %swap3A_1036 = arith.constant 0 : index
      %swap3A_1037 = vector.load %arg21[%swap3A_1035, %swap3A_1036] : memref<1024x64xf32, #tpu.memory_space<vmem>>, vector<1024x64xf32>
      tpu.vector_store %arg21[%swap3A_1035, %swap3A_1036], %get3A_1034 {strides = array<i32>} : memref<1024x64xf32, #tpu.memory_space<vmem>>, vector<1024x64xf32>,
      %get3A_1038 = arith.constant 0 : index
      %get3A_1039 = arith.constant 0 : index
      %get3A_1040 = vector.load %arg13[%get3A_1038, %get3A_1039] : memref<1024x64xf32, #tpu.memory_space<vmem>>, vector<1024x64xf32>
      %swap3A_1041 = arith.constant 0 : index
      %swap3A_1042 = arith.constant 0 : index
      %swap3A_1043 = vector.load %arg22[%swap3A_1041, %swap3A_1042] : memref<1024x64xf32, #tpu.memory_space<vmem>>, vector<1024x64xf32>
      tpu.vector_store %arg22[%swap3A_1041, %swap3A_1042], %get3A_1040 {strides = array<i32>} : memref<1024x64xf32, #tpu.memory_space<vmem>>, vector<1024x64xf32>,
      %get3A_1044 = arith.constant 0 : index
      %get3A_1045 = arith.constant 0 : index
      %get3A_1046 = vector.load %arg14[%get3A_1044, %get3A_1045] : memref<1024x64xf32, #tpu.memory_space<vmem>>, vector<1024x64xf32>
      %swap3A_1047 = arith.constant 0 : index
      %swap3A_1048 = arith.constant 0 : index
      %swap3A_1049 = vector.load %arg23[%swap3A_1047, %swap3A_1048] : memref<1024x64xf32, #tpu.memory_space<vmem>>, vector<1024x64xf32>
      tpu.vector_store %arg23[%swap3A_1047, %swap3A_1048], %get3A_1046 {strides = array<i32>} : memref<1024x64xf32, #tpu.memory_space<vmem>>, vector<1024x64xf32>,
      %get3A_1050 = arith.constant 0 : index
      %get3A_1051 = arith.constant 0 : index
      %get3A_1052 = vector.load %arg15[%get3A_1050, %get3A_1051] : memref<1024x64xf32, #tpu.memory_space<vmem>>, vector<1024x64xf32>
      %swap3A_1053 = arith.constant 0 : index
      %swap3A_1054 = arith.constant 0 : index
      %swap3A_1055 = vector.load %arg24[%swap3A_1053, %swap3A_1054] : memref<1024x64xf32, #tpu.memory_space<vmem>>, vector<1024x64xf32>
      tpu.vector_store %arg24[%swap3A_1053, %swap3A_1054], %get3A_1052 {strides = array<i32>} : memref<1024x64xf32, #tpu.memory_space<vmem>>, vector<1024x64xf32>,
    } else {
    }
    %get3A = arith.constant 0 : index
    %get3A_2 = arith.constant 0 : index
    %get3A_3 = vector.load %arg2[%get3A, %get3A_2] : memref<64x256xf32, #tpu.memory_space<vmem>>, vector<64x256xf32>
    %get3A_4 = arith.constant 0 : index
    %get3A_5 = arith.constant 0 : index
    %get3A_6 = vector.load %arg3[%get3A_4, %get3A_5] : memref<64x256xf32, #tpu.memory_space<vmem>>, vector<64x256xf32>
    %get3A_7 = arith.constant 0 : index
    %get3A_8 = arith.constant 0 : index
    %get3A_9 = vector.load %arg4[%get3A_7, %get3A_8] : memref<1x256xf32, #tpu.memory_space<vmem>>, vector<1x256xf32>
    %get3A_10 = arith.constant 0 : index
    %get3A_11 = arith.constant 0 : index
    %get3A_12 = vector.load %arg5[%get3A_10, %get3A_11] : memref<64x256xf32, #tpu.memory_space<vmem>>, vector<64x256xf32>
    %get3A_13 = arith.constant 0 : index
    %get3A_14 = arith.constant 0 : index
    %get3A_15 = vector.load %arg6[%get3A_13, %get3A_14] : memref<64x256xf32, #tpu.memory_space<vmem>>, vector<64x256xf32>
    %get3A_16 = arith.constant 0 : index
    %get3A_17 = arith.constant 0 : index
    %get3A_18 = vector.load %arg7[%get3A_16, %get3A_17] : memref<1x256xf32, #tpu.memory_space<vmem>>, vector<1x256xf32>
    %get3A_19 = arith.constant 0 : index
    %get3A_20 = arith.constant 0 : index
    %get3A_21 = vector.load %arg21[%get3A_19, %get3A_20] : memref<1024x64xf32, #tpu.memory_space<vmem>>, vector<1024x64xf32>
    %get3A_22 = arith.constant 0 : index
    %get3A_23 = arith.constant 0 : index
    %get3A_24 = vector.load %arg22[%get3A_22, %get3A_23] : memref<1024x64xf32, #tpu.memory_space<vmem>>, vector<1024x64xf32>
    %get3A_25 = arith.constant 0 : index
    %get3A_26 = arith.constant 0 : index
    %get3A_27 = vector.load %arg23[%get3A_25, %get3A_26] : memref<1024x64xf32, #tpu.memory_space<vmem>>, vector<1024x64xf32>
    %get3A_28 = arith.constant 0 : index
    %get3A_29 = arith.constant 0 : index
    %get3A_30 = vector.load %arg24[%get3A_28, %get3A_29] : memref<1024x64xf32, #tpu.memory_space<vmem>>, vector<1024x64xf32>
    %get3A_31 = arith.constant 0 : index
    %get3A_32 = arith.constant 0 : index
    %get3A_33 = arith.constant 0 : index
    %get3A_34 = vector.load %arg1[%get3A_31, %get3A_32, %get3A_33] : memref<10x1024x128xf32, #tpu.memory_space<vmem>>, vector<1x1024x64xf32>
    %get3A_35 = vector.shape_cast %get3A_34 : vector<1x1024x64xf32> to vector<1024x64xf32>
    %dot_general3A = arith.constant dense<0.000000e+00> : vector<1024x256xf32>
    %dot_general3A_36 = tpu.matmul %get3A_35, %get3A_3, %dot_general3A {dimension_numbers = #tpu.dot_dimension_numbers<[1], [0], [0], [1], [0, 0, 1, 1], [], []>, transpose_lhs_hint = false} : vector<1024x64xf32>, vector<64x256xf32>, vector<1024x256xf32> -> vector<1024x256xf32>
    %dot_general3A_37 = arith.constant dense<0.000000e+00> : vector<1024x256xf32>
    %dot_general3A_38 = tpu.matmul %get3A_21, %get3A_6, %dot_general3A_37 {dimension_numbers = #tpu.dot_dimension_numbers<[1], [0], [0], [1], [0, 0, 1, 1], [], []>, transpose_lhs_hint = false} : vector<1024x64xf32>, vector<64x256xf32>, vector<1024x256xf32> -> vector<1024x256xf32>
    %add3A = arith.addf %dot_general3A_36, %dot_general3A_38 : vector<1024x256xf32>
    %add3A_39 = vector.broadcast %get3A_9 : vector<1x256xf32> to vector<1024x256xf32>
    %add3A_40 = arith.addf %add3A, %add3A_39 : vector<1024x256xf32>
    %slice3A = vector.extract_strided_slice %add3A_40 {offsets = [0, 0], sizes = [1024, 64], strides = [1, 1]} : vector<1024x256xf32> to vector<1024x64xf32>
    %mul3A = arith.constant 5.000000e-01 : f32
    %mul3A_41 = vector.broadcast %mul3A : f32 to vector<1024x64xf32>
    %mul3A_42 = arith.mulf %mul3A_41, %slice3A : vector<1024x64xf32>
    %tanh3A = math.tanh %mul3A_42 : vector<1024x64xf32>
    %mul3A_43 = arith.constant 5.000000e-01 : f32
    %mul3A_44 = vector.broadcast %mul3A_43 : f32 to vector<1024x64xf32>
    %mul3A_45 = arith.mulf %mul3A_44, %tanh3A : vector<1024x64xf32>
    %add3A_46 = arith.constant 5.000000e-01 : f32
    %add3A_47 = vector.broadcast %add3A_46 : f32 to vector<1024x64xf32>
    %add3A_48 = arith.addf %mul3A_45, %add3A_47 : vector<1024x64xf32>
    %slice3A_49 = vector.extract_strided_slice %add3A_40 {offsets = [0, 64], sizes = [1024, 64], strides = [1, 1]} : vector<1024x256xf32> to vector<1024x64xf32>
    %mul3A_50 = arith.constant 5.000000e-01 : f32
    %mul3A_51 = vector.broadcast %mul3A_50 : f32 to vector<1024x64xf32>
    %mul3A_52 = arith.mulf %mul3A_51, %slice3A_49 : vector<1024x64xf32>
    %tanh3A_53 = math.tanh %mul3A_52 : vector<1024x64xf32>
    %mul3A_54 = arith.constant 5.000000e-01 : f32
    %mul3A_55 = vector.broadcast %mul3A_54 : f32 to vector<1024x64xf32>
    %mul3A_56 = arith.mulf %mul3A_55, %tanh3A_53 : vector<1024x64xf32>
    %add3A_57 = arith.constant 5.000000e-01 : f32
    %add3A_58 = vector.broadcast %add3A_57 : f32 to vector<1024x64xf32>
    %add3A_59 = arith.addf %mul3A_56, %add3A_58 : vector<1024x64xf32>
    %slice3A_60 = vector.extract_strided_slice %add3A_40 {offsets = [0, 128], sizes = [1024, 64], strides = [1, 1]} : vector<1024x256xf32> to vector<1024x64xf32>
    %tanh3A_61 = math.tanh %slice3A_60 : vector<1024x64xf32>
    %slice3A_62 = vector.extract_strided_slice %add3A_40 {offsets = [0, 192], sizes = [1024, 64], strides = [1, 1]} : vector<1024x256xf32> to vector<1024x64xf32>
    %mul3A_63 = arith.constant 5.000000e-01 : f32
    %mul3A_64 = vector.broadcast %mul3A_63 : f32 to vector<1024x64xf32>
    %mul3A_65 = arith.mulf %mul3A_64, %slice3A_62 : vector<1024x64xf32>
    %tanh3A_66 = math.tanh %mul3A_65 : vector<1024x64xf32>
    %mul3A_67 = arith.constant 5.000000e-01 : f32
    %mul3A_68 = vector.broadcast %mul3A_67 : f32 to vector<1024x64xf32>
    %mul3A_69 = arith.mulf %mul3A_68, %tanh3A_66 : vector<1024x64xf32>
    %add3A_70 = arith.constant 5.000000e-01 : f32
    %add3A_71 = vector.broadcast %add3A_70 : f32 to vector<1024x64xf32>
    %add3A_72 = arith.addf %mul3A_69, %add3A_71 : vector<1024x64xf32>
    %mul3A_73 = arith.mulf %add3A_59, %get3A_24 : vector<1024x64xf32>
    %mul3A_74 = arith.mulf %add3A_48, %tanh3A_61 : vector<1024x64xf32>
    %add3A_75 = arith.addf %mul3A_73, %mul3A_74 : vector<1024x64xf32>
    %tanh3A_76 = math.tanh %add3A_75 : vector<1024x64xf32>
    %mul3A_77 = arith.mulf %add3A_72, %tanh3A_76 : vector<1024x64xf32>
    %dot_general3A_78 = arith.constant dense<0.000000e+00> : vector<1024x256xf32>
    %dot_general3A_79 = tpu.matmul %mul3A_77, %get3A_12, %dot_general3A_78 {dimension_numbers = #tpu.dot_dimension_numbers<[1], [0], [0], [1], [0, 0, 1, 1], [], []>, transpose_lhs_hint = false} : vector<1024x64xf32>, vector<64x256xf32>, vector<1024x256xf32> -> vector<1024x256xf32>
    %dot_general3A_80 = arith.constant dense<0.000000e+00> : vector<1024x256xf32>
    %dot_general3A_81 = tpu.matmul %get3A_27, %get3A_15, %dot_general3A_80 {dimension_numbers = #tpu.dot_dimension_numbers<[1], [0], [0], [1], [0, 0, 1, 1], [], []>, transpose_lhs_hint = false} : vector<1024x64xf32>, vector<64x256xf32>, vector<1024x256xf32> -> vector<1024x256xf32>
    %add3A_82 = arith.addf %dot_general3A_79, %dot_general3A_81 : vector<1024x256xf32>
    %add3A_83 = vector.broadcast %get3A_18 : vector<1x256xf32> to vector<1024x256xf32>
    %add3A_84 = arith.addf %add3A_82, %add3A_83 : vector<1024x256xf32>
    %slice3A_85 = vector.extract_strided_slice %add3A_84 {offsets = [0, 0], sizes = [1024, 64], strides = [1, 1]} : vector<1024x256xf32> to vector<1024x64xf32>
    %mul3A_86 = arith.constant 5.000000e-01 : f32
    %mul3A_87 = vector.broadcast %mul3A_86 : f32 to vector<1024x64xf32>
    %mul3A_88 = arith.mulf %mul3A_87, %slice3A_85 : vector<1024x64xf32>
    %tanh3A_89 = math.tanh %mul3A_88 : vector<1024x64xf32>
    %mul3A_90 = arith.constant 5.000000e-01 : f32
    %mul3A_91 = vector.broadcast %mul3A_90 : f32 to vector<1024x64xf32>
    %mul3A_92 = arith.mulf %mul3A_91, %tanh3A_89 : vector<1024x64xf32>
    %add3A_93 = arith.constant 5.000000e-01 : f32
    %add3A_94 = vector.broadcast %add3A_93 : f32 to vector<1024x64xf32>
    %add3A_95 = arith.addf %mul3A_92, %add3A_94 : vector<1024x64xf32>
    %slice3A_96 = vector.extract_strided_slice %add3A_84 {offsets = [0, 64], sizes = [1024, 64], strides = [1, 1]} : vector<1024x256xf32> to vector<1024x64xf32>
    %mul3A_97 = arith.constant 5.000000e-01 : f32
    %mul3A_98 = vector.broadcast %mul3A_97 : f32 to vector<1024x64xf32>
    %mul3A_99 = arith.mulf %mul3A_98, %slice3A_96 : vector<1024x64xf32>
    %tanh3A_100 = math.tanh %mul3A_99 : vector<1024x64xf32>
    %mul3A_101 = arith.constant 5.000000e-01 : f32
    %mul3A_102 = vector.broadcast %mul3A_101 : f32 to vector<1024x64xf32>
    %mul3A_103 = arith.mulf %mul3A_102, %tanh3A_100 : vector<1024x64xf32>
    %add3A_104 = arith.constant 5.000000e-01 : f32
    %add3A_105 = vector.broadcast %add3A_104 : f32 to vector<1024x64xf32>
    %add3A_106 = arith.addf %mul3A_103, %add3A_105 : vector<1024x64xf32>
    %slice3A_107 = vector.extract_strided_slice %add3A_84 {offsets = [0, 128], sizes = [1024, 64], strides = [1, 1]} : vector<1024x256xf32> to vector<1024x64xf32>
    %tanh3A_108 = math.tanh %slice3A_107 : vector<1024x64xf32>
    %slice3A_109 = vector.extract_strided_slice %add3A_84 {offsets = [0, 192], sizes = [1024, 64], strides = [1, 1]} : vector<1024x256xf32> to vector<1024x64xf32>
    %mul3A_110 = arith.constant 5.000000e-01 : f32
    %mul3A_111 = vector.broadcast %mul3A_110 : f32 to vector<1024x64xf32>
    %mul3A_112 = arith.mulf %mul3A_111, %slice3A_109 : vector<1024x64xf32>
    %tanh3A_113 = math.tanh %mul3A_112 : vector<1024x64xf32>
    %mul3A_114 = arith.constant 5.000000e-01 : f32
    %mul3A_115 = vector.broadcast %mul3A_114 : f32 to vector<1024x64xf32>
    %mul3A_116 = arith.mulf %mul3A_115, %tanh3A_113 : vector<1024x64xf32>
    %add3A_117 = arith.constant 5.000000e-01 : f32
    %add3A_118 = vector.broadcast %add3A_117 : f32 to vector<1024x64xf32>
    %add3A_119 = arith.addf %mul3A_116, %add3A_118 : vector<1024x64xf32>
    %mul3A_120 = arith.mulf %add3A_106, %get3A_30 : vector<1024x64xf32>
    %mul3A_121 = arith.mulf %add3A_95, %tanh3A_108 : vector<1024x64xf32>
    %add3A_122 = arith.addf %mul3A_120, %mul3A_121 : vector<1024x64xf32>
    %tanh3A_123 = math.tanh %add3A_122 : vector<1024x64xf32>
    %mul3A_124 = arith.mulf %add3A_119, %tanh3A_123 : vector<1024x64xf32>
    %get3A_125 = arith.constant 1 : index
    %get3A_126 = arith.constant 0 : index
    %get3A_127 = arith.constant 0 : index
    %get3A_128 = vector.load %arg1[%get3A_125, %get3A_126, %get3A_127] : memref<10x1024x128xf32, #tpu.memory_space<vmem>>, vector<1x1024x64xf32>
    %get3A_129 = vector.shape_cast %get3A_128 : vector<1x1024x64xf32> to vector<1024x64xf32>
    %dot_general3A_130 = arith.constant dense<0.000000e+00> : vector<1024x256xf32>
    %dot_general3A_131 = tpu.matmul %get3A_129, %get3A_3, %dot_general3A_130 {dimension_numbers = #tpu.dot_dimension_numbers<[1], [0], [0], [1], [0, 0, 1, 1], [], []>, transpose_lhs_hint = false} : vector<1024x64xf32>, vector<64x256xf32>, vector<1024x256xf32> -> vector<1024x256xf32>
    %dot_general3A_132 = arith.constant dense<0.000000e+00> : vector<1024x256xf32>
    %dot_general3A_133 = tpu.matmul %mul3A_77, %get3A_6, %dot_general3A_132 {dimension_numbers = #tpu.dot_dimension_numbers<[1], [0], [0], [1], [0, 0, 1, 1], [], []>, transpose_lhs_hint = false} : vector<1024x64xf32>, vector<64x256xf32>, vector<1024x256xf32> -> vector<1024x256xf32>
    %add3A_134 = arith.addf %dot_general3A_131, %dot_general3A_133 : vector<1024x256xf32>
    %add3A_135 = vector.broadcast %get3A_9 : vector<1x256xf32> to vector<1024x256xf32>
    %add3A_136 = arith.addf %add3A_134, %add3A_135 : vector<1024x256xf32>
    %slice3A_137 = vector.extract_strided_slice %add3A_136 {offsets = [0, 0], sizes = [1024, 64], strides = [1, 1]} : vector<1024x256xf32> to vector<1024x64xf32>
    %mul3A_138 = arith.constant 5.000000e-01 : f32
    %mul3A_139 = vector.broadcast %mul3A_138 : f32 to vector<1024x64xf32>
    %mul3A_140 = arith.mulf %mul3A_139, %slice3A_137 : vector<1024x64xf32>
    %tanh3A_141 = math.tanh %mul3A_140 : vector<1024x64xf32>
    %mul3A_142 = arith.constant 5.000000e-01 : f32
    %mul3A_143 = vector.broadcast %mul3A_142 : f32 to vector<1024x64xf32>
    %mul3A_144 = arith.mulf %mul3A_143, %tanh3A_141 : vector<1024x64xf32>
    %add3A_145 = arith.constant 5.000000e-01 : f32
    %add3A_146 = vector.broadcast %add3A_145 : f32 to vector<1024x64xf32>
    %add3A_147 = arith.addf %mul3A_144, %add3A_146 : vector<1024x64xf32>
    %slice3A_148 = vector.extract_strided_slice %add3A_136 {offsets = [0, 64], sizes = [1024, 64], strides = [1, 1]} : vector<1024x256xf32> to vector<1024x64xf32>
    %mul3A_149 = arith.constant 5.000000e-01 : f32
    %mul3A_150 = vector.broadcast %mul3A_149 : f32 to vector<1024x64xf32>
    %mul3A_151 = arith.mulf %mul3A_150, %slice3A_148 : vector<1024x64xf32>
    %tanh3A_152 = math.tanh %mul3A_151 : vector<1024x64xf32>
    %mul3A_153 = arith.constant 5.000000e-01 : f32
    %mul3A_154 = vector.broadcast %mul3A_153 : f32 to vector<1024x64xf32>
    %mul3A_155 = arith.mulf %mul3A_154, %tanh3A_152 : vector<1024x64xf32>
    %add3A_156 = arith.constant 5.000000e-01 : f32
    %add3A_157 = vector.broadcast %add3A_156 : f32 to vector<1024x64xf32>
    %add3A_158 = arith.addf %mul3A_155, %add3A_157 : vector<1024x64xf32>
    %slice3A_159 = vector.extract_strided_slice %add3A_136 {offsets = [0, 128], sizes = [1024, 64], strides = [1, 1]} : vector<1024x256xf32> to vector<1024x64xf32>
    %tanh3A_160 = math.tanh %slice3A_159 : vector<1024x64xf32>
    %slice3A_161 = vector.extract_strided_slice %add3A_136 {offsets = [0, 192], sizes = [1024, 64], strides = [1, 1]} : vector<1024x256xf32> to vector<1024x64xf32>
    %mul3A_162 = arith.constant 5.000000e-01 : f32
    %mul3A_163 = vector.broadcast %mul3A_162 : f32 to vector<1024x64xf32>
    %mul3A_164 = arith.mulf %mul3A_163, %slice3A_161 : vector<1024x64xf32>
    %tanh3A_165 = math.tanh %mul3A_164 : vector<1024x64xf32>
    %mul3A_166 = arith.constant 5.000000e-01 : f32
    %mul3A_167 = vector.broadcast %mul3A_166 : f32 to vector<1024x64xf32>
    %mul3A_168 = arith.mulf %mul3A_167, %tanh3A_165 : vector<1024x64xf32>
    %add3A_169 = arith.constant 5.000000e-01 : f32
    %add3A_170 = vector.broadcast %add3A_169 : f32 to vector<1024x64xf32>
    %add3A_171 = arith.addf %mul3A_168, %add3A_170 : vector<1024x64xf32>
    %mul3A_172 = arith.mulf %add3A_158, %add3A_75 : vector<1024x64xf32>
    %mul3A_173 = arith.mulf %add3A_147, %tanh3A_160 : vector<1024x64xf32>
    %add3A_174 = arith.addf %mul3A_172, %mul3A_173 : vector<1024x64xf32>
    %tanh3A_175 = math.tanh %add3A_174 : vector<1024x64xf32>
    %mul3A_176 = arith.mulf %add3A_171, %tanh3A_175 : vector<1024x64xf32>
    %dot_general3A_177 = arith.constant dense<0.000000e+00> : vector<1024x256xf32>
    %dot_general3A_178 = tpu.matmul %mul3A_176, %get3A_12, %dot_general3A_177 {dimension_numbers = #tpu.dot_dimension_numbers<[1], [0], [0], [1], [0, 0, 1, 1], [], []>, transpose_lhs_hint = false} : vector<1024x64xf32>, vector<64x256xf32>, vector<1024x256xf32> -> vector<1024x256xf32>
    %dot_general3A_179 = arith.constant dense<0.000000e+00> : vector<1024x256xf32>
    %dot_general3A_180 = tpu.matmul %mul3A_124, %get3A_15, %dot_general3A_179 {dimension_numbers = #tpu.dot_dimension_numbers<[1], [0], [0], [1], [0, 0, 1, 1], [], []>, transpose_lhs_hint = false} : vector<1024x64xf32>, vector<64x256xf32>, vector<1024x256xf32> -> vector<1024x256xf32>
    %add3A_181 = arith.addf %dot_general3A_178, %dot_general3A_180 : vector<1024x256xf32>
    %add3A_182 = vector.broadcast %get3A_18 : vector<1x256xf32> to vector<1024x256xf32>
    %add3A_183 = arith.addf %add3A_181, %add3A_182 : vector<1024x256xf32>
    %slice3A_184 = vector.extract_strided_slice %add3A_183 {offsets = [0, 0], sizes = [1024, 64], strides = [1, 1]} : vector<1024x256xf32> to vector<1024x64xf32>
    %mul3A_185 = arith.constant 5.000000e-01 : f32
    %mul3A_186 = vector.broadcast %mul3A_185 : f32 to vector<1024x64xf32>
    %mul3A_187 = arith.mulf %mul3A_186, %slice3A_184 : vector<1024x64xf32>
    %tanh3A_188 = math.tanh %mul3A_187 : vector<1024x64xf32>
    %mul3A_189 = arith.constant 5.000000e-01 : f32
    %mul3A_190 = vector.broadcast %mul3A_189 : f32 to vector<1024x64xf32>
    %mul3A_191 = arith.mulf %mul3A_190, %tanh3A_188 : vector<1024x64xf32>
    %add3A_192 = arith.constant 5.000000e-01 : f32
    %add3A_193 = vector.broadcast %add3A_192 : f32 to vector<1024x64xf32>
    %add3A_194 = arith.addf %mul3A_191, %add3A_193 : vector<1024x64xf32>
    %slice3A_195 = vector.extract_strided_slice %add3A_183 {offsets = [0, 64], sizes = [1024, 64], strides = [1, 1]} : vector<1024x256xf32> to vector<1024x64xf32>
    %mul3A_196 = arith.constant 5.000000e-01 : f32
    %mul3A_197 = vector.broadcast %mul3A_196 : f32 to vector<1024x64xf32>
    %mul3A_198 = arith.mulf %mul3A_197, %slice3A_195 : vector<1024x64xf32>
    %tanh3A_199 = math.tanh %mul3A_198 : vector<1024x64xf32>
    %mul3A_200 = arith.constant 5.000000e-01 : f32
    %mul3A_201 = vector.broadcast %mul3A_200 : f32 to vector<1024x64xf32>
    %mul3A_202 = arith.mulf %mul3A_201, %tanh3A_199 : vector<1024x64xf32>
    %add3A_203 = arith.constant 5.000000e-01 : f32
    %add3A_204 = vector.broadcast %add3A_203 : f32 to vector<1024x64xf32>
    %add3A_205 = arith.addf %mul3A_202, %add3A_204 : vector<1024x64xf32>
    %slice3A_206 = vector.extract_strided_slice %add3A_183 {offsets = [0, 128], sizes = [1024, 64], strides = [1, 1]} : vector<1024x256xf32> to vector<1024x64xf32>
    %tanh3A_207 = math.tanh %slice3A_206 : vector<1024x64xf32>
    %slice3A_208 = vector.extract_strided_slice %add3A_183 {offsets = [0, 192], sizes = [1024, 64], strides = [1, 1]} : vector<1024x256xf32> to vector<1024x64xf32>
    %mul3A_209 = arith.constant 5.000000e-01 : f32
    %mul3A_210 = vector.broadcast %mul3A_209 : f32 to vector<1024x64xf32>
    %mul3A_211 = arith.mulf %mul3A_210, %slice3A_208 : vector<1024x64xf32>
    %tanh3A_212 = math.tanh %mul3A_211 : vector<1024x64xf32>
    %mul3A_213 = arith.constant 5.000000e-01 : f32
    %mul3A_214 = vector.broadcast %mul3A_213 : f32 to vector<1024x64xf32>
    %mul3A_215 = arith.mulf %mul3A_214, %tanh3A_212 : vector<1024x64xf32>
    %add3A_216 = arith.constant 5.000000e-01 : f32
    %add3A_217 = vector.broadcast %add3A_216 : f32 to vector<1024x64xf32>
    %add3A_218 = arith.addf %mul3A_215, %add3A_217 : vector<1024x64xf32>
    %mul3A_219 = arith.mulf %add3A_205, %add3A_122 : vector<1024x64xf32>
    %mul3A_220 = arith.mulf %add3A_194, %tanh3A_207 : vector<1024x64xf32>
    %add3A_221 = arith.addf %mul3A_219, %mul3A_220 : vector<1024x64xf32>
    %tanh3A_222 = math.tanh %add3A_221 : vector<1024x64xf32>
    %mul3A_223 = arith.mulf %add3A_218, %tanh3A_222 : vector<1024x64xf32>
    %get3A_224 = arith.constant 2 : index
    %get3A_225 = arith.constant 0 : index
    %get3A_226 = arith.constant 0 : index
    %get3A_227 = vector.load %arg1[%get3A_224, %get3A_225, %get3A_226] : memref<10x1024x128xf32, #tpu.memory_space<vmem>>, vector<1x1024x64xf32>
    %get3A_228 = vector.shape_cast %get3A_227 : vector<1x1024x64xf32> to vector<1024x64xf32>
    %dot_general3A_229 = arith.constant dense<0.000000e+00> : vector<1024x256xf32>
    %dot_general3A_230 = tpu.matmul %get3A_228, %get3A_3, %dot_general3A_229 {dimension_numbers = #tpu.dot_dimension_numbers<[1], [0], [0], [1], [0, 0, 1, 1], [], []>, transpose_lhs_hint = false} : vector<1024x64xf32>, vector<64x256xf32>, vector<1024x256xf32> -> vector<1024x256xf32>
    %dot_general3A_231 = arith.constant dense<0.000000e+00> : vector<1024x256xf32>
    %dot_general3A_232 = tpu.matmul %mul3A_176, %get3A_6, %dot_general3A_231 {dimension_numbers = #tpu.dot_dimension_numbers<[1], [0], [0], [1], [0, 0, 1, 1], [], []>, transpose_lhs_hint = false} : vector<1024x64xf32>, vector<64x256xf32>, vector<1024x256xf32> -> vector<1024x256xf32>
    %add3A_233 = arith.addf %dot_general3A_230, %dot_general3A_232 : vector<1024x256xf32>
    %add3A_234 = vector.broadcast %get3A_9 : vector<1x256xf32> to vector<1024x256xf32>
    %add3A_235 = arith.addf %add3A_233, %add3A_234 : vector<1024x256xf32>
    %slice3A_236 = vector.extract_strided_slice %add3A_235 {offsets = [0, 0], sizes = [1024, 64], strides = [1, 1]} : vector<1024x256xf32> to vector<1024x64xf32>
    %mul3A_237 = arith.constant 5.000000e-01 : f32
    %mul3A_238 = vector.broadcast %mul3A_237 : f32 to vector<1024x64xf32>
    %mul3A_239 = arith.mulf %mul3A_238, %slice3A_236 : vector<1024x64xf32>
    %tanh3A_240 = math.tanh %mul3A_239 : vector<1024x64xf32>
    %mul3A_241 = arith.constant 5.000000e-01 : f32
    %mul3A_242 = vector.broadcast %mul3A_241 : f32 to vector<1024x64xf32>
    %mul3A_243 = arith.mulf %mul3A_242, %tanh3A_240 : vector<1024x64xf32>
    %add3A_244 = arith.constant 5.000000e-01 : f32
    %add3A_245 = vector.broadcast %add3A_244 : f32 to vector<1024x64xf32>
    %add3A_246 = arith.addf %mul3A_243, %add3A_245 : vector<1024x64xf32>
    %slice3A_247 = vector.extract_strided_slice %add3A_235 {offsets = [0, 64], sizes = [1024, 64], strides = [1, 1]} : vector<1024x256xf32> to vector<1024x64xf32>
    %mul3A_248 = arith.constant 5.000000e-01 : f32
    %mul3A_249 = vector.broadcast %mul3A_248 : f32 to vector<1024x64xf32>
    %mul3A_250 = arith.mulf %mul3A_249, %slice3A_247 : vector<1024x64xf32>
    %tanh3A_251 = math.tanh %mul3A_250 : vector<1024x64xf32>
    %mul3A_252 = arith.constant 5.000000e-01 : f32
    %mul3A_253 = vector.broadcast %mul3A_252 : f32 to vector<1024x64xf32>
    %mul3A_254 = arith.mulf %mul3A_253, %tanh3A_251 : vector<1024x64xf32>
    %add3A_255 = arith.constant 5.000000e-01 : f32
    %add3A_256 = vector.broadcast %add3A_255 : f32 to vector<1024x64xf32>
    %add3A_257 = arith.addf %mul3A_254, %add3A_256 : vector<1024x64xf32>
    %slice3A_258 = vector.extract_strided_slice %add3A_235 {offsets = [0, 128], sizes = [1024, 64], strides = [1, 1]} : vector<1024x256xf32> to vector<1024x64xf32>
    %tanh3A_259 = math.tanh %slice3A_258 : vector<1024x64xf32>
    %slice3A_260 = vector.extract_strided_slice %add3A_235 {offsets = [0, 192], sizes = [1024, 64], strides = [1, 1]} : vector<1024x256xf32> to vector<1024x64xf32>
    %mul3A_261 = arith.constant 5.000000e-01 : f32
    %mul3A_262 = vector.broadcast %mul3A_261 : f32 to vector<1024x64xf32>
    %mul3A_263 = arith.mulf %mul3A_262, %slice3A_260 : vector<1024x64xf32>
    %tanh3A_264 = math.tanh %mul3A_263 : vector<1024x64xf32>
    %mul3A_265 = arith.constant 5.000000e-01 : f32
    %mul3A_266 = vector.broadcast %mul3A_265 : f32 to vector<1024x64xf32>
    %mul3A_267 = arith.mulf %mul3A_266, %tanh3A_264 : vector<1024x64xf32>
    %add3A_268 = arith.constant 5.000000e-01 : f32
    %add3A_269 = vector.broadcast %add3A_268 : f32 to vector<1024x64xf32>
    %add3A_270 = arith.addf %mul3A_267, %add3A_269 : vector<1024x64xf32>
    %mul3A_271 = arith.mulf %add3A_257, %add3A_174 : vector<1024x64xf32>
    %mul3A_272 = arith.mulf %add3A_246, %tanh3A_259 : vector<1024x64xf32>
    %add3A_273 = arith.addf %mul3A_271, %mul3A_272 : vector<1024x64xf32>
    %tanh3A_274 = math.tanh %add3A_273 : vector<1024x64xf32>
    %mul3A_275 = arith.mulf %add3A_270, %tanh3A_274 : vector<1024x64xf32>
    %dot_general3A_276 = arith.constant dense<0.000000e+00> : vector<1024x256xf32>
    %dot_general3A_277 = tpu.matmul %mul3A_275, %get3A_12, %dot_general3A_276 {dimension_numbers = #tpu.dot_dimension_numbers<[1], [0], [0], [1], [0, 0, 1, 1], [], []>, transpose_lhs_hint = false} : vector<1024x64xf32>, vector<64x256xf32>, vector<1024x256xf32> -> vector<1024x256xf32>
    %dot_general3A_278 = arith.constant dense<0.000000e+00> : vector<1024x256xf32>
    %dot_general3A_279 = tpu.matmul %mul3A_223, %get3A_15, %dot_general3A_278 {dimension_numbers = #tpu.dot_dimension_numbers<[1], [0], [0], [1], [0, 0, 1, 1], [], []>, transpose_lhs_hint = false} : vector<1024x64xf32>, vector<64x256xf32>, vector<1024x256xf32> -> vector<1024x256xf32>
    %add3A_280 = arith.addf %dot_general3A_277, %dot_general3A_279 : vector<1024x256xf32>
    %add3A_281 = vector.broadcast %get3A_18 : vector<1x256xf32> to vector<1024x256xf32>
    %add3A_282 = arith.addf %add3A_280, %add3A_281 : vector<1024x256xf32>
    %slice3A_283 = vector.extract_strided_slice %add3A_282 {offsets = [0, 0], sizes = [1024, 64], strides = [1, 1]} : vector<1024x256xf32> to vector<1024x64xf32>
    %mul3A_284 = arith.constant 5.000000e-01 : f32
    %mul3A_285 = vector.broadcast %mul3A_284 : f32 to vector<1024x64xf32>
    %mul3A_286 = arith.mulf %mul3A_285, %slice3A_283 : vector<1024x64xf32>
    %tanh3A_287 = math.tanh %mul3A_286 : vector<1024x64xf32>
    %mul3A_288 = arith.constant 5.000000e-01 : f32
    %mul3A_289 = vector.broadcast %mul3A_288 : f32 to vector<1024x64xf32>
    %mul3A_290 = arith.mulf %mul3A_289, %tanh3A_287 : vector<1024x64xf32>
    %add3A_291 = arith.constant 5.000000e-01 : f32
    %add3A_292 = vector.broadcast %add3A_291 : f32 to vector<1024x64xf32>
    %add3A_293 = arith.addf %mul3A_290, %add3A_292 : vector<1024x64xf32>
    %slice3A_294 = vector.extract_strided_slice %add3A_282 {offsets = [0, 64], sizes = [1024, 64], strides = [1, 1]} : vector<1024x256xf32> to vector<1024x64xf32>
    %mul3A_295 = arith.constant 5.000000e-01 : f32
    %mul3A_296 = vector.broadcast %mul3A_295 : f32 to vector<1024x64xf32>
    %mul3A_297 = arith.mulf %mul3A_296, %slice3A_294 : vector<1024x64xf32>
    %tanh3A_298 = math.tanh %mul3A_297 : vector<1024x64xf32>
    %mul3A_299 = arith.constant 5.000000e-01 : f32
    %mul3A_300 = vector.broadcast %mul3A_299 : f32 to vector<1024x64xf32>
    %mul3A_301 = arith.mulf %mul3A_300, %tanh3A_298 : vector<1024x64xf32>
    %add3A_302 = arith.constant 5.000000e-01 : f32
    %add3A_303 = vector.broadcast %add3A_302 : f32 to vector<1024x64xf32>
    %add3A_304 = arith.addf %mul3A_301, %add3A_303 : vector<1024x64xf32>
    %slice3A_305 = vector.extract_strided_slice %add3A_282 {offsets = [0, 128], sizes = [1024, 64], strides = [1, 1]} : vector<1024x256xf32> to vector<1024x64xf32>
    %tanh3A_306 = math.tanh %slice3A_305 : vector<1024x64xf32>
    %slice3A_307 = vector.extract_strided_slice %add3A_282 {offsets = [0, 192], sizes = [1024, 64], strides = [1, 1]} : vector<1024x256xf32> to vector<1024x64xf32>
    %mul3A_308 = arith.constant 5.000000e-01 : f32
    %mul3A_309 = vector.broadcast %mul3A_308 : f32 to vector<1024x64xf32>
    %mul3A_310 = arith.mulf %mul3A_309, %slice3A_307 : vector<1024x64xf32>
    %tanh3A_311 = math.tanh %mul3A_310 : vector<1024x64xf32>
    %mul3A_312 = arith.constant 5.000000e-01 : f32
    %mul3A_313 = vector.broadcast %mul3A_312 : f32 to vector<1024x64xf32>
    %mul3A_314 = arith.mulf %mul3A_313, %tanh3A_311 : vector<1024x64xf32>
    %add3A_315 = arith.constant 5.000000e-01 : f32
    %add3A_316 = vector.broadcast %add3A_315 : f32 to vector<1024x64xf32>
    %add3A_317 = arith.addf %mul3A_314, %add3A_316 : vector<1024x64xf32>
    %mul3A_318 = arith.mulf %add3A_304, %add3A_221 : vector<1024x64xf32>
    %mul3A_319 = arith.mulf %add3A_293, %tanh3A_306 : vector<1024x64xf32>
    %add3A_320 = arith.addf %mul3A_318, %mul3A_319 : vector<1024x64xf32>
    %tanh3A_321 = math.tanh %add3A_320 : vector<1024x64xf32>
    %mul3A_322 = arith.mulf %add3A_317, %tanh3A_321 : vector<1024x64xf32>
    %get3A_323 = arith.constant 3 : index
    %get3A_324 = arith.constant 0 : index
    %get3A_325 = arith.constant 0 : index
    %get3A_326 = vector.load %arg1[%get3A_323, %get3A_324, %get3A_325] : memref<10x1024x128xf32, #tpu.memory_space<vmem>>, vector<1x1024x64xf32>
    %get3A_327 = vector.shape_cast %get3A_326 : vector<1x1024x64xf32> to vector<1024x64xf32>
    %dot_general3A_328 = arith.constant dense<0.000000e+00> : vector<1024x256xf32>
    %dot_general3A_329 = tpu.matmul %get3A_327, %get3A_3, %dot_general3A_328 {dimension_numbers = #tpu.dot_dimension_numbers<[1], [0], [0], [1], [0, 0, 1, 1], [], []>, transpose_lhs_hint = false} : vector<1024x64xf32>, vector<64x256xf32>, vector<1024x256xf32> -> vector<1024x256xf32>
    %dot_general3A_330 = arith.constant dense<0.000000e+00> : vector<1024x256xf32>
    %dot_general3A_331 = tpu.matmul %mul3A_275, %get3A_6, %dot_general3A_330 {dimension_numbers = #tpu.dot_dimension_numbers<[1], [0], [0], [1], [0, 0, 1, 1], [], []>, transpose_lhs_hint = false} : vector<1024x64xf32>, vector<64x256xf32>, vector<1024x256xf32> -> vector<1024x256xf32>
    %add3A_332 = arith.addf %dot_general3A_329, %dot_general3A_331 : vector<1024x256xf32>
    %add3A_333 = vector.broadcast %get3A_9 : vector<1x256xf32> to vector<1024x256xf32>
    %add3A_334 = arith.addf %add3A_332, %add3A_333 : vector<1024x256xf32>
    %slice3A_335 = vector.extract_strided_slice %add3A_334 {offsets = [0, 0], sizes = [1024, 64], strides = [1, 1]} : vector<1024x256xf32> to vector<1024x64xf32>
    %mul3A_336 = arith.constant 5.000000e-01 : f32
    %mul3A_337 = vector.broadcast %mul3A_336 : f32 to vector<1024x64xf32>
    %mul3A_338 = arith.mulf %mul3A_337, %slice3A_335 : vector<1024x64xf32>
    %tanh3A_339 = math.tanh %mul3A_338 : vector<1024x64xf32>
    %mul3A_340 = arith.constant 5.000000e-01 : f32
    %mul3A_341 = vector.broadcast %mul3A_340 : f32 to vector<1024x64xf32>
    %mul3A_342 = arith.mulf %mul3A_341, %tanh3A_339 : vector<1024x64xf32>
    %add3A_343 = arith.constant 5.000000e-01 : f32
    %add3A_344 = vector.broadcast %add3A_343 : f32 to vector<1024x64xf32>
    %add3A_345 = arith.addf %mul3A_342, %add3A_344 : vector<1024x64xf32>
    %slice3A_346 = vector.extract_strided_slice %add3A_334 {offsets = [0, 64], sizes = [1024, 64], strides = [1, 1]} : vector<1024x256xf32> to vector<1024x64xf32>
    %mul3A_347 = arith.constant 5.000000e-01 : f32
    %mul3A_348 = vector.broadcast %mul3A_347 : f32 to vector<1024x64xf32>
    %mul3A_349 = arith.mulf %mul3A_348, %slice3A_346 : vector<1024x64xf32>
    %tanh3A_350 = math.tanh %mul3A_349 : vector<1024x64xf32>
    %mul3A_351 = arith.constant 5.000000e-01 : f32
    %mul3A_352 = vector.broadcast %mul3A_351 : f32 to vector<1024x64xf32>
    %mul3A_353 = arith.mulf %mul3A_352, %tanh3A_350 : vector<1024x64xf32>
    %add3A_354 = arith.constant 5.000000e-01 : f32
    %add3A_355 = vector.broadcast %add3A_354 : f32 to vector<1024x64xf32>
    %add3A_356 = arith.addf %mul3A_353, %add3A_355 : vector<1024x64xf32>
    %slice3A_357 = vector.extract_strided_slice %add3A_334 {offsets = [0, 128], sizes = [1024, 64], strides = [1, 1]} : vector<1024x256xf32> to vector<1024x64xf32>
    %tanh3A_358 = math.tanh %slice3A_357 : vector<1024x64xf32>
    %slice3A_359 = vector.extract_strided_slice %add3A_334 {offsets = [0, 192], sizes = [1024, 64], strides = [1, 1]} : vector<1024x256xf32> to vector<1024x64xf32>
    %mul3A_360 = arith.constant 5.000000e-01 : f32
    %mul3A_361 = vector.broadcast %mul3A_360 : f32 to vector<1024x64xf32>
    %mul3A_362 = arith.mulf %mul3A_361, %slice3A_359 : vector<1024x64xf32>
    %tanh3A_363 = math.tanh %mul3A_362 : vector<1024x64xf32>
    %mul3A_364 = arith.constant 5.000000e-01 : f32
    %mul3A_365 = vector.broadcast %mul3A_364 : f32 to vector<1024x64xf32>
    %mul3A_366 = arith.mulf %mul3A_365, %tanh3A_363 : vector<1024x64xf32>
    %add3A_367 = arith.constant 5.000000e-01 : f32
    %add3A_368 = vector.broadcast %add3A_367 : f32 to vector<1024x64xf32>
    %add3A_369 = arith.addf %mul3A_366, %add3A_368 : vector<1024x64xf32>
    %mul3A_370 = arith.mulf %add3A_356, %add3A_273 : vector<1024x64xf32>
    %mul3A_371 = arith.mulf %add3A_345, %tanh3A_358 : vector<1024x64xf32>
    %add3A_372 = arith.addf %mul3A_370, %mul3A_371 : vector<1024x64xf32>
    %tanh3A_373 = math.tanh %add3A_372 : vector<1024x64xf32>
    %mul3A_374 = arith.mulf %add3A_369, %tanh3A_373 : vector<1024x64xf32>
    %dot_general3A_375 = arith.constant dense<0.000000e+00> : vector<1024x256xf32>
    %dot_general3A_376 = tpu.matmul %mul3A_374, %get3A_12, %dot_general3A_375 {dimension_numbers = #tpu.dot_dimension_numbers<[1], [0], [0], [1], [0, 0, 1, 1], [], []>, transpose_lhs_hint = false} : vector<1024x64xf32>, vector<64x256xf32>, vector<1024x256xf32> -> vector<1024x256xf32>
    %dot_general3A_377 = arith.constant dense<0.000000e+00> : vector<1024x256xf32>
    %dot_general3A_378 = tpu.matmul %mul3A_322, %get3A_15, %dot_general3A_377 {dimension_numbers = #tpu.dot_dimension_numbers<[1], [0], [0], [1], [0, 0, 1, 1], [], []>, transpose_lhs_hint = false} : vector<1024x64xf32>, vector<64x256xf32>, vector<1024x256xf32> -> vector<1024x256xf32>
    %add3A_379 = arith.addf %dot_general3A_376, %dot_general3A_378 : vector<1024x256xf32>
    %add3A_380 = vector.broadcast %get3A_18 : vector<1x256xf32> to vector<1024x256xf32>
    %add3A_381 = arith.addf %add3A_379, %add3A_380 : vector<1024x256xf32>
    %slice3A_382 = vector.extract_strided_slice %add3A_381 {offsets = [0, 0], sizes = [1024, 64], strides = [1, 1]} : vector<1024x256xf32> to vector<1024x64xf32>
    %mul3A_383 = arith.constant 5.000000e-01 : f32
    %mul3A_384 = vector.broadcast %mul3A_383 : f32 to vector<1024x64xf32>
    %mul3A_385 = arith.mulf %mul3A_384, %slice3A_382 : vector<1024x64xf32>
    %tanh3A_386 = math.tanh %mul3A_385 : vector<1024x64xf32>
    %mul3A_387 = arith.constant 5.000000e-01 : f32
    %mul3A_388 = vector.broadcast %mul3A_387 : f32 to vector<1024x64xf32>
    %mul3A_389 = arith.mulf %mul3A_388, %tanh3A_386 : vector<1024x64xf32>
    %add3A_390 = arith.constant 5.000000e-01 : f32
    %add3A_391 = vector.broadcast %add3A_390 : f32 to vector<1024x64xf32>
    %add3A_392 = arith.addf %mul3A_389, %add3A_391 : vector<1024x64xf32>
    %slice3A_393 = vector.extract_strided_slice %add3A_381 {offsets = [0, 64], sizes = [1024, 64], strides = [1, 1]} : vector<1024x256xf32> to vector<1024x64xf32>
    %mul3A_394 = arith.constant 5.000000e-01 : f32
    %mul3A_395 = vector.broadcast %mul3A_394 : f32 to vector<1024x64xf32>
    %mul3A_396 = arith.mulf %mul3A_395, %slice3A_393 : vector<1024x64xf32>
    %tanh3A_397 = math.tanh %mul3A_396 : vector<1024x64xf32>
    %mul3A_398 = arith.constant 5.000000e-01 : f32
    %mul3A_399 = vector.broadcast %mul3A_398 : f32 to vector<1024x64xf32>
    %mul3A_400 = arith.mulf %mul3A_399, %tanh3A_397 : vector<1024x64xf32>
    %add3A_401 = arith.constant 5.000000e-01 : f32
    %add3A_402 = vector.broadcast %add3A_401 : f32 to vector<1024x64xf32>
    %add3A_403 = arith.addf %mul3A_400, %add3A_402 : vector<1024x64xf32>
    %slice3A_404 = vector.extract_strided_slice %add3A_381 {offsets = [0, 128], sizes = [1024, 64], strides = [1, 1]} : vector<1024x256xf32> to vector<1024x64xf32>
    %tanh3A_405 = math.tanh %slice3A_404 : vector<1024x64xf32>
    %slice3A_406 = vector.extract_strided_slice %add3A_381 {offsets = [0, 192], sizes = [1024, 64], strides = [1, 1]} : vector<1024x256xf32> to vector<1024x64xf32>
    %mul3A_407 = arith.constant 5.000000e-01 : f32
    %mul3A_408 = vector.broadcast %mul3A_407 : f32 to vector<1024x64xf32>
    %mul3A_409 = arith.mulf %mul3A_408, %slice3A_406 : vector<1024x64xf32>
    %tanh3A_410 = math.tanh %mul3A_409 : vector<1024x64xf32>
    %mul3A_411 = arith.constant 5.000000e-01 : f32
    %mul3A_412 = vector.broadcast %mul3A_411 : f32 to vector<1024x64xf32>
    %mul3A_413 = arith.mulf %mul3A_412, %tanh3A_410 : vector<1024x64xf32>
    %add3A_414 = arith.constant 5.000000e-01 : f32
    %add3A_415 = vector.broadcast %add3A_414 : f32 to vector<1024x64xf32>
    %add3A_416 = arith.addf %mul3A_413, %add3A_415 : vector<1024x64xf32>
    %mul3A_417 = arith.mulf %add3A_403, %add3A_320 : vector<1024x64xf32>
    %mul3A_418 = arith.mulf %add3A_392, %tanh3A_405 : vector<1024x64xf32>
    %add3A_419 = arith.addf %mul3A_417, %mul3A_418 : vector<1024x64xf32>
    %tanh3A_420 = math.tanh %add3A_419 : vector<1024x64xf32>
    %mul3A_421 = arith.mulf %add3A_416, %tanh3A_420 : vector<1024x64xf32>
    %get3A_422 = arith.constant 4 : index
    %get3A_423 = arith.constant 0 : index
    %get3A_424 = arith.constant 0 : index
    %get3A_425 = vector.load %arg1[%get3A_422, %get3A_423, %get3A_424] : memref<10x1024x128xf32, #tpu.memory_space<vmem>>, vector<1x1024x64xf32>
    %get3A_426 = vector.shape_cast %get3A_425 : vector<1x1024x64xf32> to vector<1024x64xf32>
    %dot_general3A_427 = arith.constant dense<0.000000e+00> : vector<1024x256xf32>
    %dot_general3A_428 = tpu.matmul %get3A_426, %get3A_3, %dot_general3A_427 {dimension_numbers = #tpu.dot_dimension_numbers<[1], [0], [0], [1], [0, 0, 1, 1], [], []>, transpose_lhs_hint = false} : vector<1024x64xf32>, vector<64x256xf32>, vector<1024x256xf32> -> vector<1024x256xf32>
    %dot_general3A_429 = arith.constant dense<0.000000e+00> : vector<1024x256xf32>
    %dot_general3A_430 = tpu.matmul %mul3A_374, %get3A_6, %dot_general3A_429 {dimension_numbers = #tpu.dot_dimension_numbers<[1], [0], [0], [1], [0, 0, 1, 1], [], []>, transpose_lhs_hint = false} : vector<1024x64xf32>, vector<64x256xf32>, vector<1024x256xf32> -> vector<1024x256xf32>
    %add3A_431 = arith.addf %dot_general3A_428, %dot_general3A_430 : vector<1024x256xf32>
    %add3A_432 = vector.broadcast %get3A_9 : vector<1x256xf32> to vector<1024x256xf32>
    %add3A_433 = arith.addf %add3A_431, %add3A_432 : vector<1024x256xf32>
    %slice3A_434 = vector.extract_strided_slice %add3A_433 {offsets = [0, 0], sizes = [1024, 64], strides = [1, 1]} : vector<1024x256xf32> to vector<1024x64xf32>
    %mul3A_435 = arith.constant 5.000000e-01 : f32
    %mul3A_436 = vector.broadcast %mul3A_435 : f32 to vector<1024x64xf32>
    %mul3A_437 = arith.mulf %mul3A_436, %slice3A_434 : vector<1024x64xf32>
    %tanh3A_438 = math.tanh %mul3A_437 : vector<1024x64xf32>
    %mul3A_439 = arith.constant 5.000000e-01 : f32
    %mul3A_440 = vector.broadcast %mul3A_439 : f32 to vector<1024x64xf32>
    %mul3A_441 = arith.mulf %mul3A_440, %tanh3A_438 : vector<1024x64xf32>
    %add3A_442 = arith.constant 5.000000e-01 : f32
    %add3A_443 = vector.broadcast %add3A_442 : f32 to vector<1024x64xf32>
    %add3A_444 = arith.addf %mul3A_441, %add3A_443 : vector<1024x64xf32>
    %slice3A_445 = vector.extract_strided_slice %add3A_433 {offsets = [0, 64], sizes = [1024, 64], strides = [1, 1]} : vector<1024x256xf32> to vector<1024x64xf32>
    %mul3A_446 = arith.constant 5.000000e-01 : f32
    %mul3A_447 = vector.broadcast %mul3A_446 : f32 to vector<1024x64xf32>
    %mul3A_448 = arith.mulf %mul3A_447, %slice3A_445 : vector<1024x64xf32>
    %tanh3A_449 = math.tanh %mul3A_448 : vector<1024x64xf32>
    %mul3A_450 = arith.constant 5.000000e-01 : f32
    %mul3A_451 = vector.broadcast %mul3A_450 : f32 to vector<1024x64xf32>
    %mul3A_452 = arith.mulf %mul3A_451, %tanh3A_449 : vector<1024x64xf32>
    %add3A_453 = arith.constant 5.000000e-01 : f32
    %add3A_454 = vector.broadcast %add3A_453 : f32 to vector<1024x64xf32>
    %add3A_455 = arith.addf %mul3A_452, %add3A_454 : vector<1024x64xf32>
    %slice3A_456 = vector.extract_strided_slice %add3A_433 {offsets = [0, 128], sizes = [1024, 64], strides = [1, 1]} : vector<1024x256xf32> to vector<1024x64xf32>
    %tanh3A_457 = math.tanh %slice3A_456 : vector<1024x64xf32>
    %slice3A_458 = vector.extract_strided_slice %add3A_433 {offsets = [0, 192], sizes = [1024, 64], strides = [1, 1]} : vector<1024x256xf32> to vector<1024x64xf32>
    %mul3A_459 = arith.constant 5.000000e-01 : f32
    %mul3A_460 = vector.broadcast %mul3A_459 : f32 to vector<1024x64xf32>
    %mul3A_461 = arith.mulf %mul3A_460, %slice3A_458 : vector<1024x64xf32>
    %tanh3A_462 = math.tanh %mul3A_461 : vector<1024x64xf32>
    %mul3A_463 = arith.constant 5.000000e-01 : f32
    %mul3A_464 = vector.broadcast %mul3A_463 : f32 to vector<1024x64xf32>
    %mul3A_465 = arith.mulf %mul3A_464, %tanh3A_462 : vector<1024x64xf32>
    %add3A_466 = arith.constant 5.000000e-01 : f32
    %add3A_467 = vector.broadcast %add3A_466 : f32 to vector<1024x64xf32>
    %add3A_468 = arith.addf %mul3A_465, %add3A_467 : vector<1024x64xf32>
    %mul3A_469 = arith.mulf %add3A_455, %add3A_372 : vector<1024x64xf32>
    %mul3A_470 = arith.mulf %add3A_444, %tanh3A_457 : vector<1024x64xf32>
    %add3A_471 = arith.addf %mul3A_469, %mul3A_470 : vector<1024x64xf32>
    %tanh3A_472 = math.tanh %add3A_471 : vector<1024x64xf32>
    %mul3A_473 = arith.mulf %add3A_468, %tanh3A_472 : vector<1024x64xf32>
    %dot_general3A_474 = arith.constant dense<0.000000e+00> : vector<1024x256xf32>
    %dot_general3A_475 = tpu.matmul %mul3A_473, %get3A_12, %dot_general3A_474 {dimension_numbers = #tpu.dot_dimension_numbers<[1], [0], [0], [1], [0, 0, 1, 1], [], []>, transpose_lhs_hint = false} : vector<1024x64xf32>, vector<64x256xf32>, vector<1024x256xf32> -> vector<1024x256xf32>
    %dot_general3A_476 = arith.constant dense<0.000000e+00> : vector<1024x256xf32>
    %dot_general3A_477 = tpu.matmul %mul3A_421, %get3A_15, %dot_general3A_476 {dimension_numbers = #tpu.dot_dimension_numbers<[1], [0], [0], [1], [0, 0, 1, 1], [], []>, transpose_lhs_hint = false} : vector<1024x64xf32>, vector<64x256xf32>, vector<1024x256xf32> -> vector<1024x256xf32>
    %add3A_478 = arith.addf %dot_general3A_475, %dot_general3A_477 : vector<1024x256xf32>
    %add3A_479 = vector.broadcast %get3A_18 : vector<1x256xf32> to vector<1024x256xf32>
    %add3A_480 = arith.addf %add3A_478, %add3A_479 : vector<1024x256xf32>
    %slice3A_481 = vector.extract_strided_slice %add3A_480 {offsets = [0, 0], sizes = [1024, 64], strides = [1, 1]} : vector<1024x256xf32> to vector<1024x64xf32>
    %mul3A_482 = arith.constant 5.000000e-01 : f32
    %mul3A_483 = vector.broadcast %mul3A_482 : f32 to vector<1024x64xf32>
    %mul3A_484 = arith.mulf %mul3A_483, %slice3A_481 : vector<1024x64xf32>
    %tanh3A_485 = math.tanh %mul3A_484 : vector<1024x64xf32>
    %mul3A_486 = arith.constant 5.000000e-01 : f32
    %mul3A_487 = vector.broadcast %mul3A_486 : f32 to vector<1024x64xf32>
    %mul3A_488 = arith.mulf %mul3A_487, %tanh3A_485 : vector<1024x64xf32>
    %add3A_489 = arith.constant 5.000000e-01 : f32
    %add3A_490 = vector.broadcast %add3A_489 : f32 to vector<1024x64xf32>
    %add3A_491 = arith.addf %mul3A_488, %add3A_490 : vector<1024x64xf32>
    %slice3A_492 = vector.extract_strided_slice %add3A_480 {offsets = [0, 64], sizes = [1024, 64], strides = [1, 1]} : vector<1024x256xf32> to vector<1024x64xf32>
    %mul3A_493 = arith.constant 5.000000e-01 : f32
    %mul3A_494 = vector.broadcast %mul3A_493 : f32 to vector<1024x64xf32>
    %mul3A_495 = arith.mulf %mul3A_494, %slice3A_492 : vector<1024x64xf32>
    %tanh3A_496 = math.tanh %mul3A_495 : vector<1024x64xf32>
    %mul3A_497 = arith.constant 5.000000e-01 : f32
    %mul3A_498 = vector.broadcast %mul3A_497 : f32 to vector<1024x64xf32>
    %mul3A_499 = arith.mulf %mul3A_498, %tanh3A_496 : vector<1024x64xf32>
    %add3A_500 = arith.constant 5.000000e-01 : f32
    %add3A_501 = vector.broadcast %add3A_500 : f32 to vector<1024x64xf32>
    %add3A_502 = arith.addf %mul3A_499, %add3A_501 : vector<1024x64xf32>
    %slice3A_503 = vector.extract_strided_slice %add3A_480 {offsets = [0, 128], sizes = [1024, 64], strides = [1, 1]} : vector<1024x256xf32> to vector<1024x64xf32>
    %tanh3A_504 = math.tanh %slice3A_503 : vector<1024x64xf32>
    %slice3A_505 = vector.extract_strided_slice %add3A_480 {offsets = [0, 192], sizes = [1024, 64], strides = [1, 1]} : vector<1024x256xf32> to vector<1024x64xf32>
    %mul3A_506 = arith.constant 5.000000e-01 : f32
    %mul3A_507 = vector.broadcast %mul3A_506 : f32 to vector<1024x64xf32>
    %mul3A_508 = arith.mulf %mul3A_507, %slice3A_505 : vector<1024x64xf32>
    %tanh3A_509 = math.tanh %mul3A_508 : vector<1024x64xf32>
    %mul3A_510 = arith.constant 5.000000e-01 : f32
    %mul3A_511 = vector.broadcast %mul3A_510 : f32 to vector<1024x64xf32>
    %mul3A_512 = arith.mulf %mul3A_511, %tanh3A_509 : vector<1024x64xf32>
    %add3A_513 = arith.constant 5.000000e-01 : f32
    %add3A_514 = vector.broadcast %add3A_513 : f32 to vector<1024x64xf32>
    %add3A_515 = arith.addf %mul3A_512, %add3A_514 : vector<1024x64xf32>
    %mul3A_516 = arith.mulf %add3A_502, %add3A_419 : vector<1024x64xf32>
    %mul3A_517 = arith.mulf %add3A_491, %tanh3A_504 : vector<1024x64xf32>
    %add3A_518 = arith.addf %mul3A_516, %mul3A_517 : vector<1024x64xf32>
    %tanh3A_519 = math.tanh %add3A_518 : vector<1024x64xf32>
    %mul3A_520 = arith.mulf %add3A_515, %tanh3A_519 : vector<1024x64xf32>
    %get3A_521 = arith.constant 5 : index
    %get3A_522 = arith.constant 0 : index
    %get3A_523 = arith.constant 0 : index
    %get3A_524 = vector.load %arg1[%get3A_521, %get3A_522, %get3A_523] : memref<10x1024x128xf32, #tpu.memory_space<vmem>>, vector<1x1024x64xf32>
    %get3A_525 = vector.shape_cast %get3A_524 : vector<1x1024x64xf32> to vector<1024x64xf32>
    %dot_general3A_526 = arith.constant dense<0.000000e+00> : vector<1024x256xf32>
    %dot_general3A_527 = tpu.matmul %get3A_525, %get3A_3, %dot_general3A_526 {dimension_numbers = #tpu.dot_dimension_numbers<[1], [0], [0], [1], [0, 0, 1, 1], [], []>, transpose_lhs_hint = false} : vector<1024x64xf32>, vector<64x256xf32>, vector<1024x256xf32> -> vector<1024x256xf32>
    %dot_general3A_528 = arith.constant dense<0.000000e+00> : vector<1024x256xf32>
    %dot_general3A_529 = tpu.matmul %mul3A_473, %get3A_6, %dot_general3A_528 {dimension_numbers = #tpu.dot_dimension_numbers<[1], [0], [0], [1], [0, 0, 1, 1], [], []>, transpose_lhs_hint = false} : vector<1024x64xf32>, vector<64x256xf32>, vector<1024x256xf32> -> vector<1024x256xf32>
    %add3A_530 = arith.addf %dot_general3A_527, %dot_general3A_529 : vector<1024x256xf32>
    %add3A_531 = vector.broadcast %get3A_9 : vector<1x256xf32> to vector<1024x256xf32>
    %add3A_532 = arith.addf %add3A_530, %add3A_531 : vector<1024x256xf32>
    %slice3A_533 = vector.extract_strided_slice %add3A_532 {offsets = [0, 0], sizes = [1024, 64], strides = [1, 1]} : vector<1024x256xf32> to vector<1024x64xf32>
    %mul3A_534 = arith.constant 5.000000e-01 : f32
    %mul3A_535 = vector.broadcast %mul3A_534 : f32 to vector<1024x64xf32>
    %mul3A_536 = arith.mulf %mul3A_535, %slice3A_533 : vector<1024x64xf32>
    %tanh3A_537 = math.tanh %mul3A_536 : vector<1024x64xf32>
    %mul3A_538 = arith.constant 5.000000e-01 : f32
    %mul3A_539 = vector.broadcast %mul3A_538 : f32 to vector<1024x64xf32>
    %mul3A_540 = arith.mulf %mul3A_539, %tanh3A_537 : vector<1024x64xf32>
    %add3A_541 = arith.constant 5.000000e-01 : f32
    %add3A_542 = vector.broadcast %add3A_541 : f32 to vector<1024x64xf32>
    %add3A_543 = arith.addf %mul3A_540, %add3A_542 : vector<1024x64xf32>
    %slice3A_544 = vector.extract_strided_slice %add3A_532 {offsets = [0, 64], sizes = [1024, 64], strides = [1, 1]} : vector<1024x256xf32> to vector<1024x64xf32>
    %mul3A_545 = arith.constant 5.000000e-01 : f32
    %mul3A_546 = vector.broadcast %mul3A_545 : f32 to vector<1024x64xf32>
    %mul3A_547 = arith.mulf %mul3A_546, %slice3A_544 : vector<1024x64xf32>
    %tanh3A_548 = math.tanh %mul3A_547 : vector<1024x64xf32>
    %mul3A_549 = arith.constant 5.000000e-01 : f32
    %mul3A_550 = vector.broadcast %mul3A_549 : f32 to vector<1024x64xf32>
    %mul3A_551 = arith.mulf %mul3A_550, %tanh3A_548 : vector<1024x64xf32>
    %add3A_552 = arith.constant 5.000000e-01 : f32
    %add3A_553 = vector.broadcast %add3A_552 : f32 to vector<1024x64xf32>
    %add3A_554 = arith.addf %mul3A_551, %add3A_553 : vector<1024x64xf32>
    %slice3A_555 = vector.extract_strided_slice %add3A_532 {offsets = [0, 128], sizes = [1024, 64], strides = [1, 1]} : vector<1024x256xf32> to vector<1024x64xf32>
    %tanh3A_556 = math.tanh %slice3A_555 : vector<1024x64xf32>
    %slice3A_557 = vector.extract_strided_slice %add3A_532 {offsets = [0, 192], sizes = [1024, 64], strides = [1, 1]} : vector<1024x256xf32> to vector<1024x64xf32>
    %mul3A_558 = arith.constant 5.000000e-01 : f32
    %mul3A_559 = vector.broadcast %mul3A_558 : f32 to vector<1024x64xf32>
    %mul3A_560 = arith.mulf %mul3A_559, %slice3A_557 : vector<1024x64xf32>
    %tanh3A_561 = math.tanh %mul3A_560 : vector<1024x64xf32>
    %mul3A_562 = arith.constant 5.000000e-01 : f32
    %mul3A_563 = vector.broadcast %mul3A_562 : f32 to vector<1024x64xf32>
    %mul3A_564 = arith.mulf %mul3A_563, %tanh3A_561 : vector<1024x64xf32>
    %add3A_565 = arith.constant 5.000000e-01 : f32
    %add3A_566 = vector.broadcast %add3A_565 : f32 to vector<1024x64xf32>
    %add3A_567 = arith.addf %mul3A_564, %add3A_566 : vector<1024x64xf32>
    %mul3A_568 = arith.mulf %add3A_554, %add3A_471 : vector<1024x64xf32>
    %mul3A_569 = arith.mulf %add3A_543, %tanh3A_556 : vector<1024x64xf32>
    %add3A_570 = arith.addf %mul3A_568, %mul3A_569 : vector<1024x64xf32>
    %tanh3A_571 = math.tanh %add3A_570 : vector<1024x64xf32>
    %mul3A_572 = arith.mulf %add3A_567, %tanh3A_571 : vector<1024x64xf32>
    %dot_general3A_573 = arith.constant dense<0.000000e+00> : vector<1024x256xf32>
    %dot_general3A_574 = tpu.matmul %mul3A_572, %get3A_12, %dot_general3A_573 {dimension_numbers = #tpu.dot_dimension_numbers<[1], [0], [0], [1], [0, 0, 1, 1], [], []>, transpose_lhs_hint = false} : vector<1024x64xf32>, vector<64x256xf32>, vector<1024x256xf32> -> vector<1024x256xf32>
    %dot_general3A_575 = arith.constant dense<0.000000e+00> : vector<1024x256xf32>
    %dot_general3A_576 = tpu.matmul %mul3A_520, %get3A_15, %dot_general3A_575 {dimension_numbers = #tpu.dot_dimension_numbers<[1], [0], [0], [1], [0, 0, 1, 1], [], []>, transpose_lhs_hint = false} : vector<1024x64xf32>, vector<64x256xf32>, vector<1024x256xf32> -> vector<1024x256xf32>
    %add3A_577 = arith.addf %dot_general3A_574, %dot_general3A_576 : vector<1024x256xf32>
    %add3A_578 = vector.broadcast %get3A_18 : vector<1x256xf32> to vector<1024x256xf32>
    %add3A_579 = arith.addf %add3A_577, %add3A_578 : vector<1024x256xf32>
    %slice3A_580 = vector.extract_strided_slice %add3A_579 {offsets = [0, 0], sizes = [1024, 64], strides = [1, 1]} : vector<1024x256xf32> to vector<1024x64xf32>
    %mul3A_581 = arith.constant 5.000000e-01 : f32
    %mul3A_582 = vector.broadcast %mul3A_581 : f32 to vector<1024x64xf32>
    %mul3A_583 = arith.mulf %mul3A_582, %slice3A_580 : vector<1024x64xf32>
    %tanh3A_584 = math.tanh %mul3A_583 : vector<1024x64xf32>
    %mul3A_585 = arith.constant 5.000000e-01 : f32
    %mul3A_586 = vector.broadcast %mul3A_585 : f32 to vector<1024x64xf32>
    %mul3A_587 = arith.mulf %mul3A_586, %tanh3A_584 : vector<1024x64xf32>
    %add3A_588 = arith.constant 5.000000e-01 : f32
    %add3A_589 = vector.broadcast %add3A_588 : f32 to vector<1024x64xf32>
    %add3A_590 = arith.addf %mul3A_587, %add3A_589 : vector<1024x64xf32>
    %slice3A_591 = vector.extract_strided_slice %add3A_579 {offsets = [0, 64], sizes = [1024, 64], strides = [1, 1]} : vector<1024x256xf32> to vector<1024x64xf32>
    %mul3A_592 = arith.constant 5.000000e-01 : f32
    %mul3A_593 = vector.broadcast %mul3A_592 : f32 to vector<1024x64xf32>
    %mul3A_594 = arith.mulf %mul3A_593, %slice3A_591 : vector<1024x64xf32>
    %tanh3A_595 = math.tanh %mul3A_594 : vector<1024x64xf32>
    %mul3A_596 = arith.constant 5.000000e-01 : f32
    %mul3A_597 = vector.broadcast %mul3A_596 : f32 to vector<1024x64xf32>
    %mul3A_598 = arith.mulf %mul3A_597, %tanh3A_595 : vector<1024x64xf32>
    %add3A_599 = arith.constant 5.000000e-01 : f32
    %add3A_600 = vector.broadcast %add3A_599 : f32 to vector<1024x64xf32>
    %add3A_601 = arith.addf %mul3A_598, %add3A_600 : vector<1024x64xf32>
    %slice3A_602 = vector.extract_strided_slice %add3A_579 {offsets = [0, 128], sizes = [1024, 64], strides = [1, 1]} : vector<1024x256xf32> to vector<1024x64xf32>
    %tanh3A_603 = math.tanh %slice3A_602 : vector<1024x64xf32>
    %slice3A_604 = vector.extract_strided_slice %add3A_579 {offsets = [0, 192], sizes = [1024, 64], strides = [1, 1]} : vector<1024x256xf32> to vector<1024x64xf32>
    %mul3A_605 = arith.constant 5.000000e-01 : f32
    %mul3A_606 = vector.broadcast %mul3A_605 : f32 to vector<1024x64xf32>
    %mul3A_607 = arith.mulf %mul3A_606, %slice3A_604 : vector<1024x64xf32>
    %tanh3A_608 = math.tanh %mul3A_607 : vector<1024x64xf32>
    %mul3A_609 = arith.constant 5.000000e-01 : f32
    %mul3A_610 = vector.broadcast %mul3A_609 : f32 to vector<1024x64xf32>
    %mul3A_611 = arith.mulf %mul3A_610, %tanh3A_608 : vector<1024x64xf32>
    %add3A_612 = arith.constant 5.000000e-01 : f32
    %add3A_613 = vector.broadcast %add3A_612 : f32 to vector<1024x64xf32>
    %add3A_614 = arith.addf %mul3A_611, %add3A_613 : vector<1024x64xf32>
    %mul3A_615 = arith.mulf %add3A_601, %add3A_518 : vector<1024x64xf32>
    %mul3A_616 = arith.mulf %add3A_590, %tanh3A_603 : vector<1024x64xf32>
    %add3A_617 = arith.addf %mul3A_615, %mul3A_616 : vector<1024x64xf32>
    %tanh3A_618 = math.tanh %add3A_617 : vector<1024x64xf32>
    %mul3A_619 = arith.mulf %add3A_614, %tanh3A_618 : vector<1024x64xf32>
    %get3A_620 = arith.constant 6 : index
    %get3A_621 = arith.constant 0 : index
    %get3A_622 = arith.constant 0 : index
    %get3A_623 = vector.load %arg1[%get3A_620, %get3A_621, %get3A_622] : memref<10x1024x128xf32, #tpu.memory_space<vmem>>, vector<1x1024x64xf32>
    %get3A_624 = vector.shape_cast %get3A_623 : vector<1x1024x64xf32> to vector<1024x64xf32>
    %dot_general3A_625 = arith.constant dense<0.000000e+00> : vector<1024x256xf32>
    %dot_general3A_626 = tpu.matmul %get3A_624, %get3A_3, %dot_general3A_625 {dimension_numbers = #tpu.dot_dimension_numbers<[1], [0], [0], [1], [0, 0, 1, 1], [], []>, transpose_lhs_hint = false} : vector<1024x64xf32>, vector<64x256xf32>, vector<1024x256xf32> -> vector<1024x256xf32>
    %dot_general3A_627 = arith.constant dense<0.000000e+00> : vector<1024x256xf32>
    %dot_general3A_628 = tpu.matmul %mul3A_572, %get3A_6, %dot_general3A_627 {dimension_numbers = #tpu.dot_dimension_numbers<[1], [0], [0], [1], [0, 0, 1, 1], [], []>, transpose_lhs_hint = false} : vector<1024x64xf32>, vector<64x256xf32>, vector<1024x256xf32> -> vector<1024x256xf32>
    %add3A_629 = arith.addf %dot_general3A_626, %dot_general3A_628 : vector<1024x256xf32>
    %add3A_630 = vector.broadcast %get3A_9 : vector<1x256xf32> to vector<1024x256xf32>
    %add3A_631 = arith.addf %add3A_629, %add3A_630 : vector<1024x256xf32>
    %slice3A_632 = vector.extract_strided_slice %add3A_631 {offsets = [0, 0], sizes = [1024, 64], strides = [1, 1]} : vector<1024x256xf32> to vector<1024x64xf32>
    %mul3A_633 = arith.constant 5.000000e-01 : f32
    %mul3A_634 = vector.broadcast %mul3A_633 : f32 to vector<1024x64xf32>
    %mul3A_635 = arith.mulf %mul3A_634, %slice3A_632 : vector<1024x64xf32>
    %tanh3A_636 = math.tanh %mul3A_635 : vector<1024x64xf32>
    %mul3A_637 = arith.constant 5.000000e-01 : f32
    %mul3A_638 = vector.broadcast %mul3A_637 : f32 to vector<1024x64xf32>
    %mul3A_639 = arith.mulf %mul3A_638, %tanh3A_636 : vector<1024x64xf32>
    %add3A_640 = arith.constant 5.000000e-01 : f32
    %add3A_641 = vector.broadcast %add3A_640 : f32 to vector<1024x64xf32>
    %add3A_642 = arith.addf %mul3A_639, %add3A_641 : vector<1024x64xf32>
    %slice3A_643 = vector.extract_strided_slice %add3A_631 {offsets = [0, 64], sizes = [1024, 64], strides = [1, 1]} : vector<1024x256xf32> to vector<1024x64xf32>
    %mul3A_644 = arith.constant 5.000000e-01 : f32
    %mul3A_645 = vector.broadcast %mul3A_644 : f32 to vector<1024x64xf32>
    %mul3A_646 = arith.mulf %mul3A_645, %slice3A_643 : vector<1024x64xf32>
    %tanh3A_647 = math.tanh %mul3A_646 : vector<1024x64xf32>
    %mul3A_648 = arith.constant 5.000000e-01 : f32
    %mul3A_649 = vector.broadcast %mul3A_648 : f32 to vector<1024x64xf32>
    %mul3A_650 = arith.mulf %mul3A_649, %tanh3A_647 : vector<1024x64xf32>
    %add3A_651 = arith.constant 5.000000e-01 : f32
    %add3A_652 = vector.broadcast %add3A_651 : f32 to vector<1024x64xf32>
    %add3A_653 = arith.addf %mul3A_650, %add3A_652 : vector<1024x64xf32>
    %slice3A_654 = vector.extract_strided_slice %add3A_631 {offsets = [0, 128], sizes = [1024, 64], strides = [1, 1]} : vector<1024x256xf32> to vector<1024x64xf32>
    %tanh3A_655 = math.tanh %slice3A_654 : vector<1024x64xf32>
    %slice3A_656 = vector.extract_strided_slice %add3A_631 {offsets = [0, 192], sizes = [1024, 64], strides = [1, 1]} : vector<1024x256xf32> to vector<1024x64xf32>
    %mul3A_657 = arith.constant 5.000000e-01 : f32
    %mul3A_658 = vector.broadcast %mul3A_657 : f32 to vector<1024x64xf32>
    %mul3A_659 = arith.mulf %mul3A_658, %slice3A_656 : vector<1024x64xf32>
    %tanh3A_660 = math.tanh %mul3A_659 : vector<1024x64xf32>
    %mul3A_661 = arith.constant 5.000000e-01 : f32
    %mul3A_662 = vector.broadcast %mul3A_661 : f32 to vector<1024x64xf32>
    %mul3A_663 = arith.mulf %mul3A_662, %tanh3A_660 : vector<1024x64xf32>
    %add3A_664 = arith.constant 5.000000e-01 : f32
    %add3A_665 = vector.broadcast %add3A_664 : f32 to vector<1024x64xf32>
    %add3A_666 = arith.addf %mul3A_663, %add3A_665 : vector<1024x64xf32>
    %mul3A_667 = arith.mulf %add3A_653, %add3A_570 : vector<1024x64xf32>
    %mul3A_668 = arith.mulf %add3A_642, %tanh3A_655 : vector<1024x64xf32>
    %add3A_669 = arith.addf %mul3A_667, %mul3A_668 : vector<1024x64xf32>
    %tanh3A_670 = math.tanh %add3A_669 : vector<1024x64xf32>
    %mul3A_671 = arith.mulf %add3A_666, %tanh3A_670 : vector<1024x64xf32>
    %dot_general3A_672 = arith.constant dense<0.000000e+00> : vector<1024x256xf32>
    %dot_general3A_673 = tpu.matmul %mul3A_671, %get3A_12, %dot_general3A_672 {dimension_numbers = #tpu.dot_dimension_numbers<[1], [0], [0], [1], [0, 0, 1, 1], [], []>, transpose_lhs_hint = false} : vector<1024x64xf32>, vector<64x256xf32>, vector<1024x256xf32> -> vector<1024x256xf32>
    %dot_general3A_674 = arith.constant dense<0.000000e+00> : vector<1024x256xf32>
    %dot_general3A_675 = tpu.matmul %mul3A_619, %get3A_15, %dot_general3A_674 {dimension_numbers = #tpu.dot_dimension_numbers<[1], [0], [0], [1], [0, 0, 1, 1], [], []>, transpose_lhs_hint = false} : vector<1024x64xf32>, vector<64x256xf32>, vector<1024x256xf32> -> vector<1024x256xf32>
    %add3A_676 = arith.addf %dot_general3A_673, %dot_general3A_675 : vector<1024x256xf32>
    %add3A_677 = vector.broadcast %get3A_18 : vector<1x256xf32> to vector<1024x256xf32>
    %add3A_678 = arith.addf %add3A_676, %add3A_677 : vector<1024x256xf32>
    %slice3A_679 = vector.extract_strided_slice %add3A_678 {offsets = [0, 0], sizes = [1024, 64], strides = [1, 1]} : vector<1024x256xf32> to vector<1024x64xf32>
    %mul3A_680 = arith.constant 5.000000e-01 : f32
    %mul3A_681 = vector.broadcast %mul3A_680 : f32 to vector<1024x64xf32>
    %mul3A_682 = arith.mulf %mul3A_681, %slice3A_679 : vector<1024x64xf32>
    %tanh3A_683 = math.tanh %mul3A_682 : vector<1024x64xf32>
    %mul3A_684 = arith.constant 5.000000e-01 : f32
    %mul3A_685 = vector.broadcast %mul3A_684 : f32 to vector<1024x64xf32>
    %mul3A_686 = arith.mulf %mul3A_685, %tanh3A_683 : vector<1024x64xf32>
    %add3A_687 = arith.constant 5.000000e-01 : f32
    %add3A_688 = vector.broadcast %add3A_687 : f32 to vector<1024x64xf32>
    %add3A_689 = arith.addf %mul3A_686, %add3A_688 : vector<1024x64xf32>
    %slice3A_690 = vector.extract_strided_slice %add3A_678 {offsets = [0, 64], sizes = [1024, 64], strides = [1, 1]} : vector<1024x256xf32> to vector<1024x64xf32>
    %mul3A_691 = arith.constant 5.000000e-01 : f32
    %mul3A_692 = vector.broadcast %mul3A_691 : f32 to vector<1024x64xf32>
    %mul3A_693 = arith.mulf %mul3A_692, %slice3A_690 : vector<1024x64xf32>
    %tanh3A_694 = math.tanh %mul3A_693 : vector<1024x64xf32>
    %mul3A_695 = arith.constant 5.000000e-01 : f32
    %mul3A_696 = vector.broadcast %mul3A_695 : f32 to vector<1024x64xf32>
    %mul3A_697 = arith.mulf %mul3A_696, %tanh3A_694 : vector<1024x64xf32>
    %add3A_698 = arith.constant 5.000000e-01 : f32
    %add3A_699 = vector.broadcast %add3A_698 : f32 to vector<1024x64xf32>
    %add3A_700 = arith.addf %mul3A_697, %add3A_699 : vector<1024x64xf32>
    %slice3A_701 = vector.extract_strided_slice %add3A_678 {offsets = [0, 128], sizes = [1024, 64], strides = [1, 1]} : vector<1024x256xf32> to vector<1024x64xf32>
    %tanh3A_702 = math.tanh %slice3A_701 : vector<1024x64xf32>
    %slice3A_703 = vector.extract_strided_slice %add3A_678 {offsets = [0, 192], sizes = [1024, 64], strides = [1, 1]} : vector<1024x256xf32> to vector<1024x64xf32>
    %mul3A_704 = arith.constant 5.000000e-01 : f32
    %mul3A_705 = vector.broadcast %mul3A_704 : f32 to vector<1024x64xf32>
    %mul3A_706 = arith.mulf %mul3A_705, %slice3A_703 : vector<1024x64xf32>
    %tanh3A_707 = math.tanh %mul3A_706 : vector<1024x64xf32>
    %mul3A_708 = arith.constant 5.000000e-01 : f32
    %mul3A_709 = vector.broadcast %mul3A_708 : f32 to vector<1024x64xf32>
    %mul3A_710 = arith.mulf %mul3A_709, %tanh3A_707 : vector<1024x64xf32>
    %add3A_711 = arith.constant 5.000000e-01 : f32
    %add3A_712 = vector.broadcast %add3A_711 : f32 to vector<1024x64xf32>
    %add3A_713 = arith.addf %mul3A_710, %add3A_712 : vector<1024x64xf32>
    %mul3A_714 = arith.mulf %add3A_700, %add3A_617 : vector<1024x64xf32>
    %mul3A_715 = arith.mulf %add3A_689, %tanh3A_702 : vector<1024x64xf32>
    %add3A_716 = arith.addf %mul3A_714, %mul3A_715 : vector<1024x64xf32>
    %tanh3A_717 = math.tanh %add3A_716 : vector<1024x64xf32>
    %mul3A_718 = arith.mulf %add3A_713, %tanh3A_717 : vector<1024x64xf32>
    %get3A_719 = arith.constant 7 : index
    %get3A_720 = arith.constant 0 : index
    %get3A_721 = arith.constant 0 : index
    %get3A_722 = vector.load %arg1[%get3A_719, %get3A_720, %get3A_721] : memref<10x1024x128xf32, #tpu.memory_space<vmem>>, vector<1x1024x64xf32>
    %get3A_723 = vector.shape_cast %get3A_722 : vector<1x1024x64xf32> to vector<1024x64xf32>
    %dot_general3A_724 = arith.constant dense<0.000000e+00> : vector<1024x256xf32>
    %dot_general3A_725 = tpu.matmul %get3A_723, %get3A_3, %dot_general3A_724 {dimension_numbers = #tpu.dot_dimension_numbers<[1], [0], [0], [1], [0, 0, 1, 1], [], []>, transpose_lhs_hint = false} : vector<1024x64xf32>, vector<64x256xf32>, vector<1024x256xf32> -> vector<1024x256xf32>
    %dot_general3A_726 = arith.constant dense<0.000000e+00> : vector<1024x256xf32>
    %dot_general3A_727 = tpu.matmul %mul3A_671, %get3A_6, %dot_general3A_726 {dimension_numbers = #tpu.dot_dimension_numbers<[1], [0], [0], [1], [0, 0, 1, 1], [], []>, transpose_lhs_hint = false} : vector<1024x64xf32>, vector<64x256xf32>, vector<1024x256xf32> -> vector<1024x256xf32>
    %add3A_728 = arith.addf %dot_general3A_725, %dot_general3A_727 : vector<1024x256xf32>
    %add3A_729 = vector.broadcast %get3A_9 : vector<1x256xf32> to vector<1024x256xf32>
    %add3A_730 = arith.addf %add3A_728, %add3A_729 : vector<1024x256xf32>
    %slice3A_731 = vector.extract_strided_slice %add3A_730 {offsets = [0, 0], sizes = [1024, 64], strides = [1, 1]} : vector<1024x256xf32> to vector<1024x64xf32>
    %mul3A_732 = arith.constant 5.000000e-01 : f32
    %mul3A_733 = vector.broadcast %mul3A_732 : f32 to vector<1024x64xf32>
    %mul3A_734 = arith.mulf %mul3A_733, %slice3A_731 : vector<1024x64xf32>
    %tanh3A_735 = math.tanh %mul3A_734 : vector<1024x64xf32>
    %mul3A_736 = arith.constant 5.000000e-01 : f32
    %mul3A_737 = vector.broadcast %mul3A_736 : f32 to vector<1024x64xf32>
    %mul3A_738 = arith.mulf %mul3A_737, %tanh3A_735 : vector<1024x64xf32>
    %add3A_739 = arith.constant 5.000000e-01 : f32
    %add3A_740 = vector.broadcast %add3A_739 : f32 to vector<1024x64xf32>
    %add3A_741 = arith.addf %mul3A_738, %add3A_740 : vector<1024x64xf32>
    %slice3A_742 = vector.extract_strided_slice %add3A_730 {offsets = [0, 64], sizes = [1024, 64], strides = [1, 1]} : vector<1024x256xf32> to vector<1024x64xf32>
    %mul3A_743 = arith.constant 5.000000e-01 : f32
    %mul3A_744 = vector.broadcast %mul3A_743 : f32 to vector<1024x64xf32>
    %mul3A_745 = arith.mulf %mul3A_744, %slice3A_742 : vector<1024x64xf32>
    %tanh3A_746 = math.tanh %mul3A_745 : vector<1024x64xf32>
    %mul3A_747 = arith.constant 5.000000e-01 : f32
    %mul3A_748 = vector.broadcast %mul3A_747 : f32 to vector<1024x64xf32>
    %mul3A_749 = arith.mulf %mul3A_748, %tanh3A_746 : vector<1024x64xf32>
    %add3A_750 = arith.constant 5.000000e-01 : f32
    %add3A_751 = vector.broadcast %add3A_750 : f32 to vector<1024x64xf32>
    %add3A_752 = arith.addf %mul3A_749, %add3A_751 : vector<1024x64xf32>
    %slice3A_753 = vector.extract_strided_slice %add3A_730 {offsets = [0, 128], sizes = [1024, 64], strides = [1, 1]} : vector<1024x256xf32> to vector<1024x64xf32>
    %tanh3A_754 = math.tanh %slice3A_753 : vector<1024x64xf32>
    %slice3A_755 = vector.extract_strided_slice %add3A_730 {offsets = [0, 192], sizes = [1024, 64], strides = [1, 1]} : vector<1024x256xf32> to vector<1024x64xf32>
    %mul3A_756 = arith.constant 5.000000e-01 : f32
    %mul3A_757 = vector.broadcast %mul3A_756 : f32 to vector<1024x64xf32>
    %mul3A_758 = arith.mulf %mul3A_757, %slice3A_755 : vector<1024x64xf32>
    %tanh3A_759 = math.tanh %mul3A_758 : vector<1024x64xf32>
    %mul3A_760 = arith.constant 5.000000e-01 : f32
    %mul3A_761 = vector.broadcast %mul3A_760 : f32 to vector<1024x64xf32>
    %mul3A_762 = arith.mulf %mul3A_761, %tanh3A_759 : vector<1024x64xf32>
    %add3A_763 = arith.constant 5.000000e-01 : f32
    %add3A_764 = vector.broadcast %add3A_763 : f32 to vector<1024x64xf32>
    %add3A_765 = arith.addf %mul3A_762, %add3A_764 : vector<1024x64xf32>
    %mul3A_766 = arith.mulf %add3A_752, %add3A_669 : vector<1024x64xf32>
    %mul3A_767 = arith.mulf %add3A_741, %tanh3A_754 : vector<1024x64xf32>
    %add3A_768 = arith.addf %mul3A_766, %mul3A_767 : vector<1024x64xf32>
    %tanh3A_769 = math.tanh %add3A_768 : vector<1024x64xf32>
    %mul3A_770 = arith.mulf %add3A_765, %tanh3A_769 : vector<1024x64xf32>
    %dot_general3A_771 = arith.constant dense<0.000000e+00> : vector<1024x256xf32>
    %dot_general3A_772 = tpu.matmul %mul3A_770, %get3A_12, %dot_general3A_771 {dimension_numbers = #tpu.dot_dimension_numbers<[1], [0], [0], [1], [0, 0, 1, 1], [], []>, transpose_lhs_hint = false} : vector<1024x64xf32>, vector<64x256xf32>, vector<1024x256xf32> -> vector<1024x256xf32>
    %dot_general3A_773 = arith.constant dense<0.000000e+00> : vector<1024x256xf32>
    %dot_general3A_774 = tpu.matmul %mul3A_718, %get3A_15, %dot_general3A_773 {dimension_numbers = #tpu.dot_dimension_numbers<[1], [0], [0], [1], [0, 0, 1, 1], [], []>, transpose_lhs_hint = false} : vector<1024x64xf32>, vector<64x256xf32>, vector<1024x256xf32> -> vector<1024x256xf32>
    %add3A_775 = arith.addf %dot_general3A_772, %dot_general3A_774 : vector<1024x256xf32>
    %add3A_776 = vector.broadcast %get3A_18 : vector<1x256xf32> to vector<1024x256xf32>
    %add3A_777 = arith.addf %add3A_775, %add3A_776 : vector<1024x256xf32>
    %slice3A_778 = vector.extract_strided_slice %add3A_777 {offsets = [0, 0], sizes = [1024, 64], strides = [1, 1]} : vector<1024x256xf32> to vector<1024x64xf32>
    %mul3A_779 = arith.constant 5.000000e-01 : f32
    %mul3A_780 = vector.broadcast %mul3A_779 : f32 to vector<1024x64xf32>
    %mul3A_781 = arith.mulf %mul3A_780, %slice3A_778 : vector<1024x64xf32>
    %tanh3A_782 = math.tanh %mul3A_781 : vector<1024x64xf32>
    %mul3A_783 = arith.constant 5.000000e-01 : f32
    %mul3A_784 = vector.broadcast %mul3A_783 : f32 to vector<1024x64xf32>
    %mul3A_785 = arith.mulf %mul3A_784, %tanh3A_782 : vector<1024x64xf32>
    %add3A_786 = arith.constant 5.000000e-01 : f32
    %add3A_787 = vector.broadcast %add3A_786 : f32 to vector<1024x64xf32>
    %add3A_788 = arith.addf %mul3A_785, %add3A_787 : vector<1024x64xf32>
    %slice3A_789 = vector.extract_strided_slice %add3A_777 {offsets = [0, 64], sizes = [1024, 64], strides = [1, 1]} : vector<1024x256xf32> to vector<1024x64xf32>
    %mul3A_790 = arith.constant 5.000000e-01 : f32
    %mul3A_791 = vector.broadcast %mul3A_790 : f32 to vector<1024x64xf32>
    %mul3A_792 = arith.mulf %mul3A_791, %slice3A_789 : vector<1024x64xf32>
    %tanh3A_793 = math.tanh %mul3A_792 : vector<1024x64xf32>
    %mul3A_794 = arith.constant 5.000000e-01 : f32
    %mul3A_795 = vector.broadcast %mul3A_794 : f32 to vector<1024x64xf32>
    %mul3A_796 = arith.mulf %mul3A_795, %tanh3A_793 : vector<1024x64xf32>
    %add3A_797 = arith.constant 5.000000e-01 : f32
    %add3A_798 = vector.broadcast %add3A_797 : f32 to vector<1024x64xf32>
    %add3A_799 = arith.addf %mul3A_796, %add3A_798 : vector<1024x64xf32>
    %slice3A_800 = vector.extract_strided_slice %add3A_777 {offsets = [0, 128], sizes = [1024, 64], strides = [1, 1]} : vector<1024x256xf32> to vector<1024x64xf32>
    %tanh3A_801 = math.tanh %slice3A_800 : vector<1024x64xf32>
    %slice3A_802 = vector.extract_strided_slice %add3A_777 {offsets = [0, 192], sizes = [1024, 64], strides = [1, 1]} : vector<1024x256xf32> to vector<1024x64xf32>
    %mul3A_803 = arith.constant 5.000000e-01 : f32
    %mul3A_804 = vector.broadcast %mul3A_803 : f32 to vector<1024x64xf32>
    %mul3A_805 = arith.mulf %mul3A_804, %slice3A_802 : vector<1024x64xf32>
    %tanh3A_806 = math.tanh %mul3A_805 : vector<1024x64xf32>
    %mul3A_807 = arith.constant 5.000000e-01 : f32
    %mul3A_808 = vector.broadcast %mul3A_807 : f32 to vector<1024x64xf32>
    %mul3A_809 = arith.mulf %mul3A_808, %tanh3A_806 : vector<1024x64xf32>
    %add3A_810 = arith.constant 5.000000e-01 : f32
    %add3A_811 = vector.broadcast %add3A_810 : f32 to vector<1024x64xf32>
    %add3A_812 = arith.addf %mul3A_809, %add3A_811 : vector<1024x64xf32>
    %mul3A_813 = arith.mulf %add3A_799, %add3A_716 : vector<1024x64xf32>
    %mul3A_814 = arith.mulf %add3A_788, %tanh3A_801 : vector<1024x64xf32>
    %add3A_815 = arith.addf %mul3A_813, %mul3A_814 : vector<1024x64xf32>
    %tanh3A_816 = math.tanh %add3A_815 : vector<1024x64xf32>
    %mul3A_817 = arith.mulf %add3A_812, %tanh3A_816 : vector<1024x64xf32>
    %get3A_818 = arith.constant 8 : index
    %get3A_819 = arith.constant 0 : index
    %get3A_820 = arith.constant 0 : index
    %get3A_821 = vector.load %arg1[%get3A_818, %get3A_819, %get3A_820] : memref<10x1024x128xf32, #tpu.memory_space<vmem>>, vector<1x1024x64xf32>
    %get3A_822 = vector.shape_cast %get3A_821 : vector<1x1024x64xf32> to vector<1024x64xf32>
    %dot_general3A_823 = arith.constant dense<0.000000e+00> : vector<1024x256xf32>
    %dot_general3A_824 = tpu.matmul %get3A_822, %get3A_3, %dot_general3A_823 {dimension_numbers = #tpu.dot_dimension_numbers<[1], [0], [0], [1], [0, 0, 1, 1], [], []>, transpose_lhs_hint = false} : vector<1024x64xf32>, vector<64x256xf32>, vector<1024x256xf32> -> vector<1024x256xf32>
    %dot_general3A_825 = arith.constant dense<0.000000e+00> : vector<1024x256xf32>
    %dot_general3A_826 = tpu.matmul %mul3A_770, %get3A_6, %dot_general3A_825 {dimension_numbers = #tpu.dot_dimension_numbers<[1], [0], [0], [1], [0, 0, 1, 1], [], []>, transpose_lhs_hint = false} : vector<1024x64xf32>, vector<64x256xf32>, vector<1024x256xf32> -> vector<1024x256xf32>
    %add3A_827 = arith.addf %dot_general3A_824, %dot_general3A_826 : vector<1024x256xf32>
    %add3A_828 = vector.broadcast %get3A_9 : vector<1x256xf32> to vector<1024x256xf32>
    %add3A_829 = arith.addf %add3A_827, %add3A_828 : vector<1024x256xf32>
    %slice3A_830 = vector.extract_strided_slice %add3A_829 {offsets = [0, 0], sizes = [1024, 64], strides = [1, 1]} : vector<1024x256xf32> to vector<1024x64xf32>
    %mul3A_831 = arith.constant 5.000000e-01 : f32
    %mul3A_832 = vector.broadcast %mul3A_831 : f32 to vector<1024x64xf32>
    %mul3A_833 = arith.mulf %mul3A_832, %slice3A_830 : vector<1024x64xf32>
    %tanh3A_834 = math.tanh %mul3A_833 : vector<1024x64xf32>
    %mul3A_835 = arith.constant 5.000000e-01 : f32
    %mul3A_836 = vector.broadcast %mul3A_835 : f32 to vector<1024x64xf32>
    %mul3A_837 = arith.mulf %mul3A_836, %tanh3A_834 : vector<1024x64xf32>
    %add3A_838 = arith.constant 5.000000e-01 : f32
    %add3A_839 = vector.broadcast %add3A_838 : f32 to vector<1024x64xf32>
    %add3A_840 = arith.addf %mul3A_837, %add3A_839 : vector<1024x64xf32>
    %slice3A_841 = vector.extract_strided_slice %add3A_829 {offsets = [0, 64], sizes = [1024, 64], strides = [1, 1]} : vector<1024x256xf32> to vector<1024x64xf32>
    %mul3A_842 = arith.constant 5.000000e-01 : f32
    %mul3A_843 = vector.broadcast %mul3A_842 : f32 to vector<1024x64xf32>
    %mul3A_844 = arith.mulf %mul3A_843, %slice3A_841 : vector<1024x64xf32>
    %tanh3A_845 = math.tanh %mul3A_844 : vector<1024x64xf32>
    %mul3A_846 = arith.constant 5.000000e-01 : f32
    %mul3A_847 = vector.broadcast %mul3A_846 : f32 to vector<1024x64xf32>
    %mul3A_848 = arith.mulf %mul3A_847, %tanh3A_845 : vector<1024x64xf32>
    %add3A_849 = arith.constant 5.000000e-01 : f32
    %add3A_850 = vector.broadcast %add3A_849 : f32 to vector<1024x64xf32>
    %add3A_851 = arith.addf %mul3A_848, %add3A_850 : vector<1024x64xf32>
    %slice3A_852 = vector.extract_strided_slice %add3A_829 {offsets = [0, 128], sizes = [1024, 64], strides = [1, 1]} : vector<1024x256xf32> to vector<1024x64xf32>
    %tanh3A_853 = math.tanh %slice3A_852 : vector<1024x64xf32>
    %slice3A_854 = vector.extract_strided_slice %add3A_829 {offsets = [0, 192], sizes = [1024, 64], strides = [1, 1]} : vector<1024x256xf32> to vector<1024x64xf32>
    %mul3A_855 = arith.constant 5.000000e-01 : f32
    %mul3A_856 = vector.broadcast %mul3A_855 : f32 to vector<1024x64xf32>
    %mul3A_857 = arith.mulf %mul3A_856, %slice3A_854 : vector<1024x64xf32>
    %tanh3A_858 = math.tanh %mul3A_857 : vector<1024x64xf32>
    %mul3A_859 = arith.constant 5.000000e-01 : f32
    %mul3A_860 = vector.broadcast %mul3A_859 : f32 to vector<1024x64xf32>
    %mul3A_861 = arith.mulf %mul3A_860, %tanh3A_858 : vector<1024x64xf32>
    %add3A_862 = arith.constant 5.000000e-01 : f32
    %add3A_863 = vector.broadcast %add3A_862 : f32 to vector<1024x64xf32>
    %add3A_864 = arith.addf %mul3A_861, %add3A_863 : vector<1024x64xf32>
    %mul3A_865 = arith.mulf %add3A_851, %add3A_768 : vector<1024x64xf32>
    %mul3A_866 = arith.mulf %add3A_840, %tanh3A_853 : vector<1024x64xf32>
    %add3A_867 = arith.addf %mul3A_865, %mul3A_866 : vector<1024x64xf32>
    %tanh3A_868 = math.tanh %add3A_867 : vector<1024x64xf32>
    %mul3A_869 = arith.mulf %add3A_864, %tanh3A_868 : vector<1024x64xf32>
    %dot_general3A_870 = arith.constant dense<0.000000e+00> : vector<1024x256xf32>
    %dot_general3A_871 = tpu.matmul %mul3A_869, %get3A_12, %dot_general3A_870 {dimension_numbers = #tpu.dot_dimension_numbers<[1], [0], [0], [1], [0, 0, 1, 1], [], []>, transpose_lhs_hint = false} : vector<1024x64xf32>, vector<64x256xf32>, vector<1024x256xf32> -> vector<1024x256xf32>
    %dot_general3A_872 = arith.constant dense<0.000000e+00> : vector<1024x256xf32>
    %dot_general3A_873 = tpu.matmul %mul3A_817, %get3A_15, %dot_general3A_872 {dimension_numbers = #tpu.dot_dimension_numbers<[1], [0], [0], [1], [0, 0, 1, 1], [], []>, transpose_lhs_hint = false} : vector<1024x64xf32>, vector<64x256xf32>, vector<1024x256xf32> -> vector<1024x256xf32>
    %add3A_874 = arith.addf %dot_general3A_871, %dot_general3A_873 : vector<1024x256xf32>
    %add3A_875 = vector.broadcast %get3A_18 : vector<1x256xf32> to vector<1024x256xf32>
    %add3A_876 = arith.addf %add3A_874, %add3A_875 : vector<1024x256xf32>
    %slice3A_877 = vector.extract_strided_slice %add3A_876 {offsets = [0, 0], sizes = [1024, 64], strides = [1, 1]} : vector<1024x256xf32> to vector<1024x64xf32>
    %mul3A_878 = arith.constant 5.000000e-01 : f32
    %mul3A_879 = vector.broadcast %mul3A_878 : f32 to vector<1024x64xf32>
    %mul3A_880 = arith.mulf %mul3A_879, %slice3A_877 : vector<1024x64xf32>
    %tanh3A_881 = math.tanh %mul3A_880 : vector<1024x64xf32>
    %mul3A_882 = arith.constant 5.000000e-01 : f32
    %mul3A_883 = vector.broadcast %mul3A_882 : f32 to vector<1024x64xf32>
    %mul3A_884 = arith.mulf %mul3A_883, %tanh3A_881 : vector<1024x64xf32>
    %add3A_885 = arith.constant 5.000000e-01 : f32
    %add3A_886 = vector.broadcast %add3A_885 : f32 to vector<1024x64xf32>
    %add3A_887 = arith.addf %mul3A_884, %add3A_886 : vector<1024x64xf32>
    %slice3A_888 = vector.extract_strided_slice %add3A_876 {offsets = [0, 64], sizes = [1024, 64], strides = [1, 1]} : vector<1024x256xf32> to vector<1024x64xf32>
    %mul3A_889 = arith.constant 5.000000e-01 : f32
    %mul3A_890 = vector.broadcast %mul3A_889 : f32 to vector<1024x64xf32>
    %mul3A_891 = arith.mulf %mul3A_890, %slice3A_888 : vector<1024x64xf32>
    %tanh3A_892 = math.tanh %mul3A_891 : vector<1024x64xf32>
    %mul3A_893 = arith.constant 5.000000e-01 : f32
    %mul3A_894 = vector.broadcast %mul3A_893 : f32 to vector<1024x64xf32>
    %mul3A_895 = arith.mulf %mul3A_894, %tanh3A_892 : vector<1024x64xf32>
    %add3A_896 = arith.constant 5.000000e-01 : f32
    %add3A_897 = vector.broadcast %add3A_896 : f32 to vector<1024x64xf32>
    %add3A_898 = arith.addf %mul3A_895, %add3A_897 : vector<1024x64xf32>
    %slice3A_899 = vector.extract_strided_slice %add3A_876 {offsets = [0, 128], sizes = [1024, 64], strides = [1, 1]} : vector<1024x256xf32> to vector<1024x64xf32>
    %tanh3A_900 = math.tanh %slice3A_899 : vector<1024x64xf32>
    %slice3A_901 = vector.extract_strided_slice %add3A_876 {offsets = [0, 192], sizes = [1024, 64], strides = [1, 1]} : vector<1024x256xf32> to vector<1024x64xf32>
    %mul3A_902 = arith.constant 5.000000e-01 : f32
    %mul3A_903 = vector.broadcast %mul3A_902 : f32 to vector<1024x64xf32>
    %mul3A_904 = arith.mulf %mul3A_903, %slice3A_901 : vector<1024x64xf32>
    %tanh3A_905 = math.tanh %mul3A_904 : vector<1024x64xf32>
    %mul3A_906 = arith.constant 5.000000e-01 : f32
    %mul3A_907 = vector.broadcast %mul3A_906 : f32 to vector<1024x64xf32>
    %mul3A_908 = arith.mulf %mul3A_907, %tanh3A_905 : vector<1024x64xf32>
    %add3A_909 = arith.constant 5.000000e-01 : f32
    %add3A_910 = vector.broadcast %add3A_909 : f32 to vector<1024x64xf32>
    %add3A_911 = arith.addf %mul3A_908, %add3A_910 : vector<1024x64xf32>
    %mul3A_912 = arith.mulf %add3A_898, %add3A_815 : vector<1024x64xf32>
    %mul3A_913 = arith.mulf %add3A_887, %tanh3A_900 : vector<1024x64xf32>
    %add3A_914 = arith.addf %mul3A_912, %mul3A_913 : vector<1024x64xf32>
    %tanh3A_915 = math.tanh %add3A_914 : vector<1024x64xf32>
    %mul3A_916 = arith.mulf %add3A_911, %tanh3A_915 : vector<1024x64xf32>
    %get3A_917 = arith.constant 9 : index
    %get3A_918 = arith.constant 0 : index
    %get3A_919 = arith.constant 0 : index
    %get3A_920 = vector.load %arg1[%get3A_917, %get3A_918, %get3A_919] : memref<10x1024x128xf32, #tpu.memory_space<vmem>>, vector<1x1024x64xf32>
    %get3A_921 = vector.shape_cast %get3A_920 : vector<1x1024x64xf32> to vector<1024x64xf32>
    %dot_general3A_922 = arith.constant dense<0.000000e+00> : vector<1024x256xf32>
    %dot_general3A_923 = tpu.matmul %get3A_921, %get3A_3, %dot_general3A_922 {dimension_numbers = #tpu.dot_dimension_numbers<[1], [0], [0], [1], [0, 0, 1, 1], [], []>, transpose_lhs_hint = false} : vector<1024x64xf32>, vector<64x256xf32>, vector<1024x256xf32> -> vector<1024x256xf32>
    %dot_general3A_924 = arith.constant dense<0.000000e+00> : vector<1024x256xf32>
    %dot_general3A_925 = tpu.matmul %mul3A_869, %get3A_6, %dot_general3A_924 {dimension_numbers = #tpu.dot_dimension_numbers<[1], [0], [0], [1], [0, 0, 1, 1], [], []>, transpose_lhs_hint = false} : vector<1024x64xf32>, vector<64x256xf32>, vector<1024x256xf32> -> vector<1024x256xf32>
    %add3A_926 = arith.addf %dot_general3A_923, %dot_general3A_925 : vector<1024x256xf32>
    %add3A_927 = vector.broadcast %get3A_9 : vector<1x256xf32> to vector<1024x256xf32>
    %add3A_928 = arith.addf %add3A_926, %add3A_927 : vector<1024x256xf32>
    %slice3A_929 = vector.extract_strided_slice %add3A_928 {offsets = [0, 0], sizes = [1024, 64], strides = [1, 1]} : vector<1024x256xf32> to vector<1024x64xf32>
    %mul3A_930 = arith.constant 5.000000e-01 : f32
    %mul3A_931 = vector.broadcast %mul3A_930 : f32 to vector<1024x64xf32>
    %mul3A_932 = arith.mulf %mul3A_931, %slice3A_929 : vector<1024x64xf32>
    %tanh3A_933 = math.tanh %mul3A_932 : vector<1024x64xf32>
    %mul3A_934 = arith.constant 5.000000e-01 : f32
    %mul3A_935 = vector.broadcast %mul3A_934 : f32 to vector<1024x64xf32>
    %mul3A_936 = arith.mulf %mul3A_935, %tanh3A_933 : vector<1024x64xf32>
    %add3A_937 = arith.constant 5.000000e-01 : f32
    %add3A_938 = vector.broadcast %add3A_937 : f32 to vector<1024x64xf32>
    %add3A_939 = arith.addf %mul3A_936, %add3A_938 : vector<1024x64xf32>
    %slice3A_940 = vector.extract_strided_slice %add3A_928 {offsets = [0, 64], sizes = [1024, 64], strides = [1, 1]} : vector<1024x256xf32> to vector<1024x64xf32>
    %mul3A_941 = arith.constant 5.000000e-01 : f32
    %mul3A_942 = vector.broadcast %mul3A_941 : f32 to vector<1024x64xf32>
    %mul3A_943 = arith.mulf %mul3A_942, %slice3A_940 : vector<1024x64xf32>
    %tanh3A_944 = math.tanh %mul3A_943 : vector<1024x64xf32>
    %mul3A_945 = arith.constant 5.000000e-01 : f32
    %mul3A_946 = vector.broadcast %mul3A_945 : f32 to vector<1024x64xf32>
    %mul3A_947 = arith.mulf %mul3A_946, %tanh3A_944 : vector<1024x64xf32>
    %add3A_948 = arith.constant 5.000000e-01 : f32
    %add3A_949 = vector.broadcast %add3A_948 : f32 to vector<1024x64xf32>
    %add3A_950 = arith.addf %mul3A_947, %add3A_949 : vector<1024x64xf32>
    %slice3A_951 = vector.extract_strided_slice %add3A_928 {offsets = [0, 128], sizes = [1024, 64], strides = [1, 1]} : vector<1024x256xf32> to vector<1024x64xf32>
    %tanh3A_952 = math.tanh %slice3A_951 : vector<1024x64xf32>
    %slice3A_953 = vector.extract_strided_slice %add3A_928 {offsets = [0, 192], sizes = [1024, 64], strides = [1, 1]} : vector<1024x256xf32> to vector<1024x64xf32>
    %mul3A_954 = arith.constant 5.000000e-01 : f32
    %mul3A_955 = vector.broadcast %mul3A_954 : f32 to vector<1024x64xf32>
    %mul3A_956 = arith.mulf %mul3A_955, %slice3A_953 : vector<1024x64xf32>
    %tanh3A_957 = math.tanh %mul3A_956 : vector<1024x64xf32>
    %mul3A_958 = arith.constant 5.000000e-01 : f32
    %mul3A_959 = vector.broadcast %mul3A_958 : f32 to vector<1024x64xf32>
    %mul3A_960 = arith.mulf %mul3A_959, %tanh3A_957 : vector<1024x64xf32>
    %add3A_961 = arith.constant 5.000000e-01 : f32
    %add3A_962 = vector.broadcast %add3A_961 : f32 to vector<1024x64xf32>
    %add3A_963 = arith.addf %mul3A_960, %add3A_962 : vector<1024x64xf32>
    %mul3A_964 = arith.mulf %add3A_950, %add3A_867 : vector<1024x64xf32>
    %mul3A_965 = arith.mulf %add3A_939, %tanh3A_952 : vector<1024x64xf32>
    %add3A_966 = arith.addf %mul3A_964, %mul3A_965 : vector<1024x64xf32>
    %tanh3A_967 = math.tanh %add3A_966 : vector<1024x64xf32>
    %mul3A_968 = arith.mulf %add3A_963, %tanh3A_967 : vector<1024x64xf32>
    %dot_general3A_969 = arith.constant dense<0.000000e+00> : vector<1024x256xf32>
    %dot_general3A_970 = tpu.matmul %mul3A_968, %get3A_12, %dot_general3A_969 {dimension_numbers = #tpu.dot_dimension_numbers<[1], [0], [0], [1], [0, 0, 1, 1], [], []>, transpose_lhs_hint = false} : vector<1024x64xf32>, vector<64x256xf32>, vector<1024x256xf32> -> vector<1024x256xf32>
    %dot_general3A_971 = arith.constant dense<0.000000e+00> : vector<1024x256xf32>
    %dot_general3A_972 = tpu.matmul %mul3A_916, %get3A_15, %dot_general3A_971 {dimension_numbers = #tpu.dot_dimension_numbers<[1], [0], [0], [1], [0, 0, 1, 1], [], []>, transpose_lhs_hint = false} : vector<1024x64xf32>, vector<64x256xf32>, vector<1024x256xf32> -> vector<1024x256xf32>
    %add3A_973 = arith.addf %dot_general3A_970, %dot_general3A_972 : vector<1024x256xf32>
    %add3A_974 = vector.broadcast %get3A_18 : vector<1x256xf32> to vector<1024x256xf32>
    %add3A_975 = arith.addf %add3A_973, %add3A_974 : vector<1024x256xf32>
    %slice3A_976 = vector.extract_strided_slice %add3A_975 {offsets = [0, 0], sizes = [1024, 64], strides = [1, 1]} : vector<1024x256xf32> to vector<1024x64xf32>
    %mul3A_977 = arith.constant 5.000000e-01 : f32
    %mul3A_978 = vector.broadcast %mul3A_977 : f32 to vector<1024x64xf32>
    %mul3A_979 = arith.mulf %mul3A_978, %slice3A_976 : vector<1024x64xf32>
    %tanh3A_980 = math.tanh %mul3A_979 : vector<1024x64xf32>
    %mul3A_981 = arith.constant 5.000000e-01 : f32
    %mul3A_982 = vector.broadcast %mul3A_981 : f32 to vector<1024x64xf32>
    %mul3A_983 = arith.mulf %mul3A_982, %tanh3A_980 : vector<1024x64xf32>
    %add3A_984 = arith.constant 5.000000e-01 : f32
    %add3A_985 = vector.broadcast %add3A_984 : f32 to vector<1024x64xf32>
    %add3A_986 = arith.addf %mul3A_983, %add3A_985 : vector<1024x64xf32>
    %slice3A_987 = vector.extract_strided_slice %add3A_975 {offsets = [0, 64], sizes = [1024, 64], strides = [1, 1]} : vector<1024x256xf32> to vector<1024x64xf32>
    %mul3A_988 = arith.constant 5.000000e-01 : f32
    %mul3A_989 = vector.broadcast %mul3A_988 : f32 to vector<1024x64xf32>
    %mul3A_990 = arith.mulf %mul3A_989, %slice3A_987 : vector<1024x64xf32>
    %tanh3A_991 = math.tanh %mul3A_990 : vector<1024x64xf32>
    %mul3A_992 = arith.constant 5.000000e-01 : f32
    %mul3A_993 = vector.broadcast %mul3A_992 : f32 to vector<1024x64xf32>
    %mul3A_994 = arith.mulf %mul3A_993, %tanh3A_991 : vector<1024x64xf32>
    %add3A_995 = arith.constant 5.000000e-01 : f32
    %add3A_996 = vector.broadcast %add3A_995 : f32 to vector<1024x64xf32>
    %add3A_997 = arith.addf %mul3A_994, %add3A_996 : vector<1024x64xf32>
    %slice3A_998 = vector.extract_strided_slice %add3A_975 {offsets = [0, 128], sizes = [1024, 64], strides = [1, 1]} : vector<1024x256xf32> to vector<1024x64xf32>
    %tanh3A_999 = math.tanh %slice3A_998 : vector<1024x64xf32>
    %slice3A_1000 = vector.extract_strided_slice %add3A_975 {offsets = [0, 192], sizes = [1024, 64], strides = [1, 1]} : vector<1024x256xf32> to vector<1024x64xf32>
    %mul3A_1001 = arith.constant 5.000000e-01 : f32
    %mul3A_1002 = vector.broadcast %mul3A_1001 : f32 to vector<1024x64xf32>
    %mul3A_1003 = arith.mulf %mul3A_1002, %slice3A_1000 : vector<1024x64xf32>
    %tanh3A_1004 = math.tanh %mul3A_1003 : vector<1024x64xf32>
    %mul3A_1005 = arith.constant 5.000000e-01 : f32
    %mul3A_1006 = vector.broadcast %mul3A_1005 : f32 to vector<1024x64xf32>
    %mul3A_1007 = arith.mulf %mul3A_1006, %tanh3A_1004 : vector<1024x64xf32>
    %add3A_1008 = arith.constant 5.000000e-01 : f32
    %add3A_1009 = vector.broadcast %add3A_1008 : f32 to vector<1024x64xf32>
    %add3A_1010 = arith.addf %mul3A_1007, %add3A_1009 : vector<1024x64xf32>
    %mul3A_1011 = arith.mulf %add3A_997, %add3A_914 : vector<1024x64xf32>
    %mul3A_1012 = arith.mulf %add3A_986, %tanh3A_999 : vector<1024x64xf32>
    %add3A_1013 = arith.addf %mul3A_1011, %mul3A_1012 : vector<1024x64xf32>
    %tanh3A_1014 = math.tanh %add3A_1013 : vector<1024x64xf32>
    %mul3A_1015 = arith.mulf %add3A_1010, %tanh3A_1014 : vector<1024x64xf32>
    %swap3A = arith.constant 0 : index
    %swap3A_1016 = arith.constant 0 : index
    %swap3A_1017 = vector.load %arg21[%swap3A, %swap3A_1016] : memref<1024x64xf32, #tpu.memory_space<vmem>>, vector<1024x64xf32>
    tpu.vector_store %arg21[%swap3A, %swap3A_1016], %mul3A_968 {strides = array<i32>} : memref<1024x64xf32, #tpu.memory_space<vmem>>, vector<1024x64xf32>,
    %swap3A_1018 = arith.constant 0 : index
    %swap3A_1019 = arith.constant 0 : index
    %swap3A_1020 = vector.load %arg22[%swap3A_1018, %swap3A_1019] : memref<1024x64xf32, #tpu.memory_space<vmem>>, vector<1024x64xf32>
    tpu.vector_store %arg22[%swap3A_1018, %swap3A_1019], %add3A_966 {strides = array<i32>} : memref<1024x64xf32, #tpu.memory_space<vmem>>, vector<1024x64xf32>,
    %swap3A_1021 = arith.constant 0 : index
    %swap3A_1022 = arith.constant 0 : index
    %swap3A_1023 = vector.load %arg23[%swap3A_1021, %swap3A_1022] : memref<1024x64xf32, #tpu.memory_space<vmem>>, vector<1024x64xf32>
    tpu.vector_store %arg23[%swap3A_1021, %swap3A_1022], %mul3A_1015 {strides = array<i32>} : memref<1024x64xf32, #tpu.memory_space<vmem>>, vector<1024x64xf32>,
    %swap3A_1024 = arith.constant 0 : index
    %swap3A_1025 = arith.constant 0 : index
    %swap3A_1026 = vector.load %arg24[%swap3A_1024, %swap3A_1025] : memref<1024x64xf32, #tpu.memory_space<vmem>>, vector<1024x64xf32>
    tpu.vector_store %arg24[%swap3A_1024, %swap3A_1025], %add3A_1013 {strides = array<i32>} : memref<1024x64xf32, #tpu.memory_space<vmem>>, vector<1024x64xf32>,
    %eq3A_1027 = arith.constant 3 : i32
    %eq3A_1028 = arith.cmpi eq, %arg0, %eq3A_1027 : i32
    %convert_element_type3A_1029 = arith.extui %eq3A_1028 : i1 to i32
    %cond3A_1030 = arith.constant 0 : i32
    %cond3A_1031 = arith.cmpi ne, %convert_element_type3A_1029, %cond3A_1030 : i32
    scf.if %cond3A_1031 {
      %swap3A_1032 = arith.constant 0 : index
      %swap3A_1033 = arith.constant 0 : index
      %swap3A_1034 = vector.load %arg16[%swap3A_1032, %swap3A_1033] : memref<1024x64xf32, #tpu.memory_space<vmem>>, vector<1024x64xf32>
      tpu.vector_store %arg16[%swap3A_1032, %swap3A_1033], %mul3A_968 {strides = array<i32>} : memref<1024x64xf32, #tpu.memory_space<vmem>>, vector<1024x64xf32>,
      %swap3A_1035 = arith.constant 0 : index
      %swap3A_1036 = arith.constant 0 : index
      %swap3A_1037 = vector.load %arg17[%swap3A_1035, %swap3A_1036] : memref<1024x64xf32, #tpu.memory_space<vmem>>, vector<1024x64xf32>
      tpu.vector_store %arg17[%swap3A_1035, %swap3A_1036], %add3A_966 {strides = array<i32>} : memref<1024x64xf32, #tpu.memory_space<vmem>>, vector<1024x64xf32>,
      %swap3A_1038 = arith.constant 0 : index
      %swap3A_1039 = arith.constant 0 : index
      %swap3A_1040 = vector.load %arg18[%swap3A_1038, %swap3A_1039] : memref<1024x64xf32, #tpu.memory_space<vmem>>, vector<1024x64xf32>
      tpu.vector_store %arg18[%swap3A_1038, %swap3A_1039], %mul3A_1015 {strides = array<i32>} : memref<1024x64xf32, #tpu.memory_space<vmem>>, vector<1024x64xf32>,
      %swap3A_1041 = arith.constant 0 : index
      %swap3A_1042 = arith.constant 0 : index
      %swap3A_1043 = vector.load %arg19[%swap3A_1041, %swap3A_1042] : memref<1024x64xf32, #tpu.memory_space<vmem>>, vector<1024x64xf32>
      tpu.vector_store %arg19[%swap3A_1041, %swap3A_1042], %add3A_1013 {strides = array<i32>} : memref<1024x64xf32, #tpu.memory_space<vmem>>, vector<1024x64xf32>,
      %get3A_1044 = arith.constant 0 : index
      %get3A_1045 = arith.constant 0 : index
      %get3A_1046 = vector.load %arg8[%get3A_1044, %get3A_1045] : memref<64x250xf32, #tpu.memory_space<vmem>>, vector<64x250xf32>
      %dot_general3A_1047 = arith.constant dense<0.000000e+00> : vector<1024x250xf32>
      %dot_general3A_1048 = tpu.matmul %mul3A_1015, %get3A_1046, %dot_general3A_1047 {dimension_numbers = #tpu.dot_dimension_numbers<[1], [0], [0], [1], [0, 0, 1, 1], [], []>, transpose_lhs_hint = false} : vector<1024x64xf32>, vector<64x250xf32>, vector<1024x250xf32> -> vector<1024x250xf32>
      %get3A_1049 = arith.constant 0 : index
      %get3A_1050 = arith.constant 0 : index
      %get3A_1051 = vector.load %arg9[%get3A_1049, %get3A_1050] : memref<1x250xf32, #tpu.memory_space<vmem>>, vector<1x250xf32>
      %add3A_1052 = vector.broadcast %get3A_1051 : vector<1x250xf32> to vector<1024x250xf32>
      %add3A_1053 = arith.addf %dot_general3A_1048, %add3A_1052 : vector<1024x250xf32>
      %tanh3A_1054 = math.tanh %add3A_1053 : vector<1024x250xf32>
      %get3A_1055 = arith.constant 0 : index
      %get3A_1056 = arith.constant 0 : index
      %get3A_1057 = vector.load %arg10[%get3A_1055, %get3A_1056] : memref<1x250xf32, #tpu.memory_space<vmem>>, vector<1x250xf32>
      %mul3A_1058 = vector.broadcast %get3A_1057 : vector<1x250xf32> to vector<1024x250xf32>
      %mul3A_1059 = arith.mulf %tanh3A_1054, %mul3A_1058 : vector<1024x250xf32>
      %reduce_sum3A = arith.constant dense<0.000000e+00> : vector<1024xf32>
      %reduce_sum3A_1060 = vector.multi_reduction <add>, %mul3A_1059, %reduce_sum3A [1] : vector<1024x250xf32> to vector<1024xf32>
      %broadcast_in_dim3A = vector.shape_cast %reduce_sum3A_1060 : vector<1024xf32> to vector<1024x1xf32>
      %get3A_1061 = arith.constant 0 : index
      %get3A_1062 = arith.constant 0 : index
      %get3A_1063 = vector.load %arg11[%get3A_1061, %get3A_1062] : memref<1x1xf32, #tpu.memory_space<vmem>>, vector<1x1xf32>
      %add3A_1064 = vector.broadcast %get3A_1063 : vector<1x1xf32> to vector<1024x1xf32>
      %add3A_1065 = arith.addf %broadcast_in_dim3A, %add3A_1064 : vector<1024x1xf32>
      %mul3A_1066 = arith.constant 5.000000e-01 : f32
      %mul3A_1067 = vector.broadcast %mul3A_1066 : f32 to vector<1024x1xf32>
      %mul3A_1068 = arith.mulf %mul3A_1067, %add3A_1065 : vector<1024x1xf32>
      %tanh3A_1069 = math.tanh %mul3A_1068 : vector<1024x1xf32>
      %mul3A_1070 = arith.constant 5.000000e-01 : f32
      %mul3A_1071 = vector.broadcast %mul3A_1070 : f32 to vector<1024x1xf32>
      %mul3A_1072 = arith.mulf %mul3A_1071, %tanh3A_1069 : vector<1024x1xf32>
      %add3A_1073 = arith.constant 5.000000e-01 : f32
      %add3A_1074 = vector.broadcast %add3A_1073 : f32 to vector<1024x1xf32>
      %add3A_1075 = arith.addf %mul3A_1072, %add3A_1074 : vector<1024x1xf32>
      %swap3A_1076 = arith.constant 0 : index
      %swap3A_1077 = arith.constant 0 : index
      %swap3A_1078 = vector.load %arg20[%swap3A_1076, %swap3A_1077] : memref<1024x1xf32, #tpu.memory_space<vmem>>, vector<1024x1xf32>
      tpu.vector_store %arg20[%swap3A_1076, %swap3A_1077], %add3A_1075 {strides = array<i32>} : memref<1024x1xf32, #tpu.memory_space<vmem>>, vector<1024x1xf32>,
    } else {
    }
    return
  }
  func.func @transform_0(%arg0: i32) -> (i32, i32, i32) {
    %c0_i32 = arith.constant 0 : i32
    %c0_i32_0 = arith.constant 0 : i32
    %c0_i32_1 = arith.constant 0 : i32
    return %arg0, %c0_i32, %c0_i32_0 : i32, i32, i32
  }
  func.func @transform_1(%arg0: i32) -> (i32, i32) {
    %c0_i32 = arith.constant 0 : i32
    %c0_i32_0 = arith.constant 0 : i32
    %c0_i32_1 = arith.constant 0 : i32
    return %c0_i32, %c0_i32_0 : i32, i32
  }
  func.func @transform_2(%arg0: i32) -> (i32, i32) {
    %c0_i32 = arith.constant 0 : i32
    %c0_i32_0 = arith.constant 0 : i32
    %c0_i32_1 = arith.constant 0 : i32
    return %c0_i32, %c0_i32_0 : i32, i32
  }
  func.func @transform_3(%arg0: i32) -> (i32, i32) {
    %c0_i32 = arith.constant 0 : i32
    %c0_i32_0 = arith.constant 0 : i32
    %c0_i32_1 = arith.constant 0 : i32
    return %c0_i32, %c0_i32_0 : i32, i32
  }
  func.func @transform_4(%arg0: i32) -> (i32, i32) {
    %c0_i32 = arith.constant 0 : i32
    %c0_i32_0 = arith.constant 0 : i32
    %c0_i32_1 = arith.constant 0 : i32
    return %c0_i32, %c0_i32_0 : i32, i32
  }
  func.func @transform_5(%arg0: i32) -> (i32, i32) {
    %c0_i32 = arith.constant 0 : i32
    %c0_i32_0 = arith.constant 0 : i32
    %c0_i32_1 = arith.constant 0 : i32
    return %c0_i32, %c0_i32_0 : i32, i32
  }
  func.func @transform_6(%arg0: i32) -> (i32, i32) {
    %c0_i32 = arith.constant 0 : i32
    %c0_i32_0 = arith.constant 0 : i32
    %c0_i32_1 = arith.constant 0 : i32
    return %c0_i32, %c0_i32_0 : i32, i32
  }
  func.func @transform_7(%arg0: i32) -> (i32, i32) {
    %c0_i32 = arith.constant 0 : i32
    %c0_i32_0 = arith.constant 0 : i32
    %c0_i32_1 = arith.constant 0 : i32
    return %c0_i32, %c0_i32_0 : i32, i32
  }
  func.func @transform_8(%arg0: i32) -> (i32, i32) {
    %c0_i32 = arith.constant 0 : i32
    %c0_i32_0 = arith.constant 0 : i32
    %c0_i32_1 = arith.constant 0 : i32
    return %c0_i32, %c0_i32_0 : i32, i32
  }
  func.func @transform_9(%arg0: i32) -> (i32, i32) {
    %c0_i32 = arith.constant 0 : i32
    %c0_i32_0 = arith.constant 0 : i32
    %c0_i32_1 = arith.constant 0 : i32
    return %c0_i32, %c0_i32_0 : i32, i32
  }
  func.func @transform_10(%arg0: i32) -> (i32, i32) {
    %c0_i32 = arith.constant 0 : i32
    %c0_i32_0 = arith.constant 0 : i32
    %c0_i32_1 = arith.constant 0 : i32
    return %c0_i32, %c0_i32_0 : i32, i32
  }
  func.func @transform_11(%arg0: i32) -> (i32, i32) {
    %c0_i32 = arith.constant 0 : i32
    %c0_i32_0 = arith.constant 0 : i32
    %c0_i32_1 = arith.constant 0 : i32
    return %c0_i32, %c0_i32_0 : i32, i32
  }
  func.func @transform_12(%arg0: i32) -> (i32, i32) {
    %c0_i32 = arith.constant 0 : i32
    %c0_i32_0 = arith.constant 0 : i32
    %c0_i32_1 = arith.constant 0 : i32
    return %c0_i32, %c0_i32_0 : i32, i32
  }
  func.func @transform_13(%arg0: i32) -> (i32, i32) {
    %c0_i32 = arith.constant 0 : i32
    %c0_i32_0 = arith.constant 0 : i32
    %c0_i32_1 = arith.constant 0 : i32
    return %c0_i32, %c0_i32_0 : i32, i32
  }
  func.func @transform_14(%arg0: i32) -> (i32, i32) {
    %c0_i32 = arith.constant 0 : i32
    %c0_i32_0 = arith.constant 0 : i32
    %c0_i32_1 = arith.constant 0 : i32
    return %c0_i32, %c0_i32_0 : i32, i32
  }
  func.func @transform_15(%arg0: i32) -> (i32, i32) {
    %c0_i32 = arith.constant 0 : i32
    %c0_i32_0 = arith.constant 0 : i32
    %c0_i32_1 = arith.constant 0 : i32
    return %c0_i32, %c0_i32_0 : i32, i32
  }
  func.func @transform_16(%arg0: i32) -> (i32, i32) {
    %c0_i32 = arith.constant 0 : i32
    %c0_i32_0 = arith.constant 0 : i32
    %c0_i32_1 = arith.constant 0 : i32
    return %c0_i32, %c0_i32_0 : i32, i32
  }
  func.func @transform_17(%arg0: i32) -> (i32, i32) {
    %c0_i32 = arith.constant 0 : i32
    %c0_i32_0 = arith.constant 0 : i32
    %c0_i32_1 = arith.constant 0 : i32
    return %c0_i32, %c0_i32_0 : i32, i32
  }
  func.func @transform_18(%arg0: i32) -> (i32, i32) {
    %c0_i32 = arith.constant 0 : i32
    %c0_i32_0 = arith.constant 0 : i32
    %c0_i32_1 = arith.constant 0 : i32
    return %c0_i32, %c0_i32_0 : i32, i32
  }
  func.func @transform_19(%arg0: i32) -> (i32, i32) {
    %c0_i32 = arith.constant 0 : i32
    %c0_i32_0 = arith.constant 0 : i32
    %c0_i32_1 = arith.constant 0 : i32
    return %c0_i32, %c0_i32_0 : i32, i32
  }
}

module attributes {stable_mosaic.version = 14 : i64} {
  func.func @_lstm_body(%arg0: i32, %arg1: memref<10x1024x128xf32, #tpu.memory_space<vmem>>, %arg2: memref<64x256xf32, #tpu.memory_space<vmem>>, %arg3: memref<64x256xf32, #tpu.memory_space<vmem>>, %arg4: memref<1x256xf32, #tpu.memory_space<vmem>>, %arg5: memref<64x256xf32, #tpu.memory_space<vmem>>, %arg6: memref<64x256xf32, #tpu.memory_space<vmem>>, %arg7: memref<1x256xf32, #tpu.memory_space<vmem>>, %arg8: memref<64x250xf32, #tpu.memory_space<vmem>>, %arg9: memref<1x250xf32, #tpu.memory_space<vmem>>, %arg10: memref<1x250xf32, #tpu.memory_space<vmem>>, %arg11: memref<1x1xf32, #tpu.memory_space<vmem>>, %arg12: memref<1024x64xf32, #tpu.memory_space<vmem>>, %arg13: memref<1024x64xf32, #tpu.memory_space<vmem>>, %arg14: memref<1024x64xf32, #tpu.memory_space<vmem>>, %arg15: memref<1024x64xf32, #tpu.memory_space<vmem>>, %arg16: memref<1024x64xf32, #tpu.memory_space<vmem>>, %arg17: memref<1024x64xf32, #tpu.memory_space<vmem>>, %arg18: memref<1024x64xf32, #tpu.memory_space<vmem>>, %arg19: memref<1024x64xf32, #tpu.memory_space<vmem>>, %arg20: memref<1024x1xf32, #tpu.memory_space<vmem>>, %arg21: memref<1024x64xf32, #tpu.memory_space<vmem>>, %arg22: memref<1024x64xf32, #tpu.memory_space<vmem>>, %arg23: memref<1024x64xf32, #tpu.memory_space<vmem>>, %arg24: memref<1024x64xf32, #tpu.memory_space<vmem>>) attributes {dimension_semantics = [#tpu.dimension_semantics<arbitrary>], iteration_bounds = array<i64: 4>, scalar_prefetch = 0 : i64, scratch_operands = 4 : i64, tpu.core_type = #tpu.core_type<tc>, window_params = [{transform_indices = @transform_0, window_bounds = array<i64: 10, 1024, 128>}, {pipeline_mode = #tpu.pipeline_mode<synchronous>, transform_indices = @transform_1, window_bounds = array<i64: 64, 256>}, {pipeline_mode = #tpu.pipeline_mode<synchronous>, transform_indices = @transform_2, window_bounds = array<i64: 64, 256>}, {pipeline_mode = #tpu.pipeline_mode<synchronous>, transform_indices = @transform_3, window_bounds = array<i64: 1, 256>}, {pipeline_mode = #tpu.pipeline_mode<synchronous>, transform_indices = @transform_4, window_bounds = array<i64: 64, 256>}, {pipeline_mode = #tpu.pipeline_mode<synchronous>, transform_indices = @transform_5, window_bounds = array<i64: 64, 256>}, {pipeline_mode = #tpu.pipeline_mode<synchronous>, transform_indices = @transform_6, window_bounds = array<i64: 1, 256>}, {pipeline_mode = #tpu.pipeline_mode<synchronous>, transform_indices = @transform_7, window_bounds = array<i64: 64, 250>}, {pipeline_mode = #tpu.pipeline_mode<synchronous>, transform_indices = @transform_8, window_bounds = array<i64: 1, 250>}, {pipeline_mode = #tpu.pipeline_mode<synchronous>, transform_indices = @transform_9, window_bounds = array<i64: 1, 250>}, {pipeline_mode = #tpu.pipeline_mode<synchronous>, transform_indices = @transform_10, window_bounds = array<i64: 1, 1>}, {pipeline_mode = #tpu.pipeline_mode<synchronous>, transform_indices = @transform_11, window_bounds = array<i64: 1024, 64>}, {pipeline_mode = #tpu.pipeline_mode<synchronous>, transform_indices = @transform_12, window_bounds = array<i64: 1024, 64>}, {pipeline_mode = #tpu.pipeline_mode<synchronous>, transform_indices = @transform_13, window_bounds = array<i64: 1024, 64>}, {pipeline_mode = #tpu.pipeline_mode<synchronous>, transform_indices = @transform_14, window_bounds = array<i64: 1024, 64>}, {pipeline_mode = #tpu.pipeline_mode<synchronous>, transform_indices = @transform_15, window_bounds = array<i64: 1024, 64>}, {pipeline_mode = #tpu.pipeline_mode<synchronous>, transform_indices = @transform_16, window_bounds = array<i64: 1024, 64>}, {pipeline_mode = #tpu.pipeline_mode<synchronous>, transform_indices = @transform_17, window_bounds = array<i64: 1024, 64>}, {pipeline_mode = #tpu.pipeline_mode<synchronous>, transform_indices = @transform_18, window_bounds = array<i64: 1024, 64>}, {pipeline_mode = #tpu.pipeline_mode<synchronous>, transform_indices = @transform_19, window_bounds = array<i64: 1024, 1>}]} {
    %eq3A = arith.constant 0 : i32
    %eq3A_0 = arith.cmpi eq, %arg0, %eq3A : i32
    %convert_element_type3A = arith.extui %eq3A_0 : i1 to i32
    %cond3A = arith.constant 0 : i32
    %cond3A_1 = arith.cmpi ne, %convert_element_type3A, %cond3A : i32
    scf.if %cond3A_1 {
      %get3A_1032 = arith.constant 0 : index
      %get3A_1033 = arith.constant 0 : index
      %get3A_1034 = vector.load %arg12[%get3A_1032, %get3A_1033] : memref<1024x64xf32, #tpu.memory_space<vmem>>, vector<1024x64xf32>
      %swap3A_1035 = arith.constant 0 : index
      %swap3A_1036 = arith.constant 0 : index
      %swap3A_1037 = vector.load %arg21[%swap3A_1035, %swap3A_1036] : memref<1024x64xf32, #tpu.memory_space<vmem>>, vector<1024x64xf32>
      tpu.vector_store %arg21[%swap3A_1035, %swap3A_1036], %get3A_1034 {strides = array<i32>} : memref<1024x64xf32, #tpu.memory_space<vmem>>, vector<1024x64xf32>,
      %get3A_1038 = arith.constant 0 : index
      %get3A_1039 = arith.constant 0 : index
      %get3A_1040 = vector.load %arg13[%get3A_1038, %get3A_1039] : memref<1024x64xf32, #tpu.memory_space<vmem>>, vector<1024x64xf32>
      %swap3A_1041 = arith.constant 0 : index
      %swap3A_1042 = arith.constant 0 : index
      %swap3A_1043 = vector.load %arg22[%swap3A_1041, %swap3A_1042] : memref<1024x64xf32, #tpu.memory_space<vmem>>, vector<1024x64xf32>
      tpu.vector_store %arg22[%swap3A_1041, %swap3A_1042], %get3A_1040 {strides = array<i32>} : memref<1024x64xf32, #tpu.memory_space<vmem>>, vector<1024x64xf32>,
      %get3A_1044 = arith.constant 0 : index
      %get3A_1045 = arith.constant 0 : index
      %get3A_1046 = vector.load %arg14[%get3A_1044, %get3A_1045] : memref<1024x64xf32, #tpu.memory_space<vmem>>, vector<1024x64xf32>
      %swap3A_1047 = arith.constant 0 : index
      %swap3A_1048 = arith.constant 0 : index
      %swap3A_1049 = vector.load %arg23[%swap3A_1047, %swap3A_1048] : memref<1024x64xf32, #tpu.memory_space<vmem>>, vector<1024x64xf32>
      tpu.vector_store %arg23[%swap3A_1047, %swap3A_1048], %get3A_1046 {strides = array<i32>} : memref<1024x64xf32, #tpu.memory_space<vmem>>, vector<1024x64xf32>,
      %get3A_1050 = arith.constant 0 : index
      %get3A_1051 = arith.constant 0 : index
      %get3A_1052 = vector.load %arg15[%get3A_1050, %get3A_1051] : memref<1024x64xf32, #tpu.memory_space<vmem>>, vector<1024x64xf32>
      %swap3A_1053 = arith.constant 0 : index
      %swap3A_1054 = arith.constant 0 : index
      %swap3A_1055 = vector.load %arg24[%swap3A_1053, %swap3A_1054] : memref<1024x64xf32, #tpu.memory_space<vmem>>, vector<1024x64xf32>
      tpu.vector_store %arg24[%swap3A_1053, %swap3A_1054], %get3A_1052 {strides = array<i32>} : memref<1024x64xf32, #tpu.memory_space<vmem>>, vector<1024x64xf32>,
    } else {
    }
    %get3A = arith.constant 0 : index
    %get3A_2 = arith.constant 0 : index
    %get3A_3 = vector.load %arg2[%get3A, %get3A_2] : memref<64x256xf32, #tpu.memory_space<vmem>>, vector<64x256xf32>
    %get3A_4 = arith.constant 0 : index
    %get3A_5 = arith.constant 0 : index
    %get3A_6 = vector.load %arg3[%get3A_4, %get3A_5] : memref<64x256xf32, #tpu.memory_space<vmem>>, vector<64x256xf32>
    %get3A_7 = arith.constant 0 : index
    %get3A_8 = arith.constant 0 : index
    %get3A_9 = vector.load %arg4[%get3A_7, %get3A_8] : memref<1x256xf32, #tpu.memory_space<vmem>>, vector<1x256xf32>
    %get3A_10 = arith.constant 0 : index
    %get3A_11 = arith.constant 0 : index
    %get3A_12 = vector.load %arg5[%get3A_10, %get3A_11] : memref<64x256xf32, #tpu.memory_space<vmem>>, vector<64x256xf32>
    %get3A_13 = arith.constant 0 : index
    %get3A_14 = arith.constant 0 : index
    %get3A_15 = vector.load %arg6[%get3A_13, %get3A_14] : memref<64x256xf32, #tpu.memory_space<vmem>>, vector<64x256xf32>
    %get3A_16 = arith.constant 0 : index
    %get3A_17 = arith.constant 0 : index
    %get3A_18 = vector.load %arg7[%get3A_16, %get3A_17] : memref<1x256xf32, #tpu.memory_space<vmem>>, vector<1x256xf32>
    %get3A_19 = arith.constant 0 : index
    %get3A_20 = arith.constant 0 : index
    %get3A_21 = vector.load %arg21[%get3A_19, %get3A_20] : memref<1024x64xf32, #tpu.memory_space<vmem>>, vector<1024x64xf32>
    %get3A_22 = arith.constant 0 : index
    %get3A_23 = arith.constant 0 : index
    %get3A_24 = vector.load %arg22[%get3A_22, %get3A_23] : memref<1024x64xf32, #tpu.memory_space<vmem>>, vector<1024x64xf32>
    %get3A_25 = arith.constant 0 : index
    %get3A_26 = arith.constant 0 : index
    %get3A_27 = vector.load %arg23[%get3A_25, %get3A_26] : memref<1024x64xf32, #tpu.memory_space<vmem>>, vector<1024x64xf32>
    %get3A_28 = arith.constant 0 : index
    %get3A_29 = arith.constant 0 : index
    %get3A_30 = vector.load %arg24[%get3A_28, %get3A_29] : memref<1024x64xf32, #tpu.memory_space<vmem>>, vector<1024x64xf32>
    %get3A_31 = arith.constant 0 : index
    %get3A_32 = arith.constant 0 : index
    %get3A_33 = arith.constant 0 : index
    %get3A_34 = vector.load %arg1[%get3A_31, %get3A_32, %get3A_33] : memref<10x1024x128xf32, #tpu.memory_space<vmem>>, vector<1x1024x64xf32>
    %get3A_35 = vector.shape_cast %get3A_34 : vector<1x1024x64xf32> to vector<1024x64xf32>
    %dot_general3A = arith.constant dense<0.000000e+00> : vector<1024x256xf32>
    %dot_general3A_36 = tpu.matmul %get3A_35, %get3A_3, %dot_general3A {dimension_numbers = #tpu.dot_dimension_numbers<[1], [0], [0], [1], [0, 0, 1, 1], [], []>, transpose_lhs_hint = false} : vector<1024x64xf32>, vector<64x256xf32>, vector<1024x256xf32> -> vector<1024x256xf32>
    %dot_general3A_37 = arith.constant dense<0.000000e+00> : vector<1024x256xf32>
    %dot_general3A_38 = tpu.matmul %get3A_21, %get3A_6, %dot_general3A_37 {dimension_numbers = #tpu.dot_dimension_numbers<[1], [0], [0], [1], [0, 0, 1, 1], [], []>, transpose_lhs_hint = false} : vector<1024x64xf32>, vector<64x256xf32>, vector<1024x256xf32> -> vector<1024x256xf32>
    %add3A = arith.addf %dot_general3A_36, %dot_general3A_38 : vector<1024x256xf32>
    %add3A_39 = vector.broadcast %get3A_9 : vector<1x256xf32> to vector<1024x256xf32>
    %add3A_40 = arith.addf %add3A, %add3A_39 : vector<1024x256xf32>
    %slice3A = vector.extract_strided_slice %add3A_40 {offsets = [0, 0], sizes = [1024, 64], strides = [1, 1]} : vector<1024x256xf32> to vector<1024x64xf32>
    %mul3A = arith.constant 5.000000e-01 : f32
    %mul3A_41 = vector.broadcast %mul3A : f32 to vector<1024x64xf32>
    %mul3A_42 = arith.mulf %mul3A_41, %slice3A : vector<1024x64xf32>
    %tanh3A = math.tanh %mul3A_42 : vector<1024x64xf32>
    %mul3A_43 = arith.constant 5.000000e-01 : f32
    %mul3A_44 = vector.broadcast %mul3A_43 : f32 to vector<1024x64xf32>
    %mul3A_45 = arith.mulf %mul3A_44, %tanh3A : vector<1024x64xf32>
    %add3A_46 = arith.constant 5.000000e-01 : f32
    %add3A_47 = vector.broadcast %add3A_46 : f32 to vector<1024x64xf32>
    %add3A_48 = arith.addf %mul3A_45, %add3A_47 : vector<1024x64xf32>
    %slice3A_49 = vector.extract_strided_slice %add3A_40 {offsets = [0, 64], sizes = [1024, 64], strides = [1, 1]} : vector<1024x256xf32> to vector<1024x64xf32>
    %mul3A_50 = arith.constant 5.000000e-01 : f32
    %mul3A_51 = vector.broadcast %mul3A_50 : f32 to vector<1024x64xf32>
    %mul3A_52 = arith.mulf %mul3A_51, %slice3A_49 : vector<1024x64xf32>
    %tanh3A_53 = math.tanh %mul3A_52 : vector<1024x64xf32>
    %mul3A_54 = arith.constant 5.000000e-01 : f32
    %mul3A_55 = vector.broadcast %mul3A_54 : f32 to vector<1024x64xf32>
    %mul3A_56 = arith.mulf %mul3A_55, %tanh3A_53 : vector<1024x64xf32>
    %add3A_57 = arith.constant 5.000000e-01 : f32
    %add3A_58 = vector.broadcast %add3A_57 : f32 to vector<1024x64xf32>
    %add3A_59 = arith.addf %mul3A_56, %add3A_58 : vector<1024x64xf32>
    %slice3A_60 = vector.extract_strided_slice %add3A_40 {offsets = [0, 128], sizes = [1024, 64], strides = [1, 1]} : vector<1024x256xf32> to vector<1024x64xf32>
    %tanh3A_61 = math.tanh %slice3A_60 : vector<1024x64xf32>
    %slice3A_62 = vector.extract_strided_slice %add3A_40 {offsets = [0, 192], sizes = [1024, 64], strides = [1, 1]} : vector<1024x256xf32> to vector<1024x64xf32>
    %mul3A_63 = arith.constant 5.000000e-01 : f32
    %mul3A_64 = vector.broadcast %mul3A_63 : f32 to vector<1024x64xf32>
    %mul3A_65 = arith.mulf %mul3A_64, %slice3A_62 : vector<1024x64xf32>
    %tanh3A_66 = math.tanh %mul3A_65 : vector<1024x64xf32>
    %mul3A_67 = arith.constant 5.000000e-01 : f32
    %mul3A_68 = vector.broadcast %mul3A_67 : f32 to vector<1024x64xf32>
    %mul3A_69 = arith.mulf %mul3A_68, %tanh3A_66 : vector<1024x64xf32>
    %add3A_70 = arith.constant 5.000000e-01 : f32
    %add3A_71 = vector.broadcast %add3A_70 : f32 to vector<1024x64xf32>
    %add3A_72 = arith.addf %mul3A_69, %add3A_71 : vector<1024x64xf32>
    %mul3A_73 = arith.mulf %add3A_59, %get3A_24 : vector<1024x64xf32>
    %mul3A_74 = arith.mulf %add3A_48, %tanh3A_61 : vector<1024x64xf32>
    %add3A_75 = arith.addf %mul3A_73, %mul3A_74 : vector<1024x64xf32>
    %tanh3A_76 = math.tanh %add3A_75 : vector<1024x64xf32>
    %mul3A_77 = arith.mulf %add3A_72, %tanh3A_76 : vector<1024x64xf32>
    %dot_general3A_78 = arith.constant dense<0.000000e+00> : vector<1024x256xf32>
    %dot_general3A_79 = tpu.matmul %mul3A_77, %get3A_12, %dot_general3A_78 {dimension_numbers = #tpu.dot_dimension_numbers<[1], [0], [0], [1], [0, 0, 1, 1], [], []>, transpose_lhs_hint = false} : vector<1024x64xf32>, vector<64x256xf32>, vector<1024x256xf32> -> vector<1024x256xf32>
    %dot_general3A_80 = arith.constant dense<0.000000e+00> : vector<1024x256xf32>
    %dot_general3A_81 = tpu.matmul %get3A_27, %get3A_15, %dot_general3A_80 {dimension_numbers = #tpu.dot_dimension_numbers<[1], [0], [0], [1], [0, 0, 1, 1], [], []>, transpose_lhs_hint = false} : vector<1024x64xf32>, vector<64x256xf32>, vector<1024x256xf32> -> vector<1024x256xf32>
    %add3A_82 = arith.addf %dot_general3A_79, %dot_general3A_81 : vector<1024x256xf32>
    %add3A_83 = vector.broadcast %get3A_18 : vector<1x256xf32> to vector<1024x256xf32>
    %add3A_84 = arith.addf %add3A_82, %add3A_83 : vector<1024x256xf32>
    %slice3A_85 = vector.extract_strided_slice %add3A_84 {offsets = [0, 0], sizes = [1024, 64], strides = [1, 1]} : vector<1024x256xf32> to vector<1024x64xf32>
    %mul3A_86 = arith.constant 5.000000e-01 : f32
    %mul3A_87 = vector.broadcast %mul3A_86 : f32 to vector<1024x64xf32>
    %mul3A_88 = arith.mulf %mul3A_87, %slice3A_85 : vector<1024x64xf32>
    %tanh3A_89 = math.tanh %mul3A_88 : vector<1024x64xf32>
    %mul3A_90 = arith.constant 5.000000e-01 : f32
    %mul3A_91 = vector.broadcast %mul3A_90 : f32 to vector<1024x64xf32>
    %mul3A_92 = arith.mulf %mul3A_91, %tanh3A_89 : vector<1024x64xf32>
    %add3A_93 = arith.constant 5.000000e-01 : f32
    %add3A_94 = vector.broadcast %add3A_93 : f32 to vector<1024x64xf32>
    %add3A_95 = arith.addf %mul3A_92, %add3A_94 : vector<1024x64xf32>
    %slice3A_96 = vector.extract_strided_slice %add3A_84 {offsets = [0, 64], sizes = [1024, 64], strides = [1, 1]} : vector<1024x256xf32> to vector<1024x64xf32>
    %mul3A_97 = arith.constant 5.000000e-01 : f32
    %mul3A_98 = vector.broadcast %mul3A_97 : f32 to vector<1024x64xf32>
    %mul3A_99 = arith.mulf %mul3A_98, %slice3A_96 : vector<1024x64xf32>
    %tanh3A_100 = math.tanh %mul3A_99 : vector<1024x64xf32>
    %mul3A_101 = arith.constant 5.000000e-01 : f32
    %mul3A_102 = vector.broadcast %mul3A_101 : f32 to vector<1024x64xf32>
    %mul3A_103 = arith.mulf %mul3A_102, %tanh3A_100 : vector<1024x64xf32>
    %add3A_104 = arith.constant 5.000000e-01 : f32
    %add3A_105 = vector.broadcast %add3A_104 : f32 to vector<1024x64xf32>
    %add3A_106 = arith.addf %mul3A_103, %add3A_105 : vector<1024x64xf32>
    %slice3A_107 = vector.extract_strided_slice %add3A_84 {offsets = [0, 128], sizes = [1024, 64], strides = [1, 1]} : vector<1024x256xf32> to vector<1024x64xf32>
    %tanh3A_108 = math.tanh %slice3A_107 : vector<1024x64xf32>
    %slice3A_109 = vector.extract_strided_slice %add3A_84 {offsets = [0, 192], sizes = [1024, 64], strides = [1, 1]} : vector<1024x256xf32> to vector<1024x64xf32>
    %mul3A_110 = arith.constant 5.000000e-01 : f32
    %mul3A_111 = vector.broadcast %mul3A_110 : f32 to vector<1024x64xf32>
    %mul3A_112 = arith.mulf %mul3A_111, %slice3A_109 : vector<1024x64xf32>
    %tanh3A_113 = math.tanh %mul3A_112 : vector<1024x64xf32>
    %mul3A_114 = arith.constant 5.000000e-01 : f32
    %mul3A_115 = vector.broadcast %mul3A_114 : f32 to vector<1024x64xf32>
    %mul3A_116 = arith.mulf %mul3A_115, %tanh3A_113 : vector<1024x64xf32>
    %add3A_117 = arith.constant 5.000000e-01 : f32
    %add3A_118 = vector.broadcast %add3A_117 : f32 to vector<1024x64xf32>
    %add3A_119 = arith.addf %mul3A_116, %add3A_118 : vector<1024x64xf32>
    %mul3A_120 = arith.mulf %add3A_106, %get3A_30 : vector<1024x64xf32>
    %mul3A_121 = arith.mulf %add3A_95, %tanh3A_108 : vector<1024x64xf32>
    %add3A_122 = arith.addf %mul3A_120, %mul3A_121 : vector<1024x64xf32>
    %tanh3A_123 = math.tanh %add3A_122 : vector<1024x64xf32>
    %mul3A_124 = arith.mulf %add3A_119, %tanh3A_123 : vector<1024x64xf32>
    %get3A_125 = arith.constant 1 : index
    %get3A_126 = arith.constant 0 : index
    %get3A_127 = arith.constant 0 : index
    %get3A_128 = vector.load %arg1[%get3A_125, %get3A_126, %get3A_127] : memref<10x1024x128xf32, #tpu.memory_space<vmem>>, vector<1x1024x64xf32>
    %get3A_129 = vector.shape_cast %get3A_128 : vector<1x1024x64xf32> to vector<1024x64xf32>
    %dot_general3A_130 = arith.constant dense<0.000000e+00> : vector<1024x256xf32>
    %dot_general3A_131 = tpu.matmul %get3A_129, %get3A_3, %dot_general3A_130 {dimension_numbers = #tpu.dot_dimension_numbers<[1], [0], [0], [1], [0, 0, 1, 1], [], []>, transpose_lhs_hint = false} : vector<1024x64xf32>, vector<64x256xf32>, vector<1024x256xf32> -> vector<1024x256xf32>
    %dot_general3A_132 = arith.constant dense<0.000000e+00> : vector<1024x256xf32>
    %dot_general3A_133 = tpu.matmul %mul3A_77, %get3A_6, %dot_general3A_132 {dimension_numbers = #tpu.dot_dimension_numbers<[1], [0], [0], [1], [0, 0, 1, 1], [], []>, transpose_lhs_hint = false} : vector<1024x64xf32>, vector<64x256xf32>, vector<1024x256xf32> -> vector<1024x256xf32>
    %add3A_134 = arith.addf %dot_general3A_131, %dot_general3A_133 : vector<1024x256xf32>
    %add3A_135 = vector.broadcast %get3A_9 : vector<1x256xf32> to vector<1024x256xf32>
    %add3A_136 = arith.addf %add3A_134, %add3A_135 : vector<1024x256xf32>
    %slice3A_137 = vector.extract_strided_slice %add3A_136 {offsets = [0, 0], sizes = [1024, 64], strides = [1, 1]} : vector<1024x256xf32> to vector<1024x64xf32>
    %mul3A_138 = arith.constant 5.000000e-01 : f32
    %mul3A_139 = vector.broadcast %mul3A_138 : f32 to vector<1024x64xf32>
    %mul3A_140 = arith.mulf %mul3A_139, %slice3A_137 : vector<1024x64xf32>
    %tanh3A_141 = math.tanh %mul3A_140 : vector<1024x64xf32>
    %mul3A_142 = arith.constant 5.000000e-01 : f32
    %mul3A_143 = vector.broadcast %mul3A_142 : f32 to vector<1024x64xf32>
    %mul3A_144 = arith.mulf %mul3A_143, %tanh3A_141 : vector<1024x64xf32>
    %add3A_145 = arith.constant 5.000000e-01 : f32
    %add3A_146 = vector.broadcast %add3A_145 : f32 to vector<1024x64xf32>
    %add3A_147 = arith.addf %mul3A_144, %add3A_146 : vector<1024x64xf32>
    %slice3A_148 = vector.extract_strided_slice %add3A_136 {offsets = [0, 64], sizes = [1024, 64], strides = [1, 1]} : vector<1024x256xf32> to vector<1024x64xf32>
    %mul3A_149 = arith.constant 5.000000e-01 : f32
    %mul3A_150 = vector.broadcast %mul3A_149 : f32 to vector<1024x64xf32>
    %mul3A_151 = arith.mulf %mul3A_150, %slice3A_148 : vector<1024x64xf32>
    %tanh3A_152 = math.tanh %mul3A_151 : vector<1024x64xf32>
    %mul3A_153 = arith.constant 5.000000e-01 : f32
    %mul3A_154 = vector.broadcast %mul3A_153 : f32 to vector<1024x64xf32>
    %mul3A_155 = arith.mulf %mul3A_154, %tanh3A_152 : vector<1024x64xf32>
    %add3A_156 = arith.constant 5.000000e-01 : f32
    %add3A_157 = vector.broadcast %add3A_156 : f32 to vector<1024x64xf32>
    %add3A_158 = arith.addf %mul3A_155, %add3A_157 : vector<1024x64xf32>
    %slice3A_159 = vector.extract_strided_slice %add3A_136 {offsets = [0, 128], sizes = [1024, 64], strides = [1, 1]} : vector<1024x256xf32> to vector<1024x64xf32>
    %tanh3A_160 = math.tanh %slice3A_159 : vector<1024x64xf32>
    %slice3A_161 = vector.extract_strided_slice %add3A_136 {offsets = [0, 192], sizes = [1024, 64], strides = [1, 1]} : vector<1024x256xf32> to vector<1024x64xf32>
    %mul3A_162 = arith.constant 5.000000e-01 : f32
    %mul3A_163 = vector.broadcast %mul3A_162 : f32 to vector<1024x64xf32>
    %mul3A_164 = arith.mulf %mul3A_163, %slice3A_161 : vector<1024x64xf32>
    %tanh3A_165 = math.tanh %mul3A_164 : vector<1024x64xf32>
    %mul3A_166 = arith.constant 5.000000e-01 : f32
    %mul3A_167 = vector.broadcast %mul3A_166 : f32 to vector<1024x64xf32>
    %mul3A_168 = arith.mulf %mul3A_167, %tanh3A_165 : vector<1024x64xf32>
    %add3A_169 = arith.constant 5.000000e-01 : f32
    %add3A_170 = vector.broadcast %add3A_169 : f32 to vector<1024x64xf32>
    %add3A_171 = arith.addf %mul3A_168, %add3A_170 : vector<1024x64xf32>
    %mul3A_172 = arith.mulf %add3A_158, %add3A_75 : vector<1024x64xf32>
    %mul3A_173 = arith.mulf %add3A_147, %tanh3A_160 : vector<1024x64xf32>
    %add3A_174 = arith.addf %mul3A_172, %mul3A_173 : vector<1024x64xf32>
    %tanh3A_175 = math.tanh %add3A_174 : vector<1024x64xf32>
    %mul3A_176 = arith.mulf %add3A_171, %tanh3A_175 : vector<1024x64xf32>
    %dot_general3A_177 = arith.constant dense<0.000000e+00> : vector<1024x256xf32>
    %dot_general3A_178 = tpu.matmul %mul3A_176, %get3A_12, %dot_general3A_177 {dimension_numbers = #tpu.dot_dimension_numbers<[1], [0], [0], [1], [0, 0, 1, 1], [], []>, transpose_lhs_hint = false} : vector<1024x64xf32>, vector<64x256xf32>, vector<1024x256xf32> -> vector<1024x256xf32>
    %dot_general3A_179 = arith.constant dense<0.000000e+00> : vector<1024x256xf32>
    %dot_general3A_180 = tpu.matmul %mul3A_124, %get3A_15, %dot_general3A_179 {dimension_numbers = #tpu.dot_dimension_numbers<[1], [0], [0], [1], [0, 0, 1, 1], [], []>, transpose_lhs_hint = false} : vector<1024x64xf32>, vector<64x256xf32>, vector<1024x256xf32> -> vector<1024x256xf32>
    %add3A_181 = arith.addf %dot_general3A_178, %dot_general3A_180 : vector<1024x256xf32>
    %add3A_182 = vector.broadcast %get3A_18 : vector<1x256xf32> to vector<1024x256xf32>
    %add3A_183 = arith.addf %add3A_181, %add3A_182 : vector<1024x256xf32>
    %slice3A_184 = vector.extract_strided_slice %add3A_183 {offsets = [0, 0], sizes = [1024, 64], strides = [1, 1]} : vector<1024x256xf32> to vector<1024x64xf32>
    %mul3A_185 = arith.constant 5.000000e-01 : f32
    %mul3A_186 = vector.broadcast %mul3A_185 : f32 to vector<1024x64xf32>
    %mul3A_187 = arith.mulf %mul3A_186, %slice3A_184 : vector<1024x64xf32>
    %tanh3A_188 = math.tanh %mul3A_187 : vector<1024x64xf32>
    %mul3A_189 = arith.constant 5.000000e-01 : f32
    %mul3A_190 = vector.broadcast %mul3A_189 : f32 to vector<1024x64xf32>
    %mul3A_191 = arith.mulf %mul3A_190, %tanh3A_188 : vector<1024x64xf32>
    %add3A_192 = arith.constant 5.000000e-01 : f32
    %add3A_193 = vector.broadcast %add3A_192 : f32 to vector<1024x64xf32>
    %add3A_194 = arith.addf %mul3A_191, %add3A_193 : vector<1024x64xf32>
    %slice3A_195 = vector.extract_strided_slice %add3A_183 {offsets = [0, 64], sizes = [1024, 64], strides = [1, 1]} : vector<1024x256xf32> to vector<1024x64xf32>
    %mul3A_196 = arith.constant 5.000000e-01 : f32
    %mul3A_197 = vector.broadcast %mul3A_196 : f32 to vector<1024x64xf32>
    %mul3A_198 = arith.mulf %mul3A_197, %slice3A_195 : vector<1024x64xf32>
    %tanh3A_199 = math.tanh %mul3A_198 : vector<1024x64xf32>
    %mul3A_200 = arith.constant 5.000000e-01 : f32
    %mul3A_201 = vector.broadcast %mul3A_200 : f32 to vector<1024x64xf32>
    %mul3A_202 = arith.mulf %mul3A_201, %tanh3A_199 : vector<1024x64xf32>
    %add3A_203 = arith.constant 5.000000e-01 : f32
    %add3A_204 = vector.broadcast %add3A_203 : f32 to vector<1024x64xf32>
    %add3A_205 = arith.addf %mul3A_202, %add3A_204 : vector<1024x64xf32>
    %slice3A_206 = vector.extract_strided_slice %add3A_183 {offsets = [0, 128], sizes = [1024, 64], strides = [1, 1]} : vector<1024x256xf32> to vector<1024x64xf32>
    %tanh3A_207 = math.tanh %slice3A_206 : vector<1024x64xf32>
    %slice3A_208 = vector.extract_strided_slice %add3A_183 {offsets = [0, 192], sizes = [1024, 64], strides = [1, 1]} : vector<1024x256xf32> to vector<1024x64xf32>
    %mul3A_209 = arith.constant 5.000000e-01 : f32
    %mul3A_210 = vector.broadcast %mul3A_209 : f32 to vector<1024x64xf32>
    %mul3A_211 = arith.mulf %mul3A_210, %slice3A_208 : vector<1024x64xf32>
    %tanh3A_212 = math.tanh %mul3A_211 : vector<1024x64xf32>
    %mul3A_213 = arith.constant 5.000000e-01 : f32
    %mul3A_214 = vector.broadcast %mul3A_213 : f32 to vector<1024x64xf32>
    %mul3A_215 = arith.mulf %mul3A_214, %tanh3A_212 : vector<1024x64xf32>
    %add3A_216 = arith.constant 5.000000e-01 : f32
    %add3A_217 = vector.broadcast %add3A_216 : f32 to vector<1024x64xf32>
    %add3A_218 = arith.addf %mul3A_215, %add3A_217 : vector<1024x64xf32>
    %mul3A_219 = arith.mulf %add3A_205, %add3A_122 : vector<1024x64xf32>
    %mul3A_220 = arith.mulf %add3A_194, %tanh3A_207 : vector<1024x64xf32>
    %add3A_221 = arith.addf %mul3A_219, %mul3A_220 : vector<1024x64xf32>
    %tanh3A_222 = math.tanh %add3A_221 : vector<1024x64xf32>
    %mul3A_223 = arith.mulf %add3A_218, %tanh3A_222 : vector<1024x64xf32>
    %get3A_224 = arith.constant 2 : index
    %get3A_225 = arith.constant 0 : index
    %get3A_226 = arith.constant 0 : index
    %get3A_227 = vector.load %arg1[%get3A_224, %get3A_225, %get3A_226] : memref<10x1024x128xf32, #tpu.memory_space<vmem>>, vector<1x1024x64xf32>
    %get3A_228 = vector.shape_cast %get3A_227 : vector<1x1024x64xf32> to vector<1024x64xf32>
    %dot_general3A_229 = arith.constant dense<0.000000e+00> : vector<1024x256xf32>
    %dot_general3A_230 = tpu.matmul %get3A_228, %get3A_3, %dot_general3A_229 {dimension_numbers = #tpu.dot_dimension_numbers<[1], [0], [0], [1], [0, 0, 1, 1], [], []>, transpose_lhs_hint = false} : vector<1024x64xf32>, vector<64x256xf32>, vector<1024x256xf32> -> vector<1024x256xf32>
    %dot_general3A_231 = arith.constant dense<0.000000e+00> : vector<1024x256xf32>
    %dot_general3A_232 = tpu.matmul %mul3A_176, %get3A_6, %dot_general3A_231 {dimension_numbers = #tpu.dot_dimension_numbers<[1], [0], [0], [1], [0, 0, 1, 1], [], []>, transpose_lhs_hint = false} : vector<1024x64xf32>, vector<64x256xf32>, vector<1024x256xf32> -> vector<1024x256xf32>
    %add3A_233 = arith.addf %dot_general3A_230, %dot_general3A_232 : vector<1024x256xf32>
    %add3A_234 = vector.broadcast %get3A_9 : vector<1x256xf32> to vector<1024x256xf32>
    %add3A_235 = arith.addf %add3A_233, %add3A_234 : vector<1024x256xf32>
    %slice3A_236 = vector.extract_strided_slice %add3A_235 {offsets = [0, 0], sizes = [1024, 64], strides = [1, 1]} : vector<1024x256xf32> to vector<1024x64xf32>
    %mul3A_237 = arith.constant 5.000000e-01 : f32
    %mul3A_238 = vector.broadcast %mul3A_237 : f32 to vector<1024x64xf32>
    %mul3A_239 = arith.mulf %mul3A_238, %slice3A_236 : vector<1024x64xf32>
    %tanh3A_240 = math.tanh %mul3A_239 : vector<1024x64xf32>
    %mul3A_241 = arith.constant 5.000000e-01 : f32
    %mul3A_242 = vector.broadcast %mul3A_241 : f32 to vector<1024x64xf32>
    %mul3A_243 = arith.mulf %mul3A_242, %tanh3A_240 : vector<1024x64xf32>
    %add3A_244 = arith.constant 5.000000e-01 : f32
    %add3A_245 = vector.broadcast %add3A_244 : f32 to vector<1024x64xf32>
    %add3A_246 = arith.addf %mul3A_243, %add3A_245 : vector<1024x64xf32>
    %slice3A_247 = vector.extract_strided_slice %add3A_235 {offsets = [0, 64], sizes = [1024, 64], strides = [1, 1]} : vector<1024x256xf32> to vector<1024x64xf32>
    %mul3A_248 = arith.constant 5.000000e-01 : f32
    %mul3A_249 = vector.broadcast %mul3A_248 : f32 to vector<1024x64xf32>
    %mul3A_250 = arith.mulf %mul3A_249, %slice3A_247 : vector<1024x64xf32>
    %tanh3A_251 = math.tanh %mul3A_250 : vector<1024x64xf32>
    %mul3A_252 = arith.constant 5.000000e-01 : f32
    %mul3A_253 = vector.broadcast %mul3A_252 : f32 to vector<1024x64xf32>
    %mul3A_254 = arith.mulf %mul3A_253, %tanh3A_251 : vector<1024x64xf32>
    %add3A_255 = arith.constant 5.000000e-01 : f32
    %add3A_256 = vector.broadcast %add3A_255 : f32 to vector<1024x64xf32>
    %add3A_257 = arith.addf %mul3A_254, %add3A_256 : vector<1024x64xf32>
    %slice3A_258 = vector.extract_strided_slice %add3A_235 {offsets = [0, 128], sizes = [1024, 64], strides = [1, 1]} : vector<1024x256xf32> to vector<1024x64xf32>
    %tanh3A_259 = math.tanh %slice3A_258 : vector<1024x64xf32>
    %slice3A_260 = vector.extract_strided_slice %add3A_235 {offsets = [0, 192], sizes = [1024, 64], strides = [1, 1]} : vector<1024x256xf32> to vector<1024x64xf32>
    %mul3A_261 = arith.constant 5.000000e-01 : f32
    %mul3A_262 = vector.broadcast %mul3A_261 : f32 to vector<1024x64xf32>
    %mul3A_263 = arith.mulf %mul3A_262, %slice3A_260 : vector<1024x64xf32>
    %tanh3A_264 = math.tanh %mul3A_263 : vector<1024x64xf32>
    %mul3A_265 = arith.constant 5.000000e-01 : f32
    %mul3A_266 = vector.broadcast %mul3A_265 : f32 to vector<1024x64xf32>
    %mul3A_267 = arith.mulf %mul3A_266, %tanh3A_264 : vector<1024x64xf32>
    %add3A_268 = arith.constant 5.000000e-01 : f32
    %add3A_269 = vector.broadcast %add3A_268 : f32 to vector<1024x64xf32>
    %add3A_270 = arith.addf %mul3A_267, %add3A_269 : vector<1024x64xf32>
    %mul3A_271 = arith.mulf %add3A_257, %add3A_174 : vector<1024x64xf32>
    %mul3A_272 = arith.mulf %add3A_246, %tanh3A_259 : vector<1024x64xf32>
    %add3A_273 = arith.addf %mul3A_271, %mul3A_272 : vector<1024x64xf32>
    %tanh3A_274 = math.tanh %add3A_273 : vector<1024x64xf32>
    %mul3A_275 = arith.mulf %add3A_270, %tanh3A_274 : vector<1024x64xf32>
    %dot_general3A_276 = arith.constant dense<0.000000e+00> : vector<1024x256xf32>
    %dot_general3A_277 = tpu.matmul %mul3A_275, %get3A_12, %dot_general3A_276 {dimension_numbers = #tpu.dot_dimension_numbers<[1], [0], [0], [1], [0, 0, 1, 1], [], []>, transpose_lhs_hint = false} : vector<1024x64xf32>, vector<64x256xf32>, vector<1024x256xf32> -> vector<1024x256xf32>
    %dot_general3A_278 = arith.constant dense<0.000000e+00> : vector<1024x256xf32>
    %dot_general3A_279 = tpu.matmul %mul3A_223, %get3A_15, %dot_general3A_278 {dimension_numbers = #tpu.dot_dimension_numbers<[1], [0], [0], [1], [0, 0, 1, 1], [], []>, transpose_lhs_hint = false} : vector<1024x64xf32>, vector<64x256xf32>, vector<1024x256xf32> -> vector<1024x256xf32>
    %add3A_280 = arith.addf %dot_general3A_277, %dot_general3A_279 : vector<1024x256xf32>
    %add3A_281 = vector.broadcast %get3A_18 : vector<1x256xf32> to vector<1024x256xf32>
    %add3A_282 = arith.addf %add3A_280, %add3A_281 : vector<1024x256xf32>
    %slice3A_283 = vector.extract_strided_slice %add3A_282 {offsets = [0, 0], sizes = [1024, 64], strides = [1, 1]} : vector<1024x256xf32> to vector<1024x64xf32>
    %mul3A_284 = arith.constant 5.000000e-01 : f32
    %mul3A_285 = vector.broadcast %mul3A_284 : f32 to vector<1024x64xf32>
    %mul3A_286 = arith.mulf %mul3A_285, %slice3A_283 : vector<1024x64xf32>
    %tanh3A_287 = math.tanh %mul3A_286 : vector<1024x64xf32>
    %mul3A_288 = arith.constant 5.000000e-01 : f32
    %mul3A_289 = vector.broadcast %mul3A_288 : f32 to vector<1024x64xf32>
    %mul3A_290 = arith.mulf %mul3A_289, %tanh3A_287 : vector<1024x64xf32>
    %add3A_291 = arith.constant 5.000000e-01 : f32
    %add3A_292 = vector.broadcast %add3A_291 : f32 to vector<1024x64xf32>
    %add3A_293 = arith.addf %mul3A_290, %add3A_292 : vector<1024x64xf32>
    %slice3A_294 = vector.extract_strided_slice %add3A_282 {offsets = [0, 64], sizes = [1024, 64], strides = [1, 1]} : vector<1024x256xf32> to vector<1024x64xf32>
    %mul3A_295 = arith.constant 5.000000e-01 : f32
    %mul3A_296 = vector.broadcast %mul3A_295 : f32 to vector<1024x64xf32>
    %mul3A_297 = arith.mulf %mul3A_296, %slice3A_294 : vector<1024x64xf32>
    %tanh3A_298 = math.tanh %mul3A_297 : vector<1024x64xf32>
    %mul3A_299 = arith.constant 5.000000e-01 : f32
    %mul3A_300 = vector.broadcast %mul3A_299 : f32 to vector<1024x64xf32>
    %mul3A_301 = arith.mulf %mul3A_300, %tanh3A_298 : vector<1024x64xf32>
    %add3A_302 = arith.constant 5.000000e-01 : f32
    %add3A_303 = vector.broadcast %add3A_302 : f32 to vector<1024x64xf32>
    %add3A_304 = arith.addf %mul3A_301, %add3A_303 : vector<1024x64xf32>
    %slice3A_305 = vector.extract_strided_slice %add3A_282 {offsets = [0, 128], sizes = [1024, 64], strides = [1, 1]} : vector<1024x256xf32> to vector<1024x64xf32>
    %tanh3A_306 = math.tanh %slice3A_305 : vector<1024x64xf32>
    %slice3A_307 = vector.extract_strided_slice %add3A_282 {offsets = [0, 192], sizes = [1024, 64], strides = [1, 1]} : vector<1024x256xf32> to vector<1024x64xf32>
    %mul3A_308 = arith.constant 5.000000e-01 : f32
    %mul3A_309 = vector.broadcast %mul3A_308 : f32 to vector<1024x64xf32>
    %mul3A_310 = arith.mulf %mul3A_309, %slice3A_307 : vector<1024x64xf32>
    %tanh3A_311 = math.tanh %mul3A_310 : vector<1024x64xf32>
    %mul3A_312 = arith.constant 5.000000e-01 : f32
    %mul3A_313 = vector.broadcast %mul3A_312 : f32 to vector<1024x64xf32>
    %mul3A_314 = arith.mulf %mul3A_313, %tanh3A_311 : vector<1024x64xf32>
    %add3A_315 = arith.constant 5.000000e-01 : f32
    %add3A_316 = vector.broadcast %add3A_315 : f32 to vector<1024x64xf32>
    %add3A_317 = arith.addf %mul3A_314, %add3A_316 : vector<1024x64xf32>
    %mul3A_318 = arith.mulf %add3A_304, %add3A_221 : vector<1024x64xf32>
    %mul3A_319 = arith.mulf %add3A_293, %tanh3A_306 : vector<1024x64xf32>
    %add3A_320 = arith.addf %mul3A_318, %mul3A_319 : vector<1024x64xf32>
    %tanh3A_321 = math.tanh %add3A_320 : vector<1024x64xf32>
    %mul3A_322 = arith.mulf %add3A_317, %tanh3A_321 : vector<1024x64xf32>
    %get3A_323 = arith.constant 3 : index
    %get3A_324 = arith.constant 0 : index
    %get3A_325 = arith.constant 0 : index
    %get3A_326 = vector.load %arg1[%get3A_323, %get3A_324, %get3A_325] : memref<10x1024x128xf32, #tpu.memory_space<vmem>>, vector<1x1024x64xf32>
    %get3A_327 = vector.shape_cast %get3A_326 : vector<1x1024x64xf32> to vector<1024x64xf32>
    %dot_general3A_328 = arith.constant dense<0.000000e+00> : vector<1024x256xf32>
    %dot_general3A_329 = tpu.matmul %get3A_327, %get3A_3, %dot_general3A_328 {dimension_numbers = #tpu.dot_dimension_numbers<[1], [0], [0], [1], [0, 0, 1, 1], [], []>, transpose_lhs_hint = false} : vector<1024x64xf32>, vector<64x256xf32>, vector<1024x256xf32> -> vector<1024x256xf32>
    %dot_general3A_330 = arith.constant dense<0.000000e+00> : vector<1024x256xf32>
    %dot_general3A_331 = tpu.matmul %mul3A_275, %get3A_6, %dot_general3A_330 {dimension_numbers = #tpu.dot_dimension_numbers<[1], [0], [0], [1], [0, 0, 1, 1], [], []>, transpose_lhs_hint = false} : vector<1024x64xf32>, vector<64x256xf32>, vector<1024x256xf32> -> vector<1024x256xf32>
    %add3A_332 = arith.addf %dot_general3A_329, %dot_general3A_331 : vector<1024x256xf32>
    %add3A_333 = vector.broadcast %get3A_9 : vector<1x256xf32> to vector<1024x256xf32>
    %add3A_334 = arith.addf %add3A_332, %add3A_333 : vector<1024x256xf32>
    %slice3A_335 = vector.extract_strided_slice %add3A_334 {offsets = [0, 0], sizes = [1024, 64], strides = [1, 1]} : vector<1024x256xf32> to vector<1024x64xf32>
    %mul3A_336 = arith.constant 5.000000e-01 : f32
    %mul3A_337 = vector.broadcast %mul3A_336 : f32 to vector<1024x64xf32>
    %mul3A_338 = arith.mulf %mul3A_337, %slice3A_335 : vector<1024x64xf32>
    %tanh3A_339 = math.tanh %mul3A_338 : vector<1024x64xf32>
    %mul3A_340 = arith.constant 5.000000e-01 : f32
    %mul3A_341 = vector.broadcast %mul3A_340 : f32 to vector<1024x64xf32>
    %mul3A_342 = arith.mulf %mul3A_341, %tanh3A_339 : vector<1024x64xf32>
    %add3A_343 = arith.constant 5.000000e-01 : f32
    %add3A_344 = vector.broadcast %add3A_343 : f32 to vector<1024x64xf32>
    %add3A_345 = arith.addf %mul3A_342, %add3A_344 : vector<1024x64xf32>
    %slice3A_346 = vector.extract_strided_slice %add3A_334 {offsets = [0, 64], sizes = [1024, 64], strides = [1, 1]} : vector<1024x256xf32> to vector<1024x64xf32>
    %mul3A_347 = arith.constant 5.000000e-01 : f32
    %mul3A_348 = vector.broadcast %mul3A_347 : f32 to vector<1024x64xf32>
    %mul3A_349 = arith.mulf %mul3A_348, %slice3A_346 : vector<1024x64xf32>
    %tanh3A_350 = math.tanh %mul3A_349 : vector<1024x64xf32>
    %mul3A_351 = arith.constant 5.000000e-01 : f32
    %mul3A_352 = vector.broadcast %mul3A_351 : f32 to vector<1024x64xf32>
    %mul3A_353 = arith.mulf %mul3A_352, %tanh3A_350 : vector<1024x64xf32>
    %add3A_354 = arith.constant 5.000000e-01 : f32
    %add3A_355 = vector.broadcast %add3A_354 : f32 to vector<1024x64xf32>
    %add3A_356 = arith.addf %mul3A_353, %add3A_355 : vector<1024x64xf32>
    %slice3A_357 = vector.extract_strided_slice %add3A_334 {offsets = [0, 128], sizes = [1024, 64], strides = [1, 1]} : vector<1024x256xf32> to vector<1024x64xf32>
    %tanh3A_358 = math.tanh %slice3A_357 : vector<1024x64xf32>
    %slice3A_359 = vector.extract_strided_slice %add3A_334 {offsets = [0, 192], sizes = [1024, 64], strides = [1, 1]} : vector<1024x256xf32> to vector<1024x64xf32>
    %mul3A_360 = arith.constant 5.000000e-01 : f32
    %mul3A_361 = vector.broadcast %mul3A_360 : f32 to vector<1024x64xf32>
    %mul3A_362 = arith.mulf %mul3A_361, %slice3A_359 : vector<1024x64xf32>
    %tanh3A_363 = math.tanh %mul3A_362 : vector<1024x64xf32>
    %mul3A_364 = arith.constant 5.000000e-01 : f32
    %mul3A_365 = vector.broadcast %mul3A_364 : f32 to vector<1024x64xf32>
    %mul3A_366 = arith.mulf %mul3A_365, %tanh3A_363 : vector<1024x64xf32>
    %add3A_367 = arith.constant 5.000000e-01 : f32
    %add3A_368 = vector.broadcast %add3A_367 : f32 to vector<1024x64xf32>
    %add3A_369 = arith.addf %mul3A_366, %add3A_368 : vector<1024x64xf32>
    %mul3A_370 = arith.mulf %add3A_356, %add3A_273 : vector<1024x64xf32>
    %mul3A_371 = arith.mulf %add3A_345, %tanh3A_358 : vector<1024x64xf32>
    %add3A_372 = arith.addf %mul3A_370, %mul3A_371 : vector<1024x64xf32>
    %tanh3A_373 = math.tanh %add3A_372 : vector<1024x64xf32>
    %mul3A_374 = arith.mulf %add3A_369, %tanh3A_373 : vector<1024x64xf32>
    %dot_general3A_375 = arith.constant dense<0.000000e+00> : vector<1024x256xf32>
    %dot_general3A_376 = tpu.matmul %mul3A_374, %get3A_12, %dot_general3A_375 {dimension_numbers = #tpu.dot_dimension_numbers<[1], [0], [0], [1], [0, 0, 1, 1], [], []>, transpose_lhs_hint = false} : vector<1024x64xf32>, vector<64x256xf32>, vector<1024x256xf32> -> vector<1024x256xf32>
    %dot_general3A_377 = arith.constant dense<0.000000e+00> : vector<1024x256xf32>
    %dot_general3A_378 = tpu.matmul %mul3A_322, %get3A_15, %dot_general3A_377 {dimension_numbers = #tpu.dot_dimension_numbers<[1], [0], [0], [1], [0, 0, 1, 1], [], []>, transpose_lhs_hint = false} : vector<1024x64xf32>, vector<64x256xf32>, vector<1024x256xf32> -> vector<1024x256xf32>
    %add3A_379 = arith.addf %dot_general3A_376, %dot_general3A_378 : vector<1024x256xf32>
    %add3A_380 = vector.broadcast %get3A_18 : vector<1x256xf32> to vector<1024x256xf32>
    %add3A_381 = arith.addf %add3A_379, %add3A_380 : vector<1024x256xf32>
    %slice3A_382 = vector.extract_strided_slice %add3A_381 {offsets = [0, 0], sizes = [1024, 64], strides = [1, 1]} : vector<1024x256xf32> to vector<1024x64xf32>
    %mul3A_383 = arith.constant 5.000000e-01 : f32
    %mul3A_384 = vector.broadcast %mul3A_383 : f32 to vector<1024x64xf32>
    %mul3A_385 = arith.mulf %mul3A_384, %slice3A_382 : vector<1024x64xf32>
    %tanh3A_386 = math.tanh %mul3A_385 : vector<1024x64xf32>
    %mul3A_387 = arith.constant 5.000000e-01 : f32
    %mul3A_388 = vector.broadcast %mul3A_387 : f32 to vector<1024x64xf32>
    %mul3A_389 = arith.mulf %mul3A_388, %tanh3A_386 : vector<1024x64xf32>
    %add3A_390 = arith.constant 5.000000e-01 : f32
    %add3A_391 = vector.broadcast %add3A_390 : f32 to vector<1024x64xf32>
    %add3A_392 = arith.addf %mul3A_389, %add3A_391 : vector<1024x64xf32>
    %slice3A_393 = vector.extract_strided_slice %add3A_381 {offsets = [0, 64], sizes = [1024, 64], strides = [1, 1]} : vector<1024x256xf32> to vector<1024x64xf32>
    %mul3A_394 = arith.constant 5.000000e-01 : f32
    %mul3A_395 = vector.broadcast %mul3A_394 : f32 to vector<1024x64xf32>
    %mul3A_396 = arith.mulf %mul3A_395, %slice3A_393 : vector<1024x64xf32>
    %tanh3A_397 = math.tanh %mul3A_396 : vector<1024x64xf32>
    %mul3A_398 = arith.constant 5.000000e-01 : f32
    %mul3A_399 = vector.broadcast %mul3A_398 : f32 to vector<1024x64xf32>
    %mul3A_400 = arith.mulf %mul3A_399, %tanh3A_397 : vector<1024x64xf32>
    %add3A_401 = arith.constant 5.000000e-01 : f32
    %add3A_402 = vector.broadcast %add3A_401 : f32 to vector<1024x64xf32>
    %add3A_403 = arith.addf %mul3A_400, %add3A_402 : vector<1024x64xf32>
    %slice3A_404 = vector.extract_strided_slice %add3A_381 {offsets = [0, 128], sizes = [1024, 64], strides = [1, 1]} : vector<1024x256xf32> to vector<1024x64xf32>
    %tanh3A_405 = math.tanh %slice3A_404 : vector<1024x64xf32>
    %slice3A_406 = vector.extract_strided_slice %add3A_381 {offsets = [0, 192], sizes = [1024, 64], strides = [1, 1]} : vector<1024x256xf32> to vector<1024x64xf32>
    %mul3A_407 = arith.constant 5.000000e-01 : f32
    %mul3A_408 = vector.broadcast %mul3A_407 : f32 to vector<1024x64xf32>
    %mul3A_409 = arith.mulf %mul3A_408, %slice3A_406 : vector<1024x64xf32>
    %tanh3A_410 = math.tanh %mul3A_409 : vector<1024x64xf32>
    %mul3A_411 = arith.constant 5.000000e-01 : f32
    %mul3A_412 = vector.broadcast %mul3A_411 : f32 to vector<1024x64xf32>
    %mul3A_413 = arith.mulf %mul3A_412, %tanh3A_410 : vector<1024x64xf32>
    %add3A_414 = arith.constant 5.000000e-01 : f32
    %add3A_415 = vector.broadcast %add3A_414 : f32 to vector<1024x64xf32>
    %add3A_416 = arith.addf %mul3A_413, %add3A_415 : vector<1024x64xf32>
    %mul3A_417 = arith.mulf %add3A_403, %add3A_320 : vector<1024x64xf32>
    %mul3A_418 = arith.mulf %add3A_392, %tanh3A_405 : vector<1024x64xf32>
    %add3A_419 = arith.addf %mul3A_417, %mul3A_418 : vector<1024x64xf32>
    %tanh3A_420 = math.tanh %add3A_419 : vector<1024x64xf32>
    %mul3A_421 = arith.mulf %add3A_416, %tanh3A_420 : vector<1024x64xf32>
    %get3A_422 = arith.constant 4 : index
    %get3A_423 = arith.constant 0 : index
    %get3A_424 = arith.constant 0 : index
    %get3A_425 = vector.load %arg1[%get3A_422, %get3A_423, %get3A_424] : memref<10x1024x128xf32, #tpu.memory_space<vmem>>, vector<1x1024x64xf32>
    %get3A_426 = vector.shape_cast %get3A_425 : vector<1x1024x64xf32> to vector<1024x64xf32>
    %dot_general3A_427 = arith.constant dense<0.000000e+00> : vector<1024x256xf32>
    %dot_general3A_428 = tpu.matmul %get3A_426, %get3A_3, %dot_general3A_427 {dimension_numbers = #tpu.dot_dimension_numbers<[1], [0], [0], [1], [0, 0, 1, 1], [], []>, transpose_lhs_hint = false} : vector<1024x64xf32>, vector<64x256xf32>, vector<1024x256xf32> -> vector<1024x256xf32>
    %dot_general3A_429 = arith.constant dense<0.000000e+00> : vector<1024x256xf32>
    %dot_general3A_430 = tpu.matmul %mul3A_374, %get3A_6, %dot_general3A_429 {dimension_numbers = #tpu.dot_dimension_numbers<[1], [0], [0], [1], [0, 0, 1, 1], [], []>, transpose_lhs_hint = false} : vector<1024x64xf32>, vector<64x256xf32>, vector<1024x256xf32> -> vector<1024x256xf32>
    %add3A_431 = arith.addf %dot_general3A_428, %dot_general3A_430 : vector<1024x256xf32>
    %add3A_432 = vector.broadcast %get3A_9 : vector<1x256xf32> to vector<1024x256xf32>
    %add3A_433 = arith.addf %add3A_431, %add3A_432 : vector<1024x256xf32>
    %slice3A_434 = vector.extract_strided_slice %add3A_433 {offsets = [0, 0], sizes = [1024, 64], strides = [1, 1]} : vector<1024x256xf32> to vector<1024x64xf32>
    %mul3A_435 = arith.constant 5.000000e-01 : f32
    %mul3A_436 = vector.broadcast %mul3A_435 : f32 to vector<1024x64xf32>
    %mul3A_437 = arith.mulf %mul3A_436, %slice3A_434 : vector<1024x64xf32>
    %tanh3A_438 = math.tanh %mul3A_437 : vector<1024x64xf32>
    %mul3A_439 = arith.constant 5.000000e-01 : f32
    %mul3A_440 = vector.broadcast %mul3A_439 : f32 to vector<1024x64xf32>
    %mul3A_441 = arith.mulf %mul3A_440, %tanh3A_438 : vector<1024x64xf32>
    %add3A_442 = arith.constant 5.000000e-01 : f32
    %add3A_443 = vector.broadcast %add3A_442 : f32 to vector<1024x64xf32>
    %add3A_444 = arith.addf %mul3A_441, %add3A_443 : vector<1024x64xf32>
    %slice3A_445 = vector.extract_strided_slice %add3A_433 {offsets = [0, 64], sizes = [1024, 64], strides = [1, 1]} : vector<1024x256xf32> to vector<1024x64xf32>
    %mul3A_446 = arith.constant 5.000000e-01 : f32
    %mul3A_447 = vector.broadcast %mul3A_446 : f32 to vector<1024x64xf32>
    %mul3A_448 = arith.mulf %mul3A_447, %slice3A_445 : vector<1024x64xf32>
    %tanh3A_449 = math.tanh %mul3A_448 : vector<1024x64xf32>
    %mul3A_450 = arith.constant 5.000000e-01 : f32
    %mul3A_451 = vector.broadcast %mul3A_450 : f32 to vector<1024x64xf32>
    %mul3A_452 = arith.mulf %mul3A_451, %tanh3A_449 : vector<1024x64xf32>
    %add3A_453 = arith.constant 5.000000e-01 : f32
    %add3A_454 = vector.broadcast %add3A_453 : f32 to vector<1024x64xf32>
    %add3A_455 = arith.addf %mul3A_452, %add3A_454 : vector<1024x64xf32>
    %slice3A_456 = vector.extract_strided_slice %add3A_433 {offsets = [0, 128], sizes = [1024, 64], strides = [1, 1]} : vector<1024x256xf32> to vector<1024x64xf32>
    %tanh3A_457 = math.tanh %slice3A_456 : vector<1024x64xf32>
    %slice3A_458 = vector.extract_strided_slice %add3A_433 {offsets = [0, 192], sizes = [1024, 64], strides = [1, 1]} : vector<1024x256xf32> to vector<1024x64xf32>
    %mul3A_459 = arith.constant 5.000000e-01 : f32
    %mul3A_460 = vector.broadcast %mul3A_459 : f32 to vector<1024x64xf32>
    %mul3A_461 = arith.mulf %mul3A_460, %slice3A_458 : vector<1024x64xf32>
    %tanh3A_462 = math.tanh %mul3A_461 : vector<1024x64xf32>
    %mul3A_463 = arith.constant 5.000000e-01 : f32
    %mul3A_464 = vector.broadcast %mul3A_463 : f32 to vector<1024x64xf32>
    %mul3A_465 = arith.mulf %mul3A_464, %tanh3A_462 : vector<1024x64xf32>
    %add3A_466 = arith.constant 5.000000e-01 : f32
    %add3A_467 = vector.broadcast %add3A_466 : f32 to vector<1024x64xf32>
    %add3A_468 = arith.addf %mul3A_465, %add3A_467 : vector<1024x64xf32>
    %mul3A_469 = arith.mulf %add3A_455, %add3A_372 : vector<1024x64xf32>
    %mul3A_470 = arith.mulf %add3A_444, %tanh3A_457 : vector<1024x64xf32>
    %add3A_471 = arith.addf %mul3A_469, %mul3A_470 : vector<1024x64xf32>
    %tanh3A_472 = math.tanh %add3A_471 : vector<1024x64xf32>
    %mul3A_473 = arith.mulf %add3A_468, %tanh3A_472 : vector<1024x64xf32>
    %dot_general3A_474 = arith.constant dense<0.000000e+00> : vector<1024x256xf32>
    %dot_general3A_475 = tpu.matmul %mul3A_473, %get3A_12, %dot_general3A_474 {dimension_numbers = #tpu.dot_dimension_numbers<[1], [0], [0], [1], [0, 0, 1, 1], [], []>, transpose_lhs_hint = false} : vector<1024x64xf32>, vector<64x256xf32>, vector<1024x256xf32> -> vector<1024x256xf32>
    %dot_general3A_476 = arith.constant dense<0.000000e+00> : vector<1024x256xf32>
    %dot_general3A_477 = tpu.matmul %mul3A_421, %get3A_15, %dot_general3A_476 {dimension_numbers = #tpu.dot_dimension_numbers<[1], [0], [0], [1], [0, 0, 1, 1], [], []>, transpose_lhs_hint = false} : vector<1024x64xf32>, vector<64x256xf32>, vector<1024x256xf32> -> vector<1024x256xf32>
    %add3A_478 = arith.addf %dot_general3A_475, %dot_general3A_477 : vector<1024x256xf32>
    %add3A_479 = vector.broadcast %get3A_18 : vector<1x256xf32> to vector<1024x256xf32>
    %add3A_480 = arith.addf %add3A_478, %add3A_479 : vector<1024x256xf32>
    %slice3A_481 = vector.extract_strided_slice %add3A_480 {offsets = [0, 0], sizes = [1024, 64], strides = [1, 1]} : vector<1024x256xf32> to vector<1024x64xf32>
    %mul3A_482 = arith.constant 5.000000e-01 : f32
    %mul3A_483 = vector.broadcast %mul3A_482 : f32 to vector<1024x64xf32>
    %mul3A_484 = arith.mulf %mul3A_483, %slice3A_481 : vector<1024x64xf32>
    %tanh3A_485 = math.tanh %mul3A_484 : vector<1024x64xf32>
    %mul3A_486 = arith.constant 5.000000e-01 : f32
    %mul3A_487 = vector.broadcast %mul3A_486 : f32 to vector<1024x64xf32>
    %mul3A_488 = arith.mulf %mul3A_487, %tanh3A_485 : vector<1024x64xf32>
    %add3A_489 = arith.constant 5.000000e-01 : f32
    %add3A_490 = vector.broadcast %add3A_489 : f32 to vector<1024x64xf32>
    %add3A_491 = arith.addf %mul3A_488, %add3A_490 : vector<1024x64xf32>
    %slice3A_492 = vector.extract_strided_slice %add3A_480 {offsets = [0, 64], sizes = [1024, 64], strides = [1, 1]} : vector<1024x256xf32> to vector<1024x64xf32>
    %mul3A_493 = arith.constant 5.000000e-01 : f32
    %mul3A_494 = vector.broadcast %mul3A_493 : f32 to vector<1024x64xf32>
    %mul3A_495 = arith.mulf %mul3A_494, %slice3A_492 : vector<1024x64xf32>
    %tanh3A_496 = math.tanh %mul3A_495 : vector<1024x64xf32>
    %mul3A_497 = arith.constant 5.000000e-01 : f32
    %mul3A_498 = vector.broadcast %mul3A_497 : f32 to vector<1024x64xf32>
    %mul3A_499 = arith.mulf %mul3A_498, %tanh3A_496 : vector<1024x64xf32>
    %add3A_500 = arith.constant 5.000000e-01 : f32
    %add3A_501 = vector.broadcast %add3A_500 : f32 to vector<1024x64xf32>
    %add3A_502 = arith.addf %mul3A_499, %add3A_501 : vector<1024x64xf32>
    %slice3A_503 = vector.extract_strided_slice %add3A_480 {offsets = [0, 128], sizes = [1024, 64], strides = [1, 1]} : vector<1024x256xf32> to vector<1024x64xf32>
    %tanh3A_504 = math.tanh %slice3A_503 : vector<1024x64xf32>
    %slice3A_505 = vector.extract_strided_slice %add3A_480 {offsets = [0, 192], sizes = [1024, 64], strides = [1, 1]} : vector<1024x256xf32> to vector<1024x64xf32>
    %mul3A_506 = arith.constant 5.000000e-01 : f32
    %mul3A_507 = vector.broadcast %mul3A_506 : f32 to vector<1024x64xf32>
    %mul3A_508 = arith.mulf %mul3A_507, %slice3A_505 : vector<1024x64xf32>
    %tanh3A_509 = math.tanh %mul3A_508 : vector<1024x64xf32>
    %mul3A_510 = arith.constant 5.000000e-01 : f32
    %mul3A_511 = vector.broadcast %mul3A_510 : f32 to vector<1024x64xf32>
    %mul3A_512 = arith.mulf %mul3A_511, %tanh3A_509 : vector<1024x64xf32>
    %add3A_513 = arith.constant 5.000000e-01 : f32
    %add3A_514 = vector.broadcast %add3A_513 : f32 to vector<1024x64xf32>
    %add3A_515 = arith.addf %mul3A_512, %add3A_514 : vector<1024x64xf32>
    %mul3A_516 = arith.mulf %add3A_502, %add3A_419 : vector<1024x64xf32>
    %mul3A_517 = arith.mulf %add3A_491, %tanh3A_504 : vector<1024x64xf32>
    %add3A_518 = arith.addf %mul3A_516, %mul3A_517 : vector<1024x64xf32>
    %tanh3A_519 = math.tanh %add3A_518 : vector<1024x64xf32>
    %mul3A_520 = arith.mulf %add3A_515, %tanh3A_519 : vector<1024x64xf32>
    %get3A_521 = arith.constant 5 : index
    %get3A_522 = arith.constant 0 : index
    %get3A_523 = arith.constant 0 : index
    %get3A_524 = vector.load %arg1[%get3A_521, %get3A_522, %get3A_523] : memref<10x1024x128xf32, #tpu.memory_space<vmem>>, vector<1x1024x64xf32>
    %get3A_525 = vector.shape_cast %get3A_524 : vector<1x1024x64xf32> to vector<1024x64xf32>
    %dot_general3A_526 = arith.constant dense<0.000000e+00> : vector<1024x256xf32>
    %dot_general3A_527 = tpu.matmul %get3A_525, %get3A_3, %dot_general3A_526 {dimension_numbers = #tpu.dot_dimension_numbers<[1], [0], [0], [1], [0, 0, 1, 1], [], []>, transpose_lhs_hint = false} : vector<1024x64xf32>, vector<64x256xf32>, vector<1024x256xf32> -> vector<1024x256xf32>
    %dot_general3A_528 = arith.constant dense<0.000000e+00> : vector<1024x256xf32>
    %dot_general3A_529 = tpu.matmul %mul3A_473, %get3A_6, %dot_general3A_528 {dimension_numbers = #tpu.dot_dimension_numbers<[1], [0], [0], [1], [0, 0, 1, 1], [], []>, transpose_lhs_hint = false} : vector<1024x64xf32>, vector<64x256xf32>, vector<1024x256xf32> -> vector<1024x256xf32>
    %add3A_530 = arith.addf %dot_general3A_527, %dot_general3A_529 : vector<1024x256xf32>
    %add3A_531 = vector.broadcast %get3A_9 : vector<1x256xf32> to vector<1024x256xf32>
    %add3A_532 = arith.addf %add3A_530, %add3A_531 : vector<1024x256xf32>
    %slice3A_533 = vector.extract_strided_slice %add3A_532 {offsets = [0, 0], sizes = [1024, 64], strides = [1, 1]} : vector<1024x256xf32> to vector<1024x64xf32>
    %mul3A_534 = arith.constant 5.000000e-01 : f32
    %mul3A_535 = vector.broadcast %mul3A_534 : f32 to vector<1024x64xf32>
    %mul3A_536 = arith.mulf %mul3A_535, %slice3A_533 : vector<1024x64xf32>
    %tanh3A_537 = math.tanh %mul3A_536 : vector<1024x64xf32>
    %mul3A_538 = arith.constant 5.000000e-01 : f32
    %mul3A_539 = vector.broadcast %mul3A_538 : f32 to vector<1024x64xf32>
    %mul3A_540 = arith.mulf %mul3A_539, %tanh3A_537 : vector<1024x64xf32>
    %add3A_541 = arith.constant 5.000000e-01 : f32
    %add3A_542 = vector.broadcast %add3A_541 : f32 to vector<1024x64xf32>
    %add3A_543 = arith.addf %mul3A_540, %add3A_542 : vector<1024x64xf32>
    %slice3A_544 = vector.extract_strided_slice %add3A_532 {offsets = [0, 64], sizes = [1024, 64], strides = [1, 1]} : vector<1024x256xf32> to vector<1024x64xf32>
    %mul3A_545 = arith.constant 5.000000e-01 : f32
    %mul3A_546 = vector.broadcast %mul3A_545 : f32 to vector<1024x64xf32>
    %mul3A_547 = arith.mulf %mul3A_546, %slice3A_544 : vector<1024x64xf32>
    %tanh3A_548 = math.tanh %mul3A_547 : vector<1024x64xf32>
    %mul3A_549 = arith.constant 5.000000e-01 : f32
    %mul3A_550 = vector.broadcast %mul3A_549 : f32 to vector<1024x64xf32>
    %mul3A_551 = arith.mulf %mul3A_550, %tanh3A_548 : vector<1024x64xf32>
    %add3A_552 = arith.constant 5.000000e-01 : f32
    %add3A_553 = vector.broadcast %add3A_552 : f32 to vector<1024x64xf32>
    %add3A_554 = arith.addf %mul3A_551, %add3A_553 : vector<1024x64xf32>
    %slice3A_555 = vector.extract_strided_slice %add3A_532 {offsets = [0, 128], sizes = [1024, 64], strides = [1, 1]} : vector<1024x256xf32> to vector<1024x64xf32>
    %tanh3A_556 = math.tanh %slice3A_555 : vector<1024x64xf32>
    %slice3A_557 = vector.extract_strided_slice %add3A_532 {offsets = [0, 192], sizes = [1024, 64], strides = [1, 1]} : vector<1024x256xf32> to vector<1024x64xf32>
    %mul3A_558 = arith.constant 5.000000e-01 : f32
    %mul3A_559 = vector.broadcast %mul3A_558 : f32 to vector<1024x64xf32>
    %mul3A_560 = arith.mulf %mul3A_559, %slice3A_557 : vector<1024x64xf32>
    %tanh3A_561 = math.tanh %mul3A_560 : vector<1024x64xf32>
    %mul3A_562 = arith.constant 5.000000e-01 : f32
    %mul3A_563 = vector.broadcast %mul3A_562 : f32 to vector<1024x64xf32>
    %mul3A_564 = arith.mulf %mul3A_563, %tanh3A_561 : vector<1024x64xf32>
    %add3A_565 = arith.constant 5.000000e-01 : f32
    %add3A_566 = vector.broadcast %add3A_565 : f32 to vector<1024x64xf32>
    %add3A_567 = arith.addf %mul3A_564, %add3A_566 : vector<1024x64xf32>
    %mul3A_568 = arith.mulf %add3A_554, %add3A_471 : vector<1024x64xf32>
    %mul3A_569 = arith.mulf %add3A_543, %tanh3A_556 : vector<1024x64xf32>
    %add3A_570 = arith.addf %mul3A_568, %mul3A_569 : vector<1024x64xf32>
    %tanh3A_571 = math.tanh %add3A_570 : vector<1024x64xf32>
    %mul3A_572 = arith.mulf %add3A_567, %tanh3A_571 : vector<1024x64xf32>
    %dot_general3A_573 = arith.constant dense<0.000000e+00> : vector<1024x256xf32>
    %dot_general3A_574 = tpu.matmul %mul3A_572, %get3A_12, %dot_general3A_573 {dimension_numbers = #tpu.dot_dimension_numbers<[1], [0], [0], [1], [0, 0, 1, 1], [], []>, transpose_lhs_hint = false} : vector<1024x64xf32>, vector<64x256xf32>, vector<1024x256xf32> -> vector<1024x256xf32>
    %dot_general3A_575 = arith.constant dense<0.000000e+00> : vector<1024x256xf32>
    %dot_general3A_576 = tpu.matmul %mul3A_520, %get3A_15, %dot_general3A_575 {dimension_numbers = #tpu.dot_dimension_numbers<[1], [0], [0], [1], [0, 0, 1, 1], [], []>, transpose_lhs_hint = false} : vector<1024x64xf32>, vector<64x256xf32>, vector<1024x256xf32> -> vector<1024x256xf32>
    %add3A_577 = arith.addf %dot_general3A_574, %dot_general3A_576 : vector<1024x256xf32>
    %add3A_578 = vector.broadcast %get3A_18 : vector<1x256xf32> to vector<1024x256xf32>
    %add3A_579 = arith.addf %add3A_577, %add3A_578 : vector<1024x256xf32>
    %slice3A_580 = vector.extract_strided_slice %add3A_579 {offsets = [0, 0], sizes = [1024, 64], strides = [1, 1]} : vector<1024x256xf32> to vector<1024x64xf32>
    %mul3A_581 = arith.constant 5.000000e-01 : f32
    %mul3A_582 = vector.broadcast %mul3A_581 : f32 to vector<1024x64xf32>
    %mul3A_583 = arith.mulf %mul3A_582, %slice3A_580 : vector<1024x64xf32>
    %tanh3A_584 = math.tanh %mul3A_583 : vector<1024x64xf32>
    %mul3A_585 = arith.constant 5.000000e-01 : f32
    %mul3A_586 = vector.broadcast %mul3A_585 : f32 to vector<1024x64xf32>
    %mul3A_587 = arith.mulf %mul3A_586, %tanh3A_584 : vector<1024x64xf32>
    %add3A_588 = arith.constant 5.000000e-01 : f32
    %add3A_589 = vector.broadcast %add3A_588 : f32 to vector<1024x64xf32>
    %add3A_590 = arith.addf %mul3A_587, %add3A_589 : vector<1024x64xf32>
    %slice3A_591 = vector.extract_strided_slice %add3A_579 {offsets = [0, 64], sizes = [1024, 64], strides = [1, 1]} : vector<1024x256xf32> to vector<1024x64xf32>
    %mul3A_592 = arith.constant 5.000000e-01 : f32
    %mul3A_593 = vector.broadcast %mul3A_592 : f32 to vector<1024x64xf32>
    %mul3A_594 = arith.mulf %mul3A_593, %slice3A_591 : vector<1024x64xf32>
    %tanh3A_595 = math.tanh %mul3A_594 : vector<1024x64xf32>
    %mul3A_596 = arith.constant 5.000000e-01 : f32
    %mul3A_597 = vector.broadcast %mul3A_596 : f32 to vector<1024x64xf32>
    %mul3A_598 = arith.mulf %mul3A_597, %tanh3A_595 : vector<1024x64xf32>
    %add3A_599 = arith.constant 5.000000e-01 : f32
    %add3A_600 = vector.broadcast %add3A_599 : f32 to vector<1024x64xf32>
    %add3A_601 = arith.addf %mul3A_598, %add3A_600 : vector<1024x64xf32>
    %slice3A_602 = vector.extract_strided_slice %add3A_579 {offsets = [0, 128], sizes = [1024, 64], strides = [1, 1]} : vector<1024x256xf32> to vector<1024x64xf32>
    %tanh3A_603 = math.tanh %slice3A_602 : vector<1024x64xf32>
    %slice3A_604 = vector.extract_strided_slice %add3A_579 {offsets = [0, 192], sizes = [1024, 64], strides = [1, 1]} : vector<1024x256xf32> to vector<1024x64xf32>
    %mul3A_605 = arith.constant 5.000000e-01 : f32
    %mul3A_606 = vector.broadcast %mul3A_605 : f32 to vector<1024x64xf32>
    %mul3A_607 = arith.mulf %mul3A_606, %slice3A_604 : vector<1024x64xf32>
    %tanh3A_608 = math.tanh %mul3A_607 : vector<1024x64xf32>
    %mul3A_609 = arith.constant 5.000000e-01 : f32
    %mul3A_610 = vector.broadcast %mul3A_609 : f32 to vector<1024x64xf32>
    %mul3A_611 = arith.mulf %mul3A_610, %tanh3A_608 : vector<1024x64xf32>
    %add3A_612 = arith.constant 5.000000e-01 : f32
    %add3A_613 = vector.broadcast %add3A_612 : f32 to vector<1024x64xf32>
    %add3A_614 = arith.addf %mul3A_611, %add3A_613 : vector<1024x64xf32>
    %mul3A_615 = arith.mulf %add3A_601, %add3A_518 : vector<1024x64xf32>
    %mul3A_616 = arith.mulf %add3A_590, %tanh3A_603 : vector<1024x64xf32>
    %add3A_617 = arith.addf %mul3A_615, %mul3A_616 : vector<1024x64xf32>
    %tanh3A_618 = math.tanh %add3A_617 : vector<1024x64xf32>
    %mul3A_619 = arith.mulf %add3A_614, %tanh3A_618 : vector<1024x64xf32>
    %get3A_620 = arith.constant 6 : index
    %get3A_621 = arith.constant 0 : index
    %get3A_622 = arith.constant 0 : index
    %get3A_623 = vector.load %arg1[%get3A_620, %get3A_621, %get3A_622] : memref<10x1024x128xf32, #tpu.memory_space<vmem>>, vector<1x1024x64xf32>
    %get3A_624 = vector.shape_cast %get3A_623 : vector<1x1024x64xf32> to vector<1024x64xf32>
    %dot_general3A_625 = arith.constant dense<0.000000e+00> : vector<1024x256xf32>
    %dot_general3A_626 = tpu.matmul %get3A_624, %get3A_3, %dot_general3A_625 {dimension_numbers = #tpu.dot_dimension_numbers<[1], [0], [0], [1], [0, 0, 1, 1], [], []>, transpose_lhs_hint = false} : vector<1024x64xf32>, vector<64x256xf32>, vector<1024x256xf32> -> vector<1024x256xf32>
    %dot_general3A_627 = arith.constant dense<0.000000e+00> : vector<1024x256xf32>
    %dot_general3A_628 = tpu.matmul %mul3A_572, %get3A_6, %dot_general3A_627 {dimension_numbers = #tpu.dot_dimension_numbers<[1], [0], [0], [1], [0, 0, 1, 1], [], []>, transpose_lhs_hint = false} : vector<1024x64xf32>, vector<64x256xf32>, vector<1024x256xf32> -> vector<1024x256xf32>
    %add3A_629 = arith.addf %dot_general3A_626, %dot_general3A_628 : vector<1024x256xf32>
    %add3A_630 = vector.broadcast %get3A_9 : vector<1x256xf32> to vector<1024x256xf32>
    %add3A_631 = arith.addf %add3A_629, %add3A_630 : vector<1024x256xf32>
    %slice3A_632 = vector.extract_strided_slice %add3A_631 {offsets = [0, 0], sizes = [1024, 64], strides = [1, 1]} : vector<1024x256xf32> to vector<1024x64xf32>
    %mul3A_633 = arith.constant 5.000000e-01 : f32
    %mul3A_634 = vector.broadcast %mul3A_633 : f32 to vector<1024x64xf32>
    %mul3A_635 = arith.mulf %mul3A_634, %slice3A_632 : vector<1024x64xf32>
    %tanh3A_636 = math.tanh %mul3A_635 : vector<1024x64xf32>
    %mul3A_637 = arith.constant 5.000000e-01 : f32
    %mul3A_638 = vector.broadcast %mul3A_637 : f32 to vector<1024x64xf32>
    %mul3A_639 = arith.mulf %mul3A_638, %tanh3A_636 : vector<1024x64xf32>
    %add3A_640 = arith.constant 5.000000e-01 : f32
    %add3A_641 = vector.broadcast %add3A_640 : f32 to vector<1024x64xf32>
    %add3A_642 = arith.addf %mul3A_639, %add3A_641 : vector<1024x64xf32>
    %slice3A_643 = vector.extract_strided_slice %add3A_631 {offsets = [0, 64], sizes = [1024, 64], strides = [1, 1]} : vector<1024x256xf32> to vector<1024x64xf32>
    %mul3A_644 = arith.constant 5.000000e-01 : f32
    %mul3A_645 = vector.broadcast %mul3A_644 : f32 to vector<1024x64xf32>
    %mul3A_646 = arith.mulf %mul3A_645, %slice3A_643 : vector<1024x64xf32>
    %tanh3A_647 = math.tanh %mul3A_646 : vector<1024x64xf32>
    %mul3A_648 = arith.constant 5.000000e-01 : f32
    %mul3A_649 = vector.broadcast %mul3A_648 : f32 to vector<1024x64xf32>
    %mul3A_650 = arith.mulf %mul3A_649, %tanh3A_647 : vector<1024x64xf32>
    %add3A_651 = arith.constant 5.000000e-01 : f32
    %add3A_652 = vector.broadcast %add3A_651 : f32 to vector<1024x64xf32>
    %add3A_653 = arith.addf %mul3A_650, %add3A_652 : vector<1024x64xf32>
    %slice3A_654 = vector.extract_strided_slice %add3A_631 {offsets = [0, 128], sizes = [1024, 64], strides = [1, 1]} : vector<1024x256xf32> to vector<1024x64xf32>
    %tanh3A_655 = math.tanh %slice3A_654 : vector<1024x64xf32>
    %slice3A_656 = vector.extract_strided_slice %add3A_631 {offsets = [0, 192], sizes = [1024, 64], strides = [1, 1]} : vector<1024x256xf32> to vector<1024x64xf32>
    %mul3A_657 = arith.constant 5.000000e-01 : f32
    %mul3A_658 = vector.broadcast %mul3A_657 : f32 to vector<1024x64xf32>
    %mul3A_659 = arith.mulf %mul3A_658, %slice3A_656 : vector<1024x64xf32>
    %tanh3A_660 = math.tanh %mul3A_659 : vector<1024x64xf32>
    %mul3A_661 = arith.constant 5.000000e-01 : f32
    %mul3A_662 = vector.broadcast %mul3A_661 : f32 to vector<1024x64xf32>
    %mul3A_663 = arith.mulf %mul3A_662, %tanh3A_660 : vector<1024x64xf32>
    %add3A_664 = arith.constant 5.000000e-01 : f32
    %add3A_665 = vector.broadcast %add3A_664 : f32 to vector<1024x64xf32>
    %add3A_666 = arith.addf %mul3A_663, %add3A_665 : vector<1024x64xf32>
    %mul3A_667 = arith.mulf %add3A_653, %add3A_570 : vector<1024x64xf32>
    %mul3A_668 = arith.mulf %add3A_642, %tanh3A_655 : vector<1024x64xf32>
    %add3A_669 = arith.addf %mul3A_667, %mul3A_668 : vector<1024x64xf32>
    %tanh3A_670 = math.tanh %add3A_669 : vector<1024x64xf32>
    %mul3A_671 = arith.mulf %add3A_666, %tanh3A_670 : vector<1024x64xf32>
    %dot_general3A_672 = arith.constant dense<0.000000e+00> : vector<1024x256xf32>
    %dot_general3A_673 = tpu.matmul %mul3A_671, %get3A_12, %dot_general3A_672 {dimension_numbers = #tpu.dot_dimension_numbers<[1], [0], [0], [1], [0, 0, 1, 1], [], []>, transpose_lhs_hint = false} : vector<1024x64xf32>, vector<64x256xf32>, vector<1024x256xf32> -> vector<1024x256xf32>
    %dot_general3A_674 = arith.constant dense<0.000000e+00> : vector<1024x256xf32>
    %dot_general3A_675 = tpu.matmul %mul3A_619, %get3A_15, %dot_general3A_674 {dimension_numbers = #tpu.dot_dimension_numbers<[1], [0], [0], [1], [0, 0, 1, 1], [], []>, transpose_lhs_hint = false} : vector<1024x64xf32>, vector<64x256xf32>, vector<1024x256xf32> -> vector<1024x256xf32>
    %add3A_676 = arith.addf %dot_general3A_673, %dot_general3A_675 : vector<1024x256xf32>
    %add3A_677 = vector.broadcast %get3A_18 : vector<1x256xf32> to vector<1024x256xf32>
    %add3A_678 = arith.addf %add3A_676, %add3A_677 : vector<1024x256xf32>
    %slice3A_679 = vector.extract_strided_slice %add3A_678 {offsets = [0, 0], sizes = [1024, 64], strides = [1, 1]} : vector<1024x256xf32> to vector<1024x64xf32>
    %mul3A_680 = arith.constant 5.000000e-01 : f32
    %mul3A_681 = vector.broadcast %mul3A_680 : f32 to vector<1024x64xf32>
    %mul3A_682 = arith.mulf %mul3A_681, %slice3A_679 : vector<1024x64xf32>
    %tanh3A_683 = math.tanh %mul3A_682 : vector<1024x64xf32>
    %mul3A_684 = arith.constant 5.000000e-01 : f32
    %mul3A_685 = vector.broadcast %mul3A_684 : f32 to vector<1024x64xf32>
    %mul3A_686 = arith.mulf %mul3A_685, %tanh3A_683 : vector<1024x64xf32>
    %add3A_687 = arith.constant 5.000000e-01 : f32
    %add3A_688 = vector.broadcast %add3A_687 : f32 to vector<1024x64xf32>
    %add3A_689 = arith.addf %mul3A_686, %add3A_688 : vector<1024x64xf32>
    %slice3A_690 = vector.extract_strided_slice %add3A_678 {offsets = [0, 64], sizes = [1024, 64], strides = [1, 1]} : vector<1024x256xf32> to vector<1024x64xf32>
    %mul3A_691 = arith.constant 5.000000e-01 : f32
    %mul3A_692 = vector.broadcast %mul3A_691 : f32 to vector<1024x64xf32>
    %mul3A_693 = arith.mulf %mul3A_692, %slice3A_690 : vector<1024x64xf32>
    %tanh3A_694 = math.tanh %mul3A_693 : vector<1024x64xf32>
    %mul3A_695 = arith.constant 5.000000e-01 : f32
    %mul3A_696 = vector.broadcast %mul3A_695 : f32 to vector<1024x64xf32>
    %mul3A_697 = arith.mulf %mul3A_696, %tanh3A_694 : vector<1024x64xf32>
    %add3A_698 = arith.constant 5.000000e-01 : f32
    %add3A_699 = vector.broadcast %add3A_698 : f32 to vector<1024x64xf32>
    %add3A_700 = arith.addf %mul3A_697, %add3A_699 : vector<1024x64xf32>
    %slice3A_701 = vector.extract_strided_slice %add3A_678 {offsets = [0, 128], sizes = [1024, 64], strides = [1, 1]} : vector<1024x256xf32> to vector<1024x64xf32>
    %tanh3A_702 = math.tanh %slice3A_701 : vector<1024x64xf32>
    %slice3A_703 = vector.extract_strided_slice %add3A_678 {offsets = [0, 192], sizes = [1024, 64], strides = [1, 1]} : vector<1024x256xf32> to vector<1024x64xf32>
    %mul3A_704 = arith.constant 5.000000e-01 : f32
    %mul3A_705 = vector.broadcast %mul3A_704 : f32 to vector<1024x64xf32>
    %mul3A_706 = arith.mulf %mul3A_705, %slice3A_703 : vector<1024x64xf32>
    %tanh3A_707 = math.tanh %mul3A_706 : vector<1024x64xf32>
    %mul3A_708 = arith.constant 5.000000e-01 : f32
    %mul3A_709 = vector.broadcast %mul3A_708 : f32 to vector<1024x64xf32>
    %mul3A_710 = arith.mulf %mul3A_709, %tanh3A_707 : vector<1024x64xf32>
    %add3A_711 = arith.constant 5.000000e-01 : f32
    %add3A_712 = vector.broadcast %add3A_711 : f32 to vector<1024x64xf32>
    %add3A_713 = arith.addf %mul3A_710, %add3A_712 : vector<1024x64xf32>
    %mul3A_714 = arith.mulf %add3A_700, %add3A_617 : vector<1024x64xf32>
    %mul3A_715 = arith.mulf %add3A_689, %tanh3A_702 : vector<1024x64xf32>
    %add3A_716 = arith.addf %mul3A_714, %mul3A_715 : vector<1024x64xf32>
    %tanh3A_717 = math.tanh %add3A_716 : vector<1024x64xf32>
    %mul3A_718 = arith.mulf %add3A_713, %tanh3A_717 : vector<1024x64xf32>
    %get3A_719 = arith.constant 7 : index
    %get3A_720 = arith.constant 0 : index
    %get3A_721 = arith.constant 0 : index
    %get3A_722 = vector.load %arg1[%get3A_719, %get3A_720, %get3A_721] : memref<10x1024x128xf32, #tpu.memory_space<vmem>>, vector<1x1024x64xf32>
    %get3A_723 = vector.shape_cast %get3A_722 : vector<1x1024x64xf32> to vector<1024x64xf32>
    %dot_general3A_724 = arith.constant dense<0.000000e+00> : vector<1024x256xf32>
    %dot_general3A_725 = tpu.matmul %get3A_723, %get3A_3, %dot_general3A_724 {dimension_numbers = #tpu.dot_dimension_numbers<[1], [0], [0], [1], [0, 0, 1, 1], [], []>, transpose_lhs_hint = false} : vector<1024x64xf32>, vector<64x256xf32>, vector<1024x256xf32> -> vector<1024x256xf32>
    %dot_general3A_726 = arith.constant dense<0.000000e+00> : vector<1024x256xf32>
    %dot_general3A_727 = tpu.matmul %mul3A_671, %get3A_6, %dot_general3A_726 {dimension_numbers = #tpu.dot_dimension_numbers<[1], [0], [0], [1], [0, 0, 1, 1], [], []>, transpose_lhs_hint = false} : vector<1024x64xf32>, vector<64x256xf32>, vector<1024x256xf32> -> vector<1024x256xf32>
    %add3A_728 = arith.addf %dot_general3A_725, %dot_general3A_727 : vector<1024x256xf32>
    %add3A_729 = vector.broadcast %get3A_9 : vector<1x256xf32> to vector<1024x256xf32>
    %add3A_730 = arith.addf %add3A_728, %add3A_729 : vector<1024x256xf32>
    %slice3A_731 = vector.extract_strided_slice %add3A_730 {offsets = [0, 0], sizes = [1024, 64], strides = [1, 1]} : vector<1024x256xf32> to vector<1024x64xf32>
    %mul3A_732 = arith.constant 5.000000e-01 : f32
    %mul3A_733 = vector.broadcast %mul3A_732 : f32 to vector<1024x64xf32>
    %mul3A_734 = arith.mulf %mul3A_733, %slice3A_731 : vector<1024x64xf32>
    %tanh3A_735 = math.tanh %mul3A_734 : vector<1024x64xf32>
    %mul3A_736 = arith.constant 5.000000e-01 : f32
    %mul3A_737 = vector.broadcast %mul3A_736 : f32 to vector<1024x64xf32>
    %mul3A_738 = arith.mulf %mul3A_737, %tanh3A_735 : vector<1024x64xf32>
    %add3A_739 = arith.constant 5.000000e-01 : f32
    %add3A_740 = vector.broadcast %add3A_739 : f32 to vector<1024x64xf32>
    %add3A_741 = arith.addf %mul3A_738, %add3A_740 : vector<1024x64xf32>
    %slice3A_742 = vector.extract_strided_slice %add3A_730 {offsets = [0, 64], sizes = [1024, 64], strides = [1, 1]} : vector<1024x256xf32> to vector<1024x64xf32>
    %mul3A_743 = arith.constant 5.000000e-01 : f32
    %mul3A_744 = vector.broadcast %mul3A_743 : f32 to vector<1024x64xf32>
    %mul3A_745 = arith.mulf %mul3A_744, %slice3A_742 : vector<1024x64xf32>
    %tanh3A_746 = math.tanh %mul3A_745 : vector<1024x64xf32>
    %mul3A_747 = arith.constant 5.000000e-01 : f32
    %mul3A_748 = vector.broadcast %mul3A_747 : f32 to vector<1024x64xf32>
    %mul3A_749 = arith.mulf %mul3A_748, %tanh3A_746 : vector<1024x64xf32>
    %add3A_750 = arith.constant 5.000000e-01 : f32
    %add3A_751 = vector.broadcast %add3A_750 : f32 to vector<1024x64xf32>
    %add3A_752 = arith.addf %mul3A_749, %add3A_751 : vector<1024x64xf32>
    %slice3A_753 = vector.extract_strided_slice %add3A_730 {offsets = [0, 128], sizes = [1024, 64], strides = [1, 1]} : vector<1024x256xf32> to vector<1024x64xf32>
    %tanh3A_754 = math.tanh %slice3A_753 : vector<1024x64xf32>
    %slice3A_755 = vector.extract_strided_slice %add3A_730 {offsets = [0, 192], sizes = [1024, 64], strides = [1, 1]} : vector<1024x256xf32> to vector<1024x64xf32>
    %mul3A_756 = arith.constant 5.000000e-01 : f32
    %mul3A_757 = vector.broadcast %mul3A_756 : f32 to vector<1024x64xf32>
    %mul3A_758 = arith.mulf %mul3A_757, %slice3A_755 : vector<1024x64xf32>
    %tanh3A_759 = math.tanh %mul3A_758 : vector<1024x64xf32>
    %mul3A_760 = arith.constant 5.000000e-01 : f32
    %mul3A_761 = vector.broadcast %mul3A_760 : f32 to vector<1024x64xf32>
    %mul3A_762 = arith.mulf %mul3A_761, %tanh3A_759 : vector<1024x64xf32>
    %add3A_763 = arith.constant 5.000000e-01 : f32
    %add3A_764 = vector.broadcast %add3A_763 : f32 to vector<1024x64xf32>
    %add3A_765 = arith.addf %mul3A_762, %add3A_764 : vector<1024x64xf32>
    %mul3A_766 = arith.mulf %add3A_752, %add3A_669 : vector<1024x64xf32>
    %mul3A_767 = arith.mulf %add3A_741, %tanh3A_754 : vector<1024x64xf32>
    %add3A_768 = arith.addf %mul3A_766, %mul3A_767 : vector<1024x64xf32>
    %tanh3A_769 = math.tanh %add3A_768 : vector<1024x64xf32>
    %mul3A_770 = arith.mulf %add3A_765, %tanh3A_769 : vector<1024x64xf32>
    %dot_general3A_771 = arith.constant dense<0.000000e+00> : vector<1024x256xf32>
    %dot_general3A_772 = tpu.matmul %mul3A_770, %get3A_12, %dot_general3A_771 {dimension_numbers = #tpu.dot_dimension_numbers<[1], [0], [0], [1], [0, 0, 1, 1], [], []>, transpose_lhs_hint = false} : vector<1024x64xf32>, vector<64x256xf32>, vector<1024x256xf32> -> vector<1024x256xf32>
    %dot_general3A_773 = arith.constant dense<0.000000e+00> : vector<1024x256xf32>
    %dot_general3A_774 = tpu.matmul %mul3A_718, %get3A_15, %dot_general3A_773 {dimension_numbers = #tpu.dot_dimension_numbers<[1], [0], [0], [1], [0, 0, 1, 1], [], []>, transpose_lhs_hint = false} : vector<1024x64xf32>, vector<64x256xf32>, vector<1024x256xf32> -> vector<1024x256xf32>
    %add3A_775 = arith.addf %dot_general3A_772, %dot_general3A_774 : vector<1024x256xf32>
    %add3A_776 = vector.broadcast %get3A_18 : vector<1x256xf32> to vector<1024x256xf32>
    %add3A_777 = arith.addf %add3A_775, %add3A_776 : vector<1024x256xf32>
    %slice3A_778 = vector.extract_strided_slice %add3A_777 {offsets = [0, 0], sizes = [1024, 64], strides = [1, 1]} : vector<1024x256xf32> to vector<1024x64xf32>
    %mul3A_779 = arith.constant 5.000000e-01 : f32
    %mul3A_780 = vector.broadcast %mul3A_779 : f32 to vector<1024x64xf32>
    %mul3A_781 = arith.mulf %mul3A_780, %slice3A_778 : vector<1024x64xf32>
    %tanh3A_782 = math.tanh %mul3A_781 : vector<1024x64xf32>
    %mul3A_783 = arith.constant 5.000000e-01 : f32
    %mul3A_784 = vector.broadcast %mul3A_783 : f32 to vector<1024x64xf32>
    %mul3A_785 = arith.mulf %mul3A_784, %tanh3A_782 : vector<1024x64xf32>
    %add3A_786 = arith.constant 5.000000e-01 : f32
    %add3A_787 = vector.broadcast %add3A_786 : f32 to vector<1024x64xf32>
    %add3A_788 = arith.addf %mul3A_785, %add3A_787 : vector<1024x64xf32>
    %slice3A_789 = vector.extract_strided_slice %add3A_777 {offsets = [0, 64], sizes = [1024, 64], strides = [1, 1]} : vector<1024x256xf32> to vector<1024x64xf32>
    %mul3A_790 = arith.constant 5.000000e-01 : f32
    %mul3A_791 = vector.broadcast %mul3A_790 : f32 to vector<1024x64xf32>
    %mul3A_792 = arith.mulf %mul3A_791, %slice3A_789 : vector<1024x64xf32>
    %tanh3A_793 = math.tanh %mul3A_792 : vector<1024x64xf32>
    %mul3A_794 = arith.constant 5.000000e-01 : f32
    %mul3A_795 = vector.broadcast %mul3A_794 : f32 to vector<1024x64xf32>
    %mul3A_796 = arith.mulf %mul3A_795, %tanh3A_793 : vector<1024x64xf32>
    %add3A_797 = arith.constant 5.000000e-01 : f32
    %add3A_798 = vector.broadcast %add3A_797 : f32 to vector<1024x64xf32>
    %add3A_799 = arith.addf %mul3A_796, %add3A_798 : vector<1024x64xf32>
    %slice3A_800 = vector.extract_strided_slice %add3A_777 {offsets = [0, 128], sizes = [1024, 64], strides = [1, 1]} : vector<1024x256xf32> to vector<1024x64xf32>
    %tanh3A_801 = math.tanh %slice3A_800 : vector<1024x64xf32>
    %slice3A_802 = vector.extract_strided_slice %add3A_777 {offsets = [0, 192], sizes = [1024, 64], strides = [1, 1]} : vector<1024x256xf32> to vector<1024x64xf32>
    %mul3A_803 = arith.constant 5.000000e-01 : f32
    %mul3A_804 = vector.broadcast %mul3A_803 : f32 to vector<1024x64xf32>
    %mul3A_805 = arith.mulf %mul3A_804, %slice3A_802 : vector<1024x64xf32>
    %tanh3A_806 = math.tanh %mul3A_805 : vector<1024x64xf32>
    %mul3A_807 = arith.constant 5.000000e-01 : f32
    %mul3A_808 = vector.broadcast %mul3A_807 : f32 to vector<1024x64xf32>
    %mul3A_809 = arith.mulf %mul3A_808, %tanh3A_806 : vector<1024x64xf32>
    %add3A_810 = arith.constant 5.000000e-01 : f32
    %add3A_811 = vector.broadcast %add3A_810 : f32 to vector<1024x64xf32>
    %add3A_812 = arith.addf %mul3A_809, %add3A_811 : vector<1024x64xf32>
    %mul3A_813 = arith.mulf %add3A_799, %add3A_716 : vector<1024x64xf32>
    %mul3A_814 = arith.mulf %add3A_788, %tanh3A_801 : vector<1024x64xf32>
    %add3A_815 = arith.addf %mul3A_813, %mul3A_814 : vector<1024x64xf32>
    %tanh3A_816 = math.tanh %add3A_815 : vector<1024x64xf32>
    %mul3A_817 = arith.mulf %add3A_812, %tanh3A_816 : vector<1024x64xf32>
    %get3A_818 = arith.constant 8 : index
    %get3A_819 = arith.constant 0 : index
    %get3A_820 = arith.constant 0 : index
    %get3A_821 = vector.load %arg1[%get3A_818, %get3A_819, %get3A_820] : memref<10x1024x128xf32, #tpu.memory_space<vmem>>, vector<1x1024x64xf32>
    %get3A_822 = vector.shape_cast %get3A_821 : vector<1x1024x64xf32> to vector<1024x64xf32>
    %dot_general3A_823 = arith.constant dense<0.000000e+00> : vector<1024x256xf32>
    %dot_general3A_824 = tpu.matmul %get3A_822, %get3A_3, %dot_general3A_823 {dimension_numbers = #tpu.dot_dimension_numbers<[1], [0], [0], [1], [0, 0, 1, 1], [], []>, transpose_lhs_hint = false} : vector<1024x64xf32>, vector<64x256xf32>, vector<1024x256xf32> -> vector<1024x256xf32>
    %dot_general3A_825 = arith.constant dense<0.000000e+00> : vector<1024x256xf32>
    %dot_general3A_826 = tpu.matmul %mul3A_770, %get3A_6, %dot_general3A_825 {dimension_numbers = #tpu.dot_dimension_numbers<[1], [0], [0], [1], [0, 0, 1, 1], [], []>, transpose_lhs_hint = false} : vector<1024x64xf32>, vector<64x256xf32>, vector<1024x256xf32> -> vector<1024x256xf32>
    %add3A_827 = arith.addf %dot_general3A_824, %dot_general3A_826 : vector<1024x256xf32>
    %add3A_828 = vector.broadcast %get3A_9 : vector<1x256xf32> to vector<1024x256xf32>
    %add3A_829 = arith.addf %add3A_827, %add3A_828 : vector<1024x256xf32>
    %slice3A_830 = vector.extract_strided_slice %add3A_829 {offsets = [0, 0], sizes = [1024, 64], strides = [1, 1]} : vector<1024x256xf32> to vector<1024x64xf32>
    %mul3A_831 = arith.constant 5.000000e-01 : f32
    %mul3A_832 = vector.broadcast %mul3A_831 : f32 to vector<1024x64xf32>
    %mul3A_833 = arith.mulf %mul3A_832, %slice3A_830 : vector<1024x64xf32>
    %tanh3A_834 = math.tanh %mul3A_833 : vector<1024x64xf32>
    %mul3A_835 = arith.constant 5.000000e-01 : f32
    %mul3A_836 = vector.broadcast %mul3A_835 : f32 to vector<1024x64xf32>
    %mul3A_837 = arith.mulf %mul3A_836, %tanh3A_834 : vector<1024x64xf32>
    %add3A_838 = arith.constant 5.000000e-01 : f32
    %add3A_839 = vector.broadcast %add3A_838 : f32 to vector<1024x64xf32>
    %add3A_840 = arith.addf %mul3A_837, %add3A_839 : vector<1024x64xf32>
    %slice3A_841 = vector.extract_strided_slice %add3A_829 {offsets = [0, 64], sizes = [1024, 64], strides = [1, 1]} : vector<1024x256xf32> to vector<1024x64xf32>
    %mul3A_842 = arith.constant 5.000000e-01 : f32
    %mul3A_843 = vector.broadcast %mul3A_842 : f32 to vector<1024x64xf32>
    %mul3A_844 = arith.mulf %mul3A_843, %slice3A_841 : vector<1024x64xf32>
    %tanh3A_845 = math.tanh %mul3A_844 : vector<1024x64xf32>
    %mul3A_846 = arith.constant 5.000000e-01 : f32
    %mul3A_847 = vector.broadcast %mul3A_846 : f32 to vector<1024x64xf32>
    %mul3A_848 = arith.mulf %mul3A_847, %tanh3A_845 : vector<1024x64xf32>
    %add3A_849 = arith.constant 5.000000e-01 : f32
    %add3A_850 = vector.broadcast %add3A_849 : f32 to vector<1024x64xf32>
    %add3A_851 = arith.addf %mul3A_848, %add3A_850 : vector<1024x64xf32>
    %slice3A_852 = vector.extract_strided_slice %add3A_829 {offsets = [0, 128], sizes = [1024, 64], strides = [1, 1]} : vector<1024x256xf32> to vector<1024x64xf32>
    %tanh3A_853 = math.tanh %slice3A_852 : vector<1024x64xf32>
    %slice3A_854 = vector.extract_strided_slice %add3A_829 {offsets = [0, 192], sizes = [1024, 64], strides = [1, 1]} : vector<1024x256xf32> to vector<1024x64xf32>
    %mul3A_855 = arith.constant 5.000000e-01 : f32
    %mul3A_856 = vector.broadcast %mul3A_855 : f32 to vector<1024x64xf32>
    %mul3A_857 = arith.mulf %mul3A_856, %slice3A_854 : vector<1024x64xf32>
    %tanh3A_858 = math.tanh %mul3A_857 : vector<1024x64xf32>
    %mul3A_859 = arith.constant 5.000000e-01 : f32
    %mul3A_860 = vector.broadcast %mul3A_859 : f32 to vector<1024x64xf32>
    %mul3A_861 = arith.mulf %mul3A_860, %tanh3A_858 : vector<1024x64xf32>
    %add3A_862 = arith.constant 5.000000e-01 : f32
    %add3A_863 = vector.broadcast %add3A_862 : f32 to vector<1024x64xf32>
    %add3A_864 = arith.addf %mul3A_861, %add3A_863 : vector<1024x64xf32>
    %mul3A_865 = arith.mulf %add3A_851, %add3A_768 : vector<1024x64xf32>
    %mul3A_866 = arith.mulf %add3A_840, %tanh3A_853 : vector<1024x64xf32>
    %add3A_867 = arith.addf %mul3A_865, %mul3A_866 : vector<1024x64xf32>
    %tanh3A_868 = math.tanh %add3A_867 : vector<1024x64xf32>
    %mul3A_869 = arith.mulf %add3A_864, %tanh3A_868 : vector<1024x64xf32>
    %dot_general3A_870 = arith.constant dense<0.000000e+00> : vector<1024x256xf32>
    %dot_general3A_871 = tpu.matmul %mul3A_869, %get3A_12, %dot_general3A_870 {dimension_numbers = #tpu.dot_dimension_numbers<[1], [0], [0], [1], [0, 0, 1, 1], [], []>, transpose_lhs_hint = false} : vector<1024x64xf32>, vector<64x256xf32>, vector<1024x256xf32> -> vector<1024x256xf32>
    %dot_general3A_872 = arith.constant dense<0.000000e+00> : vector<1024x256xf32>
    %dot_general3A_873 = tpu.matmul %mul3A_817, %get3A_15, %dot_general3A_872 {dimension_numbers = #tpu.dot_dimension_numbers<[1], [0], [0], [1], [0, 0, 1, 1], [], []>, transpose_lhs_hint = false} : vector<1024x64xf32>, vector<64x256xf32>, vector<1024x256xf32> -> vector<1024x256xf32>
    %add3A_874 = arith.addf %dot_general3A_871, %dot_general3A_873 : vector<1024x256xf32>
    %add3A_875 = vector.broadcast %get3A_18 : vector<1x256xf32> to vector<1024x256xf32>
    %add3A_876 = arith.addf %add3A_874, %add3A_875 : vector<1024x256xf32>
    %slice3A_877 = vector.extract_strided_slice %add3A_876 {offsets = [0, 0], sizes = [1024, 64], strides = [1, 1]} : vector<1024x256xf32> to vector<1024x64xf32>
    %mul3A_878 = arith.constant 5.000000e-01 : f32
    %mul3A_879 = vector.broadcast %mul3A_878 : f32 to vector<1024x64xf32>
    %mul3A_880 = arith.mulf %mul3A_879, %slice3A_877 : vector<1024x64xf32>
    %tanh3A_881 = math.tanh %mul3A_880 : vector<1024x64xf32>
    %mul3A_882 = arith.constant 5.000000e-01 : f32
    %mul3A_883 = vector.broadcast %mul3A_882 : f32 to vector<1024x64xf32>
    %mul3A_884 = arith.mulf %mul3A_883, %tanh3A_881 : vector<1024x64xf32>
    %add3A_885 = arith.constant 5.000000e-01 : f32
    %add3A_886 = vector.broadcast %add3A_885 : f32 to vector<1024x64xf32>
    %add3A_887 = arith.addf %mul3A_884, %add3A_886 : vector<1024x64xf32>
    %slice3A_888 = vector.extract_strided_slice %add3A_876 {offsets = [0, 64], sizes = [1024, 64], strides = [1, 1]} : vector<1024x256xf32> to vector<1024x64xf32>
    %mul3A_889 = arith.constant 5.000000e-01 : f32
    %mul3A_890 = vector.broadcast %mul3A_889 : f32 to vector<1024x64xf32>
    %mul3A_891 = arith.mulf %mul3A_890, %slice3A_888 : vector<1024x64xf32>
    %tanh3A_892 = math.tanh %mul3A_891 : vector<1024x64xf32>
    %mul3A_893 = arith.constant 5.000000e-01 : f32
    %mul3A_894 = vector.broadcast %mul3A_893 : f32 to vector<1024x64xf32>
    %mul3A_895 = arith.mulf %mul3A_894, %tanh3A_892 : vector<1024x64xf32>
    %add3A_896 = arith.constant 5.000000e-01 : f32
    %add3A_897 = vector.broadcast %add3A_896 : f32 to vector<1024x64xf32>
    %add3A_898 = arith.addf %mul3A_895, %add3A_897 : vector<1024x64xf32>
    %slice3A_899 = vector.extract_strided_slice %add3A_876 {offsets = [0, 128], sizes = [1024, 64], strides = [1, 1]} : vector<1024x256xf32> to vector<1024x64xf32>
    %tanh3A_900 = math.tanh %slice3A_899 : vector<1024x64xf32>
    %slice3A_901 = vector.extract_strided_slice %add3A_876 {offsets = [0, 192], sizes = [1024, 64], strides = [1, 1]} : vector<1024x256xf32> to vector<1024x64xf32>
    %mul3A_902 = arith.constant 5.000000e-01 : f32
    %mul3A_903 = vector.broadcast %mul3A_902 : f32 to vector<1024x64xf32>
    %mul3A_904 = arith.mulf %mul3A_903, %slice3A_901 : vector<1024x64xf32>
    %tanh3A_905 = math.tanh %mul3A_904 : vector<1024x64xf32>
    %mul3A_906 = arith.constant 5.000000e-01 : f32
    %mul3A_907 = vector.broadcast %mul3A_906 : f32 to vector<1024x64xf32>
    %mul3A_908 = arith.mulf %mul3A_907, %tanh3A_905 : vector<1024x64xf32>
    %add3A_909 = arith.constant 5.000000e-01 : f32
    %add3A_910 = vector.broadcast %add3A_909 : f32 to vector<1024x64xf32>
    %add3A_911 = arith.addf %mul3A_908, %add3A_910 : vector<1024x64xf32>
    %mul3A_912 = arith.mulf %add3A_898, %add3A_815 : vector<1024x64xf32>
    %mul3A_913 = arith.mulf %add3A_887, %tanh3A_900 : vector<1024x64xf32>
    %add3A_914 = arith.addf %mul3A_912, %mul3A_913 : vector<1024x64xf32>
    %tanh3A_915 = math.tanh %add3A_914 : vector<1024x64xf32>
    %mul3A_916 = arith.mulf %add3A_911, %tanh3A_915 : vector<1024x64xf32>
    %get3A_917 = arith.constant 9 : index
    %get3A_918 = arith.constant 0 : index
    %get3A_919 = arith.constant 0 : index
    %get3A_920 = vector.load %arg1[%get3A_917, %get3A_918, %get3A_919] : memref<10x1024x128xf32, #tpu.memory_space<vmem>>, vector<1x1024x64xf32>
    %get3A_921 = vector.shape_cast %get3A_920 : vector<1x1024x64xf32> to vector<1024x64xf32>
    %dot_general3A_922 = arith.constant dense<0.000000e+00> : vector<1024x256xf32>
    %dot_general3A_923 = tpu.matmul %get3A_921, %get3A_3, %dot_general3A_922 {dimension_numbers = #tpu.dot_dimension_numbers<[1], [0], [0], [1], [0, 0, 1, 1], [], []>, transpose_lhs_hint = false} : vector<1024x64xf32>, vector<64x256xf32>, vector<1024x256xf32> -> vector<1024x256xf32>
    %dot_general3A_924 = arith.constant dense<0.000000e+00> : vector<1024x256xf32>
    %dot_general3A_925 = tpu.matmul %mul3A_869, %get3A_6, %dot_general3A_924 {dimension_numbers = #tpu.dot_dimension_numbers<[1], [0], [0], [1], [0, 0, 1, 1], [], []>, transpose_lhs_hint = false} : vector<1024x64xf32>, vector<64x256xf32>, vector<1024x256xf32> -> vector<1024x256xf32>
    %add3A_926 = arith.addf %dot_general3A_923, %dot_general3A_925 : vector<1024x256xf32>
    %add3A_927 = vector.broadcast %get3A_9 : vector<1x256xf32> to vector<1024x256xf32>
    %add3A_928 = arith.addf %add3A_926, %add3A_927 : vector<1024x256xf32>
    %slice3A_929 = vector.extract_strided_slice %add3A_928 {offsets = [0, 0], sizes = [1024, 64], strides = [1, 1]} : vector<1024x256xf32> to vector<1024x64xf32>
    %mul3A_930 = arith.constant 5.000000e-01 : f32
    %mul3A_931 = vector.broadcast %mul3A_930 : f32 to vector<1024x64xf32>
    %mul3A_932 = arith.mulf %mul3A_931, %slice3A_929 : vector<1024x64xf32>
    %tanh3A_933 = math.tanh %mul3A_932 : vector<1024x64xf32>
    %mul3A_934 = arith.constant 5.000000e-01 : f32
    %mul3A_935 = vector.broadcast %mul3A_934 : f32 to vector<1024x64xf32>
    %mul3A_936 = arith.mulf %mul3A_935, %tanh3A_933 : vector<1024x64xf32>
    %add3A_937 = arith.constant 5.000000e-01 : f32
    %add3A_938 = vector.broadcast %add3A_937 : f32 to vector<1024x64xf32>
    %add3A_939 = arith.addf %mul3A_936, %add3A_938 : vector<1024x64xf32>
    %slice3A_940 = vector.extract_strided_slice %add3A_928 {offsets = [0, 64], sizes = [1024, 64], strides = [1, 1]} : vector<1024x256xf32> to vector<1024x64xf32>
    %mul3A_941 = arith.constant 5.000000e-01 : f32
    %mul3A_942 = vector.broadcast %mul3A_941 : f32 to vector<1024x64xf32>
    %mul3A_943 = arith.mulf %mul3A_942, %slice3A_940 : vector<1024x64xf32>
    %tanh3A_944 = math.tanh %mul3A_943 : vector<1024x64xf32>
    %mul3A_945 = arith.constant 5.000000e-01 : f32
    %mul3A_946 = vector.broadcast %mul3A_945 : f32 to vector<1024x64xf32>
    %mul3A_947 = arith.mulf %mul3A_946, %tanh3A_944 : vector<1024x64xf32>
    %add3A_948 = arith.constant 5.000000e-01 : f32
    %add3A_949 = vector.broadcast %add3A_948 : f32 to vector<1024x64xf32>
    %add3A_950 = arith.addf %mul3A_947, %add3A_949 : vector<1024x64xf32>
    %slice3A_951 = vector.extract_strided_slice %add3A_928 {offsets = [0, 128], sizes = [1024, 64], strides = [1, 1]} : vector<1024x256xf32> to vector<1024x64xf32>
    %tanh3A_952 = math.tanh %slice3A_951 : vector<1024x64xf32>
    %slice3A_953 = vector.extract_strided_slice %add3A_928 {offsets = [0, 192], sizes = [1024, 64], strides = [1, 1]} : vector<1024x256xf32> to vector<1024x64xf32>
    %mul3A_954 = arith.constant 5.000000e-01 : f32
    %mul3A_955 = vector.broadcast %mul3A_954 : f32 to vector<1024x64xf32>
    %mul3A_956 = arith.mulf %mul3A_955, %slice3A_953 : vector<1024x64xf32>
    %tanh3A_957 = math.tanh %mul3A_956 : vector<1024x64xf32>
    %mul3A_958 = arith.constant 5.000000e-01 : f32
    %mul3A_959 = vector.broadcast %mul3A_958 : f32 to vector<1024x64xf32>
    %mul3A_960 = arith.mulf %mul3A_959, %tanh3A_957 : vector<1024x64xf32>
    %add3A_961 = arith.constant 5.000000e-01 : f32
    %add3A_962 = vector.broadcast %add3A_961 : f32 to vector<1024x64xf32>
    %add3A_963 = arith.addf %mul3A_960, %add3A_962 : vector<1024x64xf32>
    %mul3A_964 = arith.mulf %add3A_950, %add3A_867 : vector<1024x64xf32>
    %mul3A_965 = arith.mulf %add3A_939, %tanh3A_952 : vector<1024x64xf32>
    %add3A_966 = arith.addf %mul3A_964, %mul3A_965 : vector<1024x64xf32>
    %tanh3A_967 = math.tanh %add3A_966 : vector<1024x64xf32>
    %mul3A_968 = arith.mulf %add3A_963, %tanh3A_967 : vector<1024x64xf32>
    %dot_general3A_969 = arith.constant dense<0.000000e+00> : vector<1024x256xf32>
    %dot_general3A_970 = tpu.matmul %mul3A_968, %get3A_12, %dot_general3A_969 {dimension_numbers = #tpu.dot_dimension_numbers<[1], [0], [0], [1], [0, 0, 1, 1], [], []>, transpose_lhs_hint = false} : vector<1024x64xf32>, vector<64x256xf32>, vector<1024x256xf32> -> vector<1024x256xf32>
    %dot_general3A_971 = arith.constant dense<0.000000e+00> : vector<1024x256xf32>
    %dot_general3A_972 = tpu.matmul %mul3A_916, %get3A_15, %dot_general3A_971 {dimension_numbers = #tpu.dot_dimension_numbers<[1], [0], [0], [1], [0, 0, 1, 1], [], []>, transpose_lhs_hint = false} : vector<1024x64xf32>, vector<64x256xf32>, vector<1024x256xf32> -> vector<1024x256xf32>
    %add3A_973 = arith.addf %dot_general3A_970, %dot_general3A_972 : vector<1024x256xf32>
    %add3A_974 = vector.broadcast %get3A_18 : vector<1x256xf32> to vector<1024x256xf32>
    %add3A_975 = arith.addf %add3A_973, %add3A_974 : vector<1024x256xf32>
    %slice3A_976 = vector.extract_strided_slice %add3A_975 {offsets = [0, 0], sizes = [1024, 64], strides = [1, 1]} : vector<1024x256xf32> to vector<1024x64xf32>
    %mul3A_977 = arith.constant 5.000000e-01 : f32
    %mul3A_978 = vector.broadcast %mul3A_977 : f32 to vector<1024x64xf32>
    %mul3A_979 = arith.mulf %mul3A_978, %slice3A_976 : vector<1024x64xf32>
    %tanh3A_980 = math.tanh %mul3A_979 : vector<1024x64xf32>
    %mul3A_981 = arith.constant 5.000000e-01 : f32
    %mul3A_982 = vector.broadcast %mul3A_981 : f32 to vector<1024x64xf32>
    %mul3A_983 = arith.mulf %mul3A_982, %tanh3A_980 : vector<1024x64xf32>
    %add3A_984 = arith.constant 5.000000e-01 : f32
    %add3A_985 = vector.broadcast %add3A_984 : f32 to vector<1024x64xf32>
    %add3A_986 = arith.addf %mul3A_983, %add3A_985 : vector<1024x64xf32>
    %slice3A_987 = vector.extract_strided_slice %add3A_975 {offsets = [0, 64], sizes = [1024, 64], strides = [1, 1]} : vector<1024x256xf32> to vector<1024x64xf32>
    %mul3A_988 = arith.constant 5.000000e-01 : f32
    %mul3A_989 = vector.broadcast %mul3A_988 : f32 to vector<1024x64xf32>
    %mul3A_990 = arith.mulf %mul3A_989, %slice3A_987 : vector<1024x64xf32>
    %tanh3A_991 = math.tanh %mul3A_990 : vector<1024x64xf32>
    %mul3A_992 = arith.constant 5.000000e-01 : f32
    %mul3A_993 = vector.broadcast %mul3A_992 : f32 to vector<1024x64xf32>
    %mul3A_994 = arith.mulf %mul3A_993, %tanh3A_991 : vector<1024x64xf32>
    %add3A_995 = arith.constant 5.000000e-01 : f32
    %add3A_996 = vector.broadcast %add3A_995 : f32 to vector<1024x64xf32>
    %add3A_997 = arith.addf %mul3A_994, %add3A_996 : vector<1024x64xf32>
    %slice3A_998 = vector.extract_strided_slice %add3A_975 {offsets = [0, 128], sizes = [1024, 64], strides = [1, 1]} : vector<1024x256xf32> to vector<1024x64xf32>
    %tanh3A_999 = math.tanh %slice3A_998 : vector<1024x64xf32>
    %slice3A_1000 = vector.extract_strided_slice %add3A_975 {offsets = [0, 192], sizes = [1024, 64], strides = [1, 1]} : vector<1024x256xf32> to vector<1024x64xf32>
    %mul3A_1001 = arith.constant 5.000000e-01 : f32
    %mul3A_1002 = vector.broadcast %mul3A_1001 : f32 to vector<1024x64xf32>
    %mul3A_1003 = arith.mulf %mul3A_1002, %slice3A_1000 : vector<1024x64xf32>
    %tanh3A_1004 = math.tanh %mul3A_1003 : vector<1024x64xf32>
    %mul3A_1005 = arith.constant 5.000000e-01 : f32
    %mul3A_1006 = vector.broadcast %mul3A_1005 : f32 to vector<1024x64xf32>
    %mul3A_1007 = arith.mulf %mul3A_1006, %tanh3A_1004 : vector<1024x64xf32>
    %add3A_1008 = arith.constant 5.000000e-01 : f32
    %add3A_1009 = vector.broadcast %add3A_1008 : f32 to vector<1024x64xf32>
    %add3A_1010 = arith.addf %mul3A_1007, %add3A_1009 : vector<1024x64xf32>
    %mul3A_1011 = arith.mulf %add3A_997, %add3A_914 : vector<1024x64xf32>
    %mul3A_1012 = arith.mulf %add3A_986, %tanh3A_999 : vector<1024x64xf32>
    %add3A_1013 = arith.addf %mul3A_1011, %mul3A_1012 : vector<1024x64xf32>
    %tanh3A_1014 = math.tanh %add3A_1013 : vector<1024x64xf32>
    %mul3A_1015 = arith.mulf %add3A_1010, %tanh3A_1014 : vector<1024x64xf32>
    %swap3A = arith.constant 0 : index
    %swap3A_1016 = arith.constant 0 : index
    %swap3A_1017 = vector.load %arg21[%swap3A, %swap3A_1016] : memref<1024x64xf32, #tpu.memory_space<vmem>>, vector<1024x64xf32>
    tpu.vector_store %arg21[%swap3A, %swap3A_1016], %mul3A_968 {strides = array<i32>} : memref<1024x64xf32, #tpu.memory_space<vmem>>, vector<1024x64xf32>,
    %swap3A_1018 = arith.constant 0 : index
    %swap3A_1019 = arith.constant 0 : index
    %swap3A_1020 = vector.load %arg22[%swap3A_1018, %swap3A_1019] : memref<1024x64xf32, #tpu.memory_space<vmem>>, vector<1024x64xf32>
    tpu.vector_store %arg22[%swap3A_1018, %swap3A_1019], %add3A_966 {strides = array<i32>} : memref<1024x64xf32, #tpu.memory_space<vmem>>, vector<1024x64xf32>,
    %swap3A_1021 = arith.constant 0 : index
    %swap3A_1022 = arith.constant 0 : index
    %swap3A_1023 = vector.load %arg23[%swap3A_1021, %swap3A_1022] : memref<1024x64xf32, #tpu.memory_space<vmem>>, vector<1024x64xf32>
    tpu.vector_store %arg23[%swap3A_1021, %swap3A_1022], %mul3A_1015 {strides = array<i32>} : memref<1024x64xf32, #tpu.memory_space<vmem>>, vector<1024x64xf32>,
    %swap3A_1024 = arith.constant 0 : index
    %swap3A_1025 = arith.constant 0 : index
    %swap3A_1026 = vector.load %arg24[%swap3A_1024, %swap3A_1025] : memref<1024x64xf32, #tpu.memory_space<vmem>>, vector<1024x64xf32>
    tpu.vector_store %arg24[%swap3A_1024, %swap3A_1025], %add3A_1013 {strides = array<i32>} : memref<1024x64xf32, #tpu.memory_space<vmem>>, vector<1024x64xf32>,
    %eq3A_1027 = arith.constant 3 : i32
    %eq3A_1028 = arith.cmpi eq, %arg0, %eq3A_1027 : i32
    %convert_element_type3A_1029 = arith.extui %eq3A_1028 : i1 to i32
    %cond3A_1030 = arith.constant 0 : i32
    %cond3A_1031 = arith.cmpi ne, %convert_element_type3A_1029, %cond3A_1030 : i32
    scf.if %cond3A_1031 {
      %swap3A_1032 = arith.constant 0 : index
      %swap3A_1033 = arith.constant 0 : index
      %swap3A_1034 = vector.load %arg16[%swap3A_1032, %swap3A_1033] : memref<1024x64xf32, #tpu.memory_space<vmem>>, vector<1024x64xf32>
      tpu.vector_store %arg16[%swap3A_1032, %swap3A_1033], %mul3A_968 {strides = array<i32>} : memref<1024x64xf32, #tpu.memory_space<vmem>>, vector<1024x64xf32>,
      %swap3A_1035 = arith.constant 0 : index
      %swap3A_1036 = arith.constant 0 : index
      %swap3A_1037 = vector.load %arg17[%swap3A_1035, %swap3A_1036] : memref<1024x64xf32, #tpu.memory_space<vmem>>, vector<1024x64xf32>
      tpu.vector_store %arg17[%swap3A_1035, %swap3A_1036], %add3A_966 {strides = array<i32>} : memref<1024x64xf32, #tpu.memory_space<vmem>>, vector<1024x64xf32>,
      %swap3A_1038 = arith.constant 0 : index
      %swap3A_1039 = arith.constant 0 : index
      %swap3A_1040 = vector.load %arg18[%swap3A_1038, %swap3A_1039] : memref<1024x64xf32, #tpu.memory_space<vmem>>, vector<1024x64xf32>
      tpu.vector_store %arg18[%swap3A_1038, %swap3A_1039], %mul3A_1015 {strides = array<i32>} : memref<1024x64xf32, #tpu.memory_space<vmem>>, vector<1024x64xf32>,
      %swap3A_1041 = arith.constant 0 : index
      %swap3A_1042 = arith.constant 0 : index
      %swap3A_1043 = vector.load %arg19[%swap3A_1041, %swap3A_1042] : memref<1024x64xf32, #tpu.memory_space<vmem>>, vector<1024x64xf32>
      tpu.vector_store %arg19[%swap3A_1041, %swap3A_1042], %add3A_1013 {strides = array<i32>} : memref<1024x64xf32, #tpu.memory_space<vmem>>, vector<1024x64xf32>,
      %get3A_1044 = arith.constant 0 : index
      %get3A_1045 = arith.constant 0 : index
      %get3A_1046 = vector.load %arg8[%get3A_1044, %get3A_1045] : memref<64x250xf32, #tpu.memory_space<vmem>>, vector<64x250xf32>
      %dot_general3A_1047 = arith.constant dense<0.000000e+00> : vector<1024x250xf32>
      %dot_general3A_1048 = tpu.matmul %mul3A_1015, %get3A_1046, %dot_general3A_1047 {dimension_numbers = #tpu.dot_dimension_numbers<[1], [0], [0], [1], [0, 0, 1, 1], [], []>, transpose_lhs_hint = false} : vector<1024x64xf32>, vector<64x250xf32>, vector<1024x250xf32> -> vector<1024x250xf32>
      %get3A_1049 = arith.constant 0 : index
      %get3A_1050 = arith.constant 0 : index
      %get3A_1051 = vector.load %arg9[%get3A_1049, %get3A_1050] : memref<1x250xf32, #tpu.memory_space<vmem>>, vector<1x250xf32>
      %add3A_1052 = vector.broadcast %get3A_1051 : vector<1x250xf32> to vector<1024x250xf32>
      %add3A_1053 = arith.addf %dot_general3A_1048, %add3A_1052 : vector<1024x250xf32>
      %tanh3A_1054 = math.tanh %add3A_1053 : vector<1024x250xf32>
      %get3A_1055 = arith.constant 0 : index
      %get3A_1056 = arith.constant 0 : index
      %get3A_1057 = vector.load %arg10[%get3A_1055, %get3A_1056] : memref<1x250xf32, #tpu.memory_space<vmem>>, vector<1x250xf32>
      %mul3A_1058 = vector.broadcast %get3A_1057 : vector<1x250xf32> to vector<1024x250xf32>
      %mul3A_1059 = arith.mulf %tanh3A_1054, %mul3A_1058 : vector<1024x250xf32>
      %reduce_sum3A = arith.constant dense<0.000000e+00> : vector<1024xf32>
      %reduce_sum3A_1060 = vector.multi_reduction <add>, %mul3A_1059, %reduce_sum3A [1] : vector<1024x250xf32> to vector<1024xf32>
      %broadcast_in_dim3A = vector.shape_cast %reduce_sum3A_1060 : vector<1024xf32> to vector<1024x1xf32>
      %get3A_1061 = arith.constant 0 : index
      %get3A_1062 = arith.constant 0 : index
      %get3A_1063 = vector.load %arg11[%get3A_1061, %get3A_1062] : memref<1x1xf32, #tpu.memory_space<vmem>>, vector<1x1xf32>
      %add3A_1064 = vector.broadcast %get3A_1063 : vector<1x1xf32> to vector<1024x1xf32>
      %add3A_1065 = arith.addf %broadcast_in_dim3A, %add3A_1064 : vector<1024x1xf32>
      %mul3A_1066 = arith.constant 5.000000e-01 : f32
      %mul3A_1067 = vector.broadcast %mul3A_1066 : f32 to vector<1024x1xf32>
      %mul3A_1068 = arith.mulf %mul3A_1067, %add3A_1065 : vector<1024x1xf32>
      %tanh3A_1069 = math.tanh %mul3A_1068 : vector<1024x1xf32>
      %mul3A_1070 = arith.constant 5.000000e-01 : f32
      %mul3A_1071 = vector.broadcast %mul3A_1070 : f32 to vector<1024x1xf32>
      %mul3A_1072 = arith.mulf %mul3A_1071, %tanh3A_1069 : vector<1024x1xf32>
      %add3A_1073 = arith.constant 5.000000e-01 : f32
      %add3A_1074 = vector.broadcast %add3A_1073 : f32 to vector<1024x1xf32>
      %add3A_1075 = arith.addf %mul3A_1072, %add3A_1074 : vector<1024x1xf32>
      %swap3A_1076 = arith.constant 0 : index
      %swap3A_1077 = arith.constant 0 : index
      %swap3A_1078 = vector.load %arg20[%swap3A_1076, %swap3A_1077] : memref<1024x1xf32, #tpu.memory_space<vmem>>, vector<1024x1xf32>
      tpu.vector_store %arg20[%swap3A_1076, %swap3A_1077], %add3A_1075 {strides = array<i32>} : memref<1024x1xf32, #tpu.memory_space<vmem>>, vector<1024x1xf32>,
    } else {
    }
    return
  }
  func.func @transform_0(%arg0: i32) -> (i32, i32, i32) {
    %c0_i32 = arith.constant 0 : i32
    %c0_i32_0 = arith.constant 0 : i32
    %c0_i32_1 = arith.constant 0 : i32
    return %arg0, %c0_i32, %c0_i32_0 : i32, i32, i32
  }
  func.func @transform_1(%arg0: i32) -> (i32, i32) {
    %c0_i32 = arith.constant 0 : i32
    %c0_i32_0 = arith.constant 0 : i32
    %c0_i32_1 = arith.constant 0 : i32
    return %c0_i32, %c0_i32_0 : i32, i32
  }
  func.func @transform_2(%arg0: i32) -> (i32, i32) {
    %c0_i32 = arith.constant 0 : i32
    %c0_i32_0 = arith.constant 0 : i32
    %c0_i32_1 = arith.constant 0 : i32
    return %c0_i32, %c0_i32_0 : i32, i32
  }
  func.func @transform_3(%arg0: i32) -> (i32, i32) {
    %c0_i32 = arith.constant 0 : i32
    %c0_i32_0 = arith.constant 0 : i32
    %c0_i32_1 = arith.constant 0 : i32
    return %c0_i32, %c0_i32_0 : i32, i32
  }
  func.func @transform_4(%arg0: i32) -> (i32, i32) {
    %c0_i32 = arith.constant 0 : i32
    %c0_i32_0 = arith.constant 0 : i32
    %c0_i32_1 = arith.constant 0 : i32
    return %c0_i32, %c0_i32_0 : i32, i32
  }
  func.func @transform_5(%arg0: i32) -> (i32, i32) {
    %c0_i32 = arith.constant 0 : i32
    %c0_i32_0 = arith.constant 0 : i32
    %c0_i32_1 = arith.constant 0 : i32
    return %c0_i32, %c0_i32_0 : i32, i32
  }
  func.func @transform_6(%arg0: i32) -> (i32, i32) {
    %c0_i32 = arith.constant 0 : i32
    %c0_i32_0 = arith.constant 0 : i32
    %c0_i32_1 = arith.constant 0 : i32
    return %c0_i32, %c0_i32_0 : i32, i32
  }
  func.func @transform_7(%arg0: i32) -> (i32, i32) {
    %c0_i32 = arith.constant 0 : i32
    %c0_i32_0 = arith.constant 0 : i32
    %c0_i32_1 = arith.constant 0 : i32
    return %c0_i32, %c0_i32_0 : i32, i32
  }
  func.func @transform_8(%arg0: i32) -> (i32, i32) {
    %c0_i32 = arith.constant 0 : i32
    %c0_i32_0 = arith.constant 0 : i32
    %c0_i32_1 = arith.constant 0 : i32
    return %c0_i32, %c0_i32_0 : i32, i32
  }
  func.func @transform_9(%arg0: i32) -> (i32, i32) {
    %c0_i32 = arith.constant 0 : i32
    %c0_i32_0 = arith.constant 0 : i32
    %c0_i32_1 = arith.constant 0 : i32
    return %c0_i32, %c0_i32_0 : i32, i32
  }
  func.func @transform_10(%arg0: i32) -> (i32, i32) {
    %c0_i32 = arith.constant 0 : i32
    %c0_i32_0 = arith.constant 0 : i32
    %c0_i32_1 = arith.constant 0 : i32
    return %c0_i32, %c0_i32_0 : i32, i32
  }
  func.func @transform_11(%arg0: i32) -> (i32, i32) {
    %c0_i32 = arith.constant 0 : i32
    %c0_i32_0 = arith.constant 0 : i32
    %c0_i32_1 = arith.constant 0 : i32
    return %c0_i32, %c0_i32_0 : i32, i32
  }
  func.func @transform_12(%arg0: i32) -> (i32, i32) {
    %c0_i32 = arith.constant 0 : i32
    %c0_i32_0 = arith.constant 0 : i32
    %c0_i32_1 = arith.constant 0 : i32
    return %c0_i32, %c0_i32_0 : i32, i32
  }
  func.func @transform_13(%arg0: i32) -> (i32, i32) {
    %c0_i32 = arith.constant 0 : i32
    %c0_i32_0 = arith.constant 0 : i32
    %c0_i32_1 = arith.constant 0 : i32
    return %c0_i32, %c0_i32_0 : i32, i32
  }
  func.func @transform_14(%arg0: i32) -> (i32, i32) {
    %c0_i32 = arith.constant 0 : i32
    %c0_i32_0 = arith.constant 0 : i32
    %c0_i32_1 = arith.constant 0 : i32
    return %c0_i32, %c0_i32_0 : i32, i32
  }
  func.func @transform_15(%arg0: i32) -> (i32, i32) {
    %c0_i32 = arith.constant 0 : i32
    %c0_i32_0 = arith.constant 0 : i32
    %c0_i32_1 = arith.constant 0 : i32
    return %c0_i32, %c0_i32_0 : i32, i32
  }
  func.func @transform_16(%arg0: i32) -> (i32, i32) {
    %c0_i32 = arith.constant 0 : i32
    %c0_i32_0 = arith.constant 0 : i32
    %c0_i32_1 = arith.constant 0 : i32
    return %c0_i32, %c0_i32_0 : i32, i32
  }
  func.func @transform_17(%arg0: i32) -> (i32, i32) {
    %c0_i32 = arith.constant 0 : i32
    %c0_i32_0 = arith.constant 0 : i32
    %c0_i32_1 = arith.constant 0 : i32
    return %c0_i32, %c0_i32_0 : i32, i32
  }
  func.func @transform_18(%arg0: i32) -> (i32, i32) {
    %c0_i32 = arith.constant 0 : i32
    %c0_i32_0 = arith.constant 0 : i32
    %c0_i32_1 = arith.constant 0 : i32
    return %c0_i32, %c0_i32_0 : i32, i32
  }
  func.func @transform_19(%arg0: i32) -> (i32, i32) {
    %c0_i32 = arith.constant 0 : i32
    %c0_i32_0 = arith.constant 0 : i32
    %c0_i32_1 = arith.constant 0 : i32
    return %c0_i32, %c0_i32_0 : i32, i32
  }
}

</mosaic_0001>

<sc_bundles>
// kernel: kernel.12.cloned.1.call-start
scs
__scs_entry_jumppad:
0x0: {  	(pc) =	sbr.rel $0x88, $3  }
0x1: {  	(tag) =	ssettag $0x0;
	lr =	simm.s32 $0x1  }
0x2: {  	[smem:$0x3F95] =	sst lr;
	_ =	strace $0xD0000000  }
0x3: {  	_ = 	snop  }
0x4: {  	_ = 	snop  }
0x5: {  	_ = 	snop  }
0x6: {  	_ = 	snop  }
0x7: {  	_ = 	snop  }
__scs_overlays_trampoline_lowered:
0x8: {  	[smem:$0x3FA4] =	sst s0  }
0x9: {  	[smem:$0x3FA5] =	sst s1  }
0xa: {  	[smem:$0x3FA6] =	sst s2  }
0xb: {  	[smem:$0x3FA7] =	sst s3  }
0xc: {  	[smem:$0x3FA8] =	sst s4  }
0xd: {  	[smem:$0x3FA9] =	sst s5  }
0xe: {  	[smem:$0x3FAA] =	sst s6  }
0xf: {  	[smem:$0x3FAB] =	sst s7  }
0x10: {  	[smem:$0x3FAC] =	sst s8  }
0x11: {  	[smem:$0x3FAD] =	sst s9;
	s0 =	simm.s32 @!p0 $0x0  }
0x12: {  	s1 =	sld [smem:$0x3F93];
	s0 =	simm.s32 @p0 $0x1  }
0x13: {  	[smem:$0x3FAE] =	sst s0;
	s0 =	simm.s32 @!p1 $0x0  }
0x14: {  	s2 =	sld [smem:$0x3F92];
	s0 =	simm.s32 @p1 $0x1  }
0x15: {  	[smem:$0x3FAF] =	sst s0;
	s0 =	simm.s32 @!p2 $0x0  }
0x16: {  	s3 =	sld [smem:$0x3FDB];
	s0 =	simm.s32 @p2 $0x1  }
0x17: {  	s4 =	simm.s32 $0x1BF5;
	[smem:$0x3FB1] =	sst s0  }
0x18: {  	s0 =	sld [smem:$0x3F94];
	_ =	swait.ge [sflag:s4], $0x0  }
0x19: {  	s7 =	sld [smem:$0x3F95]  }
0x1a: {  	s8 =	sadd.s32 $0xFFFFE003, lr  }
0x1b: {  	s9 =	sadd.s32 $0xFFFFFEF7, lr;
	s5 =	simm.s32 $0xFFFFFFFF;
	p2 =	slt.u32 s8, $0xFFFFF086  }
0x1c: {  	p1 =	slt.u32 s9, $0xF7A;
	s5 =	simm.s32 @!p2 $0x0  }
0x1d: {  	s5 =	simm.s32 @p1 $0x1;
	p0 =	seq.s32 s7, s2  }
0x1e: {  	s7 =	smul.u32 @!p0 $0xF7A, s2;
	p2 =	seq.s32 @!p0 s5, $0x0  }
0x1f: {  	s9 =	smul.u32 $0xF7A, s1;
	s8 =	simm.s32 @!p0 $0x1BF5;
	p2 =	por !p2, p0  }
0x20: {  	[sflag:s8] =	ssyncset.s32 @!p0 $0xFFFFF086;
	s6 =	sadd.s32 @!p0 s3, s7;
	s7 =	simm.s32 @!p0 $0x108  }
0x21: {  	s3 =	sadd.s32 s3, s9;
	s6 =	sadd.s32 @!p0 $0x88, s6;
	s7 =	simm.s32 @p2 $0x1082  }
0x22: {  	[simem:s7], [sflag:s8] =	dma.local @!p0 [hbm:s6], $0xF7A  }
0x23: {  	s9 =	sor.u32 $0xD0000000, s2;
	s6 =	simm.s32 $0x108;
	_ =	swait.ge @!p0 [sflag:s8], $0x0  }
0x24: {  	s3 =	sadd.s32 $0x88, s3;
	s6 =	simm.s32 @!p1 $0x1082;
	[sflag:s4] =	ssyncset.s32 $0xFFFFF086  }
0x25: {  	[simem:s6], [sflag:s4] =	dma.local [hbm:s3], $0xF7A  }
0x26: {  	[smem:$0x3F95] =	sst s1;
	(tag) =	ssettag s2;
	_ =	strace s9  }
0x27: {  	s1 =	sld [smem:$0x3FA5]  }
0x28: {  	s2 =	sld [smem:$0x3FA6]  }
0x29: {  	s4 =	sld [smem:$0x3FA8]  }
0x2a: {  	p0 =	seq.s32 s5, $0x0;
	s5 =	sld [smem:$0x3FA9]  }
0x2b: {  	s6 =	sld [smem:$0x3FAA]  }
0x2c: {  	s7 =	sld [smem:$0x3FAB]  }
0x2d: {  	s3 =	simm.s32 $0x108;
	s8 =	sld [smem:$0x3FAC]  }
0x2e: {  	s3 =	simm.s32 @!p0 $0x1082;
	s9 =	sld [smem:$0x3FAD]  }
0x2f: {  	lr =	sadd.s32 s0, s3;
	s0 =	sld [smem:$0x3FA4]  }
0x30: {  	s3 =	sld [smem:$0x3FA7]  }
0x31: {  	[smem:$0x3FB0] =	sst s10  }
0x32: {  	s10 =	sld [smem:$0x3FAE];
	_ =	sdelay $0x3  }
0x33: {  	p0 =	seq.s32 s10, $0x1;
	s10 =	sld [smem:$0x3FB0];
	_ =	sdelay $0x3  }
0x34: {  	[smem:$0x3FB0] =	sst s10  }
0x35: {  	s10 =	sld [smem:$0x3FAF];
	_ =	sdelay $0x3  }
0x36: {  	p1 =	seq.s32 s10, $0x1;
	s10 =	sld [smem:$0x3FB0];
	_ =	sdelay $0x3  }
0x37: {  	[smem:$0x3FB0] =	sst s10  }
0x38: {  	s10 =	sld [smem:$0x3FB1]  }
0x39: {  	_ = 	snop;
	(pc) =	sbr.ind lr, $3  }
0x3a: {  	_ = 	snop  }
0x3b: {  	_ = 	snop  }
0x3c: {  	p2 =	seq.s32 s10, $0x1;
	s10 =	sld [smem:$0x3FB0]  }
0x3d: {  	_ =	shalt  }
0x3e: {  	_ =	shalt  }
0x3f: {  	_ =	shalt  }
0x40: {  	_ =	shalt  }
0x41: {  	_ =	shalt  }
0x42: {  	_ =	shalt  }
0x43: {  	_ =	shalt  }
0x44: {  	_ =	shalt  }
0x45: {  	_ =	shalt  }
0x46: {  	_ =	shalt  }
0x47: {  	_ =	shalt  }
0x48: {  	_ =	shalt  }
0x49: {  	_ =	shalt  }
0x4a: {  	_ =	shalt  }
0x4b: {  	_ =	shalt  }
0x4c: {  	_ =	shalt  }
0x4d: {  	_ =	shalt  }
0x4e: {  	_ =	shalt  }
0x4f: {  	_ =	shalt  }
0x50: {  	_ =	shalt  }
0x51: {  	_ =	shalt  }
0x52: {  	_ =	shalt  }
0x53: {  	_ =	shalt  }
0x54: {  	_ =	shalt  }
0x55: {  	_ =	shalt  }
0x56: {  	_ =	shalt  }
0x57: {  	_ =	shalt  }
0x58: {  	_ =	shalt  }
0x59: {  	_ =	shalt  }
0x5a: {  	_ =	shalt  }
0x5b: {  	_ =	shalt  }
0x5c: {  	_ =	shalt  }
0x5d: {  	_ =	shalt  }
0x5e: {  	_ =	shalt  }
0x5f: {  	_ =	shalt  }
0x60: {  	_ =	shalt  }
0x61: {  	_ =	shalt  }
0x62: {  	_ =	shalt  }
0x63: {  	_ =	shalt  }
0x64: {  	_ =	shalt  }
0x65: {  	_ =	shalt  }
0x66: {  	_ =	shalt  }
0x67: {  	_ =	shalt  }
0x68: {  	_ =	shalt  }
0x69: {  	_ =	shalt  }
0x6a: {  	_ =	shalt  }
0x6b: {  	_ =	shalt  }
0x6c: {  	_ =	shalt  }
0x6d: {  	_ =	shalt  }
0x6e: {  	_ =	shalt  }
0x6f: {  	_ =	shalt  }
0x70: {  	_ =	shalt  }
0x71: {  	_ =	shalt  }
0x72: {  	_ =	shalt  }
0x73: {  	_ =	shalt  }
0x74: {  	_ =	shalt  }
0x75: {  	_ =	shalt  }
0x76: {  	_ =	shalt  }
0x77: {  	_ =	shalt  }
0x78: {  	_ =	shalt  }
0x79: {  	_ =	shalt  }
0x7a: {  	_ =	shalt  }
0x7b: {  	_ =	shalt  }
0x7c: {  	_ =	shalt  }
0x7d: {  	_ =	shalt  }
0x7e: {  	_ =	shalt  }
0x7f: {  	_ =	shalt  }
0x80: {  	_ =	shalt  }
0x81: {  	_ =	shalt  }
0x82: {  	_ =	shalt  }
0x83: {  	_ =	shalt  }
0x84: {  	_ =	shalt  }
0x85: {  	_ =	shalt  }
0x86: {  	_ =	shalt  }
0x87: {  	_ =	shalt  }
.Lfunc_end0:
.L_simem_size_0:
called_computation_lowered:
.L_overlay_start_0:
0x88: {  	s2 =	sld [smem:$0x3FD9]  }
0x89: {  	s3 =	sld [smem:$0x3FFE];
	_ =	sdelay $0x1  }
0x8a: {  	s1 =	srdreg.scid  }
0x8b: {  	s0 =	sand.u32 $0x1, s1  }
0x8c: {  	s16 =	sshll.u32 s0, $0xA;
	s2 =	sadd.s32 s3, s2  }
0x8d: {  	s2 =	sadd.s32 s2, s16  }
0x8e: {  	[smem:$0x3FBC] =	sst s2  }
0x8f: {  	_ = 	snop  }
0x90: {  	(tm) =	ssettm $0x1  }
0x91: {  	s17 =	sld [smem:$0x3FFB];
	_ =	sdelay $0x3  }
0x92: {  	_ =	strace s17  }
0x93: {  	s2 =	sld [smem:$0x3FFC];
	_ =	sdelay $0x3  }
0x94: {  	_ =	strace s2  }
0x95: {  	s2 =	sld [smem:$0x3FFD];
	_ =	sdelay $0x3  }
0x96: {  	_ =	strace s2  }
0x97: {  	_ =	strace $0x8FFFFFFF  }
0x98: {  	s18 =	sld [smem:$0x3FDB];
	_ =	sdelay $0x1  }
0x99: {  	s19 =	simm.s32 $_scs_section_size  }
0x9a: {  	s4 =	simm.s32 $_size__tile_overlayer_lowered;
	s5 =	simm.s32 $_tile_overlayer_lowered  }
0x9b: {  	s22 =	simm.s32 $0x1BFF;
	s21 =	sshll.u32 s5, $0x1;
	s2 =	sadd.s32 s19, s18  }
0x9c: {  	s6 =	simm.s32 $0x0;
	s20 =	sshll.u32 s4, $0x1;
	s4 =	sadd.s32 s21, s2  }
0x9d: {  	[timem:s6], [sflag:s22] =	dma.local [hbm:s4], s20  }
0x9e: {  	_ =	swait.ge [sflag:s22], s20  }
0x9f: {  	s3 =	ssub.s32 $0x0, s20;
	[sflag:s22] =	ssyncset.done $0x0  }
0xa0: {  	[sflag:s22] =	ssyncadd.s32 s3;
	_ =	sdelay $0x1  }
0xa1: {  	s23 =	simm.s32 $0x1B8B  }
0xa2: {  	_ =	swait.ge [sflag:s23], $0x1  }
0xa3: {  	[sflag:s23] =	ssyncset.done $0x0  }
0xa4: {  	s25 =	simm.s32 $0x1B8E;
	s24 =	sld [smem:$0x3FFE];
	[sflag:s23] =	ssyncadd.s32 $0xFFFFFFFF  }
0xa5: {  	s26 =	simm.s32 $execute0_lowered;
	[smem:$0x3FD2] =	sst s25  }
0xa6: {  	s4 =	sshll.u32 s26, $0x1;
	_ =	strace $0x80000046;
	[dreg:$0x1] =	wrdreg $0xFFFFFFFF  }
0xa7: {  	s28 =	simm.s32 $_size_execute0_lowered;
	s2 =	sadd.s32 s2, s4;
	[dreg:$0x0] =	wrdreg $0x0  }
0xa8: {  	s4 =	sshll.u32 s28, $0x1;
	[dreg:$0x2] =	wrdreg s2  }
0xa9: {  	[dreg:$0x3] =	wrdreg s4  }
0xaa: {  	[dreg:$0x4] =	wrdreg $0xC0  }
0xab: {  	_ =	task [dreg:s6], $0x5FFFF  }
0xac: {  	[dreg:$0x1] =	wrdreg $0xFFFFFFFF  }
0xad: {  	[dreg:$0x0] =	wrdreg $0x60  }
0xae: {  	[dreg:$0x2] =	wrdreg s24  }
0xaf: {  	[dreg:$0x3] =	wrdreg $0x9  }
0xb0: {  	_ =	task.clear_ibuf [dreg:s6], $0x4FFFF;
	_ =	strace $0x90000046  }
0xb1: {  	s29 =	simm.s32 $0x9;
	_ =	strace $0x80000048  }
0xb2: {  	_ =	swait.ge [sflag:s29], $0x1  }
0xb3: {  	[sflag:s29] =	ssyncadd.s32 $0xFFFFFFFF  }
0xb4: {  	_ =	strace $0x90000048  }
0xb5: {  	_ =	sfence  }
0xb6: {  	s30 =	sld [smem:$0x0];
	_ =	sdelay $0x2  }
0xb7: {  	s31 =	sshll.u32 s1, $0xD;
	s1 =	sshrl.u32 s1, $0x2  }
0xb8: {  	s3 =	sand.u32 $0x4000, s31;
	s1 =	sadd.s32 s1, s30  }
0xb9: {  	s0 =	sor.u32 s3, s0;
	s1 =	sshll.u32 s1, $0x11  }
0xba: {  	s0 =	sor.u32 s1, s0  }
0xbb: {  	s0 =	sadd.s32 $0x8F2B, s0  }
0xbc: {  	[sflag:s0] =	ssyncadd.remote.s32 $0x1  }
0xbd: {  	_ =	sfence.sel $0xFFFF  }
0xbe: {  	[dreg:$0x0] =	wrdreg $0xFFFFFFFF;
	(pc) =	sbr.abs _section_cstart, $3  }
0xbf: {  	[dreg:$0x1] =	wrdreg $0xFFFFFFFF  }
0xc0: {  	_ =	task.clear_ibuf [dreg:s6], $0x2FFFF;
	_ =	strace $0x9FFFFFFF  }
0xc1: {  	(tm) =	ssettm $0x7FFFFFFF  }
tec
execute0_lowered:
.L_overlay_start_1:
0x0: {  	(tag) =	ssettag $0x1  }
0x1: {  	s1 =	srdreg.scid;
	s0 =	stileid.u32  }
0x2: {  	s30 =	sand.u32 $0x1, s1;
	s25 =	sshll.u32 s0, $0x1  }
0x3: {  	s31 =	sor.u32 s30, s25  }
0x4: {  	s3 =	smul.u32 $0xA0, s31  }
0x5: {  	s26 =	rddreg [dreg:$0x0];
	s2 =	simm.s32 $0x0  }
0x6: {  	[smem:$0x7FF] =	sst s2;
	s3 =	sadd.s32 s3, s26  }
0x7: {  	_ =	strace $0x80000047;
	s4 =	sadd.s32 $0x8C00, s3;
	s3 =	simm.s32 $0x3  }
0x8: {  	[tilespmem:s2], [sflag:$0x3] =	stream.linear.gather [hbm4b:s4+s2], $0x500, $0x38;
	[tilespmem:$0x4500] =	vst v63  }
0x9: {  	_ =	swait.ge [sflag:s3], $0x500  }
0xa: {  	s6 =	simm.s32 $0x80;
	s7 =	simm.s32 $0x500;
	[sflag:s3] =	ssyncset.done $0x0  }
0xb: {  	s8 =	simm.s32 $0x1;
	s5 =	sadd.s32 $0xF46000, s26;
	[sflag:s3] =	ssyncadd.s32 $0xFFFFFB00  }
0xc: {  	[tilespmem:s7], [sflag:$0x1] =	stream.indirect.gather [hbm4b:s5+s6], $0x40, s2, s6, $0xb8;
	[tilespmem:$0x4500] =	vst v63  }
0xd: {  	_ =	swait.ge [sflag:s8], $0x2000  }
0xe: {  	s9 =	simm.s32 $0x2500;
	[sflag:s8] =	ssyncset.done $0x0  }
0xf: {  	s1 =	sadd.s32 $0xA000, s26;
	s10 =	smul.u32 $0x5000, s31;
	[sflag:s8] =	ssyncadd.s32 $0xFFFFE000  }
0x10: {  	[tilespmem:s9], [sflag:$0x2] =	stream.indirect.gather [hbm4b:s5+s6], $0x40, s6, s6, $0xb8;
	[tilespmem:$0x4500] =	vst v63  }
0x11: {  	s11 =	simm.s32 $0x40;
	s10 =	sadd.s32 s1, s10  }
0x12: {  	[hbm4b:s10+s11] =	stream.strided.scatter [tilespmem:s7], [sflag:$0x3], $0x2000, s6, s11, $0x38;
	[tilespmem:$0x4500] =	vst v63  }
0x13: {  	_ =	swait.ge [sflag:s3], $0x2000  }
0x14: {  	[sflag:s3] =	ssyncset.done $0x0  }
0x15: {  	s12 =	simm.s32 $0x2;
	[sflag:s3] =	ssyncadd.s32 $0xFFFFE000  }
0x16: {  	_ =	swait.ge [sflag:s12], $0x2000  }
0x17: {  	[sflag:s12] =	ssyncset.done $0x0  }
0x18: {  	s13 =	simm.s32 $0x100;
	[sflag:s12] =	ssyncadd.s32 $0xFFFFE000  }
0x19: {  	[tilespmem:s7], [sflag:$0x2] =	stream.indirect.gather [hbm4b:s5+s6], $0x40, s13, s6, $0xb8;
	[tilespmem:$0x4500] =	vst v63  }
0x1a: {  	s14 =	sadd.s32 $0x800, s10  }
0x1b: {  	[hbm4b:s14+s11] =	stream.strided.scatter [tilespmem:s9], [sflag:$0x3], $0x2000, s6, s11, $0x38;
	[tilespmem:$0x4500] =	vst v63  }
0x1c: {  	_ =	swait.ge [sflag:s3], $0x2000  }
0x1d: {  	[sflag:s3] =	ssyncset.done $0x0  }
0x1e: {  	[sflag:s3] =	ssyncadd.s32 $0xFFFFE000  }
0x1f: {  	_ =	swait.ge [sflag:s12], $0x2000  }
0x20: {  	[sflag:s12] =	ssyncset.done $0x0  }
0x21: {  	s15 =	simm.s32 $0x180;
	[sflag:s12] =	ssyncadd.s32 $0xFFFFE000  }
0x22: {  	[tilespmem:s9], [sflag:$0x2] =	stream.indirect.gather [hbm4b:s5+s6], $0x40, s15, s6, $0xb8;
	[tilespmem:$0x4500] =	vst v63  }
0x23: {  	s16 =	sadd.s32 $0x1000, s10  }
0x24: {  	[hbm4b:s16+s11] =	stream.strided.scatter [tilespmem:s7], [sflag:$0x3], $0x2000, s6, s11, $0x38;
	[tilespmem:$0x4500] =	vst v63  }
0x25: {  	_ =	swait.ge [sflag:s3], $0x2000  }
0x26: {  	[sflag:s3] =	ssyncset.done $0x0  }
0x27: {  	[sflag:s3] =	ssyncadd.s32 $0xFFFFE000  }
0x28: {  	_ =	swait.ge [sflag:s12], $0x2000  }
0x29: {  	[sflag:s12] =	ssyncset.done $0x0  }
0x2a: {  	s17 =	simm.s32 $0x200;
	[sflag:s12] =	ssyncadd.s32 $0xFFFFE000  }
0x2b: {  	[tilespmem:s7], [sflag:$0x2] =	stream.indirect.gather [hbm4b:s5+s6], $0x40, s17, s6, $0xb8;
	[tilespmem:$0x4500] =	vst v63  }
0x2c: {  	s18 =	sadd.s32 $0x1800, s10  }
0x2d: {  	[hbm4b:s18+s11] =	stream.strided.scatter [tilespmem:s9], [sflag:$0x3], $0x2000, s6, s11, $0x38;
	[tilespmem:$0x4500] =	vst v63  }
0x2e: {  	_ =	swait.ge [sflag:s3], $0x2000  }
0x2f: {  	[sflag:s3] =	ssyncset.done $0x0  }
0x30: {  	[sflag:s3] =	ssyncadd.s32 $0xFFFFE000  }
0x31: {  	_ =	swait.ge [sflag:s12], $0x2000  }
0x32: {  	[sflag:s12] =	ssyncset.done $0x0  }
0x33: {  	s19 =	simm.s32 $0x280;
	[sflag:s12] =	ssyncadd.s32 $0xFFFFE000  }
0x34: {  	[tilespmem:s9], [sflag:$0x2] =	stream.indirect.gather [hbm4b:s5+s6], $0x40, s19, s6, $0xb8;
	[tilespmem:$0x4500] =	vst v63  }
0x35: {  	s20 =	sadd.s32 $0x2000, s10  }
0x36: {  	[hbm4b:s20+s11] =	stream.strided.scatter [tilespmem:s7], [sflag:$0x3], $0x2000, s6, s11, $0x38;
	[tilespmem:$0x4500] =	vst v63  }
0x37: {  	_ =	swait.ge [sflag:s3], $0x2000  }
0x38: {  	[sflag:s3] =	ssyncset.done $0x0  }
0x39: {  	[sflag:s3] =	ssyncadd.s32 $0xFFFFE000  }
0x3a: {  	_ =	swait.ge [sflag:s12], $0x2000  }
0x3b: {  	[sflag:s12] =	ssyncset.done $0x0  }
0x3c: {  	s21 =	simm.s32 $0x300;
	[sflag:s12] =	ssyncadd.s32 $0xFFFFE000  }
0x3d: {  	[tilespmem:s7], [sflag:$0x2] =	stream.indirect.gather [hbm4b:s5+s6], $0x40, s21, s6, $0xb8;
	[tilespmem:$0x4500] =	vst v63  }
0x3e: {  	s22 =	sadd.s32 $0x2800, s10  }
0x3f: {  	[hbm4b:s22+s11] =	stream.strided.scatter [tilespmem:s9], [sflag:$0x3], $0x2000, s6, s11, $0x38;
	[tilespmem:$0x4500] =	vst v63  }
0x40: {  	_ =	swait.ge [sflag:s3], $0x2000  }
0x41: {  	[sflag:s3] =	ssyncset.done $0x0  }
0x42: {  	[sflag:s3] =	ssyncadd.s32 $0xFFFFE000  }
0x43: {  	_ =	swait.ge [sflag:s12], $0x2000  }
0x44: {  	[sflag:s12] =	ssyncset.done $0x0  }
0x45: {  	s23 =	simm.s32 $0x380;
	[sflag:s12] =	ssyncadd.s32 $0xFFFFE000  }
0x46: {  	[tilespmem:s9], [sflag:$0x2] =	stream.indirect.gather [hbm4b:s5+s6], $0x40, s23, s6, $0xb8;
	[tilespmem:$0x4500] =	vst v63  }
0x47: {  	s24 =	sadd.s32 $0x3000, s10  }
0x48: {  	[hbm4b:s24+s11] =	stream.strided.scatter [tilespmem:s7], [sflag:$0x3], $0x2000, s6, s11, $0x38;
	[tilespmem:$0x4500] =	vst v63  }
0x49: {  	_ =	swait.ge [sflag:s3], $0x2000  }
0x4a: {  	[sflag:s3] =	ssyncset.done $0x0  }
0x4b: {  	[sflag:s3] =	ssyncadd.s32 $0xFFFFE000  }
0x4c: {  	_ =	swait.ge [sflag:s12], $0x2000  }
0x4d: {  	[sflag:s12] =	ssyncset.done $0x0  }
0x4e: {  	s25 =	simm.s32 $0x400;
	[sflag:s12] =	ssyncadd.s32 $0xFFFFE000  }
0x4f: {  	[tilespmem:s7], [sflag:$0x2] =	stream.indirect.gather [hbm4b:s5+s6], $0x40, s25, s6, $0xb8;
	[tilespmem:$0x4500] =	vst v63  }
0x50: {  	s26 =	sadd.s32 $0x3800, s10  }
0x51: {  	[hbm4b:s26+s11] =	stream.strided.scatter [tilespmem:s9], [sflag:$0x3], $0x2000, s6, s11, $0x38;
	[tilespmem:$0x4500] =	vst v63  }
0x52: {  	_ =	swait.ge [sflag:s3], $0x2000  }
0x53: {  	[sflag:s3] =	ssyncset.done $0x0  }
0x54: {  	[sflag:s3] =	ssyncadd.s32 $0xFFFFE000  }
0x55: {  	_ =	swait.ge [sflag:s12], $0x2000  }
0x56: {  	[sflag:s12] =	ssyncset.done $0x0  }
0x57: {  	s28 =	simm.s32 $0x480;
	[sflag:s12] =	ssyncadd.s32 $0xFFFFE000  }
0x58: {  	[tilespmem:s9], [sflag:$0x2] =	stream.indirect.gather [hbm4b:s5+s6], $0x40, s28, s6, $0xb8;
	[tilespmem:$0x4500] =	vst v63  }
0x59: {  	s30 =	ssub.s32 $0x2, s30;
	s29 =	sadd.s32 $0x4000, s10  }
0x5a: {  	[hbm4b:s29+s11] =	stream.strided.scatter [tilespmem:s7], [sflag:$0x3], $0x2000, s6, s11, $0x38;
	[tilespmem:$0x4500] =	vst v63  }
0x5b: {  	s0 =	sshrl.u32 s30, $0x1;
	_ =	swait.ge [sflag:s3], $0x2000  }
0x5c: {  	s31 =	smul.u32 $0x28000, s31;
	s0 =	ssub.s32 s30, s0;
	[sflag:s3] =	ssyncset.done $0x0  }
0x5d: {  	s0 =	smax.u32 s0, $0x1;
	[sflag:s3] =	ssyncadd.s32 $0xFFFFE000  }
0x5e: {  	s31 =	sshrl.u32 s31, $0x3;
	p0 =	sne.s32 s0, $0x1;
	_ =	swait.ge [sflag:s12], $0x2000  }
.Ltmp0:
0x5f: {  	s1 =	sadd.s32 s1, s31;
	[sflag:s12] =	ssyncset.done $0x0;
	(pc) =	sbr.rel @!p0 .LBB2_2-.Ltmp0, $4  }
0x60: {  	s30 =	sadd.s32 $0x4800, s1;
	[sflag:s12] =	ssyncadd.s32 $0xFFFFE000  }
0x61: {  	[hbm4b:s30+s11] =	stream.strided.scatter [tilespmem:s9], [sflag:$0x3], $0x2000, s6, s11, $0x38;
	[tilespmem:$0x4500] =	vst v63  }
0x62: {  	_ =	swait.ge [sflag:s3], $0x2000  }
0x63: {  	s31 =	sadd.s32 $0xFFFFFFFF, s0;
	[sflag:s3] =	ssyncset.done $0x0  }
.LBB2_1:
0x64: {  	p0 =	sne.s32 s31, $0x1;
	s31 =	sadd.s32 $0xFFFFFFFF, s31;
	[sflag:s3] =	ssyncadd.s32 $0xFFFFE000  }
0x65: {  	[tilespmem:s2], [sflag:$0x3] =	stream.linear.gather [hbm4b:s4+s2], $0x500, $0x38;
	[tilespmem:$0x4500] =	vst v63  }
0x66: {  	_ =	swait.ge [sflag:s3], $0x500  }
0x67: {  	[sflag:s3] =	ssyncset.done $0x0  }
0x68: {  	[sflag:s3] =	ssyncadd.s32 $0xFFFFFB00  }
0x69: {  	[tilespmem:s7], [sflag:$0x1] =	stream.indirect.gather [hbm4b:s5+s6], $0x40, s2, s6, $0xb8;
	[tilespmem:$0x4500] =	vst v63  }
0x6a: {  	_ =	swait.ge [sflag:s8], $0x2000  }
0x6b: {  	[sflag:s8] =	ssyncset.done $0x0  }
0x6c: {  	[sflag:s8] =	ssyncadd.s32 $0xFFFFE000  }
0x6d: {  	[tilespmem:s9], [sflag:$0x2] =	stream.indirect.gather [hbm4b:s5+s6], $0x40, s6, s6, $0xb8;
	[tilespmem:$0x4500] =	vst v63  }
0x6e: {  	_ = 	snop  }
0x6f: {  	[hbm4b:s10+s11] =	stream.strided.scatter [tilespmem:s7], [sflag:$0x3], $0x2000, s6, s11, $0x38;
	[tilespmem:$0x4500] =	vst v63  }
0x70: {  	_ =	swait.ge [sflag:s3], $0x2000  }
0x71: {  	[sflag:s3] =	ssyncset.done $0x0  }
0x72: {  	[sflag:s3] =	ssyncadd.s32 $0xFFFFE000  }
0x73: {  	_ =	swait.ge [sflag:s12], $0x2000  }
0x74: {  	[sflag:s12] =	ssyncset.done $0x0  }
0x75: {  	[sflag:s12] =	ssyncadd.s32 $0xFFFFE000  }
0x76: {  	[tilespmem:s7], [sflag:$0x2] =	stream.indirect.gather [hbm4b:s5+s6], $0x40, s13, s6, $0xb8;
	[tilespmem:$0x4500] =	vst v63  }
0x77: {  	_ = 	snop  }
0x78: {  	[hbm4b:s14+s11] =	stream.strided.scatter [tilespmem:s9], [sflag:$0x3], $0x2000, s6, s11, $0x38;
	[tilespmem:$0x4500] =	vst v63  }
0x79: {  	_ =	swait.ge [sflag:s3], $0x2000  }
0x7a: {  	[sflag:s3] =	ssyncset.done $0x0  }
0x7b: {  	[sflag:s3] =	ssyncadd.s32 $0xFFFFE000  }
0x7c: {  	_ =	swait.ge [sflag:s12], $0x2000  }
0x7d: {  	[sflag:s12] =	ssyncset.done $0x0  }
0x7e: {  	[sflag:s12] =	ssyncadd.s32 $0xFFFFE000  }
0x7f: {  	[tilespmem:s9], [sflag:$0x2] =	stream.indirect.gather [hbm4b:s5+s6], $0x40, s15, s6, $0xb8;
	[tilespmem:$0x4500] =	vst v63  }
0x80: {  	_ = 	snop  }
0x81: {  	[hbm4b:s16+s11] =	stream.strided.scatter [tilespmem:s7], [sflag:$0x3], $0x2000, s6, s11, $0x38;
	[tilespmem:$0x4500] =	vst v63  }
0x82: {  	_ =	swait.ge [sflag:s3], $0x2000  }
0x83: {  	[sflag:s3] =	ssyncset.done $0x0  }
0x84: {  	[sflag:s3] =	ssyncadd.s32 $0xFFFFE000  }
0x85: {  	_ =	swait.ge [sflag:s12], $0x2000  }
0x86: {  	[sflag:s12] =	ssyncset.done $0x0  }
0x87: {  	[sflag:s12] =	ssyncadd.s32 $0xFFFFE000  }
0x88: {  	[tilespmem:s7], [sflag:$0x2] =	stream.indirect.gather [hbm4b:s5+s6], $0x40, s17, s6, $0xb8;
	[tilespmem:$0x4500] =	vst v63  }
0x89: {  	_ = 	snop  }
0x8a: {  	[hbm4b:s18+s11] =	stream.strided.scatter [tilespmem:s9], [sflag:$0x3], $0x2000, s6, s11, $0x38;
	[tilespmem:$0x4500] =	vst v63  }
0x8b: {  	_ =	swait.ge [sflag:s3], $0x2000  }
0x8c: {  	[sflag:s3] =	ssyncset.done $0x0  }
0x8d: {  	[sflag:s3] =	ssyncadd.s32 $0xFFFFE000  }
0x8e: {  	_ =	swait.ge [sflag:s12], $0x2000  }
0x8f: {  	[sflag:s12] =	ssyncset.done $0x0  }
0x90: {  	[sflag:s12] =	ssyncadd.s32 $0xFFFFE000  }
0x91: {  	[tilespmem:s9], [sflag:$0x2] =	stream.indirect.gather [hbm4b:s5+s6], $0x40, s19, s6, $0xb8;
	[tilespmem:$0x4500] =	vst v63  }
0x92: {  	_ = 	snop  }
0x93: {  	[hbm4b:s20+s11] =	stream.strided.scatter [tilespmem:s7], [sflag:$0x3], $0x2000, s6, s11, $0x38;
	[tilespmem:$0x4500] =	vst v63  }
0x94: {  	_ =	swait.ge [sflag:s3], $0x2000  }
0x95: {  	[sflag:s3] =	ssyncset.done $0x0  }
0x96: {  	[sflag:s3] =	ssyncadd.s32 $0xFFFFE000  }
0x97: {  	_ =	swait.ge [sflag:s12], $0x2000  }
0x98: {  	[sflag:s12] =	ssyncset.done $0x0  }
0x99: {  	[sflag:s12] =	ssyncadd.s32 $0xFFFFE000  }
0x9a: {  	[tilespmem:s7], [sflag:$0x2] =	stream.indirect.gather [hbm4b:s5+s6], $0x40, s21, s6, $0xb8;
	[tilespmem:$0x4500] =	vst v63  }
0x9b: {  	_ = 	snop  }
0x9c: {  	[hbm4b:s22+s11] =	stream.strided.scatter [tilespmem:s9], [sflag:$0x3], $0x2000, s6, s11, $0x38;
	[tilespmem:$0x4500] =	vst v63  }
0x9d: {  	_ =	swait.ge [sflag:s3], $0x2000  }
0x9e: {  	[sflag:s3] =	ssyncset.done $0x0  }
0x9f: {  	[sflag:s3] =	ssyncadd.s32 $0xFFFFE000  }
0xa0: {  	_ =	swait.ge [sflag:s12], $0x2000  }
0xa1: {  	[sflag:s12] =	ssyncset.done $0x0  }
0xa2: {  	[sflag:s12] =	ssyncadd.s32 $0xFFFFE000  }
0xa3: {  	[tilespmem:s9], [sflag:$0x2] =	stream.indirect.gather [hbm4b:s5+s6], $0x40, s23, s6, $0xb8;
	[tilespmem:$0x4500] =	vst v63  }
0xa4: {  	_ = 	snop  }
0xa5: {  	[hbm4b:s24+s11] =	stream.strided.scatter [tilespmem:s7], [sflag:$0x3], $0x2000, s6, s11, $0x38;
	[tilespmem:$0x4500] =	vst v63  }
0xa6: {  	_ =	swait.ge [sflag:s3], $0x2000  }
0xa7: {  	[sflag:s3] =	ssyncset.done $0x0  }
0xa8: {  	[sflag:s3] =	ssyncadd.s32 $0xFFFFE000  }
0xa9: {  	_ =	swait.ge [sflag:s12], $0x2000  }
0xaa: {  	[sflag:s12] =	ssyncset.done $0x0  }
0xab: {  	[sflag:s12] =	ssyncadd.s32 $0xFFFFE000  }
0xac: {  	[tilespmem:s7], [sflag:$0x2] =	stream.indirect.gather [hbm4b:s5+s6], $0x40, s25, s6, $0xb8;
	[tilespmem:$0x4500] =	vst v63  }
0xad: {  	_ = 	snop  }
0xae: {  	[hbm4b:s26+s11] =	stream.strided.scatter [tilespmem:s9], [sflag:$0x3], $0x2000, s6, s11, $0x38;
	[tilespmem:$0x4500] =	vst v63  }
0xaf: {  	_ =	swait.ge [sflag:s3], $0x2000  }
0xb0: {  	[sflag:s3] =	ssyncset.done $0x0  }
0xb1: {  	[sflag:s3] =	ssyncadd.s32 $0xFFFFE000  }
0xb2: {  	_ =	swait.ge [sflag:s12], $0x2000  }
0xb3: {  	[sflag:s12] =	ssyncset.done $0x0  }
0xb4: {  	[sflag:s12] =	ssyncadd.s32 $0xFFFFE000  }
0xb5: {  	[tilespmem:s9], [sflag:$0x2] =	stream.indirect.gather [hbm4b:s5+s6], $0x40, s28, s6, $0xb8;
	[tilespmem:$0x4500] =	vst v63  }
0xb6: {  	_ = 	snop  }
0xb7: {  	[hbm4b:s29+s11] =	stream.strided.scatter [tilespmem:s7], [sflag:$0x3], $0x2000, s6, s11, $0x38;
	[tilespmem:$0x4500] =	vst v63  }
0xb8: {  	_ =	swait.ge [sflag:s3], $0x2000  }
0xb9: {  	[sflag:s3] =	ssyncset.done $0x0  }
0xba: {  	[sflag:s3] =	ssyncadd.s32 $0xFFFFE000  }
0xbb: {  	_ =	swait.ge [sflag:s12], $0x2000  }
.Ltmp1:
0xbc: {  	[sflag:s12] =	ssyncset.done $0x0;
	(pc) =	sbr.rel @p0 .LBB2_1-.Ltmp1, $4  }
0xbd: {  	[sflag:s12] =	ssyncadd.s32 $0xFFFFE000  }
0xbe: {  	[hbm4b:s30+s11] =	stream.strided.scatter [tilespmem:s9], [sflag:$0x3], $0x2000, s6, s11, $0x38;
	[tilespmem:$0x4500] =	vst v63  }
0xbf: {  	_ =	swait.ge [sflag:s3], $0x2000  }
0xc0: {  	[sflag:s3] =	ssyncset.done $0x0  }
.LBB2_2:
0xc1: {  	[sflag:s3] =	ssyncadd.s32 $0xFFFFE000  }
0xc2: {  	_ =	sfence.sel $0x180000  }
0xc3: {  	[bflag:$0x0] =	sbarrier.arrive $0xFFFF  }
0xc4: {  	_ =	strace $0x90000047  }
0xc5: {  	s0 =	stileid.u32;
	[bflag:$0x2] =	sbarrier.arrive $0xFFFF  }
0xc6: {  	p0 =	sne.s32 s0, $0x0;
	s0 =	rddreg [dreg:$0x1]  }
0xc7: {  	s0 =	sadd.s32 @!p0 $0x100000, s0  }
0xc8: {  	[sflag:s0] =	ssyncadd.tile.s32 @!p0 $0x1;
	_ =	shalt  }
.Lfunc_end2:
_tile_overlayer_lowered:
.L_overlay_start_2:
0xc9: {  	(tag) =	ssettag $0x2  }
0xca: {  	s0 =	rddreg [dreg:$0x0];
	s2 =	stileid.u32  }
0xcb: {  	s1 =	rddreg [dreg:$0x1];
	p0 =	sne.s32 s2, $0x0  }
0xcc: {  	s3 =	rddreg [dreg:$0x2];
	[bflag:$0x3] =	sbarrier.arrive $0xFFFF;
	s2 =	simm.s32 @!p0 $0x1C03  }
0xcd: {  	[timem:s3], [sflag:s2] =	dma.local @!p0 [hbm:s0], s1  }
0xce: {  	s0 =	simm.s32 @!p0 $0x3  }
0xcf: {  	_ =	swait.ge @!p0 [sflag:s0], s1  }
0xd0: {  	s1 =	ssub.s32 @!p0 $0x0, s1;
	[sflag:s0] =	ssyncset.done @!p0 $0x0  }
0xd1: {  	[sflag:s0] =	ssyncadd.s32 @!p0 s1  }
0xd2: {  	[bflag:$0x3] =	sbarrier.arrive $0xFFFF  }
0xd3: {  	_ =	shalt  }

// kernel: kernel.15.cloned.1.call-start
scs
__scs_entry_jumppad:
0x0: {  	(pc) =	sbr.rel $0x88, $3  }
0x1: {  	(tag) =	ssettag $0x0;
	lr =	simm.s32 $0x1  }
0x2: {  	[smem:$0x3F95] =	sst lr;
	_ =	strace $0xD0000000  }
0x3: {  	_ = 	snop  }
0x4: {  	_ = 	snop  }
0x5: {  	_ = 	snop  }
0x6: {  	_ = 	snop  }
0x7: {  	_ = 	snop  }
__scs_overlays_trampoline_lowered:
0x8: {  	[smem:$0x3FA4] =	sst s0  }
0x9: {  	[smem:$0x3FA5] =	sst s1  }
0xa: {  	[smem:$0x3FA6] =	sst s2  }
0xb: {  	[smem:$0x3FA7] =	sst s3  }
0xc: {  	[smem:$0x3FA8] =	sst s4  }
0xd: {  	[smem:$0x3FA9] =	sst s5  }
0xe: {  	[smem:$0x3FAA] =	sst s6  }
0xf: {  	[smem:$0x3FAB] =	sst s7  }
0x10: {  	[smem:$0x3FAC] =	sst s8  }
0x11: {  	[smem:$0x3FAD] =	sst s9;
	s0 =	simm.s32 @!p0 $0x0  }
0x12: {  	s1 =	sld [smem:$0x3F93];
	s0 =	simm.s32 @p0 $0x1  }
0x13: {  	[smem:$0x3FAE] =	sst s0;
	s0 =	simm.s32 @!p1 $0x0  }
0x14: {  	s2 =	sld [smem:$0x3F92];
	s0 =	simm.s32 @p1 $0x1  }
0x15: {  	[smem:$0x3FAF] =	sst s0;
	s0 =	simm.s32 @!p2 $0x0  }
0x16: {  	s3 =	sld [smem:$0x3FDB];
	s0 =	simm.s32 @p2 $0x1  }
0x17: {  	s4 =	simm.s32 $0x1BF5;
	[smem:$0x3FB1] =	sst s0  }
0x18: {  	s0 =	sld [smem:$0x3F94];
	_ =	swait.ge [sflag:s4], $0x0  }
0x19: {  	s7 =	sld [smem:$0x3F95]  }
0x1a: {  	s8 =	sadd.s32 $0xFFFFE003, lr  }
0x1b: {  	s9 =	sadd.s32 $0xFFFFFEF7, lr;
	s5 =	simm.s32 $0xFFFFFFFF;
	p2 =	slt.u32 s8, $0xFFFFF086  }
0x1c: {  	p1 =	slt.u32 s9, $0xF7A;
	s5 =	simm.s32 @!p2 $0x0  }
0x1d: {  	s5 =	simm.s32 @p1 $0x1;
	p0 =	seq.s32 s7, s2  }
0x1e: {  	s7 =	smul.u32 @!p0 $0xF7A, s2;
	p2 =	seq.s32 @!p0 s5, $0x0  }
0x1f: {  	s9 =	smul.u32 $0xF7A, s1;
	s8 =	simm.s32 @!p0 $0x1BF5;
	p2 =	por !p2, p0  }
0x20: {  	[sflag:s8] =	ssyncset.s32 @!p0 $0xFFFFF086;
	s6 =	sadd.s32 @!p0 s3, s7;
	s7 =	simm.s32 @!p0 $0x108  }
0x21: {  	s3 =	sadd.s32 s3, s9;
	s6 =	sadd.s32 @!p0 $0x88, s6;
	s7 =	simm.s32 @p2 $0x1082  }
0x22: {  	[simem:s7], [sflag:s8] =	dma.local @!p0 [hbm:s6], $0xF7A  }
0x23: {  	s9 =	sor.u32 $0xD0000000, s2;
	s6 =	simm.s32 $0x108;
	_ =	swait.ge @!p0 [sflag:s8], $0x0  }
0x24: {  	s3 =	sadd.s32 $0x88, s3;
	s6 =	simm.s32 @!p1 $0x1082;
	[sflag:s4] =	ssyncset.s32 $0xFFFFF086  }
0x25: {  	[simem:s6], [sflag:s4] =	dma.local [hbm:s3], $0xF7A  }
0x26: {  	[smem:$0x3F95] =	sst s1;
	(tag) =	ssettag s2;
	_ =	strace s9  }
0x27: {  	s1 =	sld [smem:$0x3FA5]  }
0x28: {  	s2 =	sld [smem:$0x3FA6]  }
0x29: {  	s4 =	sld [smem:$0x3FA8]  }
0x2a: {  	p0 =	seq.s32 s5, $0x0;
	s5 =	sld [smem:$0x3FA9]  }
0x2b: {  	s6 =	sld [smem:$0x3FAA]  }
0x2c: {  	s7 =	sld [smem:$0x3FAB]  }
0x2d: {  	s3 =	simm.s32 $0x108;
	s8 =	sld [smem:$0x3FAC]  }
0x2e: {  	s3 =	simm.s32 @!p0 $0x1082;
	s9 =	sld [smem:$0x3FAD]  }
0x2f: {  	lr =	sadd.s32 s0, s3;
	s0 =	sld [smem:$0x3FA4]  }
0x30: {  	s3 =	sld [smem:$0x3FA7]  }
0x31: {  	[smem:$0x3FB0] =	sst s10  }
0x32: {  	s10 =	sld [smem:$0x3FAE];
	_ =	sdelay $0x3  }
0x33: {  	p0 =	seq.s32 s10, $0x1;
	s10 =	sld [smem:$0x3FB0];
	_ =	sdelay $0x3  }
0x34: {  	[smem:$0x3FB0] =	sst s10  }
0x35: {  	s10 =	sld [smem:$0x3FAF];
	_ =	sdelay $0x3  }
0x36: {  	p1 =	seq.s32 s10, $0x1;
	s10 =	sld [smem:$0x3FB0];
	_ =	sdelay $0x3  }
0x37: {  	[smem:$0x3FB0] =	sst s10  }
0x38: {  	s10 =	sld [smem:$0x3FB1]  }
0x39: {  	_ = 	snop;
	(pc) =	sbr.ind lr, $3  }
0x3a: {  	_ = 	snop  }
0x3b: {  	_ = 	snop  }
0x3c: {  	p2 =	seq.s32 s10, $0x1;
	s10 =	sld [smem:$0x3FB0]  }
0x3d: {  	_ =	shalt  }
0x3e: {  	_ =	shalt  }
0x3f: {  	_ =	shalt  }
0x40: {  	_ =	shalt  }
0x41: {  	_ =	shalt  }
0x42: {  	_ =	shalt  }
0x43: {  	_ =	shalt  }
0x44: {  	_ =	shalt  }
0x45: {  	_ =	shalt  }
0x46: {  	_ =	shalt  }
0x47: {  	_ =	shalt  }
0x48: {  	_ =	shalt  }
0x49: {  	_ =	shalt  }
0x4a: {  	_ =	shalt  }
0x4b: {  	_ =	shalt  }
0x4c: {  	_ =	shalt  }
0x4d: {  	_ =	shalt  }
0x4e: {  	_ =	shalt  }
0x4f: {  	_ =	shalt  }
0x50: {  	_ =	shalt  }
0x51: {  	_ =	shalt  }
0x52: {  	_ =	shalt  }
0x53: {  	_ =	shalt  }
0x54: {  	_ =	shalt  }
0x55: {  	_ =	shalt  }
0x56: {  	_ =	shalt  }
0x57: {  	_ =	shalt  }
0x58: {  	_ =	shalt  }
0x59: {  	_ =	shalt  }
0x5a: {  	_ =	shalt  }
0x5b: {  	_ =	shalt  }
0x5c: {  	_ =	shalt  }
0x5d: {  	_ =	shalt  }
0x5e: {  	_ =	shalt  }
0x5f: {  	_ =	shalt  }
0x60: {  	_ =	shalt  }
0x61: {  	_ =	shalt  }
0x62: {  	_ =	shalt  }
0x63: {  	_ =	shalt  }
0x64: {  	_ =	shalt  }
0x65: {  	_ =	shalt  }
0x66: {  	_ =	shalt  }
0x67: {  	_ =	shalt  }
0x68: {  	_ =	shalt  }
0x69: {  	_ =	shalt  }
0x6a: {  	_ =	shalt  }
0x6b: {  	_ =	shalt  }
0x6c: {  	_ =	shalt  }
0x6d: {  	_ =	shalt  }
0x6e: {  	_ =	shalt  }
0x6f: {  	_ =	shalt  }
0x70: {  	_ =	shalt  }
0x71: {  	_ =	shalt  }
0x72: {  	_ =	shalt  }
0x73: {  	_ =	shalt  }
0x74: {  	_ =	shalt  }
0x75: {  	_ =	shalt  }
0x76: {  	_ =	shalt  }
0x77: {  	_ =	shalt  }
0x78: {  	_ =	shalt  }
0x79: {  	_ =	shalt  }
0x7a: {  	_ =	shalt  }
0x7b: {  	_ =	shalt  }
0x7c: {  	_ =	shalt  }
0x7d: {  	_ =	shalt  }
0x7e: {  	_ =	shalt  }
0x7f: {  	_ =	shalt  }
0x80: {  	_ =	shalt  }
0x81: {  	_ =	shalt  }
0x82: {  	_ =	shalt  }
0x83: {  	_ =	shalt  }
0x84: {  	_ =	shalt  }
0x85: {  	_ =	shalt  }
0x86: {  	_ =	shalt  }
0x87: {  	_ =	shalt  }
.Lfunc_end0:
.L_simem_size_0:
called_computation.1_lowered:
.L_overlay_start_0:
0x88: {  	s2 =	sld [smem:$0x3FD9]  }
0x89: {  	s3 =	sld [smem:$0x3FFE];
	_ =	sdelay $0x1  }
0x8a: {  	s1 =	srdreg.scid  }
0x8b: {  	s0 =	sand.u32 $0x1, s1  }
0x8c: {  	s17 =	sshll.u32 s0, $0xA;
	s2 =	sadd.s32 s3, s2  }
0x8d: {  	s2 =	sadd.s32 s2, s17  }
0x8e: {  	[smem:$0x3FBC] =	sst s2  }
0x8f: {  	_ = 	snop  }
0x90: {  	(tm) =	ssettm $0x1  }
0x91: {  	s18 =	sld [smem:$0x3FFB];
	_ =	sdelay $0x3  }
0x92: {  	_ =	strace s18  }
0x93: {  	s2 =	sld [smem:$0x3FFC];
	_ =	sdelay $0x3  }
0x94: {  	_ =	strace s2  }
0x95: {  	s2 =	sld [smem:$0x3FFD];
	_ =	sdelay $0x3  }
0x96: {  	_ =	strace s2  }
0x97: {  	_ =	strace $0x8FFFFFFF  }
0x98: {  	s19 =	sld [smem:$0x3FDB];
	_ =	sdelay $0x1  }
0x99: {  	s20 =	simm.s32 $_scs_section_size  }
0x9a: {  	s4 =	simm.s32 $_size__tile_overlayer_lowered;
	s5 =	simm.s32 $_tile_overlayer_lowered  }
0x9b: {  	s6 =	simm.s32 $0x1BFF;
	s21 =	sshll.u32 s5, $0x1;
	s3 =	sadd.s32 s20, s19  }
0x9c: {  	s22 =	simm.s32 $0x0;
	s4 =	sshll.u32 s4, $0x1;
	s5 =	sadd.s32 s21, s3  }
0x9d: {  	[timem:s22], [sflag:s6] =	dma.local [hbm:s5], s4  }
0x9e: {  	_ =	swait.ge [sflag:s6], s4  }
0x9f: {  	s4 =	ssub.s32 $0x0, s4;
	[sflag:s6] =	ssyncset.done $0x0  }
0xa0: {  	[sflag:s6] =	ssyncadd.s32 s4;
	_ =	sdelay $0x1  }
0xa1: {  	s23 =	simm.s32 $0x1B8B  }
0xa2: {  	_ =	swait.ge [sflag:s23], $0x1  }
0xa3: {  	[sflag:s23] =	ssyncset.done $0x0  }
0xa4: {  	[sflag:s23] =	ssyncadd.s32 $0xFFFFFFFF  }
0xa5: {  	s4 =	sld [smem:$0x0]  }
0xa6: {  	s5 =	sand.u32 $0xFFFFFFFE, s1  }
0xa7: {  	p0 =	sne.s32 s1, s5  }
0xa8: {  	s5 =	sshll.u32 @p0 s5, $0xE  }
0xa9: {  	s5 =	sadd.s32 @p0 $0x11B8D, s5;
	s6 =	sshll.u32 @p0 s4, $0x11  }
0xaa: {  	s5 =	sor.u32 @p0 s6, s5  }
0xab: {  	[sflag:s5] =	ssyncadd.remote.s32 @p0 $0x1;
	_ =	sdelay $0x1  }
0xac: {  	s5 =	simm.s32 @p0 $0x1B8D  }
0xad: {  	_ =	swait.eq @p0 [sflag:s5], $0x1  }
0xae: {  	[sflag:s5] =	ssyncadd.s32 @p0 $0xFFFFFFFF  }
0xaf: {  	s6 =	sshll.u32 @!p0 s1, $0xE  }
0xb0: {  	s6 =	sor.u32 @!p0 $0x4000, s6;
	s5 =	simm.s32 @!p0 $0x1B8D  }
0xb1: {  	s4 =	sshll.u32 @!p0 s4, $0x11;
	s6 =	sadd.s32 @!p0 $0x11B8D, s6;
	_ =	swait.eq @!p0 [sflag:s5], $0x1  }
0xb2: {  	s4 =	sor.u32 @!p0 s4, s6;
	[sflag:s5] =	ssyncadd.s32 @!p0 $0xFFFFFFFF  }
0xb3: {  	s25 =	simm.s32 $0x1B8E;
	s24 =	sld [smem:$0x3FFE];
	[sflag:s4] =	ssyncadd.remote.s32 @!p0 $0x1  }
0xb4: {  	s26 =	simm.s32 $execute0_lowered;
	[smem:$0x3FD2] =	sst s25  }
0xb5: {  	s5 =	sshll.u32 s26, $0x1;
	_ =	strace $0x80000049;
	[dreg:$0x1] =	wrdreg $0xFFFFFFFF  }
0xb6: {  	s28 =	simm.s32 $_size_execute0_lowered;
	s3 =	sadd.s32 s3, s5;
	[dreg:$0x0] =	wrdreg $0x0  }
0xb7: {  	s5 =	sshll.u32 s28, $0x1;
	[dreg:$0x2] =	wrdreg s3  }
0xb8: {  	[dreg:$0x3] =	wrdreg s5  }
0xb9: {  	[dreg:$0x4] =	wrdreg $0xC0  }
0xba: {  	_ =	task [dreg:s22], $0x5FFFF  }
0xbb: {  	[dreg:$0x1] =	wrdreg $0xFFFFFFFF  }
0xbc: {  	[dreg:$0x0] =	wrdreg $0x60  }
0xbd: {  	[dreg:$0x2] =	wrdreg s24  }
0xbe: {  	[dreg:$0x3] =	wrdreg $0xA  }
0xbf: {  	_ =	task.clear_ibuf [dreg:s22], $0x4FFFF;
	_ =	strace $0x90000049  }
0xc0: {  	s29 =	simm.s32 $0xA;
	_ =	strace $0x8000004B  }
0xc1: {  	_ =	swait.ge [sflag:s29], $0x1  }
0xc2: {  	[sflag:s29] =	ssyncadd.s32 $0xFFFFFFFF  }
0xc3: {  	_ =	strace $0x9000004B  }
0xc4: {  	_ =	sfence  }
0xc5: {  	s30 =	sld [smem:$0x0];
	_ =	sdelay $0x2  }
0xc6: {  	s31 =	sshll.u32 s1, $0xD;
	s1 =	sshrl.u32 s1, $0x2  }
0xc7: {  	s4 =	sand.u32 $0x4000, s31;
	s1 =	sadd.s32 s1, s30  }
0xc8: {  	s0 =	sor.u32 s4, s0;
	s1 =	sshll.u32 s1, $0x11  }
0xc9: {  	s0 =	sor.u32 s1, s0  }
0xca: {  	s0 =	sadd.s32 $0x8F2B, s0  }
0xcb: {  	[sflag:s0] =	ssyncadd.remote.s32 $0x1  }
0xcc: {  	_ =	sfence.sel $0xFFFF  }
0xcd: {  	[dreg:$0x0] =	wrdreg $0xFFFFFFFF;
	(pc) =	sbr.abs _section_cstart, $3  }
0xce: {  	[dreg:$0x1] =	wrdreg $0xFFFFFFFF  }
0xcf: {  	_ =	task.clear_ibuf [dreg:s22], $0x2FFFF;
	_ =	strace $0x9FFFFFFF  }
0xd0: {  	(tm) =	ssettm $0x7FFFFFFF  }
0xd1: {  	_ =	shalt  }
tec
execute0_lowered:
.L_overlay_start_1:
0x0: {  	(tag) =	ssettag $0x1  }
0x1: {  	s1 =	srdreg.scid;
	s0 =	stileid.u32  }
0x2: {  	s30 =	sand.u32 $0x1, s1;
	s25 =	sshll.u32 s0, $0x1  }
0x3: {  	s31 =	sor.u32 s30, s25  }
0x4: {  	s3 =	smul.u32 $0xA0, s31  }
0x5: {  	s26 =	rddreg [dreg:$0x0];
	s2 =	simm.s32 $0x0  }
0x6: {  	[smem:$0x7FF] =	sst s2;
	s3 =	sadd.s32 s3, s26  }
0x7: {  	_ =	strace $0x8000004A;
	s4 =	sadd.s32 $0x3C00, s3;
	s3 =	simm.s32 $0x3  }
0x8: {  	[tilespmem:s2], [sflag:$0x3] =	stream.linear.gather [hbm4b:s4+s2], $0x500, $0x38;
	[tilespmem:$0x4500] =	vst v63  }
0x9: {  	_ =	swait.ge [sflag:s3], $0x500  }
0xa: {  	s6 =	simm.s32 $0x80;
	s7 =	simm.s32 $0x500;
	[sflag:s3] =	ssyncset.done $0x0  }
0xb: {  	s8 =	simm.s32 $0x1;
	s5 =	sadd.s32 $0xF46000, s26;
	[sflag:s3] =	ssyncadd.s32 $0xFFFFFB00  }
0xc: {  	[tilespmem:s7], [sflag:$0x1] =	stream.indirect.gather [hbm4b:s5+s6], $0x40, s2, s6, $0xb8;
	[tilespmem:$0x4500] =	vst v63  }
0xd: {  	_ =	swait.ge [sflag:s8], $0x2000  }
0xe: {  	s9 =	simm.s32 $0x2500;
	[sflag:s8] =	ssyncset.done $0x0  }
0xf: {  	s1 =	sadd.s32 $0xAA000, s26;
	s10 =	smul.u32 $0x5000, s31;
	[sflag:s8] =	ssyncadd.s32 $0xFFFFE000  }
0x10: {  	[tilespmem:s9], [sflag:$0x2] =	stream.indirect.gather [hbm4b:s5+s6], $0x40, s6, s6, $0xb8;
	[tilespmem:$0x4500] =	vst v63  }
0x11: {  	s11 =	simm.s32 $0x40;
	s10 =	sadd.s32 s1, s10  }
0x12: {  	[hbm4b:s10+s11] =	stream.strided.scatter [tilespmem:s7], [sflag:$0x3], $0x2000, s6, s11, $0x38;
	[tilespmem:$0x4500] =	vst v63  }
0x13: {  	_ =	swait.ge [sflag:s3], $0x2000  }
0x14: {  	[sflag:s3] =	ssyncset.done $0x0  }
0x15: {  	s12 =	simm.s32 $0x2;
	[sflag:s3] =	ssyncadd.s32 $0xFFFFE000  }
0x16: {  	_ =	swait.ge [sflag:s12], $0x2000  }
0x17: {  	[sflag:s12] =	ssyncset.done $0x0  }
0x18: {  	s13 =	simm.s32 $0x100;
	[sflag:s12] =	ssyncadd.s32 $0xFFFFE000  }
0x19: {  	[tilespmem:s7], [sflag:$0x2] =	stream.indirect.gather [hbm4b:s5+s6], $0x40, s13, s6, $0xb8;
	[tilespmem:$0x4500] =	vst v63  }
0x1a: {  	s14 =	sadd.s32 $0x800, s10  }
0x1b: {  	[hbm4b:s14+s11] =	stream.strided.scatter [tilespmem:s9], [sflag:$0x3], $0x2000, s6, s11, $0x38;
	[tilespmem:$0x4500] =	vst v63  }
0x1c: {  	_ =	swait.ge [sflag:s3], $0x2000  }
0x1d: {  	[sflag:s3] =	ssyncset.done $0x0  }
0x1e: {  	[sflag:s3] =	ssyncadd.s32 $0xFFFFE000  }
0x1f: {  	_ =	swait.ge [sflag:s12], $0x2000  }
0x20: {  	[sflag:s12] =	ssyncset.done $0x0  }
0x21: {  	s15 =	simm.s32 $0x180;
	[sflag:s12] =	ssyncadd.s32 $0xFFFFE000  }
0x22: {  	[tilespmem:s9], [sflag:$0x2] =	stream.indirect.gather [hbm4b:s5+s6], $0x40, s15, s6, $0xb8;
	[tilespmem:$0x4500] =	vst v63  }
0x23: {  	s16 =	sadd.s32 $0x1000, s10  }
0x24: {  	[hbm4b:s16+s11] =	stream.strided.scatter [tilespmem:s7], [sflag:$0x3], $0x2000, s6, s11, $0x38;
	[tilespmem:$0x4500] =	vst v63  }
0x25: {  	_ =	swait.ge [sflag:s3], $0x2000  }
0x26: {  	[sflag:s3] =	ssyncset.done $0x0  }
0x27: {  	[sflag:s3] =	ssyncadd.s32 $0xFFFFE000  }
0x28: {  	_ =	swait.ge [sflag:s12], $0x2000  }
0x29: {  	[sflag:s12] =	ssyncset.done $0x0  }
0x2a: {  	s17 =	simm.s32 $0x200;
	[sflag:s12] =	ssyncadd.s32 $0xFFFFE000  }
0x2b: {  	[tilespmem:s7], [sflag:$0x2] =	stream.indirect.gather [hbm4b:s5+s6], $0x40, s17, s6, $0xb8;
	[tilespmem:$0x4500] =	vst v63  }
0x2c: {  	s18 =	sadd.s32 $0x1800, s10  }
0x2d: {  	[hbm4b:s18+s11] =	stream.strided.scatter [tilespmem:s9], [sflag:$0x3], $0x2000, s6, s11, $0x38;
	[tilespmem:$0x4500] =	vst v63  }
0x2e: {  	_ =	swait.ge [sflag:s3], $0x2000  }
0x2f: {  	[sflag:s3] =	ssyncset.done $0x0  }
0x30: {  	[sflag:s3] =	ssyncadd.s32 $0xFFFFE000  }
0x31: {  	_ =	swait.ge [sflag:s12], $0x2000  }
0x32: {  	[sflag:s12] =	ssyncset.done $0x0  }
0x33: {  	s19 =	simm.s32 $0x280;
	[sflag:s12] =	ssyncadd.s32 $0xFFFFE000  }
0x34: {  	[tilespmem:s9], [sflag:$0x2] =	stream.indirect.gather [hbm4b:s5+s6], $0x40, s19, s6, $0xb8;
	[tilespmem:$0x4500] =	vst v63  }
0x35: {  	s20 =	sadd.s32 $0x2000, s10  }
0x36: {  	[hbm4b:s20+s11] =	stream.strided.scatter [tilespmem:s7], [sflag:$0x3], $0x2000, s6, s11, $0x38;
	[tilespmem:$0x4500] =	vst v63  }
0x37: {  	_ =	swait.ge [sflag:s3], $0x2000  }
0x38: {  	[sflag:s3] =	ssyncset.done $0x0  }
0x39: {  	[sflag:s3] =	ssyncadd.s32 $0xFFFFE000  }
0x3a: {  	_ =	swait.ge [sflag:s12], $0x2000  }
0x3b: {  	[sflag:s12] =	ssyncset.done $0x0  }
0x3c: {  	s21 =	simm.s32 $0x300;
	[sflag:s12] =	ssyncadd.s32 $0xFFFFE000  }
0x3d: {  	[tilespmem:s7], [sflag:$0x2] =	stream.indirect.gather [hbm4b:s5+s6], $0x40, s21, s6, $0xb8;
	[tilespmem:$0x4500] =	vst v63  }
0x3e: {  	s22 =	sadd.s32 $0x2800, s10  }
0x3f: {  	[hbm4b:s22+s11] =	stream.strided.scatter [tilespmem:s9], [sflag:$0x3], $0x2000, s6, s11, $0x38;
	[tilespmem:$0x4500] =	vst v63  }
0x40: {  	_ =	swait.ge [sflag:s3], $0x2000  }
0x41: {  	[sflag:s3] =	ssyncset.done $0x0  }
0x42: {  	[sflag:s3] =	ssyncadd.s32 $0xFFFFE000  }
0x43: {  	_ =	swait.ge [sflag:s12], $0x2000  }
0x44: {  	[sflag:s12] =	ssyncset.done $0x0  }
0x45: {  	s23 =	simm.s32 $0x380;
	[sflag:s12] =	ssyncadd.s32 $0xFFFFE000  }
0x46: {  	[tilespmem:s9], [sflag:$0x2] =	stream.indirect.gather [hbm4b:s5+s6], $0x40, s23, s6, $0xb8;
	[tilespmem:$0x4500] =	vst v63  }
0x47: {  	s24 =	sadd.s32 $0x3000, s10  }
0x48: {  	[hbm4b:s24+s11] =	stream.strided.scatter [tilespmem:s7], [sflag:$0x3], $0x2000, s6, s11, $0x38;
	[tilespmem:$0x4500] =	vst v63  }
0x49: {  	_ =	swait.ge [sflag:s3], $0x2000  }
0x4a: {  	[sflag:s3] =	ssyncset.done $0x0  }
0x4b: {  	[sflag:s3] =	ssyncadd.s32 $0xFFFFE000  }
0x4c: {  	_ =	swait.ge [sflag:s12], $0x2000  }
0x4d: {  	[sflag:s12] =	ssyncset.done $0x0  }
0x4e: {  	s25 =	simm.s32 $0x400;
	[sflag:s12] =	ssyncadd.s32 $0xFFFFE000  }
0x4f: {  	[tilespmem:s7], [sflag:$0x2] =	stream.indirect.gather [hbm4b:s5+s6], $0x40, s25, s6, $0xb8;
	[tilespmem:$0x4500] =	vst v63  }
0x50: {  	s26 =	sadd.s32 $0x3800, s10  }
0x51: {  	[hbm4b:s26+s11] =	stream.strided.scatter [tilespmem:s9], [sflag:$0x3], $0x2000, s6, s11, $0x38;
	[tilespmem:$0x4500] =	vst v63  }
0x52: {  	_ =	swait.ge [sflag:s3], $0x2000  }
0x53: {  	[sflag:s3] =	ssyncset.done $0x0  }
0x54: {  	[sflag:s3] =	ssyncadd.s32 $0xFFFFE000  }
0x55: {  	_ =	swait.ge [sflag:s12], $0x2000  }
0x56: {  	[sflag:s12] =	ssyncset.done $0x0  }
0x57: {  	s28 =	simm.s32 $0x480;
	[sflag:s12] =	ssyncadd.s32 $0xFFFFE000  }
0x58: {  	[tilespmem:s9], [sflag:$0x2] =	stream.indirect.gather [hbm4b:s5+s6], $0x40, s28, s6, $0xb8;
	[tilespmem:$0x4500] =	vst v63  }
0x59: {  	s30 =	ssub.s32 $0x2, s30;
	s29 =	sadd.s32 $0x4000, s10  }
0x5a: {  	[hbm4b:s29+s11] =	stream.strided.scatter [tilespmem:s7], [sflag:$0x3], $0x2000, s6, s11, $0x38;
	[tilespmem:$0x4500] =	vst v63  }
0x5b: {  	s0 =	sshrl.u32 s30, $0x1;
	_ =	swait.ge [sflag:s3], $0x2000  }
0x5c: {  	s31 =	smul.u32 $0x28000, s31;
	s0 =	ssub.s32 s30, s0;
	[sflag:s3] =	ssyncset.done $0x0  }
0x5d: {  	s0 =	smax.u32 s0, $0x1;
	[sflag:s3] =	ssyncadd.s32 $0xFFFFE000  }
0x5e: {  	s31 =	sshrl.u32 s31, $0x3;
	p0 =	sne.s32 s0, $0x1;
	_ =	swait.ge [sflag:s12], $0x2000  }
.Ltmp0:
0x5f: {  	s1 =	sadd.s32 s1, s31;
	[sflag:s12] =	ssyncset.done $0x0;
	(pc) =	sbr.rel @!p0 .LBB2_2-.Ltmp0, $4  }
0x60: {  	s30 =	sadd.s32 $0x4800, s1;
	[sflag:s12] =	ssyncadd.s32 $0xFFFFE000  }
0x61: {  	[hbm4b:s30+s11] =	stream.strided.scatter [tilespmem:s9], [sflag:$0x3], $0x2000, s6, s11, $0x38;
	[tilespmem:$0x4500] =	vst v63  }
0x62: {  	_ =	swait.ge [sflag:s3], $0x2000  }
0x63: {  	s31 =	sadd.s32 $0xFFFFFFFF, s0;
	[sflag:s3] =	ssyncset.done $0x0  }
.LBB2_1:
0x64: {  	p0 =	sne.s32 s31, $0x1;
	s31 =	sadd.s32 $0xFFFFFFFF, s31;
	[sflag:s3] =	ssyncadd.s32 $0xFFFFE000  }
0x65: {  	[tilespmem:s2], [sflag:$0x3] =	stream.linear.gather [hbm4b:s4+s2], $0x500, $0x38;
	[tilespmem:$0x4500] =	vst v63  }
0x66: {  	_ =	swait.ge [sflag:s3], $0x500  }
0x67: {  	[sflag:s3] =	ssyncset.done $0x0  }
0x68: {  	[sflag:s3] =	ssyncadd.s32 $0xFFFFFB00  }
0x69: {  	[tilespmem:s7], [sflag:$0x1] =	stream.indirect.gather [hbm4b:s5+s6], $0x40, s2, s6, $0xb8;
	[tilespmem:$0x4500] =	vst v63  }
0x6a: {  	_ =	swait.ge [sflag:s8], $0x2000  }
0x6b: {  	[sflag:s8] =	ssyncset.done $0x0  }
0x6c: {  	[sflag:s8] =	ssyncadd.s32 $0xFFFFE000  }
0x6d: {  	[tilespmem:s9], [sflag:$0x2] =	stream.indirect.gather [hbm4b:s5+s6], $0x40, s6, s6, $0xb8;
	[tilespmem:$0x4500] =	vst v63  }
0x6e: {  	_ = 	snop  }
0x6f: {  	[hbm4b:s10+s11] =	stream.strided.scatter [tilespmem:s7], [sflag:$0x3], $0x2000, s6, s11, $0x38;
	[tilespmem:$0x4500] =	vst v63  }
0x70: {  	_ =	swait.ge [sflag:s3], $0x2000  }
0x71: {  	[sflag:s3] =	ssyncset.done $0x0  }
0x72: {  	[sflag:s3] =	ssyncadd.s32 $0xFFFFE000  }
0x73: {  	_ =	swait.ge [sflag:s12], $0x2000  }
0x74: {  	[sflag:s12] =	ssyncset.done $0x0  }
0x75: {  	[sflag:s12] =	ssyncadd.s32 $0xFFFFE000  }
0x76: {  	[tilespmem:s7], [sflag:$0x2] =	stream.indirect.gather [hbm4b:s5+s6], $0x40, s13, s6, $0xb8;
	[tilespmem:$0x4500] =	vst v63  }
0x77: {  	_ = 	snop  }
0x78: {  	[hbm4b:s14+s11] =	stream.strided.scatter [tilespmem:s9], [sflag:$0x3], $0x2000, s6, s11, $0x38;
	[tilespmem:$0x4500] =	vst v63  }
0x79: {  	_ =	swait.ge [sflag:s3], $0x2000  }
0x7a: {  	[sflag:s3] =	ssyncset.done $0x0  }
0x7b: {  	[sflag:s3] =	ssyncadd.s32 $0xFFFFE000  }
0x7c: {  	_ =	swait.ge [sflag:s12], $0x2000  }
0x7d: {  	[sflag:s12] =	ssyncset.done $0x0  }
0x7e: {  	[sflag:s12] =	ssyncadd.s32 $0xFFFFE000  }
0x7f: {  	[tilespmem:s9], [sflag:$0x2] =	stream.indirect.gather [hbm4b:s5+s6], $0x40, s15, s6, $0xb8;
	[tilespmem:$0x4500] =	vst v63  }
0x80: {  	_ = 	snop  }
0x81: {  	[hbm4b:s16+s11] =	stream.strided.scatter [tilespmem:s7], [sflag:$0x3], $0x2000, s6, s11, $0x38;
	[tilespmem:$0x4500] =	vst v63  }
0x82: {  	_ =	swait.ge [sflag:s3], $0x2000  }
0x83: {  	[sflag:s3] =	ssyncset.done $0x0  }
0x84: {  	[sflag:s3] =	ssyncadd.s32 $0xFFFFE000  }
0x85: {  	_ =	swait.ge [sflag:s12], $0x2000  }
0x86: {  	[sflag:s12] =	ssyncset.done $0x0  }
0x87: {  	[sflag:s12] =	ssyncadd.s32 $0xFFFFE000  }
0x88: {  	[tilespmem:s7], [sflag:$0x2] =	stream.indirect.gather [hbm4b:s5+s6], $0x40, s17, s6, $0xb8;
	[tilespmem:$0x4500] =	vst v63  }
0x89: {  	_ = 	snop  }
0x8a: {  	[hbm4b:s18+s11] =	stream.strided.scatter [tilespmem:s9], [sflag:$0x3], $0x2000, s6, s11, $0x38;
	[tilespmem:$0x4500] =	vst v63  }
0x8b: {  	_ =	swait.ge [sflag:s3], $0x2000  }
0x8c: {  	[sflag:s3] =	ssyncset.done $0x0  }
0x8d: {  	[sflag:s3] =	ssyncadd.s32 $0xFFFFE000  }
0x8e: {  	_ =	swait.ge [sflag:s12], $0x2000  }
0x8f: {  	[sflag:s12] =	ssyncset.done $0x0  }
0x90: {  	[sflag:s12] =	ssyncadd.s32 $0xFFFFE000  }
0x91: {  	[tilespmem:s9], [sflag:$0x2] =	stream.indirect.gather [hbm4b:s5+s6], $0x40, s19, s6, $0xb8;
	[tilespmem:$0x4500] =	vst v63  }
0x92: {  	_ = 	snop  }
0x93: {  	[hbm4b:s20+s11] =	stream.strided.scatter [tilespmem:s7], [sflag:$0x3], $0x2000, s6, s11, $0x38;
	[tilespmem:$0x4500] =	vst v63  }
0x94: {  	_ =	swait.ge [sflag:s3], $0x2000  }
0x95: {  	[sflag:s3] =	ssyncset.done $0x0  }
0x96: {  	[sflag:s3] =	ssyncadd.s32 $0xFFFFE000  }
0x97: {  	_ =	swait.ge [sflag:s12], $0x2000  }
0x98: {  	[sflag:s12] =	ssyncset.done $0x0  }
0x99: {  	[sflag:s12] =	ssyncadd.s32 $0xFFFFE000  }
0x9a: {  	[tilespmem:s7], [sflag:$0x2] =	stream.indirect.gather [hbm4b:s5+s6], $0x40, s21, s6, $0xb8;
	[tilespmem:$0x4500] =	vst v63  }
0x9b: {  	_ = 	snop  }
0x9c: {  	[hbm4b:s22+s11] =	stream.strided.scatter [tilespmem:s9], [sflag:$0x3], $0x2000, s6, s11, $0x38;
	[tilespmem:$0x4500] =	vst v63  }
0x9d: {  	_ =	swait.ge [sflag:s3], $0x2000  }
0x9e: {  	[sflag:s3] =	ssyncset.done $0x0  }
0x9f: {  	[sflag:s3] =	ssyncadd.s32 $0xFFFFE000  }
0xa0: {  	_ =	swait.ge [sflag:s12], $0x2000  }
0xa1: {  	[sflag:s12] =	ssyncset.done $0x0  }
0xa2: {  	[sflag:s12] =	ssyncadd.s32 $0xFFFFE000  }
0xa3: {  	[tilespmem:s9], [sflag:$0x2] =	stream.indirect.gather [hbm4b:s5+s6], $0x40, s23, s6, $0xb8;
	[tilespmem:$0x4500] =	vst v63  }
0xa4: {  	_ = 	snop  }
0xa5: {  	[hbm4b:s24+s11] =	stream.strided.scatter [tilespmem:s7], [sflag:$0x3], $0x2000, s6, s11, $0x38;
	[tilespmem:$0x4500] =	vst v63  }
0xa6: {  	_ =	swait.ge [sflag:s3], $0x2000  }
0xa7: {  	[sflag:s3] =	ssyncset.done $0x0  }
0xa8: {  	[sflag:s3] =	ssyncadd.s32 $0xFFFFE000  }
0xa9: {  	_ =	swait.ge [sflag:s12], $0x2000  }
0xaa: {  	[sflag:s12] =	ssyncset.done $0x0  }
0xab: {  	[sflag:s12] =	ssyncadd.s32 $0xFFFFE000  }
0xac: {  	[tilespmem:s7], [sflag:$0x2] =	stream.indirect.gather [hbm4b:s5+s6], $0x40, s25, s6, $0xb8;
	[tilespmem:$0x4500] =	vst v63  }
0xad: {  	_ = 	snop  }
0xae: {  	[hbm4b:s26+s11] =	stream.strided.scatter [tilespmem:s9], [sflag:$0x3], $0x2000, s6, s11, $0x38;
	[tilespmem:$0x4500] =	vst v63  }
0xaf: {  	_ =	swait.ge [sflag:s3], $0x2000  }
0xb0: {  	[sflag:s3] =	ssyncset.done $0x0  }
0xb1: {  	[sflag:s3] =	ssyncadd.s32 $0xFFFFE000  }
0xb2: {  	_ =	swait.ge [sflag:s12], $0x2000  }
0xb3: {  	[sflag:s12] =	ssyncset.done $0x0  }
0xb4: {  	[sflag:s12] =	ssyncadd.s32 $0xFFFFE000  }
0xb5: {  	[tilespmem:s9], [sflag:$0x2] =	stream.indirect.gather [hbm4b:s5+s6], $0x40, s28, s6, $0xb8;
	[tilespmem:$0x4500] =	vst v63  }
0xb6: {  	_ = 	snop  }
0xb7: {  	[hbm4b:s29+s11] =	stream.strided.scatter [tilespmem:s7], [sflag:$0x3], $0x2000, s6, s11, $0x38;
	[tilespmem:$0x4500] =	vst v63  }
0xb8: {  	_ =	swait.ge [sflag:s3], $0x2000  }
0xb9: {  	[sflag:s3] =	ssyncset.done $0x0  }
0xba: {  	[sflag:s3] =	ssyncadd.s32 $0xFFFFE000  }
0xbb: {  	_ =	swait.ge [sflag:s12], $0x2000  }
.Ltmp1:
0xbc: {  	[sflag:s12] =	ssyncset.done $0x0;
	(pc) =	sbr.rel @p0 .LBB2_1-.Ltmp1, $4  }
0xbd: {  	[sflag:s12] =	ssyncadd.s32 $0xFFFFE000  }
0xbe: {  	[hbm4b:s30+s11] =	stream.strided.scatter [tilespmem:s9], [sflag:$0x3], $0x2000, s6, s11, $0x38;
	[tilespmem:$0x4500] =	vst v63  }
0xbf: {  	_ =	swait.ge [sflag:s3], $0x2000  }
0xc0: {  	[sflag:s3] =	ssyncset.done $0x0  }
.LBB2_2:
0xc1: {  	[sflag:s3] =	ssyncadd.s32 $0xFFFFE000  }
0xc2: {  	_ =	sfence.sel $0x180000  }
0xc3: {  	[bflag:$0x0] =	sbarrier.arrive $0xFFFF  }
0xc4: {  	_ =	strace $0x9000004A  }
0xc5: {  	s0 =	stileid.u32;
	[bflag:$0x2] =	sbarrier.arrive $0xFFFF  }
0xc6: {  	p0 =	sne.s32 s0, $0x0;
	s0 =	rddreg [dreg:$0x1]  }
0xc7: {  	s0 =	sadd.s32 @!p0 $0x100000, s0  }
0xc8: {  	[sflag:s0] =	ssyncadd.tile.s32 @!p0 $0x1;
	_ =	shalt  }
.Lfunc_end2:
_tile_overlayer_lowered:
.L_overlay_start_2:
0xc9: {  	(tag) =	ssettag $0x2  }
0xca: {  	s0 =	rddreg [dreg:$0x0];
	s2 =	stileid.u32  }
0xcb: {  	s1 =	rddreg [dreg:$0x1];
	p0 =	sne.s32 s2, $0x0  }
0xcc: {  	s3 =	rddreg [dreg:$0x2];
	[bflag:$0x3] =	sbarrier.arrive $0xFFFF;
	s2 =	simm.s32 @!p0 $0x1C03  }
0xcd: {  	[timem:s3], [sflag:s2] =	dma.local @!p0 [hbm:s0], s1  }
0xce: {  	s0 =	simm.s32 @!p0 $0x3  }
0xcf: {  	_ =	swait.ge @!p0 [sflag:s0], s1  }
0xd0: {  	s1 =	ssub.s32 @!p0 $0x0, s1;
	[sflag:s0] =	ssyncset.done @!p0 $0x0  }
0xd1: {  	[sflag:s0] =	ssyncadd.s32 @!p0 s1  }
0xd2: {  	[bflag:$0x3] =	sbarrier.arrive $0xFFFF  }
0xd3: {  	_ =	shalt  }

// kernel: kernel.18.cloned.1.call-start
scs
__scs_entry_jumppad:
0x0: {  	(pc) =	sbr.rel $0x88, $3  }
0x1: {  	(tag) =	ssettag $0x0;
	lr =	simm.s32 $0x1  }
0x2: {  	[smem:$0x3F95] =	sst lr;
	_ =	strace $0xD0000000  }
0x3: {  	_ = 	snop  }
0x4: {  	_ = 	snop  }
0x5: {  	_ = 	snop  }
0x6: {  	_ = 	snop  }
0x7: {  	_ = 	snop  }
__scs_overlays_trampoline_lowered:
0x8: {  	[smem:$0x3FA4] =	sst s0  }
0x9: {  	[smem:$0x3FA5] =	sst s1  }
0xa: {  	[smem:$0x3FA6] =	sst s2  }
0xb: {  	[smem:$0x3FA7] =	sst s3  }
0xc: {  	[smem:$0x3FA8] =	sst s4  }
0xd: {  	[smem:$0x3FA9] =	sst s5  }
0xe: {  	[smem:$0x3FAA] =	sst s6  }
0xf: {  	[smem:$0x3FAB] =	sst s7  }
0x10: {  	[smem:$0x3FAC] =	sst s8  }
0x11: {  	[smem:$0x3FAD] =	sst s9;
	s0 =	simm.s32 @!p0 $0x0  }
0x12: {  	s1 =	sld [smem:$0x3F93];
	s0 =	simm.s32 @p0 $0x1  }
0x13: {  	[smem:$0x3FAE] =	sst s0;
	s0 =	simm.s32 @!p1 $0x0  }
0x14: {  	s2 =	sld [smem:$0x3F92];
	s0 =	simm.s32 @p1 $0x1  }
0x15: {  	[smem:$0x3FAF] =	sst s0;
	s0 =	simm.s32 @!p2 $0x0  }
0x16: {  	s3 =	sld [smem:$0x3FDB];
	s0 =	simm.s32 @p2 $0x1  }
0x17: {  	s4 =	simm.s32 $0x1BF5;
	[smem:$0x3FB1] =	sst s0  }
0x18: {  	s0 =	sld [smem:$0x3F94];
	_ =	swait.ge [sflag:s4], $0x0  }
0x19: {  	s7 =	sld [smem:$0x3F95]  }
0x1a: {  	s8 =	sadd.s32 $0xFFFFE003, lr  }
0x1b: {  	s9 =	sadd.s32 $0xFFFFFEF7, lr;
	s5 =	simm.s32 $0xFFFFFFFF;
	p2 =	slt.u32 s8, $0xFFFFF086  }
0x1c: {  	p1 =	slt.u32 s9, $0xF7A;
	s5 =	simm.s32 @!p2 $0x0  }
0x1d: {  	s5 =	simm.s32 @p1 $0x1;
	p0 =	seq.s32 s7, s2  }
0x1e: {  	s7 =	smul.u32 @!p0 $0xF7A, s2;
	p2 =	seq.s32 @!p0 s5, $0x0  }
0x1f: {  	s9 =	smul.u32 $0xF7A, s1;
	s8 =	simm.s32 @!p0 $0x1BF5;
	p2 =	por !p2, p0  }
0x20: {  	[sflag:s8] =	ssyncset.s32 @!p0 $0xFFFFF086;
	s6 =	sadd.s32 @!p0 s3, s7;
	s7 =	simm.s32 @!p0 $0x108  }
0x21: {  	s3 =	sadd.s32 s3, s9;
	s6 =	sadd.s32 @!p0 $0x88, s6;
	s7 =	simm.s32 @p2 $0x1082  }
0x22: {  	[simem:s7], [sflag:s8] =	dma.local @!p0 [hbm:s6], $0xF7A  }
0x23: {  	s9 =	sor.u32 $0xD0000000, s2;
	s6 =	simm.s32 $0x108;
	_ =	swait.ge @!p0 [sflag:s8], $0x0  }
0x24: {  	s3 =	sadd.s32 $0x88, s3;
	s6 =	simm.s32 @!p1 $0x1082;
	[sflag:s4] =	ssyncset.s32 $0xFFFFF086  }
0x25: {  	[simem:s6], [sflag:s4] =	dma.local [hbm:s3], $0xF7A  }
0x26: {  	[smem:$0x3F95] =	sst s1;
	(tag) =	ssettag s2;
	_ =	strace s9  }
0x27: {  	s1 =	sld [smem:$0x3FA5]  }
0x28: {  	s2 =	sld [smem:$0x3FA6]  }
0x29: {  	s4 =	sld [smem:$0x3FA8]  }
0x2a: {  	p0 =	seq.s32 s5, $0x0;
	s5 =	sld [smem:$0x3FA9]  }
0x2b: {  	s6 =	sld [smem:$0x3FAA]  }
0x2c: {  	s7 =	sld [smem:$0x3FAB]  }
0x2d: {  	s3 =	simm.s32 $0x108;
	s8 =	sld [smem:$0x3FAC]  }
0x2e: {  	s3 =	simm.s32 @!p0 $0x1082;
	s9 =	sld [smem:$0x3FAD]  }
0x2f: {  	lr =	sadd.s32 s0, s3;
	s0 =	sld [smem:$0x3FA4]  }
0x30: {  	s3 =	sld [smem:$0x3FA7]  }
0x31: {  	[smem:$0x3FB0] =	sst s10  }
0x32: {  	s10 =	sld [smem:$0x3FAE];
	_ =	sdelay $0x3  }
0x33: {  	p0 =	seq.s32 s10, $0x1;
	s10 =	sld [smem:$0x3FB0];
	_ =	sdelay $0x3  }
0x34: {  	[smem:$0x3FB0] =	sst s10  }
0x35: {  	s10 =	sld [smem:$0x3FAF];
	_ =	sdelay $0x3  }
0x36: {  	p1 =	seq.s32 s10, $0x1;
	s10 =	sld [smem:$0x3FB0];
	_ =	sdelay $0x3  }
0x37: {  	[smem:$0x3FB0] =	sst s10  }
0x38: {  	s10 =	sld [smem:$0x3FB1]  }
0x39: {  	_ = 	snop;
	(pc) =	sbr.ind lr, $3  }
0x3a: {  	_ = 	snop  }
0x3b: {  	_ = 	snop  }
0x3c: {  	p2 =	seq.s32 s10, $0x1;
	s10 =	sld [smem:$0x3FB0]  }
0x3d: {  	_ =	shalt  }
0x3e: {  	_ =	shalt  }
0x3f: {  	_ =	shalt  }
0x40: {  	_ =	shalt  }
0x41: {  	_ =	shalt  }
0x42: {  	_ =	shalt  }
0x43: {  	_ =	shalt  }
0x44: {  	_ =	shalt  }
0x45: {  	_ =	shalt  }
0x46: {  	_ =	shalt  }
0x47: {  	_ =	shalt  }
0x48: {  	_ =	shalt  }
0x49: {  	_ =	shalt  }
0x4a: {  	_ =	shalt  }
0x4b: {  	_ =	shalt  }
0x4c: {  	_ =	shalt  }
0x4d: {  	_ =	shalt  }
0x4e: {  	_ =	shalt  }
0x4f: {  	_ =	shalt  }
0x50: {  	_ =	shalt  }
0x51: {  	_ =	shalt  }
0x52: {  	_ =	shalt  }
0x53: {  	_ =	shalt  }
0x54: {  	_ =	shalt  }
0x55: {  	_ =	shalt  }
0x56: {  	_ =	shalt  }
0x57: {  	_ =	shalt  }
0x58: {  	_ =	shalt  }
0x59: {  	_ =	shalt  }
0x5a: {  	_ =	shalt  }
0x5b: {  	_ =	shalt  }
0x5c: {  	_ =	shalt  }
0x5d: {  	_ =	shalt  }
0x5e: {  	_ =	shalt  }
0x5f: {  	_ =	shalt  }
0x60: {  	_ =	shalt  }
0x61: {  	_ =	shalt  }
0x62: {  	_ =	shalt  }
0x63: {  	_ =	shalt  }
0x64: {  	_ =	shalt  }
0x65: {  	_ =	shalt  }
0x66: {  	_ =	shalt  }
0x67: {  	_ =	shalt  }
0x68: {  	_ =	shalt  }
0x69: {  	_ =	shalt  }
0x6a: {  	_ =	shalt  }
0x6b: {  	_ =	shalt  }
0x6c: {  	_ =	shalt  }
0x6d: {  	_ =	shalt  }
0x6e: {  	_ =	shalt  }
0x6f: {  	_ =	shalt  }
0x70: {  	_ =	shalt  }
0x71: {  	_ =	shalt  }
0x72: {  	_ =	shalt  }
0x73: {  	_ =	shalt  }
0x74: {  	_ =	shalt  }
0x75: {  	_ =	shalt  }
0x76: {  	_ =	shalt  }
0x77: {  	_ =	shalt  }
0x78: {  	_ =	shalt  }
0x79: {  	_ =	shalt  }
0x7a: {  	_ =	shalt  }
0x7b: {  	_ =	shalt  }
0x7c: {  	_ =	shalt  }
0x7d: {  	_ =	shalt  }
0x7e: {  	_ =	shalt  }
0x7f: {  	_ =	shalt  }
0x80: {  	_ =	shalt  }
0x81: {  	_ =	shalt  }
0x82: {  	_ =	shalt  }
0x83: {  	_ =	shalt  }
0x84: {  	_ =	shalt  }
0x85: {  	_ =	shalt  }
0x86: {  	_ =	shalt  }
0x87: {  	_ =	shalt  }
.Lfunc_end0:
.L_simem_size_0:
called_computation.2_lowered:
.L_overlay_start_0:
0x88: {  	s2 =	sld [smem:$0x3FD9]  }
0x89: {  	s3 =	sld [smem:$0x3FFE];
	_ =	sdelay $0x1  }
0x8a: {  	s1 =	srdreg.scid  }
0x8b: {  	s0 =	sand.u32 $0x1, s1  }
0x8c: {  	s17 =	sshll.u32 s0, $0xA;
	s2 =	sadd.s32 s3, s2  }
0x8d: {  	s2 =	sadd.s32 s2, s17  }
0x8e: {  	[smem:$0x3FBC] =	sst s2  }
0x8f: {  	_ = 	snop  }
0x90: {  	(tm) =	ssettm $0x1  }
0x91: {  	s18 =	sld [smem:$0x3FFB];
	_ =	sdelay $0x3  }
0x92: {  	_ =	strace s18  }
0x93: {  	s2 =	sld [smem:$0x3FFC];
	_ =	sdelay $0x3  }
0x94: {  	_ =	strace s2  }
0x95: {  	s2 =	sld [smem:$0x3FFD];
	_ =	sdelay $0x3  }
0x96: {  	_ =	strace s2  }
0x97: {  	_ =	strace $0x8FFFFFFF  }
0x98: {  	s19 =	sld [smem:$0x3FDB];
	_ =	sdelay $0x1  }
0x99: {  	s20 =	simm.s32 $_scs_section_size  }
0x9a: {  	s4 =	simm.s32 $_size__tile_overlayer_lowered;
	s5 =	simm.s32 $_tile_overlayer_lowered  }
0x9b: {  	s6 =	simm.s32 $0x1BFF;
	s21 =	sshll.u32 s5, $0x1;
	s3 =	sadd.s32 s20, s19  }
0x9c: {  	s22 =	simm.s32 $0x0;
	s4 =	sshll.u32 s4, $0x1;
	s5 =	sadd.s32 s21, s3  }
0x9d: {  	[timem:s22], [sflag:s6] =	dma.local [hbm:s5], s4  }
0x9e: {  	_ =	swait.ge [sflag:s6], s4  }
0x9f: {  	s4 =	ssub.s32 $0x0, s4;
	[sflag:s6] =	ssyncset.done $0x0  }
0xa0: {  	[sflag:s6] =	ssyncadd.s32 s4;
	_ =	sdelay $0x1  }
0xa1: {  	s23 =	simm.s32 $0x1B8B  }
0xa2: {  	_ =	swait.ge [sflag:s23], $0x1  }
0xa3: {  	[sflag:s23] =	ssyncset.done $0x0  }
0xa4: {  	[sflag:s23] =	ssyncadd.s32 $0xFFFFFFFF  }
0xa5: {  	s4 =	sld [smem:$0x0]  }
0xa6: {  	s5 =	sand.u32 $0xFFFFFFFE, s1  }
0xa7: {  	p0 =	sne.s32 s1, s5  }
0xa8: {  	s5 =	sshll.u32 @p0 s5, $0xE  }
0xa9: {  	s5 =	sadd.s32 @p0 $0x11B8D, s5;
	s6 =	sshll.u32 @p0 s4, $0x11  }
0xaa: {  	s5 =	sor.u32 @p0 s6, s5  }
0xab: {  	[sflag:s5] =	ssyncadd.remote.s32 @p0 $0x1;
	_ =	sdelay $0x1  }
0xac: {  	s5 =	simm.s32 @p0 $0x1B8D  }
0xad: {  	_ =	swait.eq @p0 [sflag:s5], $0x1  }
0xae: {  	[sflag:s5] =	ssyncadd.s32 @p0 $0xFFFFFFFF  }
0xaf: {  	s6 =	sshll.u32 @!p0 s1, $0xE  }
0xb0: {  	s6 =	sor.u32 @!p0 $0x4000, s6;
	s5 =	simm.s32 @!p0 $0x1B8D  }
0xb1: {  	s4 =	sshll.u32 @!p0 s4, $0x11;
	s6 =	sadd.s32 @!p0 $0x11B8D, s6;
	_ =	swait.eq @!p0 [sflag:s5], $0x1  }
0xb2: {  	s4 =	sor.u32 @!p0 s4, s6;
	[sflag:s5] =	ssyncadd.s32 @!p0 $0xFFFFFFFF  }
0xb3: {  	s25 =	simm.s32 $0x1B8E;
	s24 =	sld [smem:$0x3FFE];
	[sflag:s4] =	ssyncadd.remote.s32 @!p0 $0x1  }
0xb4: {  	s26 =	simm.s32 $execute0_lowered;
	[smem:$0x3FD2] =	sst s25  }
0xb5: {  	s5 =	sshll.u32 s26, $0x1;
	_ =	strace $0x8000004C;
	[dreg:$0x1] =	wrdreg $0xFFFFFFFF  }
0xb6: {  	s28 =	simm.s32 $_size_execute0_lowered;
	s3 =	sadd.s32 s3, s5;
	[dreg:$0x0] =	wrdreg $0x0  }
0xb7: {  	s5 =	sshll.u32 s28, $0x1;
	[dreg:$0x2] =	wrdreg s3  }
0xb8: {  	[dreg:$0x3] =	wrdreg s5  }
0xb9: {  	[dreg:$0x4] =	wrdreg $0xC0  }
0xba: {  	_ =	task [dreg:s22], $0x5FFFF  }
0xbb: {  	[dreg:$0x1] =	wrdreg $0xFFFFFFFF  }
0xbc: {  	[dreg:$0x0] =	wrdreg $0x60  }
0xbd: {  	[dreg:$0x2] =	wrdreg s24  }
0xbe: {  	[dreg:$0x3] =	wrdreg $0xB  }
0xbf: {  	_ =	task.clear_ibuf [dreg:s22], $0x4FFFF;
	_ =	strace $0x9000004C  }
0xc0: {  	s29 =	simm.s32 $0xB;
	_ =	strace $0x8000004E  }
0xc1: {  	_ =	swait.ge [sflag:s29], $0x1  }
0xc2: {  	[sflag:s29] =	ssyncadd.s32 $0xFFFFFFFF  }
0xc3: {  	_ =	strace $0x9000004E  }
0xc4: {  	_ =	sfence  }
0xc5: {  	s30 =	sld [smem:$0x0];
	_ =	sdelay $0x2  }
0xc6: {  	s31 =	sshll.u32 s1, $0xD;
	s1 =	sshrl.u32 s1, $0x2  }
0xc7: {  	s4 =	sand.u32 $0x4000, s31;
	s1 =	sadd.s32 s1, s30  }
0xc8: {  	s0 =	sor.u32 s4, s0;
	s1 =	sshll.u32 s1, $0x11  }
0xc9: {  	s0 =	sor.u32 s1, s0  }
0xca: {  	s0 =	sadd.s32 $0x8F2B, s0  }
0xcb: {  	[sflag:s0] =	ssyncadd.remote.s32 $0x1  }
0xcc: {  	_ =	sfence.sel $0xFFFF  }
0xcd: {  	[dreg:$0x0] =	wrdreg $0xFFFFFFFF;
	(pc) =	sbr.abs _section_cstart, $3  }
0xce: {  	[dreg:$0x1] =	wrdreg $0xFFFFFFFF  }
0xcf: {  	_ =	task.clear_ibuf [dreg:s22], $0x2FFFF;
	_ =	strace $0x9FFFFFFF  }
0xd0: {  	(tm) =	ssettm $0x7FFFFFFF  }
0xd1: {  	_ =	shalt  }
tec
execute0_lowered:
.L_overlay_start_1:
0x0: {  	(tag) =	ssettag $0x1  }
0x1: {  	s1 =	srdreg.scid;
	s0 =	stileid.u32  }
0x2: {  	s30 =	sand.u32 $0x1, s1;
	s25 =	sshll.u32 s0, $0x1  }
0x3: {  	s31 =	sor.u32 s30, s25  }
0x4: {  	s3 =	smul.u32 $0xA0, s31  }
0x5: {  	s26 =	rddreg [dreg:$0x0];
	s2 =	simm.s32 $0x0  }
0x6: {  	[smem:$0x7FF] =	sst s2;
	s3 =	sadd.s32 s3, s26  }
0x7: {  	_ =	strace $0x8000004D;
	s4 =	sadd.s32 $0x5000, s3;
	s3 =	simm.s32 $0x3  }
0x8: {  	[tilespmem:s2], [sflag:$0x3] =	stream.linear.gather [hbm4b:s4+s2], $0x500, $0x38;
	[tilespmem:$0x4500] =	vst v63  }
0x9: {  	_ =	swait.ge [sflag:s3], $0x500  }
0xa: {  	s6 =	simm.s32 $0x80;
	s7 =	simm.s32 $0x500;
	[sflag:s3] =	ssyncset.done $0x0  }
0xb: {  	s8 =	simm.s32 $0x1;
	s5 =	sadd.s32 $0xF46000, s26;
	[sflag:s3] =	ssyncadd.s32 $0xFFFFFB00  }
0xc: {  	[tilespmem:s7], [sflag:$0x1] =	stream.indirect.gather [hbm4b:s5+s6], $0x40, s2, s6, $0xb8;
	[tilespmem:$0x4500] =	vst v63  }
0xd: {  	_ =	swait.ge [sflag:s8], $0x2000  }
0xe: {  	s9 =	simm.s32 $0x2500;
	[sflag:s8] =	ssyncset.done $0x0  }
0xf: {  	s1 =	sadd.s32 $0x14A000, s26;
	s10 =	smul.u32 $0x5000, s31;
	[sflag:s8] =	ssyncadd.s32 $0xFFFFE000  }
0x10: {  	[tilespmem:s9], [sflag:$0x2] =	stream.indirect.gather [hbm4b:s5+s6], $0x40, s6, s6, $0xb8;
	[tilespmem:$0x4500] =	vst v63  }
0x11: {  	s11 =	simm.s32 $0x40;
	s10 =	sadd.s32 s1, s10  }
0x12: {  	[hbm4b:s10+s11] =	stream.strided.scatter [tilespmem:s7], [sflag:$0x3], $0x2000, s6, s11, $0x38;
	[tilespmem:$0x4500] =	vst v63  }
0x13: {  	_ =	swait.ge [sflag:s3], $0x2000  }
0x14: {  	[sflag:s3] =	ssyncset.done $0x0  }
0x15: {  	s12 =	simm.s32 $0x2;
	[sflag:s3] =	ssyncadd.s32 $0xFFFFE000  }
0x16: {  	_ =	swait.ge [sflag:s12], $0x2000  }
0x17: {  	[sflag:s12] =	ssyncset.done $0x0  }
0x18: {  	s13 =	simm.s32 $0x100;
	[sflag:s12] =	ssyncadd.s32 $0xFFFFE000  }
0x19: {  	[tilespmem:s7], [sflag:$0x2] =	stream.indirect.gather [hbm4b:s5+s6], $0x40, s13, s6, $0xb8;
	[tilespmem:$0x4500] =	vst v63  }
0x1a: {  	s14 =	sadd.s32 $0x800, s10  }
0x1b: {  	[hbm4b:s14+s11] =	stream.strided.scatter [tilespmem:s9], [sflag:$0x3], $0x2000, s6, s11, $0x38;
	[tilespmem:$0x4500] =	vst v63  }
0x1c: {  	_ =	swait.ge [sflag:s3], $0x2000  }
0x1d: {  	[sflag:s3] =	ssyncset.done $0x0  }
0x1e: {  	[sflag:s3] =	ssyncadd.s32 $0xFFFFE000  }
0x1f: {  	_ =	swait.ge [sflag:s12], $0x2000  }
0x20: {  	[sflag:s12] =	ssyncset.done $0x0  }
0x21: {  	s15 =	simm.s32 $0x180;
	[sflag:s12] =	ssyncadd.s32 $0xFFFFE000  }
0x22: {  	[tilespmem:s9], [sflag:$0x2] =	stream.indirect.gather [hbm4b:s5+s6], $0x40, s15, s6, $0xb8;
	[tilespmem:$0x4500] =	vst v63  }
0x23: {  	s16 =	sadd.s32 $0x1000, s10  }
0x24: {  	[hbm4b:s16+s11] =	stream.strided.scatter [tilespmem:s7], [sflag:$0x3], $0x2000, s6, s11, $0x38;
	[tilespmem:$0x4500] =	vst v63  }
0x25: {  	_ =	swait.ge [sflag:s3], $0x2000  }
0x26: {  	[sflag:s3] =	ssyncset.done $0x0  }
0x27: {  	[sflag:s3] =	ssyncadd.s32 $0xFFFFE000  }
0x28: {  	_ =	swait.ge [sflag:s12], $0x2000  }
0x29: {  	[sflag:s12] =	ssyncset.done $0x0  }
0x2a: {  	s17 =	simm.s32 $0x200;
	[sflag:s12] =	ssyncadd.s32 $0xFFFFE000  }
0x2b: {  	[tilespmem:s7], [sflag:$0x2] =	stream.indirect.gather [hbm4b:s5+s6], $0x40, s17, s6, $0xb8;
	[tilespmem:$0x4500] =	vst v63  }
0x2c: {  	s18 =	sadd.s32 $0x1800, s10  }
0x2d: {  	[hbm4b:s18+s11] =	stream.strided.scatter [tilespmem:s9], [sflag:$0x3], $0x2000, s6, s11, $0x38;
	[tilespmem:$0x4500] =	vst v63  }
0x2e: {  	_ =	swait.ge [sflag:s3], $0x2000  }
0x2f: {  	[sflag:s3] =	ssyncset.done $0x0  }
0x30: {  	[sflag:s3] =	ssyncadd.s32 $0xFFFFE000  }
0x31: {  	_ =	swait.ge [sflag:s12], $0x2000  }
0x32: {  	[sflag:s12] =	ssyncset.done $0x0  }
0x33: {  	s19 =	simm.s32 $0x280;
	[sflag:s12] =	ssyncadd.s32 $0xFFFFE000  }
0x34: {  	[tilespmem:s9], [sflag:$0x2] =	stream.indirect.gather [hbm4b:s5+s6], $0x40, s19, s6, $0xb8;
	[tilespmem:$0x4500] =	vst v63  }
0x35: {  	s20 =	sadd.s32 $0x2000, s10  }
0x36: {  	[hbm4b:s20+s11] =	stream.strided.scatter [tilespmem:s7], [sflag:$0x3], $0x2000, s6, s11, $0x38;
	[tilespmem:$0x4500] =	vst v63  }
0x37: {  	_ =	swait.ge [sflag:s3], $0x2000  }
0x38: {  	[sflag:s3] =	ssyncset.done $0x0  }
0x39: {  	[sflag:s3] =	ssyncadd.s32 $0xFFFFE000  }
0x3a: {  	_ =	swait.ge [sflag:s12], $0x2000  }
0x3b: {  	[sflag:s12] =	ssyncset.done $0x0  }
0x3c: {  	s21 =	simm.s32 $0x300;
	[sflag:s12] =	ssyncadd.s32 $0xFFFFE000  }
0x3d: {  	[tilespmem:s7], [sflag:$0x2] =	stream.indirect.gather [hbm4b:s5+s6], $0x40, s21, s6, $0xb8;
	[tilespmem:$0x4500] =	vst v63  }
0x3e: {  	s22 =	sadd.s32 $0x2800, s10  }
0x3f: {  	[hbm4b:s22+s11] =	stream.strided.scatter [tilespmem:s9], [sflag:$0x3], $0x2000, s6, s11, $0x38;
	[tilespmem:$0x4500] =	vst v63  }
0x40: {  	_ =	swait.ge [sflag:s3], $0x2000  }
0x41: {  	[sflag:s3] =	ssyncset.done $0x0  }
0x42: {  	[sflag:s3] =	ssyncadd.s32 $0xFFFFE000  }
0x43: {  	_ =	swait.ge [sflag:s12], $0x2000  }
0x44: {  	[sflag:s12] =	ssyncset.done $0x0  }
0x45: {  	s23 =	simm.s32 $0x380;
	[sflag:s12] =	ssyncadd.s32 $0xFFFFE000  }
0x46: {  	[tilespmem:s9], [sflag:$0x2] =	stream.indirect.gather [hbm4b:s5+s6], $0x40, s23, s6, $0xb8;
	[tilespmem:$0x4500] =	vst v63  }
0x47: {  	s24 =	sadd.s32 $0x3000, s10  }
0x48: {  	[hbm4b:s24+s11] =	stream.strided.scatter [tilespmem:s7], [sflag:$0x3], $0x2000, s6, s11, $0x38;
	[tilespmem:$0x4500] =	vst v63  }
0x49: {  	_ =	swait.ge [sflag:s3], $0x2000  }
0x4a: {  	[sflag:s3] =	ssyncset.done $0x0  }
0x4b: {  	[sflag:s3] =	ssyncadd.s32 $0xFFFFE000  }
0x4c: {  	_ =	swait.ge [sflag:s12], $0x2000  }
0x4d: {  	[sflag:s12] =	ssyncset.done $0x0  }
0x4e: {  	s25 =	simm.s32 $0x400;
	[sflag:s12] =	ssyncadd.s32 $0xFFFFE000  }
0x4f: {  	[tilespmem:s7], [sflag:$0x2] =	stream.indirect.gather [hbm4b:s5+s6], $0x40, s25, s6, $0xb8;
	[tilespmem:$0x4500] =	vst v63  }
0x50: {  	s26 =	sadd.s32 $0x3800, s10  }
0x51: {  	[hbm4b:s26+s11] =	stream.strided.scatter [tilespmem:s9], [sflag:$0x3], $0x2000, s6, s11, $0x38;
	[tilespmem:$0x4500] =	vst v63  }
0x52: {  	_ =	swait.ge [sflag:s3], $0x2000  }
0x53: {  	[sflag:s3] =	ssyncset.done $0x0  }
0x54: {  	[sflag:s3] =	ssyncadd.s32 $0xFFFFE000  }
0x55: {  	_ =	swait.ge [sflag:s12], $0x2000  }
0x56: {  	[sflag:s12] =	ssyncset.done $0x0  }
0x57: {  	s28 =	simm.s32 $0x480;
	[sflag:s12] =	ssyncadd.s32 $0xFFFFE000  }
0x58: {  	[tilespmem:s9], [sflag:$0x2] =	stream.indirect.gather [hbm4b:s5+s6], $0x40, s28, s6, $0xb8;
	[tilespmem:$0x4500] =	vst v63  }
0x59: {  	s30 =	ssub.s32 $0x2, s30;
	s29 =	sadd.s32 $0x4000, s10  }
0x5a: {  	[hbm4b:s29+s11] =	stream.strided.scatter [tilespmem:s7], [sflag:$0x3], $0x2000, s6, s11, $0x38;
	[tilespmem:$0x4500] =	vst v63  }
0x5b: {  	s0 =	sshrl.u32 s30, $0x1;
	_ =	swait.ge [sflag:s3], $0x2000  }
0x5c: {  	s31 =	smul.u32 $0x28000, s31;
	s0 =	ssub.s32 s30, s0;
	[sflag:s3] =	ssyncset.done $0x0  }
0x5d: {  	s0 =	smax.u32 s0, $0x1;
	[sflag:s3] =	ssyncadd.s32 $0xFFFFE000  }
0x5e: {  	s31 =	sshrl.u32 s31, $0x3;
	p0 =	sne.s32 s0, $0x1;
	_ =	swait.ge [sflag:s12], $0x2000  }
.Ltmp0:
0x5f: {  	s1 =	sadd.s32 s1, s31;
	[sflag:s12] =	ssyncset.done $0x0;
	(pc) =	sbr.rel @!p0 .LBB2_2-.Ltmp0, $4  }
0x60: {  	s30 =	sadd.s32 $0x4800, s1;
	[sflag:s12] =	ssyncadd.s32 $0xFFFFE000  }
0x61: {  	[hbm4b:s30+s11] =	stream.strided.scatter [tilespmem:s9], [sflag:$0x3], $0x2000, s6, s11, $0x38;
	[tilespmem:$0x4500] =	vst v63  }
0x62: {  	_ =	swait.ge [sflag:s3], $0x2000  }
0x63: {  	s31 =	sadd.s32 $0xFFFFFFFF, s0;
	[sflag:s3] =	ssyncset.done $0x0  }
.LBB2_1:
0x64: {  	p0 =	sne.s32 s31, $0x1;
	s31 =	sadd.s32 $0xFFFFFFFF, s31;
	[sflag:s3] =	ssyncadd.s32 $0xFFFFE000  }
0x65: {  	[tilespmem:s2], [sflag:$0x3] =	stream.linear.gather [hbm4b:s4+s2], $0x500, $0x38;
	[tilespmem:$0x4500] =	vst v63  }
0x66: {  	_ =	swait.ge [sflag:s3], $0x500  }
0x67: {  	[sflag:s3] =	ssyncset.done $0x0  }
0x68: {  	[sflag:s3] =	ssyncadd.s32 $0xFFFFFB00  }
0x69: {  	[tilespmem:s7], [sflag:$0x1] =	stream.indirect.gather [hbm4b:s5+s6], $0x40, s2, s6, $0xb8;
	[tilespmem:$0x4500] =	vst v63  }
0x6a: {  	_ =	swait.ge [sflag:s8], $0x2000  }
0x6b: {  	[sflag:s8] =	ssyncset.done $0x0  }
0x6c: {  	[sflag:s8] =	ssyncadd.s32 $0xFFFFE000  }
0x6d: {  	[tilespmem:s9], [sflag:$0x2] =	stream.indirect.gather [hbm4b:s5+s6], $0x40, s6, s6, $0xb8;
	[tilespmem:$0x4500] =	vst v63  }
0x6e: {  	_ = 	snop  }
0x6f: {  	[hbm4b:s10+s11] =	stream.strided.scatter [tilespmem:s7], [sflag:$0x3], $0x2000, s6, s11, $0x38;
	[tilespmem:$0x4500] =	vst v63  }
0x70: {  	_ =	swait.ge [sflag:s3], $0x2000  }
0x71: {  	[sflag:s3] =	ssyncset.done $0x0  }
0x72: {  	[sflag:s3] =	ssyncadd.s32 $0xFFFFE000  }
0x73: {  	_ =	swait.ge [sflag:s12], $0x2000  }
0x74: {  	[sflag:s12] =	ssyncset.done $0x0  }
0x75: {  	[sflag:s12] =	ssyncadd.s32 $0xFFFFE000  }
0x76: {  	[tilespmem:s7], [sflag:$0x2] =	stream.indirect.gather [hbm4b:s5+s6], $0x40, s13, s6, $0xb8;
	[tilespmem:$0x4500] =	vst v63  }
0x77: {  	_ = 	snop  }
0x78: {  	[hbm4b:s14+s11] =	stream.strided.scatter [tilespmem:s9], [sflag:$0x3], $0x2000, s6, s11, $0x38;
	[tilespmem:$0x4500] =	vst v63  }
0x79: {  	_ =	swait.ge [sflag:s3], $0x2000  }
0x7a: {  	[sflag:s3] =	ssyncset.done $0x0  }
0x7b: {  	[sflag:s3] =	ssyncadd.s32 $0xFFFFE000  }
0x7c: {  	_ =	swait.ge [sflag:s12], $0x2000  }
0x7d: {  	[sflag:s12] =	ssyncset.done $0x0  }
0x7e: {  	[sflag:s12] =	ssyncadd.s32 $0xFFFFE000  }
0x7f: {  	[tilespmem:s9], [sflag:$0x2] =	stream.indirect.gather [hbm4b:s5+s6], $0x40, s15, s6, $0xb8;
	[tilespmem:$0x4500] =	vst v63  }
0x80: {  	_ = 	snop  }
0x81: {  	[hbm4b:s16+s11] =	stream.strided.scatter [tilespmem:s7], [sflag:$0x3], $0x2000, s6, s11, $0x38;
	[tilespmem:$0x4500] =	vst v63  }
0x82: {  	_ =	swait.ge [sflag:s3], $0x2000  }
0x83: {  	[sflag:s3] =	ssyncset.done $0x0  }
0x84: {  	[sflag:s3] =	ssyncadd.s32 $0xFFFFE000  }
0x85: {  	_ =	swait.ge [sflag:s12], $0x2000  }
0x86: {  	[sflag:s12] =	ssyncset.done $0x0  }
0x87: {  	[sflag:s12] =	ssyncadd.s32 $0xFFFFE000  }
0x88: {  	[tilespmem:s7], [sflag:$0x2] =	stream.indirect.gather [hbm4b:s5+s6], $0x40, s17, s6, $0xb8;
	[tilespmem:$0x4500] =	vst v63  }
0x89: {  	_ = 	snop  }
0x8a: {  	[hbm4b:s18+s11] =	stream.strided.scatter [tilespmem:s9], [sflag:$0x3], $0x2000, s6, s11, $0x38;
	[tilespmem:$0x4500] =	vst v63  }
0x8b: {  	_ =	swait.ge [sflag:s3], $0x2000  }
0x8c: {  	[sflag:s3] =	ssyncset.done $0x0  }
0x8d: {  	[sflag:s3] =	ssyncadd.s32 $0xFFFFE000  }
0x8e: {  	_ =	swait.ge [sflag:s12], $0x2000  }
0x8f: {  	[sflag:s12] =	ssyncset.done $0x0  }
0x90: {  	[sflag:s12] =	ssyncadd.s32 $0xFFFFE000  }
0x91: {  	[tilespmem:s9], [sflag:$0x2] =	stream.indirect.gather [hbm4b:s5+s6], $0x40, s19, s6, $0xb8;
	[tilespmem:$0x4500] =	vst v63  }
0x92: {  	_ = 	snop  }
0x93: {  	[hbm4b:s20+s11] =	stream.strided.scatter [tilespmem:s7], [sflag:$0x3], $0x2000, s6, s11, $0x38;
	[tilespmem:$0x4500] =	vst v63  }
0x94: {  	_ =	swait.ge [sflag:s3], $0x2000  }
0x95: {  	[sflag:s3] =	ssyncset.done $0x0  }
0x96: {  	[sflag:s3] =	ssyncadd.s32 $0xFFFFE000  }
0x97: {  	_ =	swait.ge [sflag:s12], $0x2000  }
0x98: {  	[sflag:s12] =	ssyncset.done $0x0  }
0x99: {  	[sflag:s12] =	ssyncadd.s32 $0xFFFFE000  }
0x9a: {  	[tilespmem:s7], [sflag:$0x2] =	stream.indirect.gather [hbm4b:s5+s6], $0x40, s21, s6, $0xb8;
	[tilespmem:$0x4500] =	vst v63  }
0x9b: {  	_ = 	snop  }
0x9c: {  	[hbm4b:s22+s11] =	stream.strided.scatter [tilespmem:s9], [sflag:$0x3], $0x2000, s6, s11, $0x38;
	[tilespmem:$0x4500] =	vst v63  }
0x9d: {  	_ =	swait.ge [sflag:s3], $0x2000  }
0x9e: {  	[sflag:s3] =	ssyncset.done $0x0  }
0x9f: {  	[sflag:s3] =	ssyncadd.s32 $0xFFFFE000  }
0xa0: {  	_ =	swait.ge [sflag:s12], $0x2000  }
0xa1: {  	[sflag:s12] =	ssyncset.done $0x0  }
0xa2: {  	[sflag:s12] =	ssyncadd.s32 $0xFFFFE000  }
0xa3: {  	[tilespmem:s9], [sflag:$0x2] =	stream.indirect.gather [hbm4b:s5+s6], $0x40, s23, s6, $0xb8;
	[tilespmem:$0x4500] =	vst v63  }
0xa4: {  	_ = 	snop  }
0xa5: {  	[hbm4b:s24+s11] =	stream.strided.scatter [tilespmem:s7], [sflag:$0x3], $0x2000, s6, s11, $0x38;
	[tilespmem:$0x4500] =	vst v63  }
0xa6: {  	_ =	swait.ge [sflag:s3], $0x2000  }
0xa7: {  	[sflag:s3] =	ssyncset.done $0x0  }
0xa8: {  	[sflag:s3] =	ssyncadd.s32 $0xFFFFE000  }
0xa9: {  	_ =	swait.ge [sflag:s12], $0x2000  }
0xaa: {  	[sflag:s12] =	ssyncset.done $0x0  }
0xab: {  	[sflag:s12] =	ssyncadd.s32 $0xFFFFE000  }
0xac: {  	[tilespmem:s7], [sflag:$0x2] =	stream.indirect.gather [hbm4b:s5+s6], $0x40, s25, s6, $0xb8;
	[tilespmem:$0x4500] =	vst v63  }
0xad: {  	_ = 	snop  }
0xae: {  	[hbm4b:s26+s11] =	stream.strided.scatter [tilespmem:s9], [sflag:$0x3], $0x2000, s6, s11, $0x38;
	[tilespmem:$0x4500] =	vst v63  }
0xaf: {  	_ =	swait.ge [sflag:s3], $0x2000  }
0xb0: {  	[sflag:s3] =	ssyncset.done $0x0  }
0xb1: {  	[sflag:s3] =	ssyncadd.s32 $0xFFFFE000  }
0xb2: {  	_ =	swait.ge [sflag:s12], $0x2000  }
0xb3: {  	[sflag:s12] =	ssyncset.done $0x0  }
0xb4: {  	[sflag:s12] =	ssyncadd.s32 $0xFFFFE000  }
0xb5: {  	[tilespmem:s9], [sflag:$0x2] =	stream.indirect.gather [hbm4b:s5+s6], $0x40, s28, s6, $0xb8;
	[tilespmem:$0x4500] =	vst v63  }
0xb6: {  	_ = 	snop  }
0xb7: {  	[hbm4b:s29+s11] =	stream.strided.scatter [tilespmem:s7], [sflag:$0x3], $0x2000, s6, s11, $0x38;
	[tilespmem:$0x4500] =	vst v63  }
0xb8: {  	_ =	swait.ge [sflag:s3], $0x2000  }
0xb9: {  	[sflag:s3] =	ssyncset.done $0x0  }
0xba: {  	[sflag:s3] =	ssyncadd.s32 $0xFFFFE000  }
0xbb: {  	_ =	swait.ge [sflag:s12], $0x2000  }
.Ltmp1:
0xbc: {  	[sflag:s12] =	ssyncset.done $0x0;
	(pc) =	sbr.rel @p0 .LBB2_1-.Ltmp1, $4  }
0xbd: {  	[sflag:s12] =	ssyncadd.s32 $0xFFFFE000  }
0xbe: {  	[hbm4b:s30+s11] =	stream.strided.scatter [tilespmem:s9], [sflag:$0x3], $0x2000, s6, s11, $0x38;
	[tilespmem:$0x4500] =	vst v63  }
0xbf: {  	_ =	swait.ge [sflag:s3], $0x2000  }
0xc0: {  	[sflag:s3] =	ssyncset.done $0x0  }
.LBB2_2:
0xc1: {  	[sflag:s3] =	ssyncadd.s32 $0xFFFFE000  }
0xc2: {  	_ =	sfence.sel $0x180000  }
0xc3: {  	[bflag:$0x0] =	sbarrier.arrive $0xFFFF  }
0xc4: {  	_ =	strace $0x9000004D  }
0xc5: {  	s0 =	stileid.u32;
	[bflag:$0x2] =	sbarrier.arrive $0xFFFF  }
0xc6: {  	p0 =	sne.s32 s0, $0x0;
	s0 =	rddreg [dreg:$0x1]  }
0xc7: {  	s0 =	sadd.s32 @!p0 $0x100000, s0  }
0xc8: {  	[sflag:s0] =	ssyncadd.tile.s32 @!p0 $0x1;
	_ =	shalt  }
.Lfunc_end2:
_tile_overlayer_lowered:
.L_overlay_start_2:
0xc9: {  	(tag) =	ssettag $0x2  }
0xca: {  	s0 =	rddreg [dreg:$0x0];
	s2 =	stileid.u32  }
0xcb: {  	s1 =	rddreg [dreg:$0x1];
	p0 =	sne.s32 s2, $0x0  }
0xcc: {  	s3 =	rddreg [dreg:$0x2];
	[bflag:$0x3] =	sbarrier.arrive $0xFFFF;
	s2 =	simm.s32 @!p0 $0x1C03  }
0xcd: {  	[timem:s3], [sflag:s2] =	dma.local @!p0 [hbm:s0], s1  }
0xce: {  	s0 =	simm.s32 @!p0 $0x3  }
0xcf: {  	_ =	swait.ge @!p0 [sflag:s0], s1  }
0xd0: {  	s1 =	ssub.s32 @!p0 $0x0, s1;
	[sflag:s0] =	ssyncset.done @!p0 $0x0  }
0xd1: {  	[sflag:s0] =	ssyncadd.s32 @!p0 s1  }
0xd2: {  	[bflag:$0x3] =	sbarrier.arrive $0xFFFF  }
0xd3: {  	_ =	shalt  }

// kernel: kernel.21.cloned.1.call-start
scs
__scs_entry_jumppad:
0x0: {  	(pc) =	sbr.rel $0x88, $3  }
0x1: {  	(tag) =	ssettag $0x0;
	lr =	simm.s32 $0x1  }
0x2: {  	[smem:$0x3F95] =	sst lr;
	_ =	strace $0xD0000000  }
0x3: {  	_ = 	snop  }
0x4: {  	_ = 	snop  }
0x5: {  	_ = 	snop  }
0x6: {  	_ = 	snop  }
0x7: {  	_ = 	snop  }
__scs_overlays_trampoline_lowered:
0x8: {  	[smem:$0x3FA4] =	sst s0  }
0x9: {  	[smem:$0x3FA5] =	sst s1  }
0xa: {  	[smem:$0x3FA6] =	sst s2  }
0xb: {  	[smem:$0x3FA7] =	sst s3  }
0xc: {  	[smem:$0x3FA8] =	sst s4  }
0xd: {  	[smem:$0x3FA9] =	sst s5  }
0xe: {  	[smem:$0x3FAA] =	sst s6  }
0xf: {  	[smem:$0x3FAB] =	sst s7  }
0x10: {  	[smem:$0x3FAC] =	sst s8  }
0x11: {  	[smem:$0x3FAD] =	sst s9;
	s0 =	simm.s32 @!p0 $0x0  }
0x12: {  	s1 =	sld [smem:$0x3F93];
	s0 =	simm.s32 @p0 $0x1  }
0x13: {  	[smem:$0x3FAE] =	sst s0;
	s0 =	simm.s32 @!p1 $0x0  }
0x14: {  	s2 =	sld [smem:$0x3F92];
	s0 =	simm.s32 @p1 $0x1  }
0x15: {  	[smem:$0x3FAF] =	sst s0;
	s0 =	simm.s32 @!p2 $0x0  }
0x16: {  	s3 =	sld [smem:$0x3FDB];
	s0 =	simm.s32 @p2 $0x1  }
0x17: {  	s4 =	simm.s32 $0x1BF5;
	[smem:$0x3FB1] =	sst s0  }
0x18: {  	s0 =	sld [smem:$0x3F94];
	_ =	swait.ge [sflag:s4], $0x0  }
0x19: {  	s7 =	sld [smem:$0x3F95]  }
0x1a: {  	s8 =	sadd.s32 $0xFFFFE003, lr  }
0x1b: {  	s9 =	sadd.s32 $0xFFFFFEF7, lr;
	s5 =	simm.s32 $0xFFFFFFFF;
	p2 =	slt.u32 s8, $0xFFFFF086  }
0x1c: {  	p1 =	slt.u32 s9, $0xF7A;
	s5 =	simm.s32 @!p2 $0x0  }
0x1d: {  	s5 =	simm.s32 @p1 $0x1;
	p0 =	seq.s32 s7, s2  }
0x1e: {  	s7 =	smul.u32 @!p0 $0xF7A, s2;
	p2 =	seq.s32 @!p0 s5, $0x0  }
0x1f: {  	s9 =	smul.u32 $0xF7A, s1;
	s8 =	simm.s32 @!p0 $0x1BF5;
	p2 =	por !p2, p0  }
0x20: {  	[sflag:s8] =	ssyncset.s32 @!p0 $0xFFFFF086;
	s6 =	sadd.s32 @!p0 s3, s7;
	s7 =	simm.s32 @!p0 $0x108  }
0x21: {  	s3 =	sadd.s32 s3, s9;
	s6 =	sadd.s32 @!p0 $0x88, s6;
	s7 =	simm.s32 @p2 $0x1082  }
0x22: {  	[simem:s7], [sflag:s8] =	dma.local @!p0 [hbm:s6], $0xF7A  }
0x23: {  	s9 =	sor.u32 $0xD0000000, s2;
	s6 =	simm.s32 $0x108;
	_ =	swait.ge @!p0 [sflag:s8], $0x0  }
0x24: {  	s3 =	sadd.s32 $0x88, s3;
	s6 =	simm.s32 @!p1 $0x1082;
	[sflag:s4] =	ssyncset.s32 $0xFFFFF086  }
0x25: {  	[simem:s6], [sflag:s4] =	dma.local [hbm:s3], $0xF7A  }
0x26: {  	[smem:$0x3F95] =	sst s1;
	(tag) =	ssettag s2;
	_ =	strace s9  }
0x27: {  	s1 =	sld [smem:$0x3FA5]  }
0x28: {  	s2 =	sld [smem:$0x3FA6]  }
0x29: {  	s4 =	sld [smem:$0x3FA8]  }
0x2a: {  	p0 =	seq.s32 s5, $0x0;
	s5 =	sld [smem:$0x3FA9]  }
0x2b: {  	s6 =	sld [smem:$0x3FAA]  }
0x2c: {  	s7 =	sld [smem:$0x3FAB]  }
0x2d: {  	s3 =	simm.s32 $0x108;
	s8 =	sld [smem:$0x3FAC]  }
0x2e: {  	s3 =	simm.s32 @!p0 $0x1082;
	s9 =	sld [smem:$0x3FAD]  }
0x2f: {  	lr =	sadd.s32 s0, s3;
	s0 =	sld [smem:$0x3FA4]  }
0x30: {  	s3 =	sld [smem:$0x3FA7]  }
0x31: {  	[smem:$0x3FB0] =	sst s10  }
0x32: {  	s10 =	sld [smem:$0x3FAE];
	_ =	sdelay $0x3  }
0x33: {  	p0 =	seq.s32 s10, $0x1;
	s10 =	sld [smem:$0x3FB0];
	_ =	sdelay $0x3  }
0x34: {  	[smem:$0x3FB0] =	sst s10  }
0x35: {  	s10 =	sld [smem:$0x3FAF];
	_ =	sdelay $0x3  }
0x36: {  	p1 =	seq.s32 s10, $0x1;
	s10 =	sld [smem:$0x3FB0];
	_ =	sdelay $0x3  }
0x37: {  	[smem:$0x3FB0] =	sst s10  }
0x38: {  	s10 =	sld [smem:$0x3FB1]  }
0x39: {  	_ = 	snop;
	(pc) =	sbr.ind lr, $3  }
0x3a: {  	_ = 	snop  }
0x3b: {  	_ = 	snop  }
0x3c: {  	p2 =	seq.s32 s10, $0x1;
	s10 =	sld [smem:$0x3FB0]  }
0x3d: {  	_ =	shalt  }
0x3e: {  	_ =	shalt  }
0x3f: {  	_ =	shalt  }
0x40: {  	_ =	shalt  }
0x41: {  	_ =	shalt  }
0x42: {  	_ =	shalt  }
0x43: {  	_ =	shalt  }
0x44: {  	_ =	shalt  }
0x45: {  	_ =	shalt  }
0x46: {  	_ =	shalt  }
0x47: {  	_ =	shalt  }
0x48: {  	_ =	shalt  }
0x49: {  	_ =	shalt  }
0x4a: {  	_ =	shalt  }
0x4b: {  	_ =	shalt  }
0x4c: {  	_ =	shalt  }
0x4d: {  	_ =	shalt  }
0x4e: {  	_ =	shalt  }
0x4f: {  	_ =	shalt  }
0x50: {  	_ =	shalt  }
0x51: {  	_ =	shalt  }
0x52: {  	_ =	shalt  }
0x53: {  	_ =	shalt  }
0x54: {  	_ =	shalt  }
0x55: {  	_ =	shalt  }
0x56: {  	_ =	shalt  }
0x57: {  	_ =	shalt  }
0x58: {  	_ =	shalt  }
0x59: {  	_ =	shalt  }
0x5a: {  	_ =	shalt  }
0x5b: {  	_ =	shalt  }
0x5c: {  	_ =	shalt  }
0x5d: {  	_ =	shalt  }
0x5e: {  	_ =	shalt  }
0x5f: {  	_ =	shalt  }
0x60: {  	_ =	shalt  }
0x61: {  	_ =	shalt  }
0x62: {  	_ =	shalt  }
0x63: {  	_ =	shalt  }
0x64: {  	_ =	shalt  }
0x65: {  	_ =	shalt  }
0x66: {  	_ =	shalt  }
0x67: {  	_ =	shalt  }
0x68: {  	_ =	shalt  }
0x69: {  	_ =	shalt  }
0x6a: {  	_ =	shalt  }
0x6b: {  	_ =	shalt  }
0x6c: {  	_ =	shalt  }
0x6d: {  	_ =	shalt  }
0x6e: {  	_ =	shalt  }
0x6f: {  	_ =	shalt  }
0x70: {  	_ =	shalt  }
0x71: {  	_ =	shalt  }
0x72: {  	_ =	shalt  }
0x73: {  	_ =	shalt  }
0x74: {  	_ =	shalt  }
0x75: {  	_ =	shalt  }
0x76: {  	_ =	shalt  }
0x77: {  	_ =	shalt  }
0x78: {  	_ =	shalt  }
0x79: {  	_ =	shalt  }
0x7a: {  	_ =	shalt  }
0x7b: {  	_ =	shalt  }
0x7c: {  	_ =	shalt  }
0x7d: {  	_ =	shalt  }
0x7e: {  	_ =	shalt  }
0x7f: {  	_ =	shalt  }
0x80: {  	_ =	shalt  }
0x81: {  	_ =	shalt  }
0x82: {  	_ =	shalt  }
0x83: {  	_ =	shalt  }
0x84: {  	_ =	shalt  }
0x85: {  	_ =	shalt  }
0x86: {  	_ =	shalt  }
0x87: {  	_ =	shalt  }
.Lfunc_end0:
.L_simem_size_0:
called_computation.3_lowered:
.L_overlay_start_0:
0x88: {  	s2 =	sld [smem:$0x3FD9]  }
0x89: {  	s3 =	sld [smem:$0x3FFE];
	_ =	sdelay $0x1  }
0x8a: {  	s1 =	srdreg.scid  }
0x8b: {  	s0 =	sand.u32 $0x1, s1  }
0x8c: {  	s17 =	sshll.u32 s0, $0xA;
	s2 =	sadd.s32 s3, s2  }
0x8d: {  	s2 =	sadd.s32 s2, s17  }
0x8e: {  	[smem:$0x3FBC] =	sst s2  }
0x8f: {  	_ = 	snop  }
0x90: {  	(tm) =	ssettm $0x1  }
0x91: {  	s18 =	sld [smem:$0x3FFB];
	_ =	sdelay $0x3  }
0x92: {  	_ =	strace s18  }
0x93: {  	s2 =	sld [smem:$0x3FFC];
	_ =	sdelay $0x3  }
0x94: {  	_ =	strace s2  }
0x95: {  	s2 =	sld [smem:$0x3FFD];
	_ =	sdelay $0x3  }
0x96: {  	_ =	strace s2  }
0x97: {  	_ =	strace $0x8FFFFFFF  }
0x98: {  	s19 =	sld [smem:$0x3FDB];
	_ =	sdelay $0x1  }
0x99: {  	s20 =	simm.s32 $_scs_section_size  }
0x9a: {  	s4 =	simm.s32 $_size__tile_overlayer_lowered;
	s5 =	simm.s32 $_tile_overlayer_lowered  }
0x9b: {  	s6 =	simm.s32 $0x1BFF;
	s21 =	sshll.u32 s5, $0x1;
	s3 =	sadd.s32 s20, s19  }
0x9c: {  	s22 =	simm.s32 $0x0;
	s4 =	sshll.u32 s4, $0x1;
	s5 =	sadd.s32 s21, s3  }
0x9d: {  	[timem:s22], [sflag:s6] =	dma.local [hbm:s5], s4  }
0x9e: {  	_ =	swait.ge [sflag:s6], s4  }
0x9f: {  	s4 =	ssub.s32 $0x0, s4;
	[sflag:s6] =	ssyncset.done $0x0  }
0xa0: {  	[sflag:s6] =	ssyncadd.s32 s4;
	_ =	sdelay $0x1  }
0xa1: {  	s23 =	simm.s32 $0x1B8B  }
0xa2: {  	_ =	swait.ge [sflag:s23], $0x1  }
0xa3: {  	[sflag:s23] =	ssyncset.done $0x0  }
0xa4: {  	[sflag:s23] =	ssyncadd.s32 $0xFFFFFFFF  }
0xa5: {  	s4 =	sld [smem:$0x0]  }
0xa6: {  	s5 =	sand.u32 $0xFFFFFFFE, s1  }
0xa7: {  	p0 =	sne.s32 s1, s5  }
0xa8: {  	s5 =	sshll.u32 @p0 s5, $0xE  }
0xa9: {  	s5 =	sadd.s32 @p0 $0x11B8D, s5;
	s6 =	sshll.u32 @p0 s4, $0x11  }
0xaa: {  	s5 =	sor.u32 @p0 s6, s5  }
0xab: {  	[sflag:s5] =	ssyncadd.remote.s32 @p0 $0x1;
	_ =	sdelay $0x1  }
0xac: {  	s5 =	simm.s32 @p0 $0x1B8D  }
0xad: {  	_ =	swait.eq @p0 [sflag:s5], $0x1  }
0xae: {  	[sflag:s5] =	ssyncadd.s32 @p0 $0xFFFFFFFF  }
0xaf: {  	s6 =	sshll.u32 @!p0 s1, $0xE  }
0xb0: {  	s6 =	sor.u32 @!p0 $0x4000, s6;
	s5 =	simm.s32 @!p0 $0x1B8D  }
0xb1: {  	s4 =	sshll.u32 @!p0 s4, $0x11;
	s6 =	sadd.s32 @!p0 $0x11B8D, s6;
	_ =	swait.eq @!p0 [sflag:s5], $0x1  }
0xb2: {  	s4 =	sor.u32 @!p0 s4, s6;
	[sflag:s5] =	ssyncadd.s32 @!p0 $0xFFFFFFFF  }
0xb3: {  	s25 =	simm.s32 $0x1B8E;
	s24 =	sld [smem:$0x3FFE];
	[sflag:s4] =	ssyncadd.remote.s32 @!p0 $0x1  }
0xb4: {  	s26 =	simm.s32 $execute0_lowered;
	[smem:$0x3FD2] =	sst s25  }
0xb5: {  	s5 =	sshll.u32 s26, $0x1;
	_ =	strace $0x8000004F;
	[dreg:$0x1] =	wrdreg $0xFFFFFFFF  }
0xb6: {  	s28 =	simm.s32 $_size_execute0_lowered;
	s3 =	sadd.s32 s3, s5;
	[dreg:$0x0] =	wrdreg $0x0  }
0xb7: {  	s5 =	sshll.u32 s28, $0x1;
	[dreg:$0x2] =	wrdreg s3  }
0xb8: {  	[dreg:$0x3] =	wrdreg s5  }
0xb9: {  	[dreg:$0x4] =	wrdreg $0xC0  }
0xba: {  	_ =	task [dreg:s22], $0x5FFFF  }
0xbb: {  	[dreg:$0x1] =	wrdreg $0xFFFFFFFF  }
0xbc: {  	[dreg:$0x0] =	wrdreg $0x60  }
0xbd: {  	[dreg:$0x2] =	wrdreg s24  }
0xbe: {  	[dreg:$0x3] =	wrdreg $0xC  }
0xbf: {  	_ =	task.clear_ibuf [dreg:s22], $0x4FFFF;
	_ =	strace $0x9000004F  }
0xc0: {  	s29 =	simm.s32 $0xC;
	_ =	strace $0x80000051  }
0xc1: {  	_ =	swait.ge [sflag:s29], $0x1  }
0xc2: {  	[sflag:s29] =	ssyncadd.s32 $0xFFFFFFFF  }
0xc3: {  	_ =	strace $0x90000051  }
0xc4: {  	_ =	sfence  }
0xc5: {  	s30 =	sld [smem:$0x0];
	_ =	sdelay $0x2  }
0xc6: {  	s31 =	sshll.u32 s1, $0xD;
	s1 =	sshrl.u32 s1, $0x2  }
0xc7: {  	s4 =	sand.u32 $0x4000, s31;
	s1 =	sadd.s32 s1, s30  }
0xc8: {  	s0 =	sor.u32 s4, s0;
	s1 =	sshll.u32 s1, $0x11  }
0xc9: {  	s0 =	sor.u32 s1, s0  }
0xca: {  	s0 =	sadd.s32 $0x8F2B, s0  }
0xcb: {  	[sflag:s0] =	ssyncadd.remote.s32 $0x1  }
0xcc: {  	_ =	sfence.sel $0xFFFF  }
0xcd: {  	[dreg:$0x0] =	wrdreg $0xFFFFFFFF;
	(pc) =	sbr.abs _section_cstart, $3  }
0xce: {  	[dreg:$0x1] =	wrdreg $0xFFFFFFFF  }
0xcf: {  	_ =	task.clear_ibuf [dreg:s22], $0x2FFFF;
	_ =	strace $0x9FFFFFFF  }
0xd0: {  	(tm) =	ssettm $0x7FFFFFFF  }
0xd1: {  	_ =	shalt  }
tec
execute0_lowered:
.L_overlay_start_1:
0x0: {  	(tag) =	ssettag $0x1  }
0x1: {  	s1 =	srdreg.scid;
	s0 =	stileid.u32  }
0x2: {  	s30 =	sand.u32 $0x1, s1;
	s25 =	sshll.u32 s0, $0x1  }
0x3: {  	s31 =	sor.u32 s30, s25  }
0x4: {  	s3 =	smul.u32 $0xA0, s31  }
0x5: {  	s26 =	rddreg [dreg:$0x0];
	s2 =	simm.s32 $0x0  }
0x6: {  	[smem:$0x7FF] =	sst s2;
	s3 =	sadd.s32 s3, s26  }
0x7: {  	_ =	strace $0x80000050;
	s4 =	sadd.s32 $0x6400, s3;
	s3 =	simm.s32 $0x3  }
0x8: {  	[tilespmem:s2], [sflag:$0x3] =	stream.linear.gather [hbm4b:s4+s2], $0x500, $0x38;
	[tilespmem:$0x4500] =	vst v63  }
0x9: {  	_ =	swait.ge [sflag:s3], $0x500  }
0xa: {  	s6 =	simm.s32 $0x80;
	s7 =	simm.s32 $0x500;
	[sflag:s3] =	ssyncset.done $0x0  }
0xb: {  	s8 =	simm.s32 $0x1;
	s5 =	sadd.s32 $0xF46000, s26;
	[sflag:s3] =	ssyncadd.s32 $0xFFFFFB00  }
0xc: {  	[tilespmem:s7], [sflag:$0x1] =	stream.indirect.gather [hbm4b:s5+s6], $0x40, s2, s6, $0xb8;
	[tilespmem:$0x4500] =	vst v63  }
0xd: {  	_ =	swait.ge [sflag:s8], $0x2000  }
0xe: {  	s9 =	simm.s32 $0x2500;
	[sflag:s8] =	ssyncset.done $0x0  }
0xf: {  	s1 =	sadd.s32 $0x1EA000, s26;
	s10 =	smul.u32 $0x5000, s31;
	[sflag:s8] =	ssyncadd.s32 $0xFFFFE000  }
0x10: {  	[tilespmem:s9], [sflag:$0x2] =	stream.indirect.gather [hbm4b:s5+s6], $0x40, s6, s6, $0xb8;
	[tilespmem:$0x4500] =	vst v63  }
0x11: {  	s11 =	simm.s32 $0x40;
	s10 =	sadd.s32 s1, s10  }
0x12: {  	[hbm4b:s10+s11] =	stream.strided.scatter [tilespmem:s7], [sflag:$0x3], $0x2000, s6, s11, $0x38;
	[tilespmem:$0x4500] =	vst v63  }
0x13: {  	_ =	swait.ge [sflag:s3], $0x2000  }
0x14: {  	[sflag:s3] =	ssyncset.done $0x0  }
0x15: {  	s12 =	simm.s32 $0x2;
	[sflag:s3] =	ssyncadd.s32 $0xFFFFE000  }
0x16: {  	_ =	swait.ge [sflag:s12], $0x2000  }
0x17: {  	[sflag:s12] =	ssyncset.done $0x0  }
0x18: {  	s13 =	simm.s32 $0x100;
	[sflag:s12] =	ssyncadd.s32 $0xFFFFE000  }
0x19: {  	[tilespmem:s7], [sflag:$0x2] =	stream.indirect.gather [hbm4b:s5+s6], $0x40, s13, s6, $0xb8;
	[tilespmem:$0x4500] =	vst v63  }
0x1a: {  	s14 =	sadd.s32 $0x800, s10  }
0x1b: {  	[hbm4b:s14+s11] =	stream.strided.scatter [tilespmem:s9], [sflag:$0x3], $0x2000, s6, s11, $0x38;
	[tilespmem:$0x4500] =	vst v63  }
0x1c: {  	_ =	swait.ge [sflag:s3], $0x2000  }
0x1d: {  	[sflag:s3] =	ssyncset.done $0x0  }
0x1e: {  	[sflag:s3] =	ssyncadd.s32 $0xFFFFE000  }
0x1f: {  	_ =	swait.ge [sflag:s12], $0x2000  }
0x20: {  	[sflag:s12] =	ssyncset.done $0x0  }
0x21: {  	s15 =	simm.s32 $0x180;
	[sflag:s12] =	ssyncadd.s32 $0xFFFFE000  }
0x22: {  	[tilespmem:s9], [sflag:$0x2] =	stream.indirect.gather [hbm4b:s5+s6], $0x40, s15, s6, $0xb8;
	[tilespmem:$0x4500] =	vst v63  }
0x23: {  	s16 =	sadd.s32 $0x1000, s10  }
0x24: {  	[hbm4b:s16+s11] =	stream.strided.scatter [tilespmem:s7], [sflag:$0x3], $0x2000, s6, s11, $0x38;
	[tilespmem:$0x4500] =	vst v63  }
0x25: {  	_ =	swait.ge [sflag:s3], $0x2000  }
0x26: {  	[sflag:s3] =	ssyncset.done $0x0  }
0x27: {  	[sflag:s3] =	ssyncadd.s32 $0xFFFFE000  }
0x28: {  	_ =	swait.ge [sflag:s12], $0x2000  }
0x29: {  	[sflag:s12] =	ssyncset.done $0x0  }
0x2a: {  	s17 =	simm.s32 $0x200;
	[sflag:s12] =	ssyncadd.s32 $0xFFFFE000  }
0x2b: {  	[tilespmem:s7], [sflag:$0x2] =	stream.indirect.gather [hbm4b:s5+s6], $0x40, s17, s6, $0xb8;
	[tilespmem:$0x4500] =	vst v63  }
0x2c: {  	s18 =	sadd.s32 $0x1800, s10  }
0x2d: {  	[hbm4b:s18+s11] =	stream.strided.scatter [tilespmem:s9], [sflag:$0x3], $0x2000, s6, s11, $0x38;
	[tilespmem:$0x4500] =	vst v63  }
0x2e: {  	_ =	swait.ge [sflag:s3], $0x2000  }
0x2f: {  	[sflag:s3] =	ssyncset.done $0x0  }
0x30: {  	[sflag:s3] =	ssyncadd.s32 $0xFFFFE000  }
0x31: {  	_ =	swait.ge [sflag:s12], $0x2000  }
0x32: {  	[sflag:s12] =	ssyncset.done $0x0  }
0x33: {  	s19 =	simm.s32 $0x280;
	[sflag:s12] =	ssyncadd.s32 $0xFFFFE000  }
0x34: {  	[tilespmem:s9], [sflag:$0x2] =	stream.indirect.gather [hbm4b:s5+s6], $0x40, s19, s6, $0xb8;
	[tilespmem:$0x4500] =	vst v63  }
0x35: {  	s20 =	sadd.s32 $0x2000, s10  }
0x36: {  	[hbm4b:s20+s11] =	stream.strided.scatter [tilespmem:s7], [sflag:$0x3], $0x2000, s6, s11, $0x38;
	[tilespmem:$0x4500] =	vst v63  }
0x37: {  	_ =	swait.ge [sflag:s3], $0x2000  }
0x38: {  	[sflag:s3] =	ssyncset.done $0x0  }
0x39: {  	[sflag:s3] =	ssyncadd.s32 $0xFFFFE000  }
0x3a: {  	_ =	swait.ge [sflag:s12], $0x2000  }
0x3b: {  	[sflag:s12] =	ssyncset.done $0x0  }
0x3c: {  	s21 =	simm.s32 $0x300;
	[sflag:s12] =	ssyncadd.s32 $0xFFFFE000  }
0x3d: {  	[tilespmem:s7], [sflag:$0x2] =	stream.indirect.gather [hbm4b:s5+s6], $0x40, s21, s6, $0xb8;
	[tilespmem:$0x4500] =	vst v63  }
0x3e: {  	s22 =	sadd.s32 $0x2800, s10  }
0x3f: {  	[hbm4b:s22+s11] =	stream.strided.scatter [tilespmem:s9], [sflag:$0x3], $0x2000, s6, s11, $0x38;
	[tilespmem:$0x4500] =	vst v63  }
0x40: {  	_ =	swait.ge [sflag:s3], $0x2000  }
0x41: {  	[sflag:s3] =	ssyncset.done $0x0  }
0x42: {  	[sflag:s3] =	ssyncadd.s32 $0xFFFFE000  }
0x43: {  	_ =	swait.ge [sflag:s12], $0x2000  }
0x44: {  	[sflag:s12] =	ssyncset.done $0x0  }
0x45: {  	s23 =	simm.s32 $0x380;
	[sflag:s12] =	ssyncadd.s32 $0xFFFFE000  }
0x46: {  	[tilespmem:s9], [sflag:$0x2] =	stream.indirect.gather [hbm4b:s5+s6], $0x40, s23, s6, $0xb8;
	[tilespmem:$0x4500] =	vst v63  }
0x47: {  	s24 =	sadd.s32 $0x3000, s10  }
0x48: {  	[hbm4b:s24+s11] =	stream.strided.scatter [tilespmem:s7], [sflag:$0x3], $0x2000, s6, s11, $0x38;
	[tilespmem:$0x4500] =	vst v63  }
0x49: {  	_ =	swait.ge [sflag:s3], $0x2000  }
0x4a: {  	[sflag:s3] =	ssyncset.done $0x0  }
0x4b: {  	[sflag:s3] =	ssyncadd.s32 $0xFFFFE000  }
0x4c: {  	_ =	swait.ge [sflag:s12], $0x2000  }
0x4d: {  	[sflag:s12] =	ssyncset.done $0x0  }
0x4e: {  	s25 =	simm.s32 $0x400;
	[sflag:s12] =	ssyncadd.s32 $0xFFFFE000  }
0x4f: {  	[tilespmem:s7], [sflag:$0x2] =	stream.indirect.gather [hbm4b:s5+s6], $0x40, s25, s6, $0xb8;
	[tilespmem:$0x4500] =	vst v63  }
0x50: {  	s26 =	sadd.s32 $0x3800, s10  }
0x51: {  	[hbm4b:s26+s11] =	stream.strided.scatter [tilespmem:s9], [sflag:$0x3], $0x2000, s6, s11, $0x38;
	[tilespmem:$0x4500] =	vst v63  }
0x52: {  	_ =	swait.ge [sflag:s3], $0x2000  }
0x53: {  	[sflag:s3] =	ssyncset.done $0x0  }
0x54: {  	[sflag:s3] =	ssyncadd.s32 $0xFFFFE000  }
0x55: {  	_ =	swait.ge [sflag:s12], $0x2000  }
0x56: {  	[sflag:s12] =	ssyncset.done $0x0  }
0x57: {  	s28 =	simm.s32 $0x480;
	[sflag:s12] =	ssyncadd.s32 $0xFFFFE000  }
0x58: {  	[tilespmem:s9], [sflag:$0x2] =	stream.indirect.gather [hbm4b:s5+s6], $0x40, s28, s6, $0xb8;
	[tilespmem:$0x4500] =	vst v63  }
0x59: {  	s30 =	ssub.s32 $0x2, s30;
	s29 =	sadd.s32 $0x4000, s10  }
0x5a: {  	[hbm4b:s29+s11] =	stream.strided.scatter [tilespmem:s7], [sflag:$0x3], $0x2000, s6, s11, $0x38;
	[tilespmem:$0x4500] =	vst v63  }
0x5b: {  	s0 =	sshrl.u32 s30, $0x1;
	_ =	swait.ge [sflag:s3], $0x2000  }
0x5c: {  	s31 =	smul.u32 $0x28000, s31;
	s0 =	ssub.s32 s30, s0;
	[sflag:s3] =	ssyncset.done $0x0  }
0x5d: {  	s0 =	smax.u32 s0, $0x1;
	[sflag:s3] =	ssyncadd.s32 $0xFFFFE000  }
0x5e: {  	s31 =	sshrl.u32 s31, $0x3;
	p0 =	sne.s32 s0, $0x1;
	_ =	swait.ge [sflag:s12], $0x2000  }
.Ltmp0:
0x5f: {  	s1 =	sadd.s32 s1, s31;
	[sflag:s12] =	ssyncset.done $0x0;
	(pc) =	sbr.rel @!p0 .LBB2_2-.Ltmp0, $4  }
0x60: {  	s30 =	sadd.s32 $0x4800, s1;
	[sflag:s12] =	ssyncadd.s32 $0xFFFFE000  }
0x61: {  	[hbm4b:s30+s11] =	stream.strided.scatter [tilespmem:s9], [sflag:$0x3], $0x2000, s6, s11, $0x38;
	[tilespmem:$0x4500] =	vst v63  }
0x62: {  	_ =	swait.ge [sflag:s3], $0x2000  }
0x63: {  	s31 =	sadd.s32 $0xFFFFFFFF, s0;
	[sflag:s3] =	ssyncset.done $0x0  }
.LBB2_1:
0x64: {  	p0 =	sne.s32 s31, $0x1;
	s31 =	sadd.s32 $0xFFFFFFFF, s31;
	[sflag:s3] =	ssyncadd.s32 $0xFFFFE000  }
0x65: {  	[tilespmem:s2], [sflag:$0x3] =	stream.linear.gather [hbm4b:s4+s2], $0x500, $0x38;
	[tilespmem:$0x4500] =	vst v63  }
0x66: {  	_ =	swait.ge [sflag:s3], $0x500  }
0x67: {  	[sflag:s3] =	ssyncset.done $0x0  }
0x68: {  	[sflag:s3] =	ssyncadd.s32 $0xFFFFFB00  }
0x69: {  	[tilespmem:s7], [sflag:$0x1] =	stream.indirect.gather [hbm4b:s5+s6], $0x40, s2, s6, $0xb8;
	[tilespmem:$0x4500] =	vst v63  }
0x6a: {  	_ =	swait.ge [sflag:s8], $0x2000  }
0x6b: {  	[sflag:s8] =	ssyncset.done $0x0  }
0x6c: {  	[sflag:s8] =	ssyncadd.s32 $0xFFFFE000  }
0x6d: {  	[tilespmem:s9], [sflag:$0x2] =	stream.indirect.gather [hbm4b:s5+s6], $0x40, s6, s6, $0xb8;
	[tilespmem:$0x4500] =	vst v63  }
0x6e: {  	_ = 	snop  }
0x6f: {  	[hbm4b:s10+s11] =	stream.strided.scatter [tilespmem:s7], [sflag:$0x3], $0x2000, s6, s11, $0x38;
	[tilespmem:$0x4500] =	vst v63  }
0x70: {  	_ =	swait.ge [sflag:s3], $0x2000  }
0x71: {  	[sflag:s3] =	ssyncset.done $0x0  }
0x72: {  	[sflag:s3] =	ssyncadd.s32 $0xFFFFE000  }
0x73: {  	_ =	swait.ge [sflag:s12], $0x2000  }
0x74: {  	[sflag:s12] =	ssyncset.done $0x0  }
0x75: {  	[sflag:s12] =	ssyncadd.s32 $0xFFFFE000  }
0x76: {  	[tilespmem:s7], [sflag:$0x2] =	stream.indirect.gather [hbm4b:s5+s6], $0x40, s13, s6, $0xb8;
	[tilespmem:$0x4500] =	vst v63  }
0x77: {  	_ = 	snop  }
0x78: {  	[hbm4b:s14+s11] =	stream.strided.scatter [tilespmem:s9], [sflag:$0x3], $0x2000, s6, s11, $0x38;
	[tilespmem:$0x4500] =	vst v63  }
0x79: {  	_ =	swait.ge [sflag:s3], $0x2000  }
0x7a: {  	[sflag:s3] =	ssyncset.done $0x0  }
0x7b: {  	[sflag:s3] =	ssyncadd.s32 $0xFFFFE000  }
0x7c: {  	_ =	swait.ge [sflag:s12], $0x2000  }
0x7d: {  	[sflag:s12] =	ssyncset.done $0x0  }
0x7e: {  	[sflag:s12] =	ssyncadd.s32 $0xFFFFE000  }
0x7f: {  	[tilespmem:s9], [sflag:$0x2] =	stream.indirect.gather [hbm4b:s5+s6], $0x40, s15, s6, $0xb8;
	[tilespmem:$0x4500] =	vst v63  }
0x80: {  	_ = 	snop  }
0x81: {  	[hbm4b:s16+s11] =	stream.strided.scatter [tilespmem:s7], [sflag:$0x3], $0x2000, s6, s11, $0x38;
	[tilespmem:$0x4500] =	vst v63  }
0x82: {  	_ =	swait.ge [sflag:s3], $0x2000  }
0x83: {  	[sflag:s3] =	ssyncset.done $0x0  }
0x84: {  	[sflag:s3] =	ssyncadd.s32 $0xFFFFE000  }
0x85: {  	_ =	swait.ge [sflag:s12], $0x2000  }
0x86: {  	[sflag:s12] =	ssyncset.done $0x0  }
0x87: {  	[sflag:s12] =	ssyncadd.s32 $0xFFFFE000  }
0x88: {  	[tilespmem:s7], [sflag:$0x2] =	stream.indirect.gather [hbm4b:s5+s6], $0x40, s17, s6, $0xb8;
	[tilespmem:$0x4500] =	vst v63  }
0x89: {  	_ = 	snop  }
0x8a: {  	[hbm4b:s18+s11] =	stream.strided.scatter [tilespmem:s9], [sflag:$0x3], $0x2000, s6, s11, $0x38;
	[tilespmem:$0x4500] =	vst v63  }
0x8b: {  	_ =	swait.ge [sflag:s3], $0x2000  }
0x8c: {  	[sflag:s3] =	ssyncset.done $0x0  }
0x8d: {  	[sflag:s3] =	ssyncadd.s32 $0xFFFFE000  }
0x8e: {  	_ =	swait.ge [sflag:s12], $0x2000  }
0x8f: {  	[sflag:s12] =	ssyncset.done $0x0  }
0x90: {  	[sflag:s12] =	ssyncadd.s32 $0xFFFFE000  }
0x91: {  	[tilespmem:s9], [sflag:$0x2] =	stream.indirect.gather [hbm4b:s5+s6], $0x40, s19, s6, $0xb8;
	[tilespmem:$0x4500] =	vst v63  }
0x92: {  	_ = 	snop  }
0x93: {  	[hbm4b:s20+s11] =	stream.strided.scatter [tilespmem:s7], [sflag:$0x3], $0x2000, s6, s11, $0x38;
	[tilespmem:$0x4500] =	vst v63  }
0x94: {  	_ =	swait.ge [sflag:s3], $0x2000  }
0x95: {  	[sflag:s3] =	ssyncset.done $0x0  }
0x96: {  	[sflag:s3] =	ssyncadd.s32 $0xFFFFE000  }
0x97: {  	_ =	swait.ge [sflag:s12], $0x2000  }
0x98: {  	[sflag:s12] =	ssyncset.done $0x0  }
0x99: {  	[sflag:s12] =	ssyncadd.s32 $0xFFFFE000  }
0x9a: {  	[tilespmem:s7], [sflag:$0x2] =	stream.indirect.gather [hbm4b:s5+s6], $0x40, s21, s6, $0xb8;
	[tilespmem:$0x4500] =	vst v63  }
0x9b: {  	_ = 	snop  }
0x9c: {  	[hbm4b:s22+s11] =	stream.strided.scatter [tilespmem:s9], [sflag:$0x3], $0x2000, s6, s11, $0x38;
	[tilespmem:$0x4500] =	vst v63  }
0x9d: {  	_ =	swait.ge [sflag:s3], $0x2000  }
0x9e: {  	[sflag:s3] =	ssyncset.done $0x0  }
0x9f: {  	[sflag:s3] =	ssyncadd.s32 $0xFFFFE000  }
0xa0: {  	_ =	swait.ge [sflag:s12], $0x2000  }
0xa1: {  	[sflag:s12] =	ssyncset.done $0x0  }
0xa2: {  	[sflag:s12] =	ssyncadd.s32 $0xFFFFE000  }
0xa3: {  	[tilespmem:s9], [sflag:$0x2] =	stream.indirect.gather [hbm4b:s5+s6], $0x40, s23, s6, $0xb8;
	[tilespmem:$0x4500] =	vst v63  }
0xa4: {  	_ = 	snop  }
0xa5: {  	[hbm4b:s24+s11] =	stream.strided.scatter [tilespmem:s7], [sflag:$0x3], $0x2000, s6, s11, $0x38;
	[tilespmem:$0x4500] =	vst v63  }
0xa6: {  	_ =	swait.ge [sflag:s3], $0x2000  }
0xa7: {  	[sflag:s3] =	ssyncset.done $0x0  }
0xa8: {  	[sflag:s3] =	ssyncadd.s32 $0xFFFFE000  }
0xa9: {  	_ =	swait.ge [sflag:s12], $0x2000  }
0xaa: {  	[sflag:s12] =	ssyncset.done $0x0  }
0xab: {  	[sflag:s12] =	ssyncadd.s32 $0xFFFFE000  }
0xac: {  	[tilespmem:s7], [sflag:$0x2] =	stream.indirect.gather [hbm4b:s5+s6], $0x40, s25, s6, $0xb8;
	[tilespmem:$0x4500] =	vst v63  }
0xad: {  	_ = 	snop  }
0xae: {  	[hbm4b:s26+s11] =	stream.strided.scatter [tilespmem:s9], [sflag:$0x3], $0x2000, s6, s11, $0x38;
	[tilespmem:$0x4500] =	vst v63  }
0xaf: {  	_ =	swait.ge [sflag:s3], $0x2000  }
0xb0: {  	[sflag:s3] =	ssyncset.done $0x0  }
0xb1: {  	[sflag:s3] =	ssyncadd.s32 $0xFFFFE000  }
0xb2: {  	_ =	swait.ge [sflag:s12], $0x2000  }
0xb3: {  	[sflag:s12] =	ssyncset.done $0x0  }
0xb4: {  	[sflag:s12] =	ssyncadd.s32 $0xFFFFE000  }
0xb5: {  	[tilespmem:s9], [sflag:$0x2] =	stream.indirect.gather [hbm4b:s5+s6], $0x40, s28, s6, $0xb8;
	[tilespmem:$0x4500] =	vst v63  }
0xb6: {  	_ = 	snop  }
0xb7: {  	[hbm4b:s29+s11] =	stream.strided.scatter [tilespmem:s7], [sflag:$0x3], $0x2000, s6, s11, $0x38;
	[tilespmem:$0x4500] =	vst v63  }
0xb8: {  	_ =	swait.ge [sflag:s3], $0x2000  }
0xb9: {  	[sflag:s3] =	ssyncset.done $0x0  }
0xba: {  	[sflag:s3] =	ssyncadd.s32 $0xFFFFE000  }
0xbb: {  	_ =	swait.ge [sflag:s12], $0x2000  }
.Ltmp1:
0xbc: {  	[sflag:s12] =	ssyncset.done $0x0;
	(pc) =	sbr.rel @p0 .LBB2_1-.Ltmp1, $4  }
0xbd: {  	[sflag:s12] =	ssyncadd.s32 $0xFFFFE000  }
0xbe: {  	[hbm4b:s30+s11] =	stream.strided.scatter [tilespmem:s9], [sflag:$0x3], $0x2000, s6, s11, $0x38;
	[tilespmem:$0x4500] =	vst v63  }
0xbf: {  	_ =	swait.ge [sflag:s3], $0x2000  }
0xc0: {  	[sflag:s3] =	ssyncset.done $0x0  }
.LBB2_2:
0xc1: {  	[sflag:s3] =	ssyncadd.s32 $0xFFFFE000  }
0xc2: {  	_ =	sfence.sel $0x180000  }
0xc3: {  	[bflag:$0x0] =	sbarrier.arrive $0xFFFF  }
0xc4: {  	_ =	strace $0x90000050  }
0xc5: {  	s0 =	stileid.u32;
	[bflag:$0x2] =	sbarrier.arrive $0xFFFF  }
0xc6: {  	p0 =	sne.s32 s0, $0x0;
	s0 =	rddreg [dreg:$0x1]  }
0xc7: {  	s0 =	sadd.s32 @!p0 $0x100000, s0  }
0xc8: {  	[sflag:s0] =	ssyncadd.tile.s32 @!p0 $0x1;
	_ =	shalt  }
.Lfunc_end2:
_tile_overlayer_lowered:
.L_overlay_start_2:
0xc9: {  	(tag) =	ssettag $0x2  }
0xca: {  	s0 =	rddreg [dreg:$0x0];
	s2 =	stileid.u32  }
0xcb: {  	s1 =	rddreg [dreg:$0x1];
	p0 =	sne.s32 s2, $0x0  }
0xcc: {  	s3 =	rddreg [dreg:$0x2];
	[bflag:$0x3] =	sbarrier.arrive $0xFFFF;
	s2 =	simm.s32 @!p0 $0x1C03  }
0xcd: {  	[timem:s3], [sflag:s2] =	dma.local @!p0 [hbm:s0], s1  }
0xce: {  	s0 =	simm.s32 @!p0 $0x3  }
0xcf: {  	_ =	swait.ge @!p0 [sflag:s0], s1  }
0xd0: {  	s1 =	ssub.s32 @!p0 $0x0, s1;
	[sflag:s0] =	ssyncset.done @!p0 $0x0  }
0xd1: {  	[sflag:s0] =	ssyncadd.s32 @!p0 s1  }
0xd2: {  	[bflag:$0x3] =	sbarrier.arrive $0xFFFF  }
0xd3: {  	_ =	shalt  }

// kernel: kernel.24.cloned.1.call-start
scs
__scs_entry_jumppad:
0x0: {  	(pc) =	sbr.rel $0x88, $3  }
0x1: {  	(tag) =	ssettag $0x0;
	lr =	simm.s32 $0x1  }
0x2: {  	[smem:$0x3F95] =	sst lr;
	_ =	strace $0xD0000000  }
0x3: {  	_ = 	snop  }
0x4: {  	_ = 	snop  }
0x5: {  	_ = 	snop  }
0x6: {  	_ = 	snop  }
0x7: {  	_ = 	snop  }
__scs_overlays_trampoline_lowered:
0x8: {  	[smem:$0x3FA4] =	sst s0  }
0x9: {  	[smem:$0x3FA5] =	sst s1  }
0xa: {  	[smem:$0x3FA6] =	sst s2  }
0xb: {  	[smem:$0x3FA7] =	sst s3  }
0xc: {  	[smem:$0x3FA8] =	sst s4  }
0xd: {  	[smem:$0x3FA9] =	sst s5  }
0xe: {  	[smem:$0x3FAA] =	sst s6  }
0xf: {  	[smem:$0x3FAB] =	sst s7  }
0x10: {  	[smem:$0x3FAC] =	sst s8  }
0x11: {  	[smem:$0x3FAD] =	sst s9;
	s0 =	simm.s32 @!p0 $0x0  }
0x12: {  	s1 =	sld [smem:$0x3F93];
	s0 =	simm.s32 @p0 $0x1  }
0x13: {  	[smem:$0x3FAE] =	sst s0;
	s0 =	simm.s32 @!p1 $0x0  }
0x14: {  	s2 =	sld [smem:$0x3F92];
	s0 =	simm.s32 @p1 $0x1  }
0x15: {  	[smem:$0x3FAF] =	sst s0;
	s0 =	simm.s32 @!p2 $0x0  }
0x16: {  	s3 =	sld [smem:$0x3FDB];
	s0 =	simm.s32 @p2 $0x1  }
0x17: {  	s4 =	simm.s32 $0x1BF5;
	[smem:$0x3FB1] =	sst s0  }
0x18: {  	s0 =	sld [smem:$0x3F94];
	_ =	swait.ge [sflag:s4], $0x0  }
0x19: {  	s7 =	sld [smem:$0x3F95]  }
0x1a: {  	s8 =	sadd.s32 $0xFFFFE003, lr  }
0x1b: {  	s9 =	sadd.s32 $0xFFFFFEF7, lr;
	s5 =	simm.s32 $0xFFFFFFFF;
	p2 =	slt.u32 s8, $0xFFFFF086  }
0x1c: {  	p1 =	slt.u32 s9, $0xF7A;
	s5 =	simm.s32 @!p2 $0x0  }
0x1d: {  	s5 =	simm.s32 @p1 $0x1;
	p0 =	seq.s32 s7, s2  }
0x1e: {  	s7 =	smul.u32 @!p0 $0xF7A, s2;
	p2 =	seq.s32 @!p0 s5, $0x0  }
0x1f: {  	s9 =	smul.u32 $0xF7A, s1;
	s8 =	simm.s32 @!p0 $0x1BF5;
	p2 =	por !p2, p0  }
0x20: {  	[sflag:s8] =	ssyncset.s32 @!p0 $0xFFFFF086;
	s6 =	sadd.s32 @!p0 s3, s7;
	s7 =	simm.s32 @!p0 $0x108  }
0x21: {  	s3 =	sadd.s32 s3, s9;
	s6 =	sadd.s32 @!p0 $0x88, s6;
	s7 =	simm.s32 @p2 $0x1082  }
0x22: {  	[simem:s7], [sflag:s8] =	dma.local @!p0 [hbm:s6], $0xF7A  }
0x23: {  	s9 =	sor.u32 $0xD0000000, s2;
	s6 =	simm.s32 $0x108;
	_ =	swait.ge @!p0 [sflag:s8], $0x0  }
0x24: {  	s3 =	sadd.s32 $0x88, s3;
	s6 =	simm.s32 @!p1 $0x1082;
	[sflag:s4] =	ssyncset.s32 $0xFFFFF086  }
0x25: {  	[simem:s6], [sflag:s4] =	dma.local [hbm:s3], $0xF7A  }
0x26: {  	[smem:$0x3F95] =	sst s1;
	(tag) =	ssettag s2;
	_ =	strace s9  }
0x27: {  	s1 =	sld [smem:$0x3FA5]  }
0x28: {  	s2 =	sld [smem:$0x3FA6]  }
0x29: {  	s4 =	sld [smem:$0x3FA8]  }
0x2a: {  	p0 =	seq.s32 s5, $0x0;
	s5 =	sld [smem:$0x3FA9]  }
0x2b: {  	s6 =	sld [smem:$0x3FAA]  }
0x2c: {  	s7 =	sld [smem:$0x3FAB]  }
0x2d: {  	s3 =	simm.s32 $0x108;
	s8 =	sld [smem:$0x3FAC]  }
0x2e: {  	s3 =	simm.s32 @!p0 $0x1082;
	s9 =	sld [smem:$0x3FAD]  }
0x2f: {  	lr =	sadd.s32 s0, s3;
	s0 =	sld [smem:$0x3FA4]  }
0x30: {  	s3 =	sld [smem:$0x3FA7]  }
0x31: {  	[smem:$0x3FB0] =	sst s10  }
0x32: {  	s10 =	sld [smem:$0x3FAE];
	_ =	sdelay $0x3  }
0x33: {  	p0 =	seq.s32 s10, $0x1;
	s10 =	sld [smem:$0x3FB0];
	_ =	sdelay $0x3  }
0x34: {  	[smem:$0x3FB0] =	sst s10  }
0x35: {  	s10 =	sld [smem:$0x3FAF];
	_ =	sdelay $0x3  }
0x36: {  	p1 =	seq.s32 s10, $0x1;
	s10 =	sld [smem:$0x3FB0];
	_ =	sdelay $0x3  }
0x37: {  	[smem:$0x3FB0] =	sst s10  }
0x38: {  	s10 =	sld [smem:$0x3FB1]  }
0x39: {  	_ = 	snop;
	(pc) =	sbr.ind lr, $3  }
0x3a: {  	_ = 	snop  }
0x3b: {  	_ = 	snop  }
0x3c: {  	p2 =	seq.s32 s10, $0x1;
	s10 =	sld [smem:$0x3FB0]  }
0x3d: {  	_ =	shalt  }
0x3e: {  	_ =	shalt  }
0x3f: {  	_ =	shalt  }
0x40: {  	_ =	shalt  }
0x41: {  	_ =	shalt  }
0x42: {  	_ =	shalt  }
0x43: {  	_ =	shalt  }
0x44: {  	_ =	shalt  }
0x45: {  	_ =	shalt  }
0x46: {  	_ =	shalt  }
0x47: {  	_ =	shalt  }
0x48: {  	_ =	shalt  }
0x49: {  	_ =	shalt  }
0x4a: {  	_ =	shalt  }
0x4b: {  	_ =	shalt  }
0x4c: {  	_ =	shalt  }
0x4d: {  	_ =	shalt  }
0x4e: {  	_ =	shalt  }
0x4f: {  	_ =	shalt  }
0x50: {  	_ =	shalt  }
0x51: {  	_ =	shalt  }
0x52: {  	_ =	shalt  }
0x53: {  	_ =	shalt  }
0x54: {  	_ =	shalt  }
0x55: {  	_ =	shalt  }
0x56: {  	_ =	shalt  }
0x57: {  	_ =	shalt  }
0x58: {  	_ =	shalt  }
0x59: {  	_ =	shalt  }
0x5a: {  	_ =	shalt  }
0x5b: {  	_ =	shalt  }
0x5c: {  	_ =	shalt  }
0x5d: {  	_ =	shalt  }
0x5e: {  	_ =	shalt  }
0x5f: {  	_ =	shalt  }
0x60: {  	_ =	shalt  }
0x61: {  	_ =	shalt  }
0x62: {  	_ =	shalt  }
0x63: {  	_ =	shalt  }
0x64: {  	_ =	shalt  }
0x65: {  	_ =	shalt  }
0x66: {  	_ =	shalt  }
0x67: {  	_ =	shalt  }
0x68: {  	_ =	shalt  }
0x69: {  	_ =	shalt  }
0x6a: {  	_ =	shalt  }
0x6b: {  	_ =	shalt  }
0x6c: {  	_ =	shalt  }
0x6d: {  	_ =	shalt  }
0x6e: {  	_ =	shalt  }
0x6f: {  	_ =	shalt  }
0x70: {  	_ =	shalt  }
0x71: {  	_ =	shalt  }
0x72: {  	_ =	shalt  }
0x73: {  	_ =	shalt  }
0x74: {  	_ =	shalt  }
0x75: {  	_ =	shalt  }
0x76: {  	_ =	shalt  }
0x77: {  	_ =	shalt  }
0x78: {  	_ =	shalt  }
0x79: {  	_ =	shalt  }
0x7a: {  	_ =	shalt  }
0x7b: {  	_ =	shalt  }
0x7c: {  	_ =	shalt  }
0x7d: {  	_ =	shalt  }
0x7e: {  	_ =	shalt  }
0x7f: {  	_ =	shalt  }
0x80: {  	_ =	shalt  }
0x81: {  	_ =	shalt  }
0x82: {  	_ =	shalt  }
0x83: {  	_ =	shalt  }
0x84: {  	_ =	shalt  }
0x85: {  	_ =	shalt  }
0x86: {  	_ =	shalt  }
0x87: {  	_ =	shalt  }
.Lfunc_end0:
.L_simem_size_0:
called_computation.4_lowered:
.L_overlay_start_0:
0x88: {  	s2 =	sld [smem:$0x3FD9]  }
0x89: {  	s3 =	sld [smem:$0x3FFE];
	_ =	sdelay $0x1  }
0x8a: {  	s1 =	srdreg.scid  }
0x8b: {  	s0 =	sand.u32 $0x1, s1  }
0x8c: {  	s17 =	sshll.u32 s0, $0xA;
	s2 =	sadd.s32 s3, s2  }
0x8d: {  	s2 =	sadd.s32 s2, s17  }
0x8e: {  	[smem:$0x3FBC] =	sst s2  }
0x8f: {  	_ = 	snop  }
0x90: {  	(tm) =	ssettm $0x1  }
0x91: {  	s18 =	sld [smem:$0x3FFB];
	_ =	sdelay $0x3  }
0x92: {  	_ =	strace s18  }
0x93: {  	s2 =	sld [smem:$0x3FFC];
	_ =	sdelay $0x3  }
0x94: {  	_ =	strace s2  }
0x95: {  	s2 =	sld [smem:$0x3FFD];
	_ =	sdelay $0x3  }
0x96: {  	_ =	strace s2  }
0x97: {  	_ =	strace $0x8FFFFFFF  }
0x98: {  	s19 =	sld [smem:$0x3FDB];
	_ =	sdelay $0x1  }
0x99: {  	s20 =	simm.s32 $_scs_section_size  }
0x9a: {  	s4 =	simm.s32 $_size__tile_overlayer_lowered;
	s5 =	simm.s32 $_tile_overlayer_lowered  }
0x9b: {  	s6 =	simm.s32 $0x1BFF;
	s21 =	sshll.u32 s5, $0x1;
	s3 =	sadd.s32 s20, s19  }
0x9c: {  	s22 =	simm.s32 $0x0;
	s4 =	sshll.u32 s4, $0x1;
	s5 =	sadd.s32 s21, s3  }
0x9d: {  	[timem:s22], [sflag:s6] =	dma.local [hbm:s5], s4  }
0x9e: {  	_ =	swait.ge [sflag:s6], s4  }
0x9f: {  	s4 =	ssub.s32 $0x0, s4;
	[sflag:s6] =	ssyncset.done $0x0  }
0xa0: {  	[sflag:s6] =	ssyncadd.s32 s4;
	_ =	sdelay $0x1  }
0xa1: {  	s23 =	simm.s32 $0x1B8B  }
0xa2: {  	_ =	swait.ge [sflag:s23], $0x1  }
0xa3: {  	[sflag:s23] =	ssyncset.done $0x0  }
0xa4: {  	[sflag:s23] =	ssyncadd.s32 $0xFFFFFFFF  }
0xa5: {  	s4 =	sld [smem:$0x0]  }
0xa6: {  	s5 =	sand.u32 $0xFFFFFFFE, s1  }
0xa7: {  	p0 =	sne.s32 s1, s5  }
0xa8: {  	s5 =	sshll.u32 @p0 s5, $0xE  }
0xa9: {  	s5 =	sadd.s32 @p0 $0x11B8D, s5;
	s6 =	sshll.u32 @p0 s4, $0x11  }
0xaa: {  	s5 =	sor.u32 @p0 s6, s5  }
0xab: {  	[sflag:s5] =	ssyncadd.remote.s32 @p0 $0x1;
	_ =	sdelay $0x1  }
0xac: {  	s5 =	simm.s32 @p0 $0x1B8D  }
0xad: {  	_ =	swait.eq @p0 [sflag:s5], $0x1  }
0xae: {  	[sflag:s5] =	ssyncadd.s32 @p0 $0xFFFFFFFF  }
0xaf: {  	s6 =	sshll.u32 @!p0 s1, $0xE  }
0xb0: {  	s6 =	sor.u32 @!p0 $0x4000, s6;
	s5 =	simm.s32 @!p0 $0x1B8D  }
0xb1: {  	s4 =	sshll.u32 @!p0 s4, $0x11;
	s6 =	sadd.s32 @!p0 $0x11B8D, s6;
	_ =	swait.eq @!p0 [sflag:s5], $0x1  }
0xb2: {  	s4 =	sor.u32 @!p0 s4, s6;
	[sflag:s5] =	ssyncadd.s32 @!p0 $0xFFFFFFFF  }
0xb3: {  	s25 =	simm.s32 $0x1B8E;
	s24 =	sld [smem:$0x3FFE];
	[sflag:s4] =	ssyncadd.remote.s32 @!p0 $0x1  }
0xb4: {  	s26 =	simm.s32 $execute0_lowered;
	[smem:$0x3FD2] =	sst s25  }
0xb5: {  	s5 =	sshll.u32 s26, $0x1;
	_ =	strace $0x80000052;
	[dreg:$0x1] =	wrdreg $0xFFFFFFFF  }
0xb6: {  	s28 =	simm.s32 $_size_execute0_lowered;
	s3 =	sadd.s32 s3, s5;
	[dreg:$0x0] =	wrdreg $0x0  }
0xb7: {  	s5 =	sshll.u32 s28, $0x1;
	[dreg:$0x2] =	wrdreg s3  }
0xb8: {  	[dreg:$0x3] =	wrdreg s5  }
0xb9: {  	[dreg:$0x4] =	wrdreg $0xC0  }
0xba: {  	_ =	task [dreg:s22], $0x5FFFF  }
0xbb: {  	[dreg:$0x1] =	wrdreg $0xFFFFFFFF  }
0xbc: {  	[dreg:$0x0] =	wrdreg $0x60  }
0xbd: {  	[dreg:$0x2] =	wrdreg s24  }
0xbe: {  	[dreg:$0x3] =	wrdreg $0xD  }
0xbf: {  	_ =	task.clear_ibuf [dreg:s22], $0x4FFFF;
	_ =	strace $0x90000052  }
0xc0: {  	s29 =	simm.s32 $0xD;
	_ =	strace $0x80000054  }
0xc1: {  	_ =	swait.ge [sflag:s29], $0x1  }
0xc2: {  	[sflag:s29] =	ssyncadd.s32 $0xFFFFFFFF  }
0xc3: {  	_ =	strace $0x90000054  }
0xc4: {  	_ =	sfence  }
0xc5: {  	s30 =	sld [smem:$0x0];
	_ =	sdelay $0x2  }
0xc6: {  	s31 =	sshll.u32 s1, $0xD;
	s1 =	sshrl.u32 s1, $0x2  }
0xc7: {  	s4 =	sand.u32 $0x4000, s31;
	s1 =	sadd.s32 s1, s30  }
0xc8: {  	s0 =	sor.u32 s4, s0;
	s1 =	sshll.u32 s1, $0x11  }
0xc9: {  	s0 =	sor.u32 s1, s0  }
0xca: {  	s0 =	sadd.s32 $0x8F2B, s0  }
0xcb: {  	[sflag:s0] =	ssyncadd.remote.s32 $0x1  }
0xcc: {  	_ =	sfence.sel $0xFFFF  }
0xcd: {  	[dreg:$0x0] =	wrdreg $0xFFFFFFFF;
	(pc) =	sbr.abs _section_cstart, $3  }
0xce: {  	[dreg:$0x1] =	wrdreg $0xFFFFFFFF  }
0xcf: {  	_ =	task.clear_ibuf [dreg:s22], $0x2FFFF;
	_ =	strace $0x9FFFFFFF  }
0xd0: {  	(tm) =	ssettm $0x7FFFFFFF  }
0xd1: {  	_ =	shalt  }
tec
execute0_lowered:
.L_overlay_start_1:
0x0: {  	(tag) =	ssettag $0x1  }
0x1: {  	s1 =	srdreg.scid;
	s0 =	stileid.u32  }
0x2: {  	s30 =	sand.u32 $0x1, s1;
	s25 =	sshll.u32 s0, $0x1  }
0x3: {  	s31 =	sor.u32 s30, s25  }
0x4: {  	s3 =	smul.u32 $0xA0, s31  }
0x5: {  	s26 =	rddreg [dreg:$0x0];
	s2 =	simm.s32 $0x0  }
0x6: {  	[smem:$0x7FF] =	sst s2;
	s3 =	sadd.s32 s3, s26  }
0x7: {  	_ =	strace $0x80000053;
	s4 =	sadd.s32 $0x7800, s3;
	s3 =	simm.s32 $0x3  }
0x8: {  	[tilespmem:s2], [sflag:$0x3] =	stream.linear.gather [hbm4b:s4+s2], $0x500, $0x38;
	[tilespmem:$0x4500] =	vst v63  }
0x9: {  	_ =	swait.ge [sflag:s3], $0x500  }
0xa: {  	s6 =	simm.s32 $0x80;
	s7 =	simm.s32 $0x500;
	[sflag:s3] =	ssyncset.done $0x0  }
0xb: {  	s8 =	simm.s32 $0x1;
	s5 =	sadd.s32 $0xF46000, s26;
	[sflag:s3] =	ssyncadd.s32 $0xFFFFFB00  }
0xc: {  	[tilespmem:s7], [sflag:$0x1] =	stream.indirect.gather [hbm4b:s5+s6], $0x40, s2, s6, $0xb8;
	[tilespmem:$0x4500] =	vst v63  }
0xd: {  	_ =	swait.ge [sflag:s8], $0x2000  }
0xe: {  	s9 =	simm.s32 $0x2500;
	[sflag:s8] =	ssyncset.done $0x0  }
0xf: {  	s1 =	sadd.s32 $0x28A000, s26;
	s10 =	smul.u32 $0x5000, s31;
	[sflag:s8] =	ssyncadd.s32 $0xFFFFE000  }
0x10: {  	[tilespmem:s9], [sflag:$0x2] =	stream.indirect.gather [hbm4b:s5+s6], $0x40, s6, s6, $0xb8;
	[tilespmem:$0x4500] =	vst v63  }
0x11: {  	s11 =	simm.s32 $0x40;
	s10 =	sadd.s32 s1, s10  }
0x12: {  	[hbm4b:s10+s11] =	stream.strided.scatter [tilespmem:s7], [sflag:$0x3], $0x2000, s6, s11, $0x38;
	[tilespmem:$0x4500] =	vst v63  }
0x13: {  	_ =	swait.ge [sflag:s3], $0x2000  }
0x14: {  	[sflag:s3] =	ssyncset.done $0x0  }
0x15: {  	s12 =	simm.s32 $0x2;
	[sflag:s3] =	ssyncadd.s32 $0xFFFFE000  }
0x16: {  	_ =	swait.ge [sflag:s12], $0x2000  }
0x17: {  	[sflag:s12] =	ssyncset.done $0x0  }
0x18: {  	s13 =	simm.s32 $0x100;
	[sflag:s12] =	ssyncadd.s32 $0xFFFFE000  }
0x19: {  	[tilespmem:s7], [sflag:$0x2] =	stream.indirect.gather [hbm4b:s5+s6], $0x40, s13, s6, $0xb8;
	[tilespmem:$0x4500] =	vst v63  }
0x1a: {  	s14 =	sadd.s32 $0x800, s10  }
0x1b: {  	[hbm4b:s14+s11] =	stream.strided.scatter [tilespmem:s9], [sflag:$0x3], $0x2000, s6, s11, $0x38;
	[tilespmem:$0x4500] =	vst v63  }
0x1c: {  	_ =	swait.ge [sflag:s3], $0x2000  }
0x1d: {  	[sflag:s3] =	ssyncset.done $0x0  }
0x1e: {  	[sflag:s3] =	ssyncadd.s32 $0xFFFFE000  }
0x1f: {  	_ =	swait.ge [sflag:s12], $0x2000  }
0x20: {  	[sflag:s12] =	ssyncset.done $0x0  }
0x21: {  	s15 =	simm.s32 $0x180;
	[sflag:s12] =	ssyncadd.s32 $0xFFFFE000  }
0x22: {  	[tilespmem:s9], [sflag:$0x2] =	stream.indirect.gather [hbm4b:s5+s6], $0x40, s15, s6, $0xb8;
	[tilespmem:$0x4500] =	vst v63  }
0x23: {  	s16 =	sadd.s32 $0x1000, s10  }
0x24: {  	[hbm4b:s16+s11] =	stream.strided.scatter [tilespmem:s7], [sflag:$0x3], $0x2000, s6, s11, $0x38;
	[tilespmem:$0x4500] =	vst v63  }
0x25: {  	_ =	swait.ge [sflag:s3], $0x2000  }
0x26: {  	[sflag:s3] =	ssyncset.done $0x0  }
0x27: {  	[sflag:s3] =	ssyncadd.s32 $0xFFFFE000  }
0x28: {  	_ =	swait.ge [sflag:s12], $0x2000  }
0x29: {  	[sflag:s12] =	ssyncset.done $0x0  }
0x2a: {  	s17 =	simm.s32 $0x200;
	[sflag:s12] =	ssyncadd.s32 $0xFFFFE000  }
0x2b: {  	[tilespmem:s7], [sflag:$0x2] =	stream.indirect.gather [hbm4b:s5+s6], $0x40, s17, s6, $0xb8;
	[tilespmem:$0x4500] =	vst v63  }
0x2c: {  	s18 =	sadd.s32 $0x1800, s10  }
0x2d: {  	[hbm4b:s18+s11] =	stream.strided.scatter [tilespmem:s9], [sflag:$0x3], $0x2000, s6, s11, $0x38;
	[tilespmem:$0x4500] =	vst v63  }
0x2e: {  	_ =	swait.ge [sflag:s3], $0x2000  }
0x2f: {  	[sflag:s3] =	ssyncset.done $0x0  }
0x30: {  	[sflag:s3] =	ssyncadd.s32 $0xFFFFE000  }
0x31: {  	_ =	swait.ge [sflag:s12], $0x2000  }
0x32: {  	[sflag:s12] =	ssyncset.done $0x0  }
0x33: {  	s19 =	simm.s32 $0x280;
	[sflag:s12] =	ssyncadd.s32 $0xFFFFE000  }
0x34: {  	[tilespmem:s9], [sflag:$0x2] =	stream.indirect.gather [hbm4b:s5+s6], $0x40, s19, s6, $0xb8;
	[tilespmem:$0x4500] =	vst v63  }
0x35: {  	s20 =	sadd.s32 $0x2000, s10  }
0x36: {  	[hbm4b:s20+s11] =	stream.strided.scatter [tilespmem:s7], [sflag:$0x3], $0x2000, s6, s11, $0x38;
	[tilespmem:$0x4500] =	vst v63  }
0x37: {  	_ =	swait.ge [sflag:s3], $0x2000  }
0x38: {  	[sflag:s3] =	ssyncset.done $0x0  }
0x39: {  	[sflag:s3] =	ssyncadd.s32 $0xFFFFE000  }
0x3a: {  	_ =	swait.ge [sflag:s12], $0x2000  }
0x3b: {  	[sflag:s12] =	ssyncset.done $0x0  }
0x3c: {  	s21 =	simm.s32 $0x300;
	[sflag:s12] =	ssyncadd.s32 $0xFFFFE000  }
0x3d: {  	[tilespmem:s7], [sflag:$0x2] =	stream.indirect.gather [hbm4b:s5+s6], $0x40, s21, s6, $0xb8;
	[tilespmem:$0x4500] =	vst v63  }
0x3e: {  	s22 =	sadd.s32 $0x2800, s10  }
0x3f: {  	[hbm4b:s22+s11] =	stream.strided.scatter [tilespmem:s9], [sflag:$0x3], $0x2000, s6, s11, $0x38;
	[tilespmem:$0x4500] =	vst v63  }
0x40: {  	_ =	swait.ge [sflag:s3], $0x2000  }
0x41: {  	[sflag:s3] =	ssyncset.done $0x0  }
0x42: {  	[sflag:s3] =	ssyncadd.s32 $0xFFFFE000  }
0x43: {  	_ =	swait.ge [sflag:s12], $0x2000  }
0x44: {  	[sflag:s12] =	ssyncset.done $0x0  }
0x45: {  	s23 =	simm.s32 $0x380;
	[sflag:s12] =	ssyncadd.s32 $0xFFFFE000  }
0x46: {  	[tilespmem:s9], [sflag:$0x2] =	stream.indirect.gather [hbm4b:s5+s6], $0x40, s23, s6, $0xb8;
	[tilespmem:$0x4500] =	vst v63  }
0x47: {  	s24 =	sadd.s32 $0x3000, s10  }
0x48: {  	[hbm4b:s24+s11] =	stream.strided.scatter [tilespmem:s7], [sflag:$0x3], $0x2000, s6, s11, $0x38;
	[tilespmem:$0x4500] =	vst v63  }
0x49: {  	_ =	swait.ge [sflag:s3], $0x2000  }
0x4a: {  	[sflag:s3] =	ssyncset.done $0x0  }
0x4b: {  	[sflag:s3] =	ssyncadd.s32 $0xFFFFE000  }
0x4c: {  	_ =	swait.ge [sflag:s12], $0x2000  }
0x4d: {  	[sflag:s12] =	ssyncset.done $0x0  }
0x4e: {  	s25 =	simm.s32 $0x400;
	[sflag:s12] =	ssyncadd.s32 $0xFFFFE000  }
0x4f: {  	[tilespmem:s7], [sflag:$0x2] =	stream.indirect.gather [hbm4b:s5+s6], $0x40, s25, s6, $0xb8;
	[tilespmem:$0x4500] =	vst v63  }
0x50: {  	s26 =	sadd.s32 $0x3800, s10  }
0x51: {  	[hbm4b:s26+s11] =	stream.strided.scatter [tilespmem:s9], [sflag:$0x3], $0x2000, s6, s11, $0x38;
	[tilespmem:$0x4500] =	vst v63  }
0x52: {  	_ =	swait.ge [sflag:s3], $0x2000  }
0x53: {  	[sflag:s3] =	ssyncset.done $0x0  }
0x54: {  	[sflag:s3] =	ssyncadd.s32 $0xFFFFE000  }
0x55: {  	_ =	swait.ge [sflag:s12], $0x2000  }
0x56: {  	[sflag:s12] =	ssyncset.done $0x0  }
0x57: {  	s28 =	simm.s32 $0x480;
	[sflag:s12] =	ssyncadd.s32 $0xFFFFE000  }
0x58: {  	[tilespmem:s9], [sflag:$0x2] =	stream.indirect.gather [hbm4b:s5+s6], $0x40, s28, s6, $0xb8;
	[tilespmem:$0x4500] =	vst v63  }
0x59: {  	s30 =	ssub.s32 $0x2, s30;
	s29 =	sadd.s32 $0x4000, s10  }
0x5a: {  	[hbm4b:s29+s11] =	stream.strided.scatter [tilespmem:s7], [sflag:$0x3], $0x2000, s6, s11, $0x38;
	[tilespmem:$0x4500] =	vst v63  }
0x5b: {  	s0 =	sshrl.u32 s30, $0x1;
	_ =	swait.ge [sflag:s3], $0x2000  }
0x5c: {  	s31 =	smul.u32 $0x28000, s31;
	s0 =	ssub.s32 s30, s0;
	[sflag:s3] =	ssyncset.done $0x0  }
0x5d: {  	s0 =	smax.u32 s0, $0x1;
	[sflag:s3] =	ssyncadd.s32 $0xFFFFE000  }
0x5e: {  	s31 =	sshrl.u32 s31, $0x3;
	p0 =	sne.s32 s0, $0x1;
	_ =	swait.ge [sflag:s12], $0x2000  }
.Ltmp0:
0x5f: {  	s1 =	sadd.s32 s1, s31;
	[sflag:s12] =	ssyncset.done $0x0;
	(pc) =	sbr.rel @!p0 .LBB2_2-.Ltmp0, $4  }
0x60: {  	s30 =	sadd.s32 $0x4800, s1;
	[sflag:s12] =	ssyncadd.s32 $0xFFFFE000  }
0x61: {  	[hbm4b:s30+s11] =	stream.strided.scatter [tilespmem:s9], [sflag:$0x3], $0x2000, s6, s11, $0x38;
	[tilespmem:$0x4500] =	vst v63  }
0x62: {  	_ =	swait.ge [sflag:s3], $0x2000  }
0x63: {  	s31 =	sadd.s32 $0xFFFFFFFF, s0;
	[sflag:s3] =	ssyncset.done $0x0  }
.LBB2_1:
0x64: {  	p0 =	sne.s32 s31, $0x1;
	s31 =	sadd.s32 $0xFFFFFFFF, s31;
	[sflag:s3] =	ssyncadd.s32 $0xFFFFE000  }
0x65: {  	[tilespmem:s2], [sflag:$0x3] =	stream.linear.gather [hbm4b:s4+s2], $0x500, $0x38;
	[tilespmem:$0x4500] =	vst v63  }
0x66: {  	_ =	swait.ge [sflag:s3], $0x500  }
0x67: {  	[sflag:s3] =	ssyncset.done $0x0  }
0x68: {  	[sflag:s3] =	ssyncadd.s32 $0xFFFFFB00  }
0x69: {  	[tilespmem:s7], [sflag:$0x1] =	stream.indirect.gather [hbm4b:s5+s6], $0x40, s2, s6, $0xb8;
	[tilespmem:$0x4500] =	vst v63  }
0x6a: {  	_ =	swait.ge [sflag:s8], $0x2000  }
0x6b: {  	[sflag:s8] =	ssyncset.done $0x0  }
0x6c: {  	[sflag:s8] =	ssyncadd.s32 $0xFFFFE000  }
0x6d: {  	[tilespmem:s9], [sflag:$0x2] =	stream.indirect.gather [hbm4b:s5+s6], $0x40, s6, s6, $0xb8;
	[tilespmem:$0x4500] =	vst v63  }
0x6e: {  	_ = 	snop  }
0x6f: {  	[hbm4b:s10+s11] =	stream.strided.scatter [tilespmem:s7], [sflag:$0x3], $0x2000, s6, s11, $0x38;
	[tilespmem:$0x4500] =	vst v63  }
0x70: {  	_ =	swait.ge [sflag:s3], $0x2000  }
0x71: {  	[sflag:s3] =	ssyncset.done $0x0  }
0x72: {  	[sflag:s3] =	ssyncadd.s32 $0xFFFFE000  }
0x73: {  	_ =	swait.ge [sflag:s12], $0x2000  }
0x74: {  	[sflag:s12] =	ssyncset.done $0x0  }
0x75: {  	[sflag:s12] =	ssyncadd.s32 $0xFFFFE000  }
0x76: {  	[tilespmem:s7], [sflag:$0x2] =	stream.indirect.gather [hbm4b:s5+s6], $0x40, s13, s6, $0xb8;
	[tilespmem:$0x4500] =	vst v63  }
0x77: {  	_ = 	snop  }
0x78: {  	[hbm4b:s14+s11] =	stream.strided.scatter [tilespmem:s9], [sflag:$0x3], $0x2000, s6, s11, $0x38;
	[tilespmem:$0x4500] =	vst v63  }
0x79: {  	_ =	swait.ge [sflag:s3], $0x2000  }
0x7a: {  	[sflag:s3] =	ssyncset.done $0x0  }
0x7b: {  	[sflag:s3] =	ssyncadd.s32 $0xFFFFE000  }
0x7c: {  	_ =	swait.ge [sflag:s12], $0x2000  }
0x7d: {  	[sflag:s12] =	ssyncset.done $0x0  }
0x7e: {  	[sflag:s12] =	ssyncadd.s32 $0xFFFFE000  }
0x7f: {  	[tilespmem:s9], [sflag:$0x2] =	stream.indirect.gather [hbm4b:s5+s6], $0x40, s15, s6, $0xb8;
	[tilespmem:$0x4500] =	vst v63  }
0x80: {  	_ = 	snop  }
0x81: {  	[hbm4b:s16+s11] =	stream.strided.scatter [tilespmem:s7], [sflag:$0x3], $0x2000, s6, s11, $0x38;
	[tilespmem:$0x4500] =	vst v63  }
0x82: {  	_ =	swait.ge [sflag:s3], $0x2000  }
0x83: {  	[sflag:s3] =	ssyncset.done $0x0  }
0x84: {  	[sflag:s3] =	ssyncadd.s32 $0xFFFFE000  }
0x85: {  	_ =	swait.ge [sflag:s12], $0x2000  }
0x86: {  	[sflag:s12] =	ssyncset.done $0x0  }
0x87: {  	[sflag:s12] =	ssyncadd.s32 $0xFFFFE000  }
0x88: {  	[tilespmem:s7], [sflag:$0x2] =	stream.indirect.gather [hbm4b:s5+s6], $0x40, s17, s6, $0xb8;
	[tilespmem:$0x4500] =	vst v63  }
0x89: {  	_ = 	snop  }
0x8a: {  	[hbm4b:s18+s11] =	stream.strided.scatter [tilespmem:s9], [sflag:$0x3], $0x2000, s6, s11, $0x38;
	[tilespmem:$0x4500] =	vst v63  }
0x8b: {  	_ =	swait.ge [sflag:s3], $0x2000  }
0x8c: {  	[sflag:s3] =	ssyncset.done $0x0  }
0x8d: {  	[sflag:s3] =	ssyncadd.s32 $0xFFFFE000  }
0x8e: {  	_ =	swait.ge [sflag:s12], $0x2000  }
0x8f: {  	[sflag:s12] =	ssyncset.done $0x0  }
0x90: {  	[sflag:s12] =	ssyncadd.s32 $0xFFFFE000  }
0x91: {  	[tilespmem:s9], [sflag:$0x2] =	stream.indirect.gather [hbm4b:s5+s6], $0x40, s19, s6, $0xb8;
	[tilespmem:$0x4500] =	vst v63  }
0x92: {  	_ = 	snop  }
0x93: {  	[hbm4b:s20+s11] =	stream.strided.scatter [tilespmem:s7], [sflag:$0x3], $0x2000, s6, s11, $0x38;
	[tilespmem:$0x4500] =	vst v63  }
0x94: {  	_ =	swait.ge [sflag:s3], $0x2000  }
0x95: {  	[sflag:s3] =	ssyncset.done $0x0  }
0x96: {  	[sflag:s3] =	ssyncadd.s32 $0xFFFFE000  }
0x97: {  	_ =	swait.ge [sflag:s12], $0x2000  }
0x98: {  	[sflag:s12] =	ssyncset.done $0x0  }
0x99: {  	[sflag:s12] =	ssyncadd.s32 $0xFFFFE000  }
0x9a: {  	[tilespmem:s7], [sflag:$0x2] =	stream.indirect.gather [hbm4b:s5+s6], $0x40, s21, s6, $0xb8;
	[tilespmem:$0x4500] =	vst v63  }
0x9b: {  	_ = 	snop  }
0x9c: {  	[hbm4b:s22+s11] =	stream.strided.scatter [tilespmem:s9], [sflag:$0x3], $0x2000, s6, s11, $0x38;
	[tilespmem:$0x4500] =	vst v63  }
0x9d: {  	_ =	swait.ge [sflag:s3], $0x2000  }
0x9e: {  	[sflag:s3] =	ssyncset.done $0x0  }
0x9f: {  	[sflag:s3] =	ssyncadd.s32 $0xFFFFE000  }
0xa0: {  	_ =	swait.ge [sflag:s12], $0x2000  }
0xa1: {  	[sflag:s12] =	ssyncset.done $0x0  }
0xa2: {  	[sflag:s12] =	ssyncadd.s32 $0xFFFFE000  }
0xa3: {  	[tilespmem:s9], [sflag:$0x2] =	stream.indirect.gather [hbm4b:s5+s6], $0x40, s23, s6, $0xb8;
	[tilespmem:$0x4500] =	vst v63  }
0xa4: {  	_ = 	snop  }
0xa5: {  	[hbm4b:s24+s11] =	stream.strided.scatter [tilespmem:s7], [sflag:$0x3], $0x2000, s6, s11, $0x38;
	[tilespmem:$0x4500] =	vst v63  }
0xa6: {  	_ =	swait.ge [sflag:s3], $0x2000  }
0xa7: {  	[sflag:s3] =	ssyncset.done $0x0  }
0xa8: {  	[sflag:s3] =	ssyncadd.s32 $0xFFFFE000  }
0xa9: {  	_ =	swait.ge [sflag:s12], $0x2000  }
0xaa: {  	[sflag:s12] =	ssyncset.done $0x0  }
0xab: {  	[sflag:s12] =	ssyncadd.s32 $0xFFFFE000  }
0xac: {  	[tilespmem:s7], [sflag:$0x2] =	stream.indirect.gather [hbm4b:s5+s6], $0x40, s25, s6, $0xb8;
	[tilespmem:$0x4500] =	vst v63  }
0xad: {  	_ = 	snop  }
0xae: {  	[hbm4b:s26+s11] =	stream.strided.scatter [tilespmem:s9], [sflag:$0x3], $0x2000, s6, s11, $0x38;
	[tilespmem:$0x4500] =	vst v63  }
0xaf: {  	_ =	swait.ge [sflag:s3], $0x2000  }
0xb0: {  	[sflag:s3] =	ssyncset.done $0x0  }
0xb1: {  	[sflag:s3] =	ssyncadd.s32 $0xFFFFE000  }
0xb2: {  	_ =	swait.ge [sflag:s12], $0x2000  }
0xb3: {  	[sflag:s12] =	ssyncset.done $0x0  }
0xb4: {  	[sflag:s12] =	ssyncadd.s32 $0xFFFFE000  }
0xb5: {  	[tilespmem:s9], [sflag:$0x2] =	stream.indirect.gather [hbm4b:s5+s6], $0x40, s28, s6, $0xb8;
	[tilespmem:$0x4500] =	vst v63  }
0xb6: {  	_ = 	snop  }
0xb7: {  	[hbm4b:s29+s11] =	stream.strided.scatter [tilespmem:s7], [sflag:$0x3], $0x2000, s6, s11, $0x38;
	[tilespmem:$0x4500] =	vst v63  }
0xb8: {  	_ =	swait.ge [sflag:s3], $0x2000  }
0xb9: {  	[sflag:s3] =	ssyncset.done $0x0  }
0xba: {  	[sflag:s3] =	ssyncadd.s32 $0xFFFFE000  }
0xbb: {  	_ =	swait.ge [sflag:s12], $0x2000  }
.Ltmp1:
0xbc: {  	[sflag:s12] =	ssyncset.done $0x0;
	(pc) =	sbr.rel @p0 .LBB2_1-.Ltmp1, $4  }
0xbd: {  	[sflag:s12] =	ssyncadd.s32 $0xFFFFE000  }
0xbe: {  	[hbm4b:s30+s11] =	stream.strided.scatter [tilespmem:s9], [sflag:$0x3], $0x2000, s6, s11, $0x38;
	[tilespmem:$0x4500] =	vst v63  }
0xbf: {  	_ =	swait.ge [sflag:s3], $0x2000  }
0xc0: {  	[sflag:s3] =	ssyncset.done $0x0  }
.LBB2_2:
0xc1: {  	[sflag:s3] =	ssyncadd.s32 $0xFFFFE000  }
0xc2: {  	_ =	sfence.sel $0x180000  }
0xc3: {  	[bflag:$0x0] =	sbarrier.arrive $0xFFFF  }
0xc4: {  	_ =	strace $0x90000053  }
0xc5: {  	s0 =	stileid.u32;
	[bflag:$0x2] =	sbarrier.arrive $0xFFFF  }
0xc6: {  	p0 =	sne.s32 s0, $0x0;
	s0 =	rddreg [dreg:$0x1]  }
0xc7: {  	s0 =	sadd.s32 @!p0 $0x100000, s0  }
0xc8: {  	[sflag:s0] =	ssyncadd.tile.s32 @!p0 $0x1;
	_ =	shalt  }
.Lfunc_end2:
_tile_overlayer_lowered:
.L_overlay_start_2:
0xc9: {  	(tag) =	ssettag $0x2  }
0xca: {  	s0 =	rddreg [dreg:$0x0];
	s2 =	stileid.u32  }
0xcb: {  	s1 =	rddreg [dreg:$0x1];
	p0 =	sne.s32 s2, $0x0  }
0xcc: {  	s3 =	rddreg [dreg:$0x2];
	[bflag:$0x3] =	sbarrier.arrive $0xFFFF;
	s2 =	simm.s32 @!p0 $0x1C03  }
0xcd: {  	[timem:s3], [sflag:s2] =	dma.local @!p0 [hbm:s0], s1  }
0xce: {  	s0 =	simm.s32 @!p0 $0x3  }
0xcf: {  	_ =	swait.ge @!p0 [sflag:s0], s1  }
0xd0: {  	s1 =	ssub.s32 @!p0 $0x0, s1;
	[sflag:s0] =	ssyncset.done @!p0 $0x0  }
0xd1: {  	[sflag:s0] =	ssyncadd.s32 @!p0 s1  }
0xd2: {  	[bflag:$0x3] =	sbarrier.arrive $0xFFFF  }
0xd3: {  	_ =	shalt  }

</sc_bundles>
